<compile_context>
chip_gen: v7x
topology: tpu7x:2x2x1
jax: 0.10.2.dev20260603
libtpu: 0.0.44.dev20260713+nightly
codegen_flags: <defaults>
</compile_context>

<pallas_src>
import functools

import jax
import jax.numpy as jnp
from jax import lax
from jax.experimental import pallas as pl
from jax.experimental.pallas import tpu as pltpu
from jax.experimental.pallas import tpu_sc as plsc

_B, _S, _D, _V = 1024, 50, 512, 100000
_NC, _NS = 2, 16
_NW = _NC * _NS
_BPW = _B // _NW
_NCHUNK = _BPW
_CHUNK = _S
_LANES = 16


def _pe_table():
    i = jnp.arange(_S, dtype=jnp.float32)[:, None]
    j = jnp.arange(_D // 2, dtype=jnp.float32)[None, :]
    ang = i / jnp.power(jnp.float32(10000.0), 2.0 * j / _D)
    pe = jnp.zeros((_S, _D), dtype=jnp.float32)
    pe = pe.at[:, 0::2].set(jnp.sin(ang))
    pe = pe.at[:, 1::2].set(jnp.cos(ang))
    return pe


_mesh = plsc.VectorSubcoreMesh(core_axis_name="c", subcore_axis_name="s")


@functools.partial(
    pl.kernel,
    mesh=_mesh,
    out_type=jax.ShapeDtypeStruct((_B, _S, _D), jnp.float32),
    scratch_types=[
        pltpu.VMEM((_NCHUNK, _CHUNK), jnp.int32),
        pltpu.VMEM((_S, _D), jnp.float32),
        pltpu.VMEM((3, _CHUNK, _D), jnp.float32),
        pltpu.SemaphoreType.DMA,
        pltpu.SemaphoreType.DMA,
        pltpu.SemaphoreType.DMA,
        pltpu.SemaphoreType.DMA,
        pltpu.SemaphoreType.DMA,
        pltpu.SemaphoreType.DMA,
    ],
    compiler_params=pltpu.CompilerParams(use_tc_tiling_on_sc=False),
)
def _sc_lookup(x_hbm, pe_hbm, tbl_hbm, out_hbm, idx_v, pe_v, rows_v,
               gsem0, gsem1, gsem2, ssem0, ssem1, ssem2):
    gsems = (gsem0, gsem1, gsem2)
    ssems = (ssem0, ssem1, ssem2)
    wid = lax.axis_index("s") * _NC + lax.axis_index("c")
    pltpu.sync_copy(x_hbm.at[wid], idx_v)
    pltpu.sync_copy(pe_hbm, pe_v)

    def add_pe(i, buf):
        vals = []
        for c in range(_D // _LANES):
            sl = pl.ds(c * _LANES, _LANES)
            vals.append((sl, pe_v[i, sl]))
        for sl, v in vals:
            plsc.addupdate(rows_v.at[buf, i, sl], v)
        return buf

    def issue_gather(j, b):
        pltpu.async_copy(tbl_hbm.at[idx_v.at[j]], rows_v.at[b], gsems[b])

    def drain_gather(b):
        pltpu.make_async_copy(
            tbl_hbm.at[pl.ds(0, _CHUNK)], rows_v.at[b], gsems[b]).wait()

    def drain_scatter(b):
        pltpu.make_async_copy(rows_v.at[b], out_hbm.at[0], ssems[b]).wait()

    issue_gather(0, 0)
    issue_gather(1, 1)

    def tri_body(j3, _):
        for sub in range(3):
            j = 3 * j3 + sub
            b = sub
            nb = (sub + 2) % 3
            drain_gather(b)

            @pl.when(j >= 1)
            def _wait_prev_scatter():
                drain_scatter(nb)

            issue_gather(j + 2, nb)
            lax.fori_loop(0, _CHUNK, add_pe, b)
            pltpu.async_copy(rows_v.at[b], out_hbm.at[wid * _NCHUNK + j],
                             ssems[b])
        return _

    lax.fori_loop(0, _NCHUNK // 3 - 1, tri_body, 0)

    for j in (27, 28, 29, 30, 31):
        b = j % 3
        drain_gather(b)
        drain_scatter((b + 2) % 3)
        if j + 2 < _NCHUNK:
            issue_gather(j + 2, (b + 2) % 3)
        lax.fori_loop(0, _CHUNK, add_pe, b)
        pltpu.async_copy(rows_v.at[b], out_hbm.at[wid * _NCHUNK + j],
                         ssems[b])
    drain_scatter(31 % 3)


def kernel(x, offsets, table):
    del offsets
    x3 = x.reshape(_NW, _NCHUNK, _CHUNK)
    return _sc_lookup(x3, _pe_table(), table)

# --- scband reference (transcript-rebuilt; emitter-appended) ---
"""Pipeline reference for scband-pos-encoding-17643725652163 (READ-ONLY COPY).

The authoritative reference and input builder live on the scoring server;
editing this copy changes nothing except your own understanding.
"""

import jax, jax.numpy as jnp
import numpy as np

VOCAB = 100000
EMBED = 512
SEQ_LEN = 50
BATCH = 1024


def positional_encoding(seq_len, d=512, n=10000.0):
    i = jnp.arange(seq_len, dtype=jnp.float32)[:, None]
    j = jnp.arange(d // 2, dtype=jnp.float32)[None, :]
    ang = i / jnp.power(jnp.float32(n), 2.0 * j / d)
    pe = jnp.zeros((seq_len, d), dtype=jnp.float32)
    pe = pe.at[:, 0::2].set(jnp.sin(ang))
    pe = pe.at[:, 1::2].set(jnp.cos(ang))
    return pe


def setup_inputs(seed: int = 0) -> dict:
    key = jax.random.key(seed)
    k1, k2 = jax.random.split(key)
    x = jax.random.randint(k1, (BATCH, SEQ_LEN), 0, VOCAB, dtype=jnp.int32)
    offsets = jnp.arange(BATCH, dtype=jnp.int32)
    table = jax.random.normal(k2, (VOCAB, EMBED), dtype=jnp.float32)
    return {"x": x, "offsets": offsets, "table": table}


def reference(x, offsets, table):
    # self.embed(x, offsets): embedding lookup (offsets argument is
    # accepted per the original signature but does not alter the gather)
    emb = jnp.take(table, x, axis=0)  # [B, S, 512]
    # positional_encoding(self.d_model) with d_model = sequence_len
    y = positional_encoding(SEQ_LEN, d=EMBED)  # [S, 512]
    return emb + y

if __name__ == "__main__":
    import jax
    _d = setup_inputs()
    print(jax.jit(kernel)(*tuple(_d.values())))

</pallas_src>

<mosaic_0001>
#map = affine_map<(d0, d1) -> (0, 0, 0)>
#map1 = affine_map<(d0, d1) -> (0, 0)>
module attributes {stable_mosaic.version = 14 : i64} {
  func.func @_sc_lookup(%arg0: i32, %arg1: i32, %arg2: memref<32x32x50xi32, #tpu.memory_space<hbm>>, %arg3: memref<50x512xf32, #tpu.memory_space<hbm>>, %arg4: memref<100000x512xf32, #tpu.memory_space<hbm>>, %arg5: memref<1024x50x512xf32, #tpu.memory_space<hbm>>, %arg6: memref<32x50xi32, #tpu.memory_space<vmem>>, %arg7: memref<50x512xf32, #tpu.memory_space<vmem>>, %arg8: memref<3x50x512xf32, #tpu.memory_space<vmem>>, %arg9: memref<!tpu.dma_semaphore, #tpu.memory_space<semaphore_mem>>, %arg10: memref<!tpu.dma_semaphore, #tpu.memory_space<semaphore_mem>>, %arg11: memref<!tpu.dma_semaphore, #tpu.memory_space<semaphore_mem>>, %arg12: memref<!tpu.dma_semaphore, #tpu.memory_space<semaphore_mem>>, %arg13: memref<!tpu.dma_semaphore, #tpu.memory_space<semaphore_mem>>, %arg14: memref<!tpu.dma_semaphore, #tpu.memory_space<semaphore_mem>>) attributes {dimension_semantics = [#tpu.dimension_semantics<core_parallel>, #tpu.dimension_semantics<subcore_parallel>], iteration_bounds = array<i64: 2, 16>, scalar_prefetch = 0 : i64, scratch_operands = 9 : i64, tpu.core_type = #tpu.core_type<sc_vector_subcore>, window_params = [{transform_indices = #map}, {transform_indices = #map1}, {transform_indices = #map1}, {transform_indices = #map}]} {
    %mul3A = arith.constant 2 : i32
    %mul3A_0 = arith.muli %arg1, %mul3A : i32
    %add3A = arith.addi %mul3A_0, %arg0 : i32
    "tpu.region"() ({
      %run_scoped3A = tpu.sem_alloc : memref<!tpu.dma_semaphore, #tpu.memory_space<semaphore_mem>>
      %dma_start3A_382 = arith.constant 0 : i32
      %dma_start3A_383 = arith.constant 0 : i32
      %dma_start3A_384 = tpu.memref_slice %arg2[%add3A, %dma_start3A_382, %dma_start3A_383] : memref<32x32x50xi32, #tpu.memory_space<hbm>> -> memref<1x32x50xi32, #tpu.memory_space<hbm>>
      %dma_start3A_385 = tpu.memref_squeeze %dma_start3A_384 : memref<1x32x50xi32, #tpu.memory_space<hbm>> -> memref<32x50xi32, #tpu.memory_space<hbm>>
      %dma_start3A_386 = arith.constant 0 : i32
      %dma_start3A_387 = arith.constant 0 : i32
      %dma_start3A_388 = tpu.memref_slice %arg2[%add3A, %dma_start3A_386, %dma_start3A_387] : memref<32x32x50xi32, #tpu.memory_space<hbm>> -> memref<1x32x50xi32, #tpu.memory_space<hbm>>
      %dma_start3A_389 = tpu.memref_squeeze %dma_start3A_388 : memref<1x32x50xi32, #tpu.memory_space<hbm>> -> memref<32x50xi32, #tpu.memory_space<hbm>>
      tpu.enqueue_dma source(%dma_start3A_389 : memref<32x50xi32, #tpu.memory_space<hbm>>) target(%arg6 : memref<32x50xi32, #tpu.memory_space<vmem>>) target_semaphore(%run_scoped3A : memref<!tpu.dma_semaphore, #tpu.memory_space<semaphore_mem>>)
      %dma_wait3A_390 = arith.constant 0 : i32
      %dma_wait3A_391 = arith.constant 0 : i32
      %dma_wait3A_392 = tpu.memref_slice %arg2[%add3A, %dma_wait3A_390, %dma_wait3A_391] : memref<32x32x50xi32, #tpu.memory_space<hbm>> -> memref<1x32x50xi32, #tpu.memory_space<hbm>>
      %dma_wait3A_393 = tpu.memref_squeeze %dma_wait3A_392 : memref<1x32x50xi32, #tpu.memory_space<hbm>> -> memref<32x50xi32, #tpu.memory_space<hbm>>
      %dma_wait3A_394 = arith.constant 0 : i32
      %dma_wait3A_395 = arith.constant 0 : i32
      %dma_wait3A_396 = tpu.memref_slice %arg2[%add3A, %dma_wait3A_394, %dma_wait3A_395] : memref<32x32x50xi32, #tpu.memory_space<hbm>> -> memref<1x32x50xi32, #tpu.memory_space<hbm>>
      %dma_wait3A_397 = tpu.memref_squeeze %dma_wait3A_396 : memref<1x32x50xi32, #tpu.memory_space<hbm>> -> memref<32x50xi32, #tpu.memory_space<hbm>>
      tpu.wait_dma2 semaphore(%run_scoped3A : memref<!tpu.dma_semaphore, #tpu.memory_space<semaphore_mem>>) src(%dma_wait3A_397 : memref<32x50xi32, #tpu.memory_space<hbm>>) dst(%arg6 : memref<32x50xi32, #tpu.memory_space<vmem>>)
      tpu.yield
    }) : () -> ()
    "tpu.region"() ({
      %run_scoped3A = tpu.sem_alloc : memref<!tpu.dma_semaphore, #tpu.memory_space<semaphore_mem>>
      tpu.enqueue_dma source(%arg3 : memref<50x512xf32, #tpu.memory_space<hbm>>) target(%arg7 : memref<50x512xf32, #tpu.memory_space<vmem>>) target_semaphore(%run_scoped3A : memref<!tpu.dma_semaphore, #tpu.memory_space<semaphore_mem>>)
      tpu.wait_dma2 semaphore(%run_scoped3A : memref<!tpu.dma_semaphore, #tpu.memory_space<semaphore_mem>>) src(%arg3 : memref<50x512xf32, #tpu.memory_space<hbm>>) dst(%arg7 : memref<50x512xf32, #tpu.memory_space<vmem>>)
      tpu.yield
    }) : () -> ()
    %dma_start3A = arith.constant 0 : i32
    %dma_start3A_1 = arith.constant 0 : i32
    %dma_start3A_2 = arith.constant 0 : i32
    %dma_start3A_3 = arith.constant 0 : i32
    %dma_start3A_4 = tpu.memref_slice %arg8[%dma_start3A_1, %dma_start3A_2, %dma_start3A_3] : memref<3x50x512xf32, #tpu.memory_space<vmem>> -> memref<1x50x512xf32, #tpu.memory_space<vmem>>
    %dma_start3A_5 = tpu.memref_squeeze %dma_start3A_4 : memref<1x50x512xf32, #tpu.memory_space<vmem>> -> memref<50x512xf32, #tpu.memory_space<vmem>>
    %dma_start3A_6 = arith.constant 0 : i32
    %dma_start3A_7 = tpu.memref_slice %arg6[%dma_start3A, %dma_start3A_6] : memref<32x50xi32, #tpu.memory_space<vmem>> -> memref<1x50xi32, #tpu.memory_space<vmem>>
    %dma_start3A_8 = tpu.memref_squeeze %dma_start3A_7 : memref<1x50xi32, #tpu.memory_space<vmem>> -> memref<50xi32, #tpu.memory_space<vmem>>
    %dma_start3A_9 = arith.constant 0 : i32
    %dma_start3A_10 = arith.constant 0 : i32
    %dma_start3A_11 = tpu.memref_slice %arg4[%dma_start3A_9, %dma_start3A_10] : memref<100000x512xf32, #tpu.memory_space<hbm>> -> memref<100000x512xf32, #tpu.memory_space<hbm>>
    tpu.enqueue_indirect_dma source(%dma_start3A_11 : memref<100000x512xf32, #tpu.memory_space<hbm>>) target(%dma_start3A_5 : memref<50x512xf32, #tpu.memory_space<vmem>>) offsets(%dma_start3A_8 : memref<50xi32, #tpu.memory_space<vmem>>) semaphore(%arg9 : memref<!tpu.dma_semaphore, #tpu.memory_space<semaphore_mem>>)
    %dma_start3A_12 = arith.constant 1 : i32
    %dma_start3A_13 = arith.constant 1 : i32
    %dma_start3A_14 = arith.constant 0 : i32
    %dma_start3A_15 = arith.constant 0 : i32
    %dma_start3A_16 = tpu.memref_slice %arg8[%dma_start3A_13, %dma_start3A_14, %dma_start3A_15] : memref<3x50x512xf32, #tpu.memory_space<vmem>> -> memref<1x50x512xf32, #tpu.memory_space<vmem>>
    %dma_start3A_17 = tpu.memref_squeeze %dma_start3A_16 : memref<1x50x512xf32, #tpu.memory_space<vmem>> -> memref<50x512xf32, #tpu.memory_space<vmem>>
    %dma_start3A_18 = arith.constant 0 : i32
    %dma_start3A_19 = tpu.memref_slice %arg6[%dma_start3A_12, %dma_start3A_18] : memref<32x50xi32, #tpu.memory_space<vmem>> -> memref<1x50xi32, #tpu.memory_space<vmem>>
    %dma_start3A_20 = tpu.memref_squeeze %dma_start3A_19 : memref<1x50xi32, #tpu.memory_space<vmem>> -> memref<50xi32, #tpu.memory_space<vmem>>
    %dma_start3A_21 = arith.constant 0 : i32
    %dma_start3A_22 = arith.constant 0 : i32
    %dma_start3A_23 = tpu.memref_slice %arg4[%dma_start3A_21, %dma_start3A_22] : memref<100000x512xf32, #tpu.memory_space<hbm>> -> memref<100000x512xf32, #tpu.memory_space<hbm>>
    tpu.enqueue_indirect_dma source(%dma_start3A_23 : memref<100000x512xf32, #tpu.memory_space<hbm>>) target(%dma_start3A_17 : memref<50x512xf32, #tpu.memory_space<vmem>>) offsets(%dma_start3A_20 : memref<50xi32, #tpu.memory_space<vmem>>) semaphore(%arg10 : memref<!tpu.dma_semaphore, #tpu.memory_space<semaphore_mem>>)
    %scan3A = arith.constant 0 : i32
    %scan3A_24 = arith.constant 0 : i32
    %scan3A_25 = arith.constant 9 : i32
    %scan3A_26 = arith.addi %scan3A_24, %scan3A_25 : i32
    %scan3A_27 = arith.constant 1 : i32
    scf.for %scan3A_382 = %scan3A_24 to %scan3A_26 step %scan3A_27  : i32 {
      %mul3A_383 = arith.constant 3 : i32
      %mul3A_384 = arith.muli %mul3A_383, %scan3A_382 : i32
      %add3A_385 = arith.constant 0 : i32
      %add3A_386 = arith.addi %mul3A_384, %add3A_385 : i32
      %dma_wait3A_387 = arith.constant 0 : i32
      %dma_wait3A_388 = arith.constant 0 : i32
      %dma_wait3A_389 = arith.constant 0 : i32
      %dma_wait3A_390 = tpu.memref_slice %arg8[%dma_wait3A_387, %dma_wait3A_388, %dma_wait3A_389] : memref<3x50x512xf32, #tpu.memory_space<vmem>> -> memref<1x50x512xf32, #tpu.memory_space<vmem>>
      %dma_wait3A_391 = tpu.memref_squeeze %dma_wait3A_390 : memref<1x50x512xf32, #tpu.memory_space<vmem>> -> memref<50x512xf32, #tpu.memory_space<vmem>>
      %dma_wait3A_392 = arith.constant 0 : i32
      %dma_wait3A_393 = arith.constant 0 : i32
      %dma_wait3A_394 = tpu.memref_slice %arg4[%dma_wait3A_392, %dma_wait3A_393] : memref<100000x512xf32, #tpu.memory_space<hbm>> -> memref<50x512xf32, #tpu.memory_space<hbm>>
      %dma_wait3A_395 = arith.constant 0 : i32
      %dma_wait3A_396 = arith.constant 0 : i32
      %dma_wait3A_397 = tpu.memref_slice %arg8[%dma_wait3A_387, %dma_wait3A_395, %dma_wait3A_396] : memref<3x50x512xf32, #tpu.memory_space<vmem>> -> memref<1x50x512xf32, #tpu.memory_space<vmem>>
      %dma_wait3A_398 = tpu.memref_squeeze %dma_wait3A_397 : memref<1x50x512xf32, #tpu.memory_space<vmem>> -> memref<50x512xf32, #tpu.memory_space<vmem>>
      %dma_wait3A_399 = arith.constant 0 : i32
      %dma_wait3A_400 = arith.constant 0 : i32
      %dma_wait3A_401 = tpu.memref_slice %arg4[%dma_wait3A_399, %dma_wait3A_400] : memref<100000x512xf32, #tpu.memory_space<hbm>> -> memref<50x512xf32, #tpu.memory_space<hbm>>
      tpu.wait_dma2 semaphore(%arg9 : memref<!tpu.dma_semaphore, #tpu.memory_space<semaphore_mem>>) src(%dma_wait3A_401 : memref<50x512xf32, #tpu.memory_space<hbm>>) dst(%dma_wait3A_398 : memref<50x512xf32, #tpu.memory_space<vmem>>)
      %ge3A = arith.constant 1 : i32
      %ge3A_402 = arith.cmpi sge, %add3A_386, %ge3A : i32
      %convert_element_type3A = arith.extui %ge3A_402 : i1 to i32
      %cond3A = arith.constant 0 : i32
      %cond3A_403 = arith.cmpi ne, %convert_element_type3A, %cond3A : i32
      scf.if %cond3A_403 {
        %dma_wait3A_569 = arith.constant 2 : i32
        %dma_wait3A_570 = arith.constant 0 : i32
        %dma_wait3A_571 = arith.constant 0 : i32
        %dma_wait3A_572 = arith.constant 0 : i32
        %dma_wait3A_573 = tpu.memref_slice %arg8[%dma_wait3A_569, %dma_wait3A_571, %dma_wait3A_572] : memref<3x50x512xf32, #tpu.memory_space<vmem>> -> memref<1x50x512xf32, #tpu.memory_space<vmem>>
        %dma_wait3A_574 = tpu.memref_squeeze %dma_wait3A_573 : memref<1x50x512xf32, #tpu.memory_space<vmem>> -> memref<50x512xf32, #tpu.memory_space<vmem>>
        %dma_wait3A_575 = arith.constant 0 : i32
        %dma_wait3A_576 = arith.constant 0 : i32
        %dma_wait3A_577 = tpu.memref_slice %arg5[%dma_wait3A_570, %dma_wait3A_575, %dma_wait3A_576] : memref<1024x50x512xf32, #tpu.memory_space<hbm>> -> memref<1x50x512xf32, #tpu.memory_space<hbm>>
        %dma_wait3A_578 = tpu.memref_squeeze %dma_wait3A_577 : memref<1x50x512xf32, #tpu.memory_space<hbm>> -> memref<50x512xf32, #tpu.memory_space<hbm>>
        %dma_wait3A_579 = arith.constant 0 : i32
        %dma_wait3A_580 = arith.constant 0 : i32
        %dma_wait3A_581 = tpu.memref_slice %arg5[%dma_wait3A_570, %dma_wait3A_579, %dma_wait3A_580] : memref<1024x50x512xf32, #tpu.memory_space<hbm>> -> memref<1x50x512xf32, #tpu.memory_space<hbm>>
        %dma_wait3A_582 = tpu.memref_squeeze %dma_wait3A_581 : memref<1x50x512xf32, #tpu.memory_space<hbm>> -> memref<50x512xf32, #tpu.memory_space<hbm>>
        %dma_wait3A_583 = arith.constant 0 : i32
        %dma_wait3A_584 = arith.constant 0 : i32
        %dma_wait3A_585 = tpu.memref_slice %arg8[%dma_wait3A_569, %dma_wait3A_583, %dma_wait3A_584] : memref<3x50x512xf32, #tpu.memory_space<vmem>> -> memref<1x50x512xf32, #tpu.memory_space<vmem>>
        %dma_wait3A_586 = tpu.memref_squeeze %dma_wait3A_585 : memref<1x50x512xf32, #tpu.memory_space<vmem>> -> memref<50x512xf32, #tpu.memory_space<vmem>>
        tpu.wait_dma2 semaphore(%arg14 : memref<!tpu.dma_semaphore, #tpu.memory_space<semaphore_mem>>) src(%dma_wait3A_586 : memref<50x512xf32, #tpu.memory_space<vmem>>) dst(%dma_wait3A_582 : memref<50x512xf32, #tpu.memory_space<hbm>>)
      } else {
      }
      %add3A_404 = arith.constant 2 : i32
      %add3A_405 = arith.addi %add3A_386, %add3A_404 : i32
      %dma_start3A_406 = arith.constant 2 : i32
      %dma_start3A_407 = arith.constant 0 : i32
      %dma_start3A_408 = arith.constant 0 : i32
      %dma_start3A_409 = tpu.memref_slice %arg8[%dma_start3A_406, %dma_start3A_407, %dma_start3A_408] : memref<3x50x512xf32, #tpu.memory_space<vmem>> -> memref<1x50x512xf32, #tpu.memory_space<vmem>>
      %dma_start3A_410 = tpu.memref_squeeze %dma_start3A_409 : memref<1x50x512xf32, #tpu.memory_space<vmem>> -> memref<50x512xf32, #tpu.memory_space<vmem>>
      %dma_start3A_411 = arith.constant 0 : i32
      %dma_start3A_412 = tpu.memref_slice %arg6[%add3A_405, %dma_start3A_411] : memref<32x50xi32, #tpu.memory_space<vmem>> -> memref<1x50xi32, #tpu.memory_space<vmem>>
      %dma_start3A_413 = tpu.memref_squeeze %dma_start3A_412 : memref<1x50xi32, #tpu.memory_space<vmem>> -> memref<50xi32, #tpu.memory_space<vmem>>
      %dma_start3A_414 = arith.constant 0 : i32
      %dma_start3A_415 = arith.constant 0 : i32
      %dma_start3A_416 = tpu.memref_slice %arg4[%dma_start3A_414, %dma_start3A_415] : memref<100000x512xf32, #tpu.memory_space<hbm>> -> memref<100000x512xf32, #tpu.memory_space<hbm>>
      tpu.enqueue_indirect_dma source(%dma_start3A_416 : memref<100000x512xf32, #tpu.memory_space<hbm>>) target(%dma_start3A_410 : memref<50x512xf32, #tpu.memory_space<vmem>>) offsets(%dma_start3A_413 : memref<50xi32, #tpu.memory_space<vmem>>) semaphore(%arg11 : memref<!tpu.dma_semaphore, #tpu.memory_space<semaphore_mem>>)
      %scan3A_417 = arith.constant 0 : i32
      %scan3A_418 = arith.constant 0 : i32
      %scan3A_419 = arith.constant 50 : i32
      %scan3A_420 = arith.addi %scan3A_418, %scan3A_419 : i32
      %scan3A_421 = arith.constant 1 : i32
      scf.for %scan3A_569 = %scan3A_418 to %scan3A_420 step %scan3A_421  : i32 {
        %get3A = arith.index_cast %scan3A_569 : i32 to index
        %get3A_570 = arith.constant 0 : index
        %get3A_571 = tpu.vector_load %arg7[%get3A, %get3A_570] {strides = array<i32>} : memref<50x512xf32, #tpu.memory_space<vmem>>, vector<1x16xf32>,
        %get3A_572 = vector.shape_cast %get3A_571 : vector<1x16xf32> to vector<16xf32>
        %get3A_573 = arith.index_cast %scan3A_569 : i32 to index
        %get3A_574 = arith.constant 16 : index
        %get3A_575 = tpu.vector_load %arg7[%get3A_573, %get3A_574] {strides = array<i32>} : memref<50x512xf32, #tpu.memory_space<vmem>>, vector<1x16xf32>,
        %get3A_576 = vector.shape_cast %get3A_575 : vector<1x16xf32> to vector<16xf32>
        %get3A_577 = arith.index_cast %scan3A_569 : i32 to index
        %get3A_578 = arith.constant 32 : index
        %get3A_579 = tpu.vector_load %arg7[%get3A_577, %get3A_578] {strides = array<i32>} : memref<50x512xf32, #tpu.memory_space<vmem>>, vector<1x16xf32>,
        %get3A_580 = vector.shape_cast %get3A_579 : vector<1x16xf32> to vector<16xf32>
        %get3A_581 = arith.index_cast %scan3A_569 : i32 to index
        %get3A_582 = arith.constant 48 : index
        %get3A_583 = tpu.vector_load %arg7[%get3A_581, %get3A_582] {strides = array<i32>} : memref<50x512xf32, #tpu.memory_space<vmem>>, vector<1x16xf32>,
        %get3A_584 = vector.shape_cast %get3A_583 : vector<1x16xf32> to vector<16xf32>
        %get3A_585 = arith.index_cast %scan3A_569 : i32 to index
        %get3A_586 = arith.constant 64 : index
        %get3A_587 = tpu.vector_load %arg7[%get3A_585, %get3A_586] {strides = array<i32>} : memref<50x512xf32, #tpu.memory_space<vmem>>, vector<1x16xf32>,
        %get3A_588 = vector.shape_cast %get3A_587 : vector<1x16xf32> to vector<16xf32>
        %get3A_589 = arith.index_cast %scan3A_569 : i32 to index
        %get3A_590 = arith.constant 80 : index
        %get3A_591 = tpu.vector_load %arg7[%get3A_589, %get3A_590] {strides = array<i32>} : memref<50x512xf32, #tpu.memory_space<vmem>>, vector<1x16xf32>,
        %get3A_592 = vector.shape_cast %get3A_591 : vector<1x16xf32> to vector<16xf32>
        %get3A_593 = arith.index_cast %scan3A_569 : i32 to index
        %get3A_594 = arith.constant 96 : index
        %get3A_595 = tpu.vector_load %arg7[%get3A_593, %get3A_594] {strides = array<i32>} : memref<50x512xf32, #tpu.memory_space<vmem>>, vector<1x16xf32>,
        %get3A_596 = vector.shape_cast %get3A_595 : vector<1x16xf32> to vector<16xf32>
        %get3A_597 = arith.index_cast %scan3A_569 : i32 to index
        %get3A_598 = arith.constant 112 : index
        %get3A_599 = tpu.vector_load %arg7[%get3A_597, %get3A_598] {strides = array<i32>} : memref<50x512xf32, #tpu.memory_space<vmem>>, vector<1x16xf32>,
        %get3A_600 = vector.shape_cast %get3A_599 : vector<1x16xf32> to vector<16xf32>
        %get3A_601 = arith.index_cast %scan3A_569 : i32 to index
        %get3A_602 = arith.constant 128 : index
        %get3A_603 = tpu.vector_load %arg7[%get3A_601, %get3A_602] {strides = array<i32>} : memref<50x512xf32, #tpu.memory_space<vmem>>, vector<1x16xf32>,
        %get3A_604 = vector.shape_cast %get3A_603 : vector<1x16xf32> to vector<16xf32>
        %get3A_605 = arith.index_cast %scan3A_569 : i32 to index
        %get3A_606 = arith.constant 144 : index
        %get3A_607 = tpu.vector_load %arg7[%get3A_605, %get3A_606] {strides = array<i32>} : memref<50x512xf32, #tpu.memory_space<vmem>>, vector<1x16xf32>,
        %get3A_608 = vector.shape_cast %get3A_607 : vector<1x16xf32> to vector<16xf32>
        %get3A_609 = arith.index_cast %scan3A_569 : i32 to index
        %get3A_610 = arith.constant 160 : index
        %get3A_611 = tpu.vector_load %arg7[%get3A_609, %get3A_610] {strides = array<i32>} : memref<50x512xf32, #tpu.memory_space<vmem>>, vector<1x16xf32>,
        %get3A_612 = vector.shape_cast %get3A_611 : vector<1x16xf32> to vector<16xf32>
        %get3A_613 = arith.index_cast %scan3A_569 : i32 to index
        %get3A_614 = arith.constant 176 : index
        %get3A_615 = tpu.vector_load %arg7[%get3A_613, %get3A_614] {strides = array<i32>} : memref<50x512xf32, #tpu.memory_space<vmem>>, vector<1x16xf32>,
        %get3A_616 = vector.shape_cast %get3A_615 : vector<1x16xf32> to vector<16xf32>
        %get3A_617 = arith.index_cast %scan3A_569 : i32 to index
        %get3A_618 = arith.constant 192 : index
        %get3A_619 = tpu.vector_load %arg7[%get3A_617, %get3A_618] {strides = array<i32>} : memref<50x512xf32, #tpu.memory_space<vmem>>, vector<1x16xf32>,
        %get3A_620 = vector.shape_cast %get3A_619 : vector<1x16xf32> to vector<16xf32>
        %get3A_621 = arith.index_cast %scan3A_569 : i32 to index
        %get3A_622 = arith.constant 208 : index
        %get3A_623 = tpu.vector_load %arg7[%get3A_621, %get3A_622] {strides = array<i32>} : memref<50x512xf32, #tpu.memory_space<vmem>>, vector<1x16xf32>,
        %get3A_624 = vector.shape_cast %get3A_623 : vector<1x16xf32> to vector<16xf32>
        %get3A_625 = arith.index_cast %scan3A_569 : i32 to index
        %get3A_626 = arith.constant 224 : index
        %get3A_627 = tpu.vector_load %arg7[%get3A_625, %get3A_626] {strides = array<i32>} : memref<50x512xf32, #tpu.memory_space<vmem>>, vector<1x16xf32>,
        %get3A_628 = vector.shape_cast %get3A_627 : vector<1x16xf32> to vector<16xf32>
        %get3A_629 = arith.index_cast %scan3A_569 : i32 to index
        %get3A_630 = arith.constant 240 : index
        %get3A_631 = tpu.vector_load %arg7[%get3A_629, %get3A_630] {strides = array<i32>} : memref<50x512xf32, #tpu.memory_space<vmem>>, vector<1x16xf32>,
        %get3A_632 = vector.shape_cast %get3A_631 : vector<1x16xf32> to vector<16xf32>
        %get3A_633 = arith.index_cast %scan3A_569 : i32 to index
        %get3A_634 = arith.constant 256 : index
        %get3A_635 = tpu.vector_load %arg7[%get3A_633, %get3A_634] {strides = array<i32>} : memref<50x512xf32, #tpu.memory_space<vmem>>, vector<1x16xf32>,
        %get3A_636 = vector.shape_cast %get3A_635 : vector<1x16xf32> to vector<16xf32>
        %get3A_637 = arith.index_cast %scan3A_569 : i32 to index
        %get3A_638 = arith.constant 272 : index
        %get3A_639 = tpu.vector_load %arg7[%get3A_637, %get3A_638] {strides = array<i32>} : memref<50x512xf32, #tpu.memory_space<vmem>>, vector<1x16xf32>,
        %get3A_640 = vector.shape_cast %get3A_639 : vector<1x16xf32> to vector<16xf32>
        %get3A_641 = arith.index_cast %scan3A_569 : i32 to index
        %get3A_642 = arith.constant 288 : index
        %get3A_643 = tpu.vector_load %arg7[%get3A_641, %get3A_642] {strides = array<i32>} : memref<50x512xf32, #tpu.memory_space<vmem>>, vector<1x16xf32>,
        %get3A_644 = vector.shape_cast %get3A_643 : vector<1x16xf32> to vector<16xf32>
        %get3A_645 = arith.index_cast %scan3A_569 : i32 to index
        %get3A_646 = arith.constant 304 : index
        %get3A_647 = tpu.vector_load %arg7[%get3A_645, %get3A_646] {strides = array<i32>} : memref<50x512xf32, #tpu.memory_space<vmem>>, vector<1x16xf32>,
        %get3A_648 = vector.shape_cast %get3A_647 : vector<1x16xf32> to vector<16xf32>
        %get3A_649 = arith.index_cast %scan3A_569 : i32 to index
        %get3A_650 = arith.constant 320 : index
        %get3A_651 = tpu.vector_load %arg7[%get3A_649, %get3A_650] {strides = array<i32>} : memref<50x512xf32, #tpu.memory_space<vmem>>, vector<1x16xf32>,
        %get3A_652 = vector.shape_cast %get3A_651 : vector<1x16xf32> to vector<16xf32>
        %get3A_653 = arith.index_cast %scan3A_569 : i32 to index
        %get3A_654 = arith.constant 336 : index
        %get3A_655 = tpu.vector_load %arg7[%get3A_653, %get3A_654] {strides = array<i32>} : memref<50x512xf32, #tpu.memory_space<vmem>>, vector<1x16xf32>,
        %get3A_656 = vector.shape_cast %get3A_655 : vector<1x16xf32> to vector<16xf32>
        %get3A_657 = arith.index_cast %scan3A_569 : i32 to index
        %get3A_658 = arith.constant 352 : index
        %get3A_659 = tpu.vector_load %arg7[%get3A_657, %get3A_658] {strides = array<i32>} : memref<50x512xf32, #tpu.memory_space<vmem>>, vector<1x16xf32>,
        %get3A_660 = vector.shape_cast %get3A_659 : vector<1x16xf32> to vector<16xf32>
        %get3A_661 = arith.index_cast %scan3A_569 : i32 to index
        %get3A_662 = arith.constant 368 : index
        %get3A_663 = tpu.vector_load %arg7[%get3A_661, %get3A_662] {strides = array<i32>} : memref<50x512xf32, #tpu.memory_space<vmem>>, vector<1x16xf32>,
        %get3A_664 = vector.shape_cast %get3A_663 : vector<1x16xf32> to vector<16xf32>
        %get3A_665 = arith.index_cast %scan3A_569 : i32 to index
        %get3A_666 = arith.constant 384 : index
        %get3A_667 = tpu.vector_load %arg7[%get3A_665, %get3A_666] {strides = array<i32>} : memref<50x512xf32, #tpu.memory_space<vmem>>, vector<1x16xf32>,
        %get3A_668 = vector.shape_cast %get3A_667 : vector<1x16xf32> to vector<16xf32>
        %get3A_669 = arith.index_cast %scan3A_569 : i32 to index
        %get3A_670 = arith.constant 400 : index
        %get3A_671 = tpu.vector_load %arg7[%get3A_669, %get3A_670] {strides = array<i32>} : memref<50x512xf32, #tpu.memory_space<vmem>>, vector<1x16xf32>,
        %get3A_672 = vector.shape_cast %get3A_671 : vector<1x16xf32> to vector<16xf32>
        %get3A_673 = arith.index_cast %scan3A_569 : i32 to index
        %get3A_674 = arith.constant 416 : index
        %get3A_675 = tpu.vector_load %arg7[%get3A_673, %get3A_674] {strides = array<i32>} : memref<50x512xf32, #tpu.memory_space<vmem>>, vector<1x16xf32>,
        %get3A_676 = vector.shape_cast %get3A_675 : vector<1x16xf32> to vector<16xf32>
        %get3A_677 = arith.index_cast %scan3A_569 : i32 to index
        %get3A_678 = arith.constant 432 : index
        %get3A_679 = tpu.vector_load %arg7[%get3A_677, %get3A_678] {strides = array<i32>} : memref<50x512xf32, #tpu.memory_space<vmem>>, vector<1x16xf32>,
        %get3A_680 = vector.shape_cast %get3A_679 : vector<1x16xf32> to vector<16xf32>
        %get3A_681 = arith.index_cast %scan3A_569 : i32 to index
        %get3A_682 = arith.constant 448 : index
        %get3A_683 = tpu.vector_load %arg7[%get3A_681, %get3A_682] {strides = array<i32>} : memref<50x512xf32, #tpu.memory_space<vmem>>, vector<1x16xf32>,
        %get3A_684 = vector.shape_cast %get3A_683 : vector<1x16xf32> to vector<16xf32>
        %get3A_685 = arith.index_cast %scan3A_569 : i32 to index
        %get3A_686 = arith.constant 464 : index
        %get3A_687 = tpu.vector_load %arg7[%get3A_685, %get3A_686] {strides = array<i32>} : memref<50x512xf32, #tpu.memory_space<vmem>>, vector<1x16xf32>,
        %get3A_688 = vector.shape_cast %get3A_687 : vector<1x16xf32> to vector<16xf32>
        %get3A_689 = arith.index_cast %scan3A_569 : i32 to index
        %get3A_690 = arith.constant 480 : index
        %get3A_691 = tpu.vector_load %arg7[%get3A_689, %get3A_690] {strides = array<i32>} : memref<50x512xf32, #tpu.memory_space<vmem>>, vector<1x16xf32>,
        %get3A_692 = vector.shape_cast %get3A_691 : vector<1x16xf32> to vector<16xf32>
        %get3A_693 = arith.index_cast %scan3A_569 : i32 to index
        %get3A_694 = arith.constant 496 : index
        %get3A_695 = tpu.vector_load %arg7[%get3A_693, %get3A_694] {strides = array<i32>} : memref<50x512xf32, #tpu.memory_space<vmem>>, vector<1x16xf32>,
        %get3A_696 = vector.shape_cast %get3A_695 : vector<1x16xf32> to vector<16xf32>
        %swap3A = arith.index_cast %scan3A_417 : i32 to index
        %swap3A_697 = arith.index_cast %scan3A_569 : i32 to index
        %swap3A_698 = arith.constant 0 : index
        %swap3A_699 = tpu.vector_load %arg8[%swap3A, %swap3A_697, %swap3A_698] {strides = array<i32>} : memref<3x50x512xf32, #tpu.memory_space<vmem>>, vector<1x1x16xf32>,
        %swap3A_700 = vector.shape_cast %swap3A_699 : vector<1x1x16xf32> to vector<16xf32>
        %swap3A_701 = vector.shape_cast %get3A_572 : vector<16xf32> to vector<1x1x16xf32>
        tpu.vector_store %arg8[%swap3A, %swap3A_697, %swap3A_698], %swap3A_701 {add = true, strides = array<i32>} : memref<3x50x512xf32, #tpu.memory_space<vmem>>, vector<1x1x16xf32>,
        %swap3A_702 = arith.index_cast %scan3A_417 : i32 to index
        %swap3A_703 = arith.index_cast %scan3A_569 : i32 to index
        %swap3A_704 = arith.constant 16 : index
        %swap3A_705 = tpu.vector_load %arg8[%swap3A_702, %swap3A_703, %swap3A_704] {strides = array<i32>} : memref<3x50x512xf32, #tpu.memory_space<vmem>>, vector<1x1x16xf32>,
        %swap3A_706 = vector.shape_cast %swap3A_705 : vector<1x1x16xf32> to vector<16xf32>
        %swap3A_707 = vector.shape_cast %get3A_576 : vector<16xf32> to vector<1x1x16xf32>
        tpu.vector_store %arg8[%swap3A_702, %swap3A_703, %swap3A_704], %swap3A_707 {add = true, strides = array<i32>} : memref<3x50x512xf32, #tpu.memory_space<vmem>>, vector<1x1x16xf32>,
        %swap3A_708 = arith.index_cast %scan3A_417 : i32 to index
        %swap3A_709 = arith.index_cast %scan3A_569 : i32 to index
        %swap3A_710 = arith.constant 32 : index
        %swap3A_711 = tpu.vector_load %arg8[%swap3A_708, %swap3A_709, %swap3A_710] {strides = array<i32>} : memref<3x50x512xf32, #tpu.memory_space<vmem>>, vector<1x1x16xf32>,
        %swap3A_712 = vector.shape_cast %swap3A_711 : vector<1x1x16xf32> to vector<16xf32>
        %swap3A_713 = vector.shape_cast %get3A_580 : vector<16xf32> to vector<1x1x16xf32>
        tpu.vector_store %arg8[%swap3A_708, %swap3A_709, %swap3A_710], %swap3A_713 {add = true, strides = array<i32>} : memref<3x50x512xf32, #tpu.memory_space<vmem>>, vector<1x1x16xf32>,
        %swap3A_714 = arith.index_cast %scan3A_417 : i32 to index
        %swap3A_715 = arith.index_cast %scan3A_569 : i32 to index
        %swap3A_716 = arith.constant 48 : index
        %swap3A_717 = tpu.vector_load %arg8[%swap3A_714, %swap3A_715, %swap3A_716] {strides = array<i32>} : memref<3x50x512xf32, #tpu.memory_space<vmem>>, vector<1x1x16xf32>,
        %swap3A_718 = vector.shape_cast %swap3A_717 : vector<1x1x16xf32> to vector<16xf32>
        %swap3A_719 = vector.shape_cast %get3A_584 : vector<16xf32> to vector<1x1x16xf32>
        tpu.vector_store %arg8[%swap3A_714, %swap3A_715, %swap3A_716], %swap3A_719 {add = true, strides = array<i32>} : memref<3x50x512xf32, #tpu.memory_space<vmem>>, vector<1x1x16xf32>,
        %swap3A_720 = arith.index_cast %scan3A_417 : i32 to index
        %swap3A_721 = arith.index_cast %scan3A_569 : i32 to index
        %swap3A_722 = arith.constant 64 : index
        %swap3A_723 = tpu.vector_load %arg8[%swap3A_720, %swap3A_721, %swap3A_722] {strides = array<i32>} : memref<3x50x512xf32, #tpu.memory_space<vmem>>, vector<1x1x16xf32>,
        %swap3A_724 = vector.shape_cast %swap3A_723 : vector<1x1x16xf32> to vector<16xf32>
        %swap3A_725 = vector.shape_cast %get3A_588 : vector<16xf32> to vector<1x1x16xf32>
        tpu.vector_store %arg8[%swap3A_720, %swap3A_721, %swap3A_722], %swap3A_725 {add = true, strides = array<i32>} : memref<3x50x512xf32, #tpu.memory_space<vmem>>, vector<1x1x16xf32>,
        %swap3A_726 = arith.index_cast %scan3A_417 : i32 to index
        %swap3A_727 = arith.index_cast %scan3A_569 : i32 to index
        %swap3A_728 = arith.constant 80 : index
        %swap3A_729 = tpu.vector_load %arg8[%swap3A_726, %swap3A_727, %swap3A_728] {strides = array<i32>} : memref<3x50x512xf32, #tpu.memory_space<vmem>>, vector<1x1x16xf32>,
        %swap3A_730 = vector.shape_cast %swap3A_729 : vector<1x1x16xf32> to vector<16xf32>
        %swap3A_731 = vector.shape_cast %get3A_592 : vector<16xf32> to vector<1x1x16xf32>
        tpu.vector_store %arg8[%swap3A_726, %swap3A_727, %swap3A_728], %swap3A_731 {add = true, strides = array<i32>} : memref<3x50x512xf32, #tpu.memory_space<vmem>>, vector<1x1x16xf32>,
        %swap3A_732 = arith.index_cast %scan3A_417 : i32 to index
        %swap3A_733 = arith.index_cast %scan3A_569 : i32 to index
        %swap3A_734 = arith.constant 96 : index
        %swap3A_735 = tpu.vector_load %arg8[%swap3A_732, %swap3A_733, %swap3A_734] {strides = array<i32>} : memref<3x50x512xf32, #tpu.memory_space<vmem>>, vector<1x1x16xf32>,
        %swap3A_736 = vector.shape_cast %swap3A_735 : vector<1x1x16xf32> to vector<16xf32>
        %swap3A_737 = vector.shape_cast %get3A_596 : vector<16xf32> to vector<1x1x16xf32>
        tpu.vector_store %arg8[%swap3A_732, %swap3A_733, %swap3A_734], %swap3A_737 {add = true, strides = array<i32>} : memref<3x50x512xf32, #tpu.memory_space<vmem>>, vector<1x1x16xf32>,
        %swap3A_738 = arith.index_cast %scan3A_417 : i32 to index
        %swap3A_739 = arith.index_cast %scan3A_569 : i32 to index
        %swap3A_740 = arith.constant 112 : index
        %swap3A_741 = tpu.vector_load %arg8[%swap3A_738, %swap3A_739, %swap3A_740] {strides = array<i32>} : memref<3x50x512xf32, #tpu.memory_space<vmem>>, vector<1x1x16xf32>,
        %swap3A_742 = vector.shape_cast %swap3A_741 : vector<1x1x16xf32> to vector<16xf32>
        %swap3A_743 = vector.shape_cast %get3A_600 : vector<16xf32> to vector<1x1x16xf32>
        tpu.vector_store %arg8[%swap3A_738, %swap3A_739, %swap3A_740], %swap3A_743 {add = true, strides = array<i32>} : memref<3x50x512xf32, #tpu.memory_space<vmem>>, vector<1x1x16xf32>,
        %swap3A_744 = arith.index_cast %scan3A_417 : i32 to index
        %swap3A_745 = arith.index_cast %scan3A_569 : i32 to index
        %swap3A_746 = arith.constant 128 : index
        %swap3A_747 = tpu.vector_load %arg8[%swap3A_744, %swap3A_745, %swap3A_746] {strides = array<i32>} : memref<3x50x512xf32, #tpu.memory_space<vmem>>, vector<1x1x16xf32>,
        %swap3A_748 = vector.shape_cast %swap3A_747 : vector<1x1x16xf32> to vector<16xf32>
        %swap3A_749 = vector.shape_cast %get3A_604 : vector<16xf32> to vector<1x1x16xf32>
        tpu.vector_store %arg8[%swap3A_744, %swap3A_745, %swap3A_746], %swap3A_749 {add = true, strides = array<i32>} : memref<3x50x512xf32, #tpu.memory_space<vmem>>, vector<1x1x16xf32>,
        %swap3A_750 = arith.index_cast %scan3A_417 : i32 to index
        %swap3A_751 = arith.index_cast %scan3A_569 : i32 to index
        %swap3A_752 = arith.constant 144 : index
        %swap3A_753 = tpu.vector_load %arg8[%swap3A_750, %swap3A_751, %swap3A_752] {strides = array<i32>} : memref<3x50x512xf32, #tpu.memory_space<vmem>>, vector<1x1x16xf32>,
        %swap3A_754 = vector.shape_cast %swap3A_753 : vector<1x1x16xf32> to vector<16xf32>
        %swap3A_755 = vector.shape_cast %get3A_608 : vector<16xf32> to vector<1x1x16xf32>
        tpu.vector_store %arg8[%swap3A_750, %swap3A_751, %swap3A_752], %swap3A_755 {add = true, strides = array<i32>} : memref<3x50x512xf32, #tpu.memory_space<vmem>>, vector<1x1x16xf32>,
        %swap3A_756 = arith.index_cast %scan3A_417 : i32 to index
        %swap3A_757 = arith.index_cast %scan3A_569 : i32 to index
        %swap3A_758 = arith.constant 160 : index
        %swap3A_759 = tpu.vector_load %arg8[%swap3A_756, %swap3A_757, %swap3A_758] {strides = array<i32>} : memref<3x50x512xf32, #tpu.memory_space<vmem>>, vector<1x1x16xf32>,
        %swap3A_760 = vector.shape_cast %swap3A_759 : vector<1x1x16xf32> to vector<16xf32>
        %swap3A_761 = vector.shape_cast %get3A_612 : vector<16xf32> to vector<1x1x16xf32>
        tpu.vector_store %arg8[%swap3A_756, %swap3A_757, %swap3A_758], %swap3A_761 {add = true, strides = array<i32>} : memref<3x50x512xf32, #tpu.memory_space<vmem>>, vector<1x1x16xf32>,
        %swap3A_762 = arith.index_cast %scan3A_417 : i32 to index
        %swap3A_763 = arith.index_cast %scan3A_569 : i32 to index
        %swap3A_764 = arith.constant 176 : index
        %swap3A_765 = tpu.vector_load %arg8[%swap3A_762, %swap3A_763, %swap3A_764] {strides = array<i32>} : memref<3x50x512xf32, #tpu.memory_space<vmem>>, vector<1x1x16xf32>,
        %swap3A_766 = vector.shape_cast %swap3A_765 : vector<1x1x16xf32> to vector<16xf32>
        %swap3A_767 = vector.shape_cast %get3A_616 : vector<16xf32> to vector<1x1x16xf32>
        tpu.vector_store %arg8[%swap3A_762, %swap3A_763, %swap3A_764], %swap3A_767 {add = true, strides = array<i32>} : memref<3x50x512xf32, #tpu.memory_space<vmem>>, vector<1x1x16xf32>,
        %swap3A_768 = arith.index_cast %scan3A_417 : i32 to index
        %swap3A_769 = arith.index_cast %scan3A_569 : i32 to index
        %swap3A_770 = arith.constant 192 : index
        %swap3A_771 = tpu.vector_load %arg8[%swap3A_768, %swap3A_769, %swap3A_770] {strides = array<i32>} : memref<3x50x512xf32, #tpu.memory_space<vmem>>, vector<1x1x16xf32>,
        %swap3A_772 = vector.shape_cast %swap3A_771 : vector<1x1x16xf32> to vector<16xf32>
        %swap3A_773 = vector.shape_cast %get3A_620 : vector<16xf32> to vector<1x1x16xf32>
        tpu.vector_store %arg8[%swap3A_768, %swap3A_769, %swap3A_770], %swap3A_773 {add = true, strides = array<i32>} : memref<3x50x512xf32, #tpu.memory_space<vmem>>, vector<1x1x16xf32>,
        %swap3A_774 = arith.index_cast %scan3A_417 : i32 to index
        %swap3A_775 = arith.index_cast %scan3A_569 : i32 to index
        %swap3A_776 = arith.constant 208 : index
        %swap3A_777 = tpu.vector_load %arg8[%swap3A_774, %swap3A_775, %swap3A_776] {strides = array<i32>} : memref<3x50x512xf32, #tpu.memory_space<vmem>>, vector<1x1x16xf32>,
        %swap3A_778 = vector.shape_cast %swap3A_777 : vector<1x1x16xf32> to vector<16xf32>
        %swap3A_779 = vector.shape_cast %get3A_624 : vector<16xf32> to vector<1x1x16xf32>
        tpu.vector_store %arg8[%swap3A_774, %swap3A_775, %swap3A_776], %swap3A_779 {add = true, strides = array<i32>} : memref<3x50x512xf32, #tpu.memory_space<vmem>>, vector<1x1x16xf32>,
        %swap3A_780 = arith.index_cast %scan3A_417 : i32 to index
        %swap3A_781 = arith.index_cast %scan3A_569 : i32 to index
        %swap3A_782 = arith.constant 224 : index
        %swap3A_783 = tpu.vector_load %arg8[%swap3A_780, %swap3A_781, %swap3A_782] {strides = array<i32>} : memref<3x50x512xf32, #tpu.memory_space<vmem>>, vector<1x1x16xf32>,
        %swap3A_784 = vector.shape_cast %swap3A_783 : vector<1x1x16xf32> to vector<16xf32>
        %swap3A_785 = vector.shape_cast %get3A_628 : vector<16xf32> to vector<1x1x16xf32>
        tpu.vector_store %arg8[%swap3A_780, %swap3A_781, %swap3A_782], %swap3A_785 {add = true, strides = array<i32>} : memref<3x50x512xf32, #tpu.memory_space<vmem>>, vector<1x1x16xf32>,
        %swap3A_786 = arith.index_cast %scan3A_417 : i32 to index
        %swap3A_787 = arith.index_cast %scan3A_569 : i32 to index
        %swap3A_788 = arith.constant 240 : index
        %swap3A_789 = tpu.vector_load %arg8[%swap3A_786, %swap3A_787, %swap3A_788] {strides = array<i32>} : memref<3x50x512xf32, #tpu.memory_space<vmem>>, vector<1x1x16xf32>,
        %swap3A_790 = vector.shape_cast %swap3A_789 : vector<1x1x16xf32> to vector<16xf32>
        %swap3A_791 = vector.shape_cast %get3A_632 : vector<16xf32> to vector<1x1x16xf32>
        tpu.vector_store %arg8[%swap3A_786, %swap3A_787, %swap3A_788], %swap3A_791 {add = true, strides = array<i32>} : memref<3x50x512xf32, #tpu.memory_space<vmem>>, vector<1x1x16xf32>,
        %swap3A_792 = arith.index_cast %scan3A_417 : i32 to index
        %swap3A_793 = arith.index_cast %scan3A_569 : i32 to index
        %swap3A_794 = arith.constant 256 : index
        %swap3A_795 = tpu.vector_load %arg8[%swap3A_792, %swap3A_793, %swap3A_794] {strides = array<i32>} : memref<3x50x512xf32, #tpu.memory_space<vmem>>, vector<1x1x16xf32>,
        %swap3A_796 = vector.shape_cast %swap3A_795 : vector<1x1x16xf32> to vector<16xf32>
        %swap3A_797 = vector.shape_cast %get3A_636 : vector<16xf32> to vector<1x1x16xf32>
        tpu.vector_store %arg8[%swap3A_792, %swap3A_793, %swap3A_794], %swap3A_797 {add = true, strides = array<i32>} : memref<3x50x512xf32, #tpu.memory_space<vmem>>, vector<1x1x16xf32>,
        %swap3A_798 = arith.index_cast %scan3A_417 : i32 to index
        %swap3A_799 = arith.index_cast %scan3A_569 : i32 to index
        %swap3A_800 = arith.constant 272 : index
        %swap3A_801 = tpu.vector_load %arg8[%swap3A_798, %swap3A_799, %swap3A_800] {strides = array<i32>} : memref<3x50x512xf32, #tpu.memory_space<vmem>>, vector<1x1x16xf32>,
        %swap3A_802 = vector.shape_cast %swap3A_801 : vector<1x1x16xf32> to vector<16xf32>
        %swap3A_803 = vector.shape_cast %get3A_640 : vector<16xf32> to vector<1x1x16xf32>
        tpu.vector_store %arg8[%swap3A_798, %swap3A_799, %swap3A_800], %swap3A_803 {add = true, strides = array<i32>} : memref<3x50x512xf32, #tpu.memory_space<vmem>>, vector<1x1x16xf32>,
        %swap3A_804 = arith.index_cast %scan3A_417 : i32 to index
        %swap3A_805 = arith.index_cast %scan3A_569 : i32 to index
        %swap3A_806 = arith.constant 288 : index
        %swap3A_807 = tpu.vector_load %arg8[%swap3A_804, %swap3A_805, %swap3A_806] {strides = array<i32>} : memref<3x50x512xf32, #tpu.memory_space<vmem>>, vector<1x1x16xf32>,
        %swap3A_808 = vector.shape_cast %swap3A_807 : vector<1x1x16xf32> to vector<16xf32>
        %swap3A_809 = vector.shape_cast %get3A_644 : vector<16xf32> to vector<1x1x16xf32>
        tpu.vector_store %arg8[%swap3A_804, %swap3A_805, %swap3A_806], %swap3A_809 {add = true, strides = array<i32>} : memref<3x50x512xf32, #tpu.memory_space<vmem>>, vector<1x1x16xf32>,
        %swap3A_810 = arith.index_cast %scan3A_417 : i32 to index
        %swap3A_811 = arith.index_cast %scan3A_569 : i32 to index
        %swap3A_812 = arith.constant 304 : index
        %swap3A_813 = tpu.vector_load %arg8[%swap3A_810, %swap3A_811, %swap3A_812] {strides = array<i32>} : memref<3x50x512xf32, #tpu.memory_space<vmem>>, vector<1x1x16xf32>,
        %swap3A_814 = vector.shape_cast %swap3A_813 : vector<1x1x16xf32> to vector<16xf32>
        %swap3A_815 = vector.shape_cast %get3A_648 : vector<16xf32> to vector<1x1x16xf32>
        tpu.vector_store %arg8[%swap3A_810, %swap3A_811, %swap3A_812], %swap3A_815 {add = true, strides = array<i32>} : memref<3x50x512xf32, #tpu.memory_space<vmem>>, vector<1x1x16xf32>,
        %swap3A_816 = arith.index_cast %scan3A_417 : i32 to index
        %swap3A_817 = arith.index_cast %scan3A_569 : i32 to index
        %swap3A_818 = arith.constant 320 : index
        %swap3A_819 = tpu.vector_load %arg8[%swap3A_816, %swap3A_817, %swap3A_818] {strides = array<i32>} : memref<3x50x512xf32, #tpu.memory_space<vmem>>, vector<1x1x16xf32>,
        %swap3A_820 = vector.shape_cast %swap3A_819 : vector<1x1x16xf32> to vector<16xf32>
        %swap3A_821 = vector.shape_cast %get3A_652 : vector<16xf32> to vector<1x1x16xf32>
        tpu.vector_store %arg8[%swap3A_816, %swap3A_817, %swap3A_818], %swap3A_821 {add = true, strides = array<i32>} : memref<3x50x512xf32, #tpu.memory_space<vmem>>, vector<1x1x16xf32>,
        %swap3A_822 = arith.index_cast %scan3A_417 : i32 to index
        %swap3A_823 = arith.index_cast %scan3A_569 : i32 to index
        %swap3A_824 = arith.constant 336 : index
        %swap3A_825 = tpu.vector_load %arg8[%swap3A_822, %swap3A_823, %swap3A_824] {strides = array<i32>} : memref<3x50x512xf32, #tpu.memory_space<vmem>>, vector<1x1x16xf32>,
        %swap3A_826 = vector.shape_cast %swap3A_825 : vector<1x1x16xf32> to vector<16xf32>
        %swap3A_827 = vector.shape_cast %get3A_656 : vector<16xf32> to vector<1x1x16xf32>
        tpu.vector_store %arg8[%swap3A_822, %swap3A_823, %swap3A_824], %swap3A_827 {add = true, strides = array<i32>} : memref<3x50x512xf32, #tpu.memory_space<vmem>>, vector<1x1x16xf32>,
        %swap3A_828 = arith.index_cast %scan3A_417 : i32 to index
        %swap3A_829 = arith.index_cast %scan3A_569 : i32 to index
        %swap3A_830 = arith.constant 352 : index
        %swap3A_831 = tpu.vector_load %arg8[%swap3A_828, %swap3A_829, %swap3A_830] {strides = array<i32>} : memref<3x50x512xf32, #tpu.memory_space<vmem>>, vector<1x1x16xf32>,
        %swap3A_832 = vector.shape_cast %swap3A_831 : vector<1x1x16xf32> to vector<16xf32>
        %swap3A_833 = vector.shape_cast %get3A_660 : vector<16xf32> to vector<1x1x16xf32>
        tpu.vector_store %arg8[%swap3A_828, %swap3A_829, %swap3A_830], %swap3A_833 {add = true, strides = array<i32>} : memref<3x50x512xf32, #tpu.memory_space<vmem>>, vector<1x1x16xf32>,
        %swap3A_834 = arith.index_cast %scan3A_417 : i32 to index
        %swap3A_835 = arith.index_cast %scan3A_569 : i32 to index
        %swap3A_836 = arith.constant 368 : index
        %swap3A_837 = tpu.vector_load %arg8[%swap3A_834, %swap3A_835, %swap3A_836] {strides = array<i32>} : memref<3x50x512xf32, #tpu.memory_space<vmem>>, vector<1x1x16xf32>,
        %swap3A_838 = vector.shape_cast %swap3A_837 : vector<1x1x16xf32> to vector<16xf32>
        %swap3A_839 = vector.shape_cast %get3A_664 : vector<16xf32> to vector<1x1x16xf32>
        tpu.vector_store %arg8[%swap3A_834, %swap3A_835, %swap3A_836], %swap3A_839 {add = true, strides = array<i32>} : memref<3x50x512xf32, #tpu.memory_space<vmem>>, vector<1x1x16xf32>,
        %swap3A_840 = arith.index_cast %scan3A_417 : i32 to index
        %swap3A_841 = arith.index_cast %scan3A_569 : i32 to index
        %swap3A_842 = arith.constant 384 : index
        %swap3A_843 = tpu.vector_load %arg8[%swap3A_840, %swap3A_841, %swap3A_842] {strides = array<i32>} : memref<3x50x512xf32, #tpu.memory_space<vmem>>, vector<1x1x16xf32>,
        %swap3A_844 = vector.shape_cast %swap3A_843 : vector<1x1x16xf32> to vector<16xf32>
        %swap3A_845 = vector.shape_cast %get3A_668 : vector<16xf32> to vector<1x1x16xf32>
        tpu.vector_store %arg8[%swap3A_840, %swap3A_841, %swap3A_842], %swap3A_845 {add = true, strides = array<i32>} : memref<3x50x512xf32, #tpu.memory_space<vmem>>, vector<1x1x16xf32>,
        %swap3A_846 = arith.index_cast %scan3A_417 : i32 to index
        %swap3A_847 = arith.index_cast %scan3A_569 : i32 to index
        %swap3A_848 = arith.constant 400 : index
        %swap3A_849 = tpu.vector_load %arg8[%swap3A_846, %swap3A_847, %swap3A_848] {strides = array<i32>} : memref<3x50x512xf32, #tpu.memory_space<vmem>>, vector<1x1x16xf32>,
        %swap3A_850 = vector.shape_cast %swap3A_849 : vector<1x1x16xf32> to vector<16xf32>
        %swap3A_851 = vector.shape_cast %get3A_672 : vector<16xf32> to vector<1x1x16xf32>
        tpu.vector_store %arg8[%swap3A_846, %swap3A_847, %swap3A_848], %swap3A_851 {add = true, strides = array<i32>} : memref<3x50x512xf32, #tpu.memory_space<vmem>>, vector<1x1x16xf32>,
        %swap3A_852 = arith.index_cast %scan3A_417 : i32 to index
        %swap3A_853 = arith.index_cast %scan3A_569 : i32 to index
        %swap3A_854 = arith.constant 416 : index
        %swap3A_855 = tpu.vector_load %arg8[%swap3A_852, %swap3A_853, %swap3A_854] {strides = array<i32>} : memref<3x50x512xf32, #tpu.memory_space<vmem>>, vector<1x1x16xf32>,
        %swap3A_856 = vector.shape_cast %swap3A_855 : vector<1x1x16xf32> to vector<16xf32>
        %swap3A_857 = vector.shape_cast %get3A_676 : vector<16xf32> to vector<1x1x16xf32>
        tpu.vector_store %arg8[%swap3A_852, %swap3A_853, %swap3A_854], %swap3A_857 {add = true, strides = array<i32>} : memref<3x50x512xf32, #tpu.memory_space<vmem>>, vector<1x1x16xf32>,
        %swap3A_858 = arith.index_cast %scan3A_417 : i32 to index
        %swap3A_859 = arith.index_cast %scan3A_569 : i32 to index
        %swap3A_860 = arith.constant 432 : index
        %swap3A_861 = tpu.vector_load %arg8[%swap3A_858, %swap3A_859, %swap3A_860] {strides = array<i32>} : memref<3x50x512xf32, #tpu.memory_space<vmem>>, vector<1x1x16xf32>,
        %swap3A_862 = vector.shape_cast %swap3A_861 : vector<1x1x16xf32> to vector<16xf32>
        %swap3A_863 = vector.shape_cast %get3A_680 : vector<16xf32> to vector<1x1x16xf32>
        tpu.vector_store %arg8[%swap3A_858, %swap3A_859, %swap3A_860], %swap3A_863 {add = true, strides = array<i32>} : memref<3x50x512xf32, #tpu.memory_space<vmem>>, vector<1x1x16xf32>,
        %swap3A_864 = arith.index_cast %scan3A_417 : i32 to index
        %swap3A_865 = arith.index_cast %scan3A_569 : i32 to index
        %swap3A_866 = arith.constant 448 : index
        %swap3A_867 = tpu.vector_load %arg8[%swap3A_864, %swap3A_865, %swap3A_866] {strides = array<i32>} : memref<3x50x512xf32, #tpu.memory_space<vmem>>, vector<1x1x16xf32>,
        %swap3A_868 = vector.shape_cast %swap3A_867 : vector<1x1x16xf32> to vector<16xf32>
        %swap3A_869 = vector.shape_cast %get3A_684 : vector<16xf32> to vector<1x1x16xf32>
        tpu.vector_store %arg8[%swap3A_864, %swap3A_865, %swap3A_866], %swap3A_869 {add = true, strides = array<i32>} : memref<3x50x512xf32, #tpu.memory_space<vmem>>, vector<1x1x16xf32>,
        %swap3A_870 = arith.index_cast %scan3A_417 : i32 to index
        %swap3A_871 = arith.index_cast %scan3A_569 : i32 to index
        %swap3A_872 = arith.constant 464 : index
        %swap3A_873 = tpu.vector_load %arg8[%swap3A_870, %swap3A_871, %swap3A_872] {strides = array<i32>} : memref<3x50x512xf32, #tpu.memory_space<vmem>>, vector<1x1x16xf32>,
        %swap3A_874 = vector.shape_cast %swap3A_873 : vector<1x1x16xf32> to vector<16xf32>
        %swap3A_875 = vector.shape_cast %get3A_688 : vector<16xf32> to vector<1x1x16xf32>
        tpu.vector_store %arg8[%swap3A_870, %swap3A_871, %swap3A_872], %swap3A_875 {add = true, strides = array<i32>} : memref<3x50x512xf32, #tpu.memory_space<vmem>>, vector<1x1x16xf32>,
        %swap3A_876 = arith.index_cast %scan3A_417 : i32 to index
        %swap3A_877 = arith.index_cast %scan3A_569 : i32 to index
        %swap3A_878 = arith.constant 480 : index
        %swap3A_879 = tpu.vector_load %arg8[%swap3A_876, %swap3A_877, %swap3A_878] {strides = array<i32>} : memref<3x50x512xf32, #tpu.memory_space<vmem>>, vector<1x1x16xf32>,
        %swap3A_880 = vector.shape_cast %swap3A_879 : vector<1x1x16xf32> to vector<16xf32>
        %swap3A_881 = vector.shape_cast %get3A_692 : vector<16xf32> to vector<1x1x16xf32>
        tpu.vector_store %arg8[%swap3A_876, %swap3A_877, %swap3A_878], %swap3A_881 {add = true, strides = array<i32>} : memref<3x50x512xf32, #tpu.memory_space<vmem>>, vector<1x1x16xf32>,
        %swap3A_882 = arith.index_cast %scan3A_417 : i32 to index
        %swap3A_883 = arith.index_cast %scan3A_569 : i32 to index
        %swap3A_884 = arith.constant 496 : index
        %swap3A_885 = tpu.vector_load %arg8[%swap3A_882, %swap3A_883, %swap3A_884] {strides = array<i32>} : memref<3x50x512xf32, #tpu.memory_space<vmem>>, vector<1x1x16xf32>,
        %swap3A_886 = vector.shape_cast %swap3A_885 : vector<1x1x16xf32> to vector<16xf32>
        %swap3A_887 = vector.shape_cast %get3A_696 : vector<16xf32> to vector<1x1x16xf32>
        tpu.vector_store %arg8[%swap3A_882, %swap3A_883, %swap3A_884], %swap3A_887 {add = true, strides = array<i32>} : memref<3x50x512xf32, #tpu.memory_space<vmem>>, vector<1x1x16xf32>,
      }
      %scan3A_422 = arith.constant 50 : i32
      %mul3A_423 = arith.constant 32 : i32
      %mul3A_424 = arith.muli %add3A, %mul3A_423 : i32
      %add3A_425 = arith.addi %mul3A_424, %add3A_386 : i32
      %dma_start3A_426 = arith.constant 0 : i32
      %dma_start3A_427 = arith.constant 0 : i32
      %dma_start3A_428 = arith.constant 0 : i32
      %dma_start3A_429 = tpu.memref_slice %arg8[%dma_start3A_426, %dma_start3A_427, %dma_start3A_428] : memref<3x50x512xf32, #tpu.memory_space<vmem>> -> memref<1x50x512xf32, #tpu.memory_space<vmem>>
      %dma_start3A_430 = tpu.memref_squeeze %dma_start3A_429 : memref<1x50x512xf32, #tpu.memory_space<vmem>> -> memref<50x512xf32, #tpu.memory_space<vmem>>
      %dma_start3A_431 = arith.constant 0 : i32
      %dma_start3A_432 = arith.constant 0 : i32
      %dma_start3A_433 = tpu.memref_slice %arg5[%add3A_425, %dma_start3A_431, %dma_start3A_432] : memref<1024x50x512xf32, #tpu.memory_space<hbm>> -> memref<1x50x512xf32, #tpu.memory_space<hbm>>
      %dma_start3A_434 = tpu.memref_squeeze %dma_start3A_433 : memref<1x50x512xf32, #tpu.memory_space<hbm>> -> memref<50x512xf32, #tpu.memory_space<hbm>>
      %dma_start3A_435 = arith.constant 0 : i32
      %dma_start3A_436 = arith.constant 0 : i32
      %dma_start3A_437 = tpu.memref_slice %arg5[%add3A_425, %dma_start3A_435, %dma_start3A_436] : memref<1024x50x512xf32, #tpu.memory_space<hbm>> -> memref<1x50x512xf32, #tpu.memory_space<hbm>>
      %dma_start3A_438 = tpu.memref_squeeze %dma_start3A_437 : memref<1x50x512xf32, #tpu.memory_space<hbm>> -> memref<50x512xf32, #tpu.memory_space<hbm>>
      %dma_start3A_439 = arith.constant 0 : i32
      %dma_start3A_440 = arith.constant 0 : i32
      %dma_start3A_441 = tpu.memref_slice %arg8[%dma_start3A_426, %dma_start3A_439, %dma_start3A_440] : memref<3x50x512xf32, #tpu.memory_space<vmem>> -> memref<1x50x512xf32, #tpu.memory_space<vmem>>
      %dma_start3A_442 = tpu.memref_squeeze %dma_start3A_441 : memref<1x50x512xf32, #tpu.memory_space<vmem>> -> memref<50x512xf32, #tpu.memory_space<vmem>>
      tpu.enqueue_dma source(%dma_start3A_442 : memref<50x512xf32, #tpu.memory_space<vmem>>) target(%dma_start3A_438 : memref<50x512xf32, #tpu.memory_space<hbm>>) target_semaphore(%arg12 : memref<!tpu.dma_semaphore, #tpu.memory_space<semaphore_mem>>)
      %mul3A_443 = arith.constant 3 : i32
      %mul3A_444 = arith.muli %mul3A_443, %scan3A_382 : i32
      %add3A_445 = arith.constant 1 : i32
      %add3A_446 = arith.addi %mul3A_444, %add3A_445 : i32
      %dma_wait3A_447 = arith.constant 1 : i32
      %dma_wait3A_448 = arith.constant 0 : i32
      %dma_wait3A_449 = arith.constant 0 : i32
      %dma_wait3A_450 = tpu.memref_slice %arg8[%dma_wait3A_447, %dma_wait3A_448, %dma_wait3A_449] : memref<3x50x512xf32, #tpu.memory_space<vmem>> -> memref<1x50x512xf32, #tpu.memory_space<vmem>>
      %dma_wait3A_451 = tpu.memref_squeeze %dma_wait3A_450 : memref<1x50x512xf32, #tpu.memory_space<vmem>> -> memref<50x512xf32, #tpu.memory_space<vmem>>
      %dma_wait3A_452 = arith.constant 0 : i32
      %dma_wait3A_453 = arith.constant 0 : i32
      %dma_wait3A_454 = tpu.memref_slice %arg4[%dma_wait3A_452, %dma_wait3A_453] : memref<100000x512xf32, #tpu.memory_space<hbm>> -> memref<50x512xf32, #tpu.memory_space<hbm>>
      %dma_wait3A_455 = arith.constant 0 : i32
      %dma_wait3A_456 = arith.constant 0 : i32
      %dma_wait3A_457 = tpu.memref_slice %arg8[%dma_wait3A_447, %dma_wait3A_455, %dma_wait3A_456] : memref<3x50x512xf32, #tpu.memory_space<vmem>> -> memref<1x50x512xf32, #tpu.memory_space<vmem>>
      %dma_wait3A_458 = tpu.memref_squeeze %dma_wait3A_457 : memref<1x50x512xf32, #tpu.memory_space<vmem>> -> memref<50x512xf32, #tpu.memory_space<vmem>>
      %dma_wait3A_459 = arith.constant 0 : i32
      %dma_wait3A_460 = arith.constant 0 : i32
      %dma_wait3A_461 = tpu.memref_slice %arg4[%dma_wait3A_459, %dma_wait3A_460] : memref<100000x512xf32, #tpu.memory_space<hbm>> -> memref<50x512xf32, #tpu.memory_space<hbm>>
      tpu.wait_dma2 semaphore(%arg10 : memref<!tpu.dma_semaphore, #tpu.memory_space<semaphore_mem>>) src(%dma_wait3A_461 : memref<50x512xf32, #tpu.memory_space<hbm>>) dst(%dma_wait3A_458 : memref<50x512xf32, #tpu.memory_space<vmem>>)
      %ge3A_462 = arith.constant 1 : i32
      %ge3A_463 = arith.cmpi sge, %add3A_446, %ge3A_462 : i32
      %convert_element_type3A_464 = arith.extui %ge3A_463 : i1 to i32
      %cond3A_465 = arith.constant 0 : i32
      %cond3A_466 = arith.cmpi ne, %convert_element_type3A_464, %cond3A_465 : i32
      scf.if %cond3A_466 {
        %dma_wait3A_569 = arith.constant 0 : i32
        %dma_wait3A_570 = arith.constant 0 : i32
        %dma_wait3A_571 = arith.constant 0 : i32
        %dma_wait3A_572 = arith.constant 0 : i32
        %dma_wait3A_573 = tpu.memref_slice %arg8[%dma_wait3A_569, %dma_wait3A_571, %dma_wait3A_572] : memref<3x50x512xf32, #tpu.memory_space<vmem>> -> memref<1x50x512xf32, #tpu.memory_space<vmem>>
        %dma_wait3A_574 = tpu.memref_squeeze %dma_wait3A_573 : memref<1x50x512xf32, #tpu.memory_space<vmem>> -> memref<50x512xf32, #tpu.memory_space<vmem>>
        %dma_wait3A_575 = arith.constant 0 : i32
        %dma_wait3A_576 = arith.constant 0 : i32
        %dma_wait3A_577 = tpu.memref_slice %arg5[%dma_wait3A_570, %dma_wait3A_575, %dma_wait3A_576] : memref<1024x50x512xf32, #tpu.memory_space<hbm>> -> memref<1x50x512xf32, #tpu.memory_space<hbm>>
        %dma_wait3A_578 = tpu.memref_squeeze %dma_wait3A_577 : memref<1x50x512xf32, #tpu.memory_space<hbm>> -> memref<50x512xf32, #tpu.memory_space<hbm>>
        %dma_wait3A_579 = arith.constant 0 : i32
        %dma_wait3A_580 = arith.constant 0 : i32
        %dma_wait3A_581 = tpu.memref_slice %arg5[%dma_wait3A_570, %dma_wait3A_579, %dma_wait3A_580] : memref<1024x50x512xf32, #tpu.memory_space<hbm>> -> memref<1x50x512xf32, #tpu.memory_space<hbm>>
        %dma_wait3A_582 = tpu.memref_squeeze %dma_wait3A_581 : memref<1x50x512xf32, #tpu.memory_space<hbm>> -> memref<50x512xf32, #tpu.memory_space<hbm>>
        %dma_wait3A_583 = arith.constant 0 : i32
        %dma_wait3A_584 = arith.constant 0 : i32
        %dma_wait3A_585 = tpu.memref_slice %arg8[%dma_wait3A_569, %dma_wait3A_583, %dma_wait3A_584] : memref<3x50x512xf32, #tpu.memory_space<vmem>> -> memref<1x50x512xf32, #tpu.memory_space<vmem>>
        %dma_wait3A_586 = tpu.memref_squeeze %dma_wait3A_585 : memref<1x50x512xf32, #tpu.memory_space<vmem>> -> memref<50x512xf32, #tpu.memory_space<vmem>>
        tpu.wait_dma2 semaphore(%arg12 : memref<!tpu.dma_semaphore, #tpu.memory_space<semaphore_mem>>) src(%dma_wait3A_586 : memref<50x512xf32, #tpu.memory_space<vmem>>) dst(%dma_wait3A_582 : memref<50x512xf32, #tpu.memory_space<hbm>>)
      } else {
      }
      %add3A_467 = arith.constant 2 : i32
      %add3A_468 = arith.addi %add3A_446, %add3A_467 : i32
      %dma_start3A_469 = arith.constant 0 : i32
      %dma_start3A_470 = arith.constant 0 : i32
      %dma_start3A_471 = arith.constant 0 : i32
      %dma_start3A_472 = tpu.memref_slice %arg8[%dma_start3A_469, %dma_start3A_470, %dma_start3A_471] : memref<3x50x512xf32, #tpu.memory_space<vmem>> -> memref<1x50x512xf32, #tpu.memory_space<vmem>>
      %dma_start3A_473 = tpu.memref_squeeze %dma_start3A_472 : memref<1x50x512xf32, #tpu.memory_space<vmem>> -> memref<50x512xf32, #tpu.memory_space<vmem>>
      %dma_start3A_474 = arith.constant 0 : i32
      %dma_start3A_475 = tpu.memref_slice %arg6[%add3A_468, %dma_start3A_474] : memref<32x50xi32, #tpu.memory_space<vmem>> -> memref<1x50xi32, #tpu.memory_space<vmem>>
      %dma_start3A_476 = tpu.memref_squeeze %dma_start3A_475 : memref<1x50xi32, #tpu.memory_space<vmem>> -> memref<50xi32, #tpu.memory_space<vmem>>
      %dma_start3A_477 = arith.constant 0 : i32
      %dma_start3A_478 = arith.constant 0 : i32
      %dma_start3A_479 = tpu.memref_slice %arg4[%dma_start3A_477, %dma_start3A_478] : memref<100000x512xf32, #tpu.memory_space<hbm>> -> memref<100000x512xf32, #tpu.memory_space<hbm>>
      tpu.enqueue_indirect_dma source(%dma_start3A_479 : memref<100000x512xf32, #tpu.memory_space<hbm>>) target(%dma_start3A_473 : memref<50x512xf32, #tpu.memory_space<vmem>>) offsets(%dma_start3A_476 : memref<50xi32, #tpu.memory_space<vmem>>) semaphore(%arg9 : memref<!tpu.dma_semaphore, #tpu.memory_space<semaphore_mem>>)
      %scan3A_480 = arith.constant 1 : i32
      %scan3A_481 = arith.constant 0 : i32
      %scan3A_482 = arith.constant 50 : i32
      %scan3A_483 = arith.addi %scan3A_481, %scan3A_482 : i32
      %scan3A_484 = arith.constant 1 : i32
      scf.for %scan3A_569 = %scan3A_481 to %scan3A_483 step %scan3A_484  : i32 {
        %get3A = arith.index_cast %scan3A_569 : i32 to index
        %get3A_570 = arith.constant 0 : index
        %get3A_571 = tpu.vector_load %arg7[%get3A, %get3A_570] {strides = array<i32>} : memref<50x512xf32, #tpu.memory_space<vmem>>, vector<1x16xf32>,
        %get3A_572 = vector.shape_cast %get3A_571 : vector<1x16xf32> to vector<16xf32>
        %get3A_573 = arith.index_cast %scan3A_569 : i32 to index
        %get3A_574 = arith.constant 16 : index
        %get3A_575 = tpu.vector_load %arg7[%get3A_573, %get3A_574] {strides = array<i32>} : memref<50x512xf32, #tpu.memory_space<vmem>>, vector<1x16xf32>,
        %get3A_576 = vector.shape_cast %get3A_575 : vector<1x16xf32> to vector<16xf32>
        %get3A_577 = arith.index_cast %scan3A_569 : i32 to index
        %get3A_578 = arith.constant 32 : index
        %get3A_579 = tpu.vector_load %arg7[%get3A_577, %get3A_578] {strides = array<i32>} : memref<50x512xf32, #tpu.memory_space<vmem>>, vector<1x16xf32>,
        %get3A_580 = vector.shape_cast %get3A_579 : vector<1x16xf32> to vector<16xf32>
        %get3A_581 = arith.index_cast %scan3A_569 : i32 to index
        %get3A_582 = arith.constant 48 : index
        %get3A_583 = tpu.vector_load %arg7[%get3A_581, %get3A_582] {strides = array<i32>} : memref<50x512xf32, #tpu.memory_space<vmem>>, vector<1x16xf32>,
        %get3A_584 = vector.shape_cast %get3A_583 : vector<1x16xf32> to vector<16xf32>
        %get3A_585 = arith.index_cast %scan3A_569 : i32 to index
        %get3A_586 = arith.constant 64 : index
        %get3A_587 = tpu.vector_load %arg7[%get3A_585, %get3A_586] {strides = array<i32>} : memref<50x512xf32, #tpu.memory_space<vmem>>, vector<1x16xf32>,
        %get3A_588 = vector.shape_cast %get3A_587 : vector<1x16xf32> to vector<16xf32>
        %get3A_589 = arith.index_cast %scan3A_569 : i32 to index
        %get3A_590 = arith.constant 80 : index
        %get3A_591 = tpu.vector_load %arg7[%get3A_589, %get3A_590] {strides = array<i32>} : memref<50x512xf32, #tpu.memory_space<vmem>>, vector<1x16xf32>,
        %get3A_592 = vector.shape_cast %get3A_591 : vector<1x16xf32> to vector<16xf32>
        %get3A_593 = arith.index_cast %scan3A_569 : i32 to index
        %get3A_594 = arith.constant 96 : index
        %get3A_595 = tpu.vector_load %arg7[%get3A_593, %get3A_594] {strides = array<i32>} : memref<50x512xf32, #tpu.memory_space<vmem>>, vector<1x16xf32>,
        %get3A_596 = vector.shape_cast %get3A_595 : vector<1x16xf32> to vector<16xf32>
        %get3A_597 = arith.index_cast %scan3A_569 : i32 to index
        %get3A_598 = arith.constant 112 : index
        %get3A_599 = tpu.vector_load %arg7[%get3A_597, %get3A_598] {strides = array<i32>} : memref<50x512xf32, #tpu.memory_space<vmem>>, vector<1x16xf32>,
        %get3A_600 = vector.shape_cast %get3A_599 : vector<1x16xf32> to vector<16xf32>
        %get3A_601 = arith.index_cast %scan3A_569 : i32 to index
        %get3A_602 = arith.constant 128 : index
        %get3A_603 = tpu.vector_load %arg7[%get3A_601, %get3A_602] {strides = array<i32>} : memref<50x512xf32, #tpu.memory_space<vmem>>, vector<1x16xf32>,
        %get3A_604 = vector.shape_cast %get3A_603 : vector<1x16xf32> to vector<16xf32>
        %get3A_605 = arith.index_cast %scan3A_569 : i32 to index
        %get3A_606 = arith.constant 144 : index
        %get3A_607 = tpu.vector_load %arg7[%get3A_605, %get3A_606] {strides = array<i32>} : memref<50x512xf32, #tpu.memory_space<vmem>>, vector<1x16xf32>,
        %get3A_608 = vector.shape_cast %get3A_607 : vector<1x16xf32> to vector<16xf32>
        %get3A_609 = arith.index_cast %scan3A_569 : i32 to index
        %get3A_610 = arith.constant 160 : index
        %get3A_611 = tpu.vector_load %arg7[%get3A_609, %get3A_610] {strides = array<i32>} : memref<50x512xf32, #tpu.memory_space<vmem>>, vector<1x16xf32>,
        %get3A_612 = vector.shape_cast %get3A_611 : vector<1x16xf32> to vector<16xf32>
        %get3A_613 = arith.index_cast %scan3A_569 : i32 to index
        %get3A_614 = arith.constant 176 : index
        %get3A_615 = tpu.vector_load %arg7[%get3A_613, %get3A_614] {strides = array<i32>} : memref<50x512xf32, #tpu.memory_space<vmem>>, vector<1x16xf32>,
        %get3A_616 = vector.shape_cast %get3A_615 : vector<1x16xf32> to vector<16xf32>
        %get3A_617 = arith.index_cast %scan3A_569 : i32 to index
        %get3A_618 = arith.constant 192 : index
        %get3A_619 = tpu.vector_load %arg7[%get3A_617, %get3A_618] {strides = array<i32>} : memref<50x512xf32, #tpu.memory_space<vmem>>, vector<1x16xf32>,
        %get3A_620 = vector.shape_cast %get3A_619 : vector<1x16xf32> to vector<16xf32>
        %get3A_621 = arith.index_cast %scan3A_569 : i32 to index
        %get3A_622 = arith.constant 208 : index
        %get3A_623 = tpu.vector_load %arg7[%get3A_621, %get3A_622] {strides = array<i32>} : memref<50x512xf32, #tpu.memory_space<vmem>>, vector<1x16xf32>,
        %get3A_624 = vector.shape_cast %get3A_623 : vector<1x16xf32> to vector<16xf32>
        %get3A_625 = arith.index_cast %scan3A_569 : i32 to index
        %get3A_626 = arith.constant 224 : index
        %get3A_627 = tpu.vector_load %arg7[%get3A_625, %get3A_626] {strides = array<i32>} : memref<50x512xf32, #tpu.memory_space<vmem>>, vector<1x16xf32>,
        %get3A_628 = vector.shape_cast %get3A_627 : vector<1x16xf32> to vector<16xf32>
        %get3A_629 = arith.index_cast %scan3A_569 : i32 to index
        %get3A_630 = arith.constant 240 : index
        %get3A_631 = tpu.vector_load %arg7[%get3A_629, %get3A_630] {strides = array<i32>} : memref<50x512xf32, #tpu.memory_space<vmem>>, vector<1x16xf32>,
        %get3A_632 = vector.shape_cast %get3A_631 : vector<1x16xf32> to vector<16xf32>
        %get3A_633 = arith.index_cast %scan3A_569 : i32 to index
        %get3A_634 = arith.constant 256 : index
        %get3A_635 = tpu.vector_load %arg7[%get3A_633, %get3A_634] {strides = array<i32>} : memref<50x512xf32, #tpu.memory_space<vmem>>, vector<1x16xf32>,
        %get3A_636 = vector.shape_cast %get3A_635 : vector<1x16xf32> to vector<16xf32>
        %get3A_637 = arith.index_cast %scan3A_569 : i32 to index
        %get3A_638 = arith.constant 272 : index
        %get3A_639 = tpu.vector_load %arg7[%get3A_637, %get3A_638] {strides = array<i32>} : memref<50x512xf32, #tpu.memory_space<vmem>>, vector<1x16xf32>,
        %get3A_640 = vector.shape_cast %get3A_639 : vector<1x16xf32> to vector<16xf32>
        %get3A_641 = arith.index_cast %scan3A_569 : i32 to index
        %get3A_642 = arith.constant 288 : index
        %get3A_643 = tpu.vector_load %arg7[%get3A_641, %get3A_642] {strides = array<i32>} : memref<50x512xf32, #tpu.memory_space<vmem>>, vector<1x16xf32>,
        %get3A_644 = vector.shape_cast %get3A_643 : vector<1x16xf32> to vector<16xf32>
        %get3A_645 = arith.index_cast %scan3A_569 : i32 to index
        %get3A_646 = arith.constant 304 : index
        %get3A_647 = tpu.vector_load %arg7[%get3A_645, %get3A_646] {strides = array<i32>} : memref<50x512xf32, #tpu.memory_space<vmem>>, vector<1x16xf32>,
        %get3A_648 = vector.shape_cast %get3A_647 : vector<1x16xf32> to vector<16xf32>
        %get3A_649 = arith.index_cast %scan3A_569 : i32 to index
        %get3A_650 = arith.constant 320 : index
        %get3A_651 = tpu.vector_load %arg7[%get3A_649, %get3A_650] {strides = array<i32>} : memref<50x512xf32, #tpu.memory_space<vmem>>, vector<1x16xf32>,
        %get3A_652 = vector.shape_cast %get3A_651 : vector<1x16xf32> to vector<16xf32>
        %get3A_653 = arith.index_cast %scan3A_569 : i32 to index
        %get3A_654 = arith.constant 336 : index
        %get3A_655 = tpu.vector_load %arg7[%get3A_653, %get3A_654] {strides = array<i32>} : memref<50x512xf32, #tpu.memory_space<vmem>>, vector<1x16xf32>,
        %get3A_656 = vector.shape_cast %get3A_655 : vector<1x16xf32> to vector<16xf32>
        %get3A_657 = arith.index_cast %scan3A_569 : i32 to index
        %get3A_658 = arith.constant 352 : index
        %get3A_659 = tpu.vector_load %arg7[%get3A_657, %get3A_658] {strides = array<i32>} : memref<50x512xf32, #tpu.memory_space<vmem>>, vector<1x16xf32>,
        %get3A_660 = vector.shape_cast %get3A_659 : vector<1x16xf32> to vector<16xf32>
        %get3A_661 = arith.index_cast %scan3A_569 : i32 to index
        %get3A_662 = arith.constant 368 : index
        %get3A_663 = tpu.vector_load %arg7[%get3A_661, %get3A_662] {strides = array<i32>} : memref<50x512xf32, #tpu.memory_space<vmem>>, vector<1x16xf32>,
        %get3A_664 = vector.shape_cast %get3A_663 : vector<1x16xf32> to vector<16xf32>
        %get3A_665 = arith.index_cast %scan3A_569 : i32 to index
        %get3A_666 = arith.constant 384 : index
        %get3A_667 = tpu.vector_load %arg7[%get3A_665, %get3A_666] {strides = array<i32>} : memref<50x512xf32, #tpu.memory_space<vmem>>, vector<1x16xf32>,
        %get3A_668 = vector.shape_cast %get3A_667 : vector<1x16xf32> to vector<16xf32>
        %get3A_669 = arith.index_cast %scan3A_569 : i32 to index
        %get3A_670 = arith.constant 400 : index
        %get3A_671 = tpu.vector_load %arg7[%get3A_669, %get3A_670] {strides = array<i32>} : memref<50x512xf32, #tpu.memory_space<vmem>>, vector<1x16xf32>,
        %get3A_672 = vector.shape_cast %get3A_671 : vector<1x16xf32> to vector<16xf32>
        %get3A_673 = arith.index_cast %scan3A_569 : i32 to index
        %get3A_674 = arith.constant 416 : index
        %get3A_675 = tpu.vector_load %arg7[%get3A_673, %get3A_674] {strides = array<i32>} : memref<50x512xf32, #tpu.memory_space<vmem>>, vector<1x16xf32>,
        %get3A_676 = vector.shape_cast %get3A_675 : vector<1x16xf32> to vector<16xf32>
        %get3A_677 = arith.index_cast %scan3A_569 : i32 to index
        %get3A_678 = arith.constant 432 : index
        %get3A_679 = tpu.vector_load %arg7[%get3A_677, %get3A_678] {strides = array<i32>} : memref<50x512xf32, #tpu.memory_space<vmem>>, vector<1x16xf32>,
        %get3A_680 = vector.shape_cast %get3A_679 : vector<1x16xf32> to vector<16xf32>
        %get3A_681 = arith.index_cast %scan3A_569 : i32 to index
        %get3A_682 = arith.constant 448 : index
        %get3A_683 = tpu.vector_load %arg7[%get3A_681, %get3A_682] {strides = array<i32>} : memref<50x512xf32, #tpu.memory_space<vmem>>, vector<1x16xf32>,
        %get3A_684 = vector.shape_cast %get3A_683 : vector<1x16xf32> to vector<16xf32>
        %get3A_685 = arith.index_cast %scan3A_569 : i32 to index
        %get3A_686 = arith.constant 464 : index
        %get3A_687 = tpu.vector_load %arg7[%get3A_685, %get3A_686] {strides = array<i32>} : memref<50x512xf32, #tpu.memory_space<vmem>>, vector<1x16xf32>,
        %get3A_688 = vector.shape_cast %get3A_687 : vector<1x16xf32> to vector<16xf32>
        %get3A_689 = arith.index_cast %scan3A_569 : i32 to index
        %get3A_690 = arith.constant 480 : index
        %get3A_691 = tpu.vector_load %arg7[%get3A_689, %get3A_690] {strides = array<i32>} : memref<50x512xf32, #tpu.memory_space<vmem>>, vector<1x16xf32>,
        %get3A_692 = vector.shape_cast %get3A_691 : vector<1x16xf32> to vector<16xf32>
        %get3A_693 = arith.index_cast %scan3A_569 : i32 to index
        %get3A_694 = arith.constant 496 : index
        %get3A_695 = tpu.vector_load %arg7[%get3A_693, %get3A_694] {strides = array<i32>} : memref<50x512xf32, #tpu.memory_space<vmem>>, vector<1x16xf32>,
        %get3A_696 = vector.shape_cast %get3A_695 : vector<1x16xf32> to vector<16xf32>
        %swap3A = arith.index_cast %scan3A_480 : i32 to index
        %swap3A_697 = arith.index_cast %scan3A_569 : i32 to index
        %swap3A_698 = arith.constant 0 : index
        %swap3A_699 = tpu.vector_load %arg8[%swap3A, %swap3A_697, %swap3A_698] {strides = array<i32>} : memref<3x50x512xf32, #tpu.memory_space<vmem>>, vector<1x1x16xf32>,
        %swap3A_700 = vector.shape_cast %swap3A_699 : vector<1x1x16xf32> to vector<16xf32>
        %swap3A_701 = vector.shape_cast %get3A_572 : vector<16xf32> to vector<1x1x16xf32>
        tpu.vector_store %arg8[%swap3A, %swap3A_697, %swap3A_698], %swap3A_701 {add = true, strides = array<i32>} : memref<3x50x512xf32, #tpu.memory_space<vmem>>, vector<1x1x16xf32>,
        %swap3A_702 = arith.index_cast %scan3A_480 : i32 to index
        %swap3A_703 = arith.index_cast %scan3A_569 : i32 to index
        %swap3A_704 = arith.constant 16 : index
        %swap3A_705 = tpu.vector_load %arg8[%swap3A_702, %swap3A_703, %swap3A_704] {strides = array<i32>} : memref<3x50x512xf32, #tpu.memory_space<vmem>>, vector<1x1x16xf32>,
        %swap3A_706 = vector.shape_cast %swap3A_705 : vector<1x1x16xf32> to vector<16xf32>
        %swap3A_707 = vector.shape_cast %get3A_576 : vector<16xf32> to vector<1x1x16xf32>
        tpu.vector_store %arg8[%swap3A_702, %swap3A_703, %swap3A_704], %swap3A_707 {add = true, strides = array<i32>} : memref<3x50x512xf32, #tpu.memory_space<vmem>>, vector<1x1x16xf32>,
        %swap3A_708 = arith.index_cast %scan3A_480 : i32 to index
        %swap3A_709 = arith.index_cast %scan3A_569 : i32 to index
        %swap3A_710 = arith.constant 32 : index
        %swap3A_711 = tpu.vector_load %arg8[%swap3A_708, %swap3A_709, %swap3A_710] {strides = array<i32>} : memref<3x50x512xf32, #tpu.memory_space<vmem>>, vector<1x1x16xf32>,
        %swap3A_712 = vector.shape_cast %swap3A_711 : vector<1x1x16xf32> to vector<16xf32>
        %swap3A_713 = vector.shape_cast %get3A_580 : vector<16xf32> to vector<1x1x16xf32>
        tpu.vector_store %arg8[%swap3A_708, %swap3A_709, %swap3A_710], %swap3A_713 {add = true, strides = array<i32>} : memref<3x50x512xf32, #tpu.memory_space<vmem>>, vector<1x1x16xf32>,
        %swap3A_714 = arith.index_cast %scan3A_480 : i32 to index
        %swap3A_715 = arith.index_cast %scan3A_569 : i32 to index
        %swap3A_716 = arith.constant 48 : index
        %swap3A_717 = tpu.vector_load %arg8[%swap3A_714, %swap3A_715, %swap3A_716] {strides = array<i32>} : memref<3x50x512xf32, #tpu.memory_space<vmem>>, vector<1x1x16xf32>,
        %swap3A_718 = vector.shape_cast %swap3A_717 : vector<1x1x16xf32> to vector<16xf32>
        %swap3A_719 = vector.shape_cast %get3A_584 : vector<16xf32> to vector<1x1x16xf32>
        tpu.vector_store %arg8[%swap3A_714, %swap3A_715, %swap3A_716], %swap3A_719 {add = true, strides = array<i32>} : memref<3x50x512xf32, #tpu.memory_space<vmem>>, vector<1x1x16xf32>,
        %swap3A_720 = arith.index_cast %scan3A_480 : i32 to index
        %swap3A_721 = arith.index_cast %scan3A_569 : i32 to index
        %swap3A_722 = arith.constant 64 : index
        %swap3A_723 = tpu.vector_load %arg8[%swap3A_720, %swap3A_721, %swap3A_722] {strides = array<i32>} : memref<3x50x512xf32, #tpu.memory_space<vmem>>, vector<1x1x16xf32>,
        %swap3A_724 = vector.shape_cast %swap3A_723 : vector<1x1x16xf32> to vector<16xf32>
        %swap3A_725 = vector.shape_cast %get3A_588 : vector<16xf32> to vector<1x1x16xf32>
        tpu.vector_store %arg8[%swap3A_720, %swap3A_721, %swap3A_722], %swap3A_725 {add = true, strides = array<i32>} : memref<3x50x512xf32, #tpu.memory_space<vmem>>, vector<1x1x16xf32>,
        %swap3A_726 = arith.index_cast %scan3A_480 : i32 to index
        %swap3A_727 = arith.index_cast %scan3A_569 : i32 to index
        %swap3A_728 = arith.constant 80 : index
        %swap3A_729 = tpu.vector_load %arg8[%swap3A_726, %swap3A_727, %swap3A_728] {strides = array<i32>} : memref<3x50x512xf32, #tpu.memory_space<vmem>>, vector<1x1x16xf32>,
        %swap3A_730 = vector.shape_cast %swap3A_729 : vector<1x1x16xf32> to vector<16xf32>
        %swap3A_731 = vector.shape_cast %get3A_592 : vector<16xf32> to vector<1x1x16xf32>
        tpu.vector_store %arg8[%swap3A_726, %swap3A_727, %swap3A_728], %swap3A_731 {add = true, strides = array<i32>} : memref<3x50x512xf32, #tpu.memory_space<vmem>>, vector<1x1x16xf32>,
        %swap3A_732 = arith.index_cast %scan3A_480 : i32 to index
        %swap3A_733 = arith.index_cast %scan3A_569 : i32 to index
        %swap3A_734 = arith.constant 96 : index
        %swap3A_735 = tpu.vector_load %arg8[%swap3A_732, %swap3A_733, %swap3A_734] {strides = array<i32>} : memref<3x50x512xf32, #tpu.memory_space<vmem>>, vector<1x1x16xf32>,
        %swap3A_736 = vector.shape_cast %swap3A_735 : vector<1x1x16xf32> to vector<16xf32>
        %swap3A_737 = vector.shape_cast %get3A_596 : vector<16xf32> to vector<1x1x16xf32>
        tpu.vector_store %arg8[%swap3A_732, %swap3A_733, %swap3A_734], %swap3A_737 {add = true, strides = array<i32>} : memref<3x50x512xf32, #tpu.memory_space<vmem>>, vector<1x1x16xf32>,
        %swap3A_738 = arith.index_cast %scan3A_480 : i32 to index
        %swap3A_739 = arith.index_cast %scan3A_569 : i32 to index
        %swap3A_740 = arith.constant 112 : index
        %swap3A_741 = tpu.vector_load %arg8[%swap3A_738, %swap3A_739, %swap3A_740] {strides = array<i32>} : memref<3x50x512xf32, #tpu.memory_space<vmem>>, vector<1x1x16xf32>,
        %swap3A_742 = vector.shape_cast %swap3A_741 : vector<1x1x16xf32> to vector<16xf32>
        %swap3A_743 = vector.shape_cast %get3A_600 : vector<16xf32> to vector<1x1x16xf32>
        tpu.vector_store %arg8[%swap3A_738, %swap3A_739, %swap3A_740], %swap3A_743 {add = true, strides = array<i32>} : memref<3x50x512xf32, #tpu.memory_space<vmem>>, vector<1x1x16xf32>,
        %swap3A_744 = arith.index_cast %scan3A_480 : i32 to index
        %swap3A_745 = arith.index_cast %scan3A_569 : i32 to index
        %swap3A_746 = arith.constant 128 : index
        %swap3A_747 = tpu.vector_load %arg8[%swap3A_744, %swap3A_745, %swap3A_746] {strides = array<i32>} : memref<3x50x512xf32, #tpu.memory_space<vmem>>, vector<1x1x16xf32>,
        %swap3A_748 = vector.shape_cast %swap3A_747 : vector<1x1x16xf32> to vector<16xf32>
        %swap3A_749 = vector.shape_cast %get3A_604 : vector<16xf32> to vector<1x1x16xf32>
        tpu.vector_store %arg8[%swap3A_744, %swap3A_745, %swap3A_746], %swap3A_749 {add = true, strides = array<i32>} : memref<3x50x512xf32, #tpu.memory_space<vmem>>, vector<1x1x16xf32>,
        %swap3A_750 = arith.index_cast %scan3A_480 : i32 to index
        %swap3A_751 = arith.index_cast %scan3A_569 : i32 to index
        %swap3A_752 = arith.constant 144 : index
        %swap3A_753 = tpu.vector_load %arg8[%swap3A_750, %swap3A_751, %swap3A_752] {strides = array<i32>} : memref<3x50x512xf32, #tpu.memory_space<vmem>>, vector<1x1x16xf32>,
        %swap3A_754 = vector.shape_cast %swap3A_753 : vector<1x1x16xf32> to vector<16xf32>
        %swap3A_755 = vector.shape_cast %get3A_608 : vector<16xf32> to vector<1x1x16xf32>
        tpu.vector_store %arg8[%swap3A_750, %swap3A_751, %swap3A_752], %swap3A_755 {add = true, strides = array<i32>} : memref<3x50x512xf32, #tpu.memory_space<vmem>>, vector<1x1x16xf32>,
        %swap3A_756 = arith.index_cast %scan3A_480 : i32 to index
        %swap3A_757 = arith.index_cast %scan3A_569 : i32 to index
        %swap3A_758 = arith.constant 160 : index
        %swap3A_759 = tpu.vector_load %arg8[%swap3A_756, %swap3A_757, %swap3A_758] {strides = array<i32>} : memref<3x50x512xf32, #tpu.memory_space<vmem>>, vector<1x1x16xf32>,
        %swap3A_760 = vector.shape_cast %swap3A_759 : vector<1x1x16xf32> to vector<16xf32>
        %swap3A_761 = vector.shape_cast %get3A_612 : vector<16xf32> to vector<1x1x16xf32>
        tpu.vector_store %arg8[%swap3A_756, %swap3A_757, %swap3A_758], %swap3A_761 {add = true, strides = array<i32>} : memref<3x50x512xf32, #tpu.memory_space<vmem>>, vector<1x1x16xf32>,
        %swap3A_762 = arith.index_cast %scan3A_480 : i32 to index
        %swap3A_763 = arith.index_cast %scan3A_569 : i32 to index
        %swap3A_764 = arith.constant 176 : index
        %swap3A_765 = tpu.vector_load %arg8[%swap3A_762, %swap3A_763, %swap3A_764] {strides = array<i32>} : memref<3x50x512xf32, #tpu.memory_space<vmem>>, vector<1x1x16xf32>,
        %swap3A_766 = vector.shape_cast %swap3A_765 : vector<1x1x16xf32> to vector<16xf32>
        %swap3A_767 = vector.shape_cast %get3A_616 : vector<16xf32> to vector<1x1x16xf32>
        tpu.vector_store %arg8[%swap3A_762, %swap3A_763, %swap3A_764], %swap3A_767 {add = true, strides = array<i32>} : memref<3x50x512xf32, #tpu.memory_space<vmem>>, vector<1x1x16xf32>,
        %swap3A_768 = arith.index_cast %scan3A_480 : i32 to index
        %swap3A_769 = arith.index_cast %scan3A_569 : i32 to index
        %swap3A_770 = arith.constant 192 : index
        %swap3A_771 = tpu.vector_load %arg8[%swap3A_768, %swap3A_769, %swap3A_770] {strides = array<i32>} : memref<3x50x512xf32, #tpu.memory_space<vmem>>, vector<1x1x16xf32>,
        %swap3A_772 = vector.shape_cast %swap3A_771 : vector<1x1x16xf32> to vector<16xf32>
        %swap3A_773 = vector.shape_cast %get3A_620 : vector<16xf32> to vector<1x1x16xf32>
        tpu.vector_store %arg8[%swap3A_768, %swap3A_769, %swap3A_770], %swap3A_773 {add = true, strides = array<i32>} : memref<3x50x512xf32, #tpu.memory_space<vmem>>, vector<1x1x16xf32>,
        %swap3A_774 = arith.index_cast %scan3A_480 : i32 to index
        %swap3A_775 = arith.index_cast %scan3A_569 : i32 to index
        %swap3A_776 = arith.constant 208 : index
        %swap3A_777 = tpu.vector_load %arg8[%swap3A_774, %swap3A_775, %swap3A_776] {strides = array<i32>} : memref<3x50x512xf32, #tpu.memory_space<vmem>>, vector<1x1x16xf32>,
        %swap3A_778 = vector.shape_cast %swap3A_777 : vector<1x1x16xf32> to vector<16xf32>
        %swap3A_779 = vector.shape_cast %get3A_624 : vector<16xf32> to vector<1x1x16xf32>
        tpu.vector_store %arg8[%swap3A_774, %swap3A_775, %swap3A_776], %swap3A_779 {add = true, strides = array<i32>} : memref<3x50x512xf32, #tpu.memory_space<vmem>>, vector<1x1x16xf32>,
        %swap3A_780 = arith.index_cast %scan3A_480 : i32 to index
        %swap3A_781 = arith.index_cast %scan3A_569 : i32 to index
        %swap3A_782 = arith.constant 224 : index
        %swap3A_783 = tpu.vector_load %arg8[%swap3A_780, %swap3A_781, %swap3A_782] {strides = array<i32>} : memref<3x50x512xf32, #tpu.memory_space<vmem>>, vector<1x1x16xf32>,
        %swap3A_784 = vector.shape_cast %swap3A_783 : vector<1x1x16xf32> to vector<16xf32>
        %swap3A_785 = vector.shape_cast %get3A_628 : vector<16xf32> to vector<1x1x16xf32>
        tpu.vector_store %arg8[%swap3A_780, %swap3A_781, %swap3A_782], %swap3A_785 {add = true, strides = array<i32>} : memref<3x50x512xf32, #tpu.memory_space<vmem>>, vector<1x1x16xf32>,
        %swap3A_786 = arith.index_cast %scan3A_480 : i32 to index
        %swap3A_787 = arith.index_cast %scan3A_569 : i32 to index
        %swap3A_788 = arith.constant 240 : index
        %swap3A_789 = tpu.vector_load %arg8[%swap3A_786, %swap3A_787, %swap3A_788] {strides = array<i32>} : memref<3x50x512xf32, #tpu.memory_space<vmem>>, vector<1x1x16xf32>,
        %swap3A_790 = vector.shape_cast %swap3A_789 : vector<1x1x16xf32> to vector<16xf32>
        %swap3A_791 = vector.shape_cast %get3A_632 : vector<16xf32> to vector<1x1x16xf32>
        tpu.vector_store %arg8[%swap3A_786, %swap3A_787, %swap3A_788], %swap3A_791 {add = true, strides = array<i32>} : memref<3x50x512xf32, #tpu.memory_space<vmem>>, vector<1x1x16xf32>,
        %swap3A_792 = arith.index_cast %scan3A_480 : i32 to index
        %swap3A_793 = arith.index_cast %scan3A_569 : i32 to index
        %swap3A_794 = arith.constant 256 : index
        %swap3A_795 = tpu.vector_load %arg8[%swap3A_792, %swap3A_793, %swap3A_794] {strides = array<i32>} : memref<3x50x512xf32, #tpu.memory_space<vmem>>, vector<1x1x16xf32>,
        %swap3A_796 = vector.shape_cast %swap3A_795 : vector<1x1x16xf32> to vector<16xf32>
        %swap3A_797 = vector.shape_cast %get3A_636 : vector<16xf32> to vector<1x1x16xf32>
        tpu.vector_store %arg8[%swap3A_792, %swap3A_793, %swap3A_794], %swap3A_797 {add = true, strides = array<i32>} : memref<3x50x512xf32, #tpu.memory_space<vmem>>, vector<1x1x16xf32>,
        %swap3A_798 = arith.index_cast %scan3A_480 : i32 to index
        %swap3A_799 = arith.index_cast %scan3A_569 : i32 to index
        %swap3A_800 = arith.constant 272 : index
        %swap3A_801 = tpu.vector_load %arg8[%swap3A_798, %swap3A_799, %swap3A_800] {strides = array<i32>} : memref<3x50x512xf32, #tpu.memory_space<vmem>>, vector<1x1x16xf32>,
        %swap3A_802 = vector.shape_cast %swap3A_801 : vector<1x1x16xf32> to vector<16xf32>
        %swap3A_803 = vector.shape_cast %get3A_640 : vector<16xf32> to vector<1x1x16xf32>
        tpu.vector_store %arg8[%swap3A_798, %swap3A_799, %swap3A_800], %swap3A_803 {add = true, strides = array<i32>} : memref<3x50x512xf32, #tpu.memory_space<vmem>>, vector<1x1x16xf32>,
        %swap3A_804 = arith.index_cast %scan3A_480 : i32 to index
        %swap3A_805 = arith.index_cast %scan3A_569 : i32 to index
        %swap3A_806 = arith.constant 288 : index
        %swap3A_807 = tpu.vector_load %arg8[%swap3A_804, %swap3A_805, %swap3A_806] {strides = array<i32>} : memref<3x50x512xf32, #tpu.memory_space<vmem>>, vector<1x1x16xf32>,
        %swap3A_808 = vector.shape_cast %swap3A_807 : vector<1x1x16xf32> to vector<16xf32>
        %swap3A_809 = vector.shape_cast %get3A_644 : vector<16xf32> to vector<1x1x16xf32>
        tpu.vector_store %arg8[%swap3A_804, %swap3A_805, %swap3A_806], %swap3A_809 {add = true, strides = array<i32>} : memref<3x50x512xf32, #tpu.memory_space<vmem>>, vector<1x1x16xf32>,
        %swap3A_810 = arith.index_cast %scan3A_480 : i32 to index
        %swap3A_811 = arith.index_cast %scan3A_569 : i32 to index
        %swap3A_812 = arith.constant 304 : index
        %swap3A_813 = tpu.vector_load %arg8[%swap3A_810, %swap3A_811, %swap3A_812] {strides = array<i32>} : memref<3x50x512xf32, #tpu.memory_space<vmem>>, vector<1x1x16xf32>,
        %swap3A_814 = vector.shape_cast %swap3A_813 : vector<1x1x16xf32> to vector<16xf32>
        %swap3A_815 = vector.shape_cast %get3A_648 : vector<16xf32> to vector<1x1x16xf32>
        tpu.vector_store %arg8[%swap3A_810, %swap3A_811, %swap3A_812], %swap3A_815 {add = true, strides = array<i32>} : memref<3x50x512xf32, #tpu.memory_space<vmem>>, vector<1x1x16xf32>,
        %swap3A_816 = arith.index_cast %scan3A_480 : i32 to index
        %swap3A_817 = arith.index_cast %scan3A_569 : i32 to index
        %swap3A_818 = arith.constant 320 : index
        %swap3A_819 = tpu.vector_load %arg8[%swap3A_816, %swap3A_817, %swap3A_818] {strides = array<i32>} : memref<3x50x512xf32, #tpu.memory_space<vmem>>, vector<1x1x16xf32>,
        %swap3A_820 = vector.shape_cast %swap3A_819 : vector<1x1x16xf32> to vector<16xf32>
        %swap3A_821 = vector.shape_cast %get3A_652 : vector<16xf32> to vector<1x1x16xf32>
        tpu.vector_store %arg8[%swap3A_816, %swap3A_817, %swap3A_818], %swap3A_821 {add = true, strides = array<i32>} : memref<3x50x512xf32, #tpu.memory_space<vmem>>, vector<1x1x16xf32>,
        %swap3A_822 = arith.index_cast %scan3A_480 : i32 to index
        %swap3A_823 = arith.index_cast %scan3A_569 : i32 to index
        %swap3A_824 = arith.constant 336 : index
        %swap3A_825 = tpu.vector_load %arg8[%swap3A_822, %swap3A_823, %swap3A_824] {strides = array<i32>} : memref<3x50x512xf32, #tpu.memory_space<vmem>>, vector<1x1x16xf32>,
        %swap3A_826 = vector.shape_cast %swap3A_825 : vector<1x1x16xf32> to vector<16xf32>
        %swap3A_827 = vector.shape_cast %get3A_656 : vector<16xf32> to vector<1x1x16xf32>
        tpu.vector_store %arg8[%swap3A_822, %swap3A_823, %swap3A_824], %swap3A_827 {add = true, strides = array<i32>} : memref<3x50x512xf32, #tpu.memory_space<vmem>>, vector<1x1x16xf32>,
        %swap3A_828 = arith.index_cast %scan3A_480 : i32 to index
        %swap3A_829 = arith.index_cast %scan3A_569 : i32 to index
        %swap3A_830 = arith.constant 352 : index
        %swap3A_831 = tpu.vector_load %arg8[%swap3A_828, %swap3A_829, %swap3A_830] {strides = array<i32>} : memref<3x50x512xf32, #tpu.memory_space<vmem>>, vector<1x1x16xf32>,
        %swap3A_832 = vector.shape_cast %swap3A_831 : vector<1x1x16xf32> to vector<16xf32>
        %swap3A_833 = vector.shape_cast %get3A_660 : vector<16xf32> to vector<1x1x16xf32>
        tpu.vector_store %arg8[%swap3A_828, %swap3A_829, %swap3A_830], %swap3A_833 {add = true, strides = array<i32>} : memref<3x50x512xf32, #tpu.memory_space<vmem>>, vector<1x1x16xf32>,
        %swap3A_834 = arith.index_cast %scan3A_480 : i32 to index
        %swap3A_835 = arith.index_cast %scan3A_569 : i32 to index
        %swap3A_836 = arith.constant 368 : index
        %swap3A_837 = tpu.vector_load %arg8[%swap3A_834, %swap3A_835, %swap3A_836] {strides = array<i32>} : memref<3x50x512xf32, #tpu.memory_space<vmem>>, vector<1x1x16xf32>,
        %swap3A_838 = vector.shape_cast %swap3A_837 : vector<1x1x16xf32> to vector<16xf32>
        %swap3A_839 = vector.shape_cast %get3A_664 : vector<16xf32> to vector<1x1x16xf32>
        tpu.vector_store %arg8[%swap3A_834, %swap3A_835, %swap3A_836], %swap3A_839 {add = true, strides = array<i32>} : memref<3x50x512xf32, #tpu.memory_space<vmem>>, vector<1x1x16xf32>,
        %swap3A_840 = arith.index_cast %scan3A_480 : i32 to index
        %swap3A_841 = arith.index_cast %scan3A_569 : i32 to index
        %swap3A_842 = arith.constant 384 : index
        %swap3A_843 = tpu.vector_load %arg8[%swap3A_840, %swap3A_841, %swap3A_842] {strides = array<i32>} : memref<3x50x512xf32, #tpu.memory_space<vmem>>, vector<1x1x16xf32>,
        %swap3A_844 = vector.shape_cast %swap3A_843 : vector<1x1x16xf32> to vector<16xf32>
        %swap3A_845 = vector.shape_cast %get3A_668 : vector<16xf32> to vector<1x1x16xf32>
        tpu.vector_store %arg8[%swap3A_840, %swap3A_841, %swap3A_842], %swap3A_845 {add = true, strides = array<i32>} : memref<3x50x512xf32, #tpu.memory_space<vmem>>, vector<1x1x16xf32>,
        %swap3A_846 = arith.index_cast %scan3A_480 : i32 to index
        %swap3A_847 = arith.index_cast %scan3A_569 : i32 to index
        %swap3A_848 = arith.constant 400 : index
        %swap3A_849 = tpu.vector_load %arg8[%swap3A_846, %swap3A_847, %swap3A_848] {strides = array<i32>} : memref<3x50x512xf32, #tpu.memory_space<vmem>>, vector<1x1x16xf32>,
        %swap3A_850 = vector.shape_cast %swap3A_849 : vector<1x1x16xf32> to vector<16xf32>
        %swap3A_851 = vector.shape_cast %get3A_672 : vector<16xf32> to vector<1x1x16xf32>
        tpu.vector_store %arg8[%swap3A_846, %swap3A_847, %swap3A_848], %swap3A_851 {add = true, strides = array<i32>} : memref<3x50x512xf32, #tpu.memory_space<vmem>>, vector<1x1x16xf32>,
        %swap3A_852 = arith.index_cast %scan3A_480 : i32 to index
        %swap3A_853 = arith.index_cast %scan3A_569 : i32 to index
        %swap3A_854 = arith.constant 416 : index
        %swap3A_855 = tpu.vector_load %arg8[%swap3A_852, %swap3A_853, %swap3A_854] {strides = array<i32>} : memref<3x50x512xf32, #tpu.memory_space<vmem>>, vector<1x1x16xf32>,
        %swap3A_856 = vector.shape_cast %swap3A_855 : vector<1x1x16xf32> to vector<16xf32>
        %swap3A_857 = vector.shape_cast %get3A_676 : vector<16xf32> to vector<1x1x16xf32>
        tpu.vector_store %arg8[%swap3A_852, %swap3A_853, %swap3A_854], %swap3A_857 {add = true, strides = array<i32>} : memref<3x50x512xf32, #tpu.memory_space<vmem>>, vector<1x1x16xf32>,
        %swap3A_858 = arith.index_cast %scan3A_480 : i32 to index
        %swap3A_859 = arith.index_cast %scan3A_569 : i32 to index
        %swap3A_860 = arith.constant 432 : index
        %swap3A_861 = tpu.vector_load %arg8[%swap3A_858, %swap3A_859, %swap3A_860] {strides = array<i32>} : memref<3x50x512xf32, #tpu.memory_space<vmem>>, vector<1x1x16xf32>,
        %swap3A_862 = vector.shape_cast %swap3A_861 : vector<1x1x16xf32> to vector<16xf32>
        %swap3A_863 = vector.shape_cast %get3A_680 : vector<16xf32> to vector<1x1x16xf32>
        tpu.vector_store %arg8[%swap3A_858, %swap3A_859, %swap3A_860], %swap3A_863 {add = true, strides = array<i32>} : memref<3x50x512xf32, #tpu.memory_space<vmem>>, vector<1x1x16xf32>,
        %swap3A_864 = arith.index_cast %scan3A_480 : i32 to index
        %swap3A_865 = arith.index_cast %scan3A_569 : i32 to index
        %swap3A_866 = arith.constant 448 : index
        %swap3A_867 = tpu.vector_load %arg8[%swap3A_864, %swap3A_865, %swap3A_866] {strides = array<i32>} : memref<3x50x512xf32, #tpu.memory_space<vmem>>, vector<1x1x16xf32>,
        %swap3A_868 = vector.shape_cast %swap3A_867 : vector<1x1x16xf32> to vector<16xf32>
        %swap3A_869 = vector.shape_cast %get3A_684 : vector<16xf32> to vector<1x1x16xf32>
        tpu.vector_store %arg8[%swap3A_864, %swap3A_865, %swap3A_866], %swap3A_869 {add = true, strides = array<i32>} : memref<3x50x512xf32, #tpu.memory_space<vmem>>, vector<1x1x16xf32>,
        %swap3A_870 = arith.index_cast %scan3A_480 : i32 to index
        %swap3A_871 = arith.index_cast %scan3A_569 : i32 to index
        %swap3A_872 = arith.constant 464 : index
        %swap3A_873 = tpu.vector_load %arg8[%swap3A_870, %swap3A_871, %swap3A_872] {strides = array<i32>} : memref<3x50x512xf32, #tpu.memory_space<vmem>>, vector<1x1x16xf32>,
        %swap3A_874 = vector.shape_cast %swap3A_873 : vector<1x1x16xf32> to vector<16xf32>
        %swap3A_875 = vector.shape_cast %get3A_688 : vector<16xf32> to vector<1x1x16xf32>
        tpu.vector_store %arg8[%swap3A_870, %swap3A_871, %swap3A_872], %swap3A_875 {add = true, strides = array<i32>} : memref<3x50x512xf32, #tpu.memory_space<vmem>>, vector<1x1x16xf32>,
        %swap3A_876 = arith.index_cast %scan3A_480 : i32 to index
        %swap3A_877 = arith.index_cast %scan3A_569 : i32 to index
        %swap3A_878 = arith.constant 480 : index
        %swap3A_879 = tpu.vector_load %arg8[%swap3A_876, %swap3A_877, %swap3A_878] {strides = array<i32>} : memref<3x50x512xf32, #tpu.memory_space<vmem>>, vector<1x1x16xf32>,
        %swap3A_880 = vector.shape_cast %swap3A_879 : vector<1x1x16xf32> to vector<16xf32>
        %swap3A_881 = vector.shape_cast %get3A_692 : vector<16xf32> to vector<1x1x16xf32>
        tpu.vector_store %arg8[%swap3A_876, %swap3A_877, %swap3A_878], %swap3A_881 {add = true, strides = array<i32>} : memref<3x50x512xf32, #tpu.memory_space<vmem>>, vector<1x1x16xf32>,
        %swap3A_882 = arith.index_cast %scan3A_480 : i32 to index
        %swap3A_883 = arith.index_cast %scan3A_569 : i32 to index
        %swap3A_884 = arith.constant 496 : index
        %swap3A_885 = tpu.vector_load %arg8[%swap3A_882, %swap3A_883, %swap3A_884] {strides = array<i32>} : memref<3x50x512xf32, #tpu.memory_space<vmem>>, vector<1x1x16xf32>,
        %swap3A_886 = vector.shape_cast %swap3A_885 : vector<1x1x16xf32> to vector<16xf32>
        %swap3A_887 = vector.shape_cast %get3A_696 : vector<16xf32> to vector<1x1x16xf32>
        tpu.vector_store %arg8[%swap3A_882, %swap3A_883, %swap3A_884], %swap3A_887 {add = true, strides = array<i32>} : memref<3x50x512xf32, #tpu.memory_space<vmem>>, vector<1x1x16xf32>,
      }
      %scan3A_485 = arith.constant 50 : i32
      %mul3A_486 = arith.constant 32 : i32
      %mul3A_487 = arith.muli %add3A, %mul3A_486 : i32
      %add3A_488 = arith.addi %mul3A_487, %add3A_446 : i32
      %dma_start3A_489 = arith.constant 1 : i32
      %dma_start3A_490 = arith.constant 0 : i32
      %dma_start3A_491 = arith.constant 0 : i32
      %dma_start3A_492 = tpu.memref_slice %arg8[%dma_start3A_489, %dma_start3A_490, %dma_start3A_491] : memref<3x50x512xf32, #tpu.memory_space<vmem>> -> memref<1x50x512xf32, #tpu.memory_space<vmem>>
      %dma_start3A_493 = tpu.memref_squeeze %dma_start3A_492 : memref<1x50x512xf32, #tpu.memory_space<vmem>> -> memref<50x512xf32, #tpu.memory_space<vmem>>
      %dma_start3A_494 = arith.constant 0 : i32
      %dma_start3A_495 = arith.constant 0 : i32
      %dma_start3A_496 = tpu.memref_slice %arg5[%add3A_488, %dma_start3A_494, %dma_start3A_495] : memref<1024x50x512xf32, #tpu.memory_space<hbm>> -> memref<1x50x512xf32, #tpu.memory_space<hbm>>
      %dma_start3A_497 = tpu.memref_squeeze %dma_start3A_496 : memref<1x50x512xf32, #tpu.memory_space<hbm>> -> memref<50x512xf32, #tpu.memory_space<hbm>>
      %dma_start3A_498 = arith.constant 0 : i32
      %dma_start3A_499 = arith.constant 0 : i32
      %dma_start3A_500 = tpu.memref_slice %arg5[%add3A_488, %dma_start3A_498, %dma_start3A_499] : memref<1024x50x512xf32, #tpu.memory_space<hbm>> -> memref<1x50x512xf32, #tpu.memory_space<hbm>>
      %dma_start3A_501 = tpu.memref_squeeze %dma_start3A_500 : memref<1x50x512xf32, #tpu.memory_space<hbm>> -> memref<50x512xf32, #tpu.memory_space<hbm>>
      %dma_start3A_502 = arith.constant 0 : i32
      %dma_start3A_503 = arith.constant 0 : i32
      %dma_start3A_504 = tpu.memref_slice %arg8[%dma_start3A_489, %dma_start3A_502, %dma_start3A_503] : memref<3x50x512xf32, #tpu.memory_space<vmem>> -> memref<1x50x512xf32, #tpu.memory_space<vmem>>
      %dma_start3A_505 = tpu.memref_squeeze %dma_start3A_504 : memref<1x50x512xf32, #tpu.memory_space<vmem>> -> memref<50x512xf32, #tpu.memory_space<vmem>>
      tpu.enqueue_dma source(%dma_start3A_505 : memref<50x512xf32, #tpu.memory_space<vmem>>) target(%dma_start3A_501 : memref<50x512xf32, #tpu.memory_space<hbm>>) target_semaphore(%arg13 : memref<!tpu.dma_semaphore, #tpu.memory_space<semaphore_mem>>)
      %mul3A_506 = arith.constant 3 : i32
      %mul3A_507 = arith.muli %mul3A_506, %scan3A_382 : i32
      %add3A_508 = arith.constant 2 : i32
      %add3A_509 = arith.addi %mul3A_507, %add3A_508 : i32
      %dma_wait3A_510 = arith.constant 2 : i32
      %dma_wait3A_511 = arith.constant 0 : i32
      %dma_wait3A_512 = arith.constant 0 : i32
      %dma_wait3A_513 = tpu.memref_slice %arg8[%dma_wait3A_510, %dma_wait3A_511, %dma_wait3A_512] : memref<3x50x512xf32, #tpu.memory_space<vmem>> -> memref<1x50x512xf32, #tpu.memory_space<vmem>>
      %dma_wait3A_514 = tpu.memref_squeeze %dma_wait3A_513 : memref<1x50x512xf32, #tpu.memory_space<vmem>> -> memref<50x512xf32, #tpu.memory_space<vmem>>
      %dma_wait3A_515 = arith.constant 0 : i32
      %dma_wait3A_516 = arith.constant 0 : i32
      %dma_wait3A_517 = tpu.memref_slice %arg4[%dma_wait3A_515, %dma_wait3A_516] : memref<100000x512xf32, #tpu.memory_space<hbm>> -> memref<50x512xf32, #tpu.memory_space<hbm>>
      %dma_wait3A_518 = arith.constant 0 : i32
      %dma_wait3A_519 = arith.constant 0 : i32
      %dma_wait3A_520 = tpu.memref_slice %arg8[%dma_wait3A_510, %dma_wait3A_518, %dma_wait3A_519] : memref<3x50x512xf32, #tpu.memory_space<vmem>> -> memref<1x50x512xf32, #tpu.memory_space<vmem>>
      %dma_wait3A_521 = tpu.memref_squeeze %dma_wait3A_520 : memref<1x50x512xf32, #tpu.memory_space<vmem>> -> memref<50x512xf32, #tpu.memory_space<vmem>>
      %dma_wait3A_522 = arith.constant 0 : i32
      %dma_wait3A_523 = arith.constant 0 : i32
      %dma_wait3A_524 = tpu.memref_slice %arg4[%dma_wait3A_522, %dma_wait3A_523] : memref<100000x512xf32, #tpu.memory_space<hbm>> -> memref<50x512xf32, #tpu.memory_space<hbm>>
      tpu.wait_dma2 semaphore(%arg11 : memref<!tpu.dma_semaphore, #tpu.memory_space<semaphore_mem>>) src(%dma_wait3A_524 : memref<50x512xf32, #tpu.memory_space<hbm>>) dst(%dma_wait3A_521 : memref<50x512xf32, #tpu.memory_space<vmem>>)
      %ge3A_525 = arith.constant 1 : i32
      %ge3A_526 = arith.cmpi sge, %add3A_509, %ge3A_525 : i32
      %convert_element_type3A_527 = arith.extui %ge3A_526 : i1 to i32
      %cond3A_528 = arith.constant 0 : i32
      %cond3A_529 = arith.cmpi ne, %convert_element_type3A_527, %cond3A_528 : i32
      scf.if %cond3A_529 {
        %dma_wait3A_569 = arith.constant 1 : i32
        %dma_wait3A_570 = arith.constant 0 : i32
        %dma_wait3A_571 = arith.constant 0 : i32
        %dma_wait3A_572 = arith.constant 0 : i32
        %dma_wait3A_573 = tpu.memref_slice %arg8[%dma_wait3A_569, %dma_wait3A_571, %dma_wait3A_572] : memref<3x50x512xf32, #tpu.memory_space<vmem>> -> memref<1x50x512xf32, #tpu.memory_space<vmem>>
        %dma_wait3A_574 = tpu.memref_squeeze %dma_wait3A_573 : memref<1x50x512xf32, #tpu.memory_space<vmem>> -> memref<50x512xf32, #tpu.memory_space<vmem>>
        %dma_wait3A_575 = arith.constant 0 : i32
        %dma_wait3A_576 = arith.constant 0 : i32
        %dma_wait3A_577 = tpu.memref_slice %arg5[%dma_wait3A_570, %dma_wait3A_575, %dma_wait3A_576] : memref<1024x50x512xf32, #tpu.memory_space<hbm>> -> memref<1x50x512xf32, #tpu.memory_space<hbm>>
        %dma_wait3A_578 = tpu.memref_squeeze %dma_wait3A_577 : memref<1x50x512xf32, #tpu.memory_space<hbm>> -> memref<50x512xf32, #tpu.memory_space<hbm>>
        %dma_wait3A_579 = arith.constant 0 : i32
        %dma_wait3A_580 = arith.constant 0 : i32
        %dma_wait3A_581 = tpu.memref_slice %arg5[%dma_wait3A_570, %dma_wait3A_579, %dma_wait3A_580] : memref<1024x50x512xf32, #tpu.memory_space<hbm>> -> memref<1x50x512xf32, #tpu.memory_space<hbm>>
        %dma_wait3A_582 = tpu.memref_squeeze %dma_wait3A_581 : memref<1x50x512xf32, #tpu.memory_space<hbm>> -> memref<50x512xf32, #tpu.memory_space<hbm>>
        %dma_wait3A_583 = arith.constant 0 : i32
        %dma_wait3A_584 = arith.constant 0 : i32
        %dma_wait3A_585 = tpu.memref_slice %arg8[%dma_wait3A_569, %dma_wait3A_583, %dma_wait3A_584] : memref<3x50x512xf32, #tpu.memory_space<vmem>> -> memref<1x50x512xf32, #tpu.memory_space<vmem>>
        %dma_wait3A_586 = tpu.memref_squeeze %dma_wait3A_585 : memref<1x50x512xf32, #tpu.memory_space<vmem>> -> memref<50x512xf32, #tpu.memory_space<vmem>>
        tpu.wait_dma2 semaphore(%arg13 : memref<!tpu.dma_semaphore, #tpu.memory_space<semaphore_mem>>) src(%dma_wait3A_586 : memref<50x512xf32, #tpu.memory_space<vmem>>) dst(%dma_wait3A_582 : memref<50x512xf32, #tpu.memory_space<hbm>>)
      } else {
      }
      %add3A_530 = arith.constant 2 : i32
      %add3A_531 = arith.addi %add3A_509, %add3A_530 : i32
      %dma_start3A_532 = arith.constant 1 : i32
      %dma_start3A_533 = arith.constant 0 : i32
      %dma_start3A_534 = arith.constant 0 : i32
      %dma_start3A_535 = tpu.memref_slice %arg8[%dma_start3A_532, %dma_start3A_533, %dma_start3A_534] : memref<3x50x512xf32, #tpu.memory_space<vmem>> -> memref<1x50x512xf32, #tpu.memory_space<vmem>>
      %dma_start3A_536 = tpu.memref_squeeze %dma_start3A_535 : memref<1x50x512xf32, #tpu.memory_space<vmem>> -> memref<50x512xf32, #tpu.memory_space<vmem>>
      %dma_start3A_537 = arith.constant 0 : i32
      %dma_start3A_538 = tpu.memref_slice %arg6[%add3A_531, %dma_start3A_537] : memref<32x50xi32, #tpu.memory_space<vmem>> -> memref<1x50xi32, #tpu.memory_space<vmem>>
      %dma_start3A_539 = tpu.memref_squeeze %dma_start3A_538 : memref<1x50xi32, #tpu.memory_space<vmem>> -> memref<50xi32, #tpu.memory_space<vmem>>
      %dma_start3A_540 = arith.constant 0 : i32
      %dma_start3A_541 = arith.constant 0 : i32
      %dma_start3A_542 = tpu.memref_slice %arg4[%dma_start3A_540, %dma_start3A_541] : memref<100000x512xf32, #tpu.memory_space<hbm>> -> memref<100000x512xf32, #tpu.memory_space<hbm>>
      tpu.enqueue_indirect_dma source(%dma_start3A_542 : memref<100000x512xf32, #tpu.memory_space<hbm>>) target(%dma_start3A_536 : memref<50x512xf32, #tpu.memory_space<vmem>>) offsets(%dma_start3A_539 : memref<50xi32, #tpu.memory_space<vmem>>) semaphore(%arg10 : memref<!tpu.dma_semaphore, #tpu.memory_space<semaphore_mem>>)
      %scan3A_543 = arith.constant 2 : i32
      %scan3A_544 = arith.constant 0 : i32
      %scan3A_545 = arith.constant 50 : i32
      %scan3A_546 = arith.addi %scan3A_544, %scan3A_545 : i32
      %scan3A_547 = arith.constant 1 : i32
      scf.for %scan3A_569 = %scan3A_544 to %scan3A_546 step %scan3A_547  : i32 {
        %get3A = arith.index_cast %scan3A_569 : i32 to index
        %get3A_570 = arith.constant 0 : index
        %get3A_571 = tpu.vector_load %arg7[%get3A, %get3A_570] {strides = array<i32>} : memref<50x512xf32, #tpu.memory_space<vmem>>, vector<1x16xf32>,
        %get3A_572 = vector.shape_cast %get3A_571 : vector<1x16xf32> to vector<16xf32>
        %get3A_573 = arith.index_cast %scan3A_569 : i32 to index
        %get3A_574 = arith.constant 16 : index
        %get3A_575 = tpu.vector_load %arg7[%get3A_573, %get3A_574] {strides = array<i32>} : memref<50x512xf32, #tpu.memory_space<vmem>>, vector<1x16xf32>,
        %get3A_576 = vector.shape_cast %get3A_575 : vector<1x16xf32> to vector<16xf32>
        %get3A_577 = arith.index_cast %scan3A_569 : i32 to index
        %get3A_578 = arith.constant 32 : index
        %get3A_579 = tpu.vector_load %arg7[%get3A_577, %get3A_578] {strides = array<i32>} : memref<50x512xf32, #tpu.memory_space<vmem>>, vector<1x16xf32>,
        %get3A_580 = vector.shape_cast %get3A_579 : vector<1x16xf32> to vector<16xf32>
        %get3A_581 = arith.index_cast %scan3A_569 : i32 to index
        %get3A_582 = arith.constant 48 : index
        %get3A_583 = tpu.vector_load %arg7[%get3A_581, %get3A_582] {strides = array<i32>} : memref<50x512xf32, #tpu.memory_space<vmem>>, vector<1x16xf32>,
        %get3A_584 = vector.shape_cast %get3A_583 : vector<1x16xf32> to vector<16xf32>
        %get3A_585 = arith.index_cast %scan3A_569 : i32 to index
        %get3A_586 = arith.constant 64 : index
        %get3A_587 = tpu.vector_load %arg7[%get3A_585, %get3A_586] {strides = array<i32>} : memref<50x512xf32, #tpu.memory_space<vmem>>, vector<1x16xf32>,
        %get3A_588 = vector.shape_cast %get3A_587 : vector<1x16xf32> to vector<16xf32>
        %get3A_589 = arith.index_cast %scan3A_569 : i32 to index
        %get3A_590 = arith.constant 80 : index
        %get3A_591 = tpu.vector_load %arg7[%get3A_589, %get3A_590] {strides = array<i32>} : memref<50x512xf32, #tpu.memory_space<vmem>>, vector<1x16xf32>,
        %get3A_592 = vector.shape_cast %get3A_591 : vector<1x16xf32> to vector<16xf32>
        %get3A_593 = arith.index_cast %scan3A_569 : i32 to index
        %get3A_594 = arith.constant 96 : index
        %get3A_595 = tpu.vector_load %arg7[%get3A_593, %get3A_594] {strides = array<i32>} : memref<50x512xf32, #tpu.memory_space<vmem>>, vector<1x16xf32>,
        %get3A_596 = vector.shape_cast %get3A_595 : vector<1x16xf32> to vector<16xf32>
        %get3A_597 = arith.index_cast %scan3A_569 : i32 to index
        %get3A_598 = arith.constant 112 : index
        %get3A_599 = tpu.vector_load %arg7[%get3A_597, %get3A_598] {strides = array<i32>} : memref<50x512xf32, #tpu.memory_space<vmem>>, vector<1x16xf32>,
        %get3A_600 = vector.shape_cast %get3A_599 : vector<1x16xf32> to vector<16xf32>
        %get3A_601 = arith.index_cast %scan3A_569 : i32 to index
        %get3A_602 = arith.constant 128 : index
        %get3A_603 = tpu.vector_load %arg7[%get3A_601, %get3A_602] {strides = array<i32>} : memref<50x512xf32, #tpu.memory_space<vmem>>, vector<1x16xf32>,
        %get3A_604 = vector.shape_cast %get3A_603 : vector<1x16xf32> to vector<16xf32>
        %get3A_605 = arith.index_cast %scan3A_569 : i32 to index
        %get3A_606 = arith.constant 144 : index
        %get3A_607 = tpu.vector_load %arg7[%get3A_605, %get3A_606] {strides = array<i32>} : memref<50x512xf32, #tpu.memory_space<vmem>>, vector<1x16xf32>,
        %get3A_608 = vector.shape_cast %get3A_607 : vector<1x16xf32> to vector<16xf32>
        %get3A_609 = arith.index_cast %scan3A_569 : i32 to index
        %get3A_610 = arith.constant 160 : index
        %get3A_611 = tpu.vector_load %arg7[%get3A_609, %get3A_610] {strides = array<i32>} : memref<50x512xf32, #tpu.memory_space<vmem>>, vector<1x16xf32>,
        %get3A_612 = vector.shape_cast %get3A_611 : vector<1x16xf32> to vector<16xf32>
        %get3A_613 = arith.index_cast %scan3A_569 : i32 to index
        %get3A_614 = arith.constant 176 : index
        %get3A_615 = tpu.vector_load %arg7[%get3A_613, %get3A_614] {strides = array<i32>} : memref<50x512xf32, #tpu.memory_space<vmem>>, vector<1x16xf32>,
        %get3A_616 = vector.shape_cast %get3A_615 : vector<1x16xf32> to vector<16xf32>
        %get3A_617 = arith.index_cast %scan3A_569 : i32 to index
        %get3A_618 = arith.constant 192 : index
        %get3A_619 = tpu.vector_load %arg7[%get3A_617, %get3A_618] {strides = array<i32>} : memref<50x512xf32, #tpu.memory_space<vmem>>, vector<1x16xf32>,
        %get3A_620 = vector.shape_cast %get3A_619 : vector<1x16xf32> to vector<16xf32>
        %get3A_621 = arith.index_cast %scan3A_569 : i32 to index
        %get3A_622 = arith.constant 208 : index
        %get3A_623 = tpu.vector_load %arg7[%get3A_621, %get3A_622] {strides = array<i32>} : memref<50x512xf32, #tpu.memory_space<vmem>>, vector<1x16xf32>,
        %get3A_624 = vector.shape_cast %get3A_623 : vector<1x16xf32> to vector<16xf32>
        %get3A_625 = arith.index_cast %scan3A_569 : i32 to index
        %get3A_626 = arith.constant 224 : index
        %get3A_627 = tpu.vector_load %arg7[%get3A_625, %get3A_626] {strides = array<i32>} : memref<50x512xf32, #tpu.memory_space<vmem>>, vector<1x16xf32>,
        %get3A_628 = vector.shape_cast %get3A_627 : vector<1x16xf32> to vector<16xf32>
        %get3A_629 = arith.index_cast %scan3A_569 : i32 to index
        %get3A_630 = arith.constant 240 : index
        %get3A_631 = tpu.vector_load %arg7[%get3A_629, %get3A_630] {strides = array<i32>} : memref<50x512xf32, #tpu.memory_space<vmem>>, vector<1x16xf32>,
        %get3A_632 = vector.shape_cast %get3A_631 : vector<1x16xf32> to vector<16xf32>
        %get3A_633 = arith.index_cast %scan3A_569 : i32 to index
        %get3A_634 = arith.constant 256 : index
        %get3A_635 = tpu.vector_load %arg7[%get3A_633, %get3A_634] {strides = array<i32>} : memref<50x512xf32, #tpu.memory_space<vmem>>, vector<1x16xf32>,
        %get3A_636 = vector.shape_cast %get3A_635 : vector<1x16xf32> to vector<16xf32>
        %get3A_637 = arith.index_cast %scan3A_569 : i32 to index
        %get3A_638 = arith.constant 272 : index
        %get3A_639 = tpu.vector_load %arg7[%get3A_637, %get3A_638] {strides = array<i32>} : memref<50x512xf32, #tpu.memory_space<vmem>>, vector<1x16xf32>,
        %get3A_640 = vector.shape_cast %get3A_639 : vector<1x16xf32> to vector<16xf32>
        %get3A_641 = arith.index_cast %scan3A_569 : i32 to index
        %get3A_642 = arith.constant 288 : index
        %get3A_643 = tpu.vector_load %arg7[%get3A_641, %get3A_642] {strides = array<i32>} : memref<50x512xf32, #tpu.memory_space<vmem>>, vector<1x16xf32>,
        %get3A_644 = vector.shape_cast %get3A_643 : vector<1x16xf32> to vector<16xf32>
        %get3A_645 = arith.index_cast %scan3A_569 : i32 to index
        %get3A_646 = arith.constant 304 : index
        %get3A_647 = tpu.vector_load %arg7[%get3A_645, %get3A_646] {strides = array<i32>} : memref<50x512xf32, #tpu.memory_space<vmem>>, vector<1x16xf32>,
        %get3A_648 = vector.shape_cast %get3A_647 : vector<1x16xf32> to vector<16xf32>
        %get3A_649 = arith.index_cast %scan3A_569 : i32 to index
        %get3A_650 = arith.constant 320 : index
        %get3A_651 = tpu.vector_load %arg7[%get3A_649, %get3A_650] {strides = array<i32>} : memref<50x512xf32, #tpu.memory_space<vmem>>, vector<1x16xf32>,
        %get3A_652 = vector.shape_cast %get3A_651 : vector<1x16xf32> to vector<16xf32>
        %get3A_653 = arith.index_cast %scan3A_569 : i32 to index
        %get3A_654 = arith.constant 336 : index
        %get3A_655 = tpu.vector_load %arg7[%get3A_653, %get3A_654] {strides = array<i32>} : memref<50x512xf32, #tpu.memory_space<vmem>>, vector<1x16xf32>,
        %get3A_656 = vector.shape_cast %get3A_655 : vector<1x16xf32> to vector<16xf32>
        %get3A_657 = arith.index_cast %scan3A_569 : i32 to index
        %get3A_658 = arith.constant 352 : index
        %get3A_659 = tpu.vector_load %arg7[%get3A_657, %get3A_658] {strides = array<i32>} : memref<50x512xf32, #tpu.memory_space<vmem>>, vector<1x16xf32>,
        %get3A_660 = vector.shape_cast %get3A_659 : vector<1x16xf32> to vector<16xf32>
        %get3A_661 = arith.index_cast %scan3A_569 : i32 to index
        %get3A_662 = arith.constant 368 : index
        %get3A_663 = tpu.vector_load %arg7[%get3A_661, %get3A_662] {strides = array<i32>} : memref<50x512xf32, #tpu.memory_space<vmem>>, vector<1x16xf32>,
        %get3A_664 = vector.shape_cast %get3A_663 : vector<1x16xf32> to vector<16xf32>
        %get3A_665 = arith.index_cast %scan3A_569 : i32 to index
        %get3A_666 = arith.constant 384 : index
        %get3A_667 = tpu.vector_load %arg7[%get3A_665, %get3A_666] {strides = array<i32>} : memref<50x512xf32, #tpu.memory_space<vmem>>, vector<1x16xf32>,
        %get3A_668 = vector.shape_cast %get3A_667 : vector<1x16xf32> to vector<16xf32>
        %get3A_669 = arith.index_cast %scan3A_569 : i32 to index
        %get3A_670 = arith.constant 400 : index
        %get3A_671 = tpu.vector_load %arg7[%get3A_669, %get3A_670] {strides = array<i32>} : memref<50x512xf32, #tpu.memory_space<vmem>>, vector<1x16xf32>,
        %get3A_672 = vector.shape_cast %get3A_671 : vector<1x16xf32> to vector<16xf32>
        %get3A_673 = arith.index_cast %scan3A_569 : i32 to index
        %get3A_674 = arith.constant 416 : index
        %get3A_675 = tpu.vector_load %arg7[%get3A_673, %get3A_674] {strides = array<i32>} : memref<50x512xf32, #tpu.memory_space<vmem>>, vector<1x16xf32>,
        %get3A_676 = vector.shape_cast %get3A_675 : vector<1x16xf32> to vector<16xf32>
        %get3A_677 = arith.index_cast %scan3A_569 : i32 to index
        %get3A_678 = arith.constant 432 : index
        %get3A_679 = tpu.vector_load %arg7[%get3A_677, %get3A_678] {strides = array<i32>} : memref<50x512xf32, #tpu.memory_space<vmem>>, vector<1x16xf32>,
        %get3A_680 = vector.shape_cast %get3A_679 : vector<1x16xf32> to vector<16xf32>
        %get3A_681 = arith.index_cast %scan3A_569 : i32 to index
        %get3A_682 = arith.constant 448 : index
        %get3A_683 = tpu.vector_load %arg7[%get3A_681, %get3A_682] {strides = array<i32>} : memref<50x512xf32, #tpu.memory_space<vmem>>, vector<1x16xf32>,
        %get3A_684 = vector.shape_cast %get3A_683 : vector<1x16xf32> to vector<16xf32>
        %get3A_685 = arith.index_cast %scan3A_569 : i32 to index
        %get3A_686 = arith.constant 464 : index
        %get3A_687 = tpu.vector_load %arg7[%get3A_685, %get3A_686] {strides = array<i32>} : memref<50x512xf32, #tpu.memory_space<vmem>>, vector<1x16xf32>,
        %get3A_688 = vector.shape_cast %get3A_687 : vector<1x16xf32> to vector<16xf32>
        %get3A_689 = arith.index_cast %scan3A_569 : i32 to index
        %get3A_690 = arith.constant 480 : index
        %get3A_691 = tpu.vector_load %arg7[%get3A_689, %get3A_690] {strides = array<i32>} : memref<50x512xf32, #tpu.memory_space<vmem>>, vector<1x16xf32>,
        %get3A_692 = vector.shape_cast %get3A_691 : vector<1x16xf32> to vector<16xf32>
        %get3A_693 = arith.index_cast %scan3A_569 : i32 to index
        %get3A_694 = arith.constant 496 : index
        %get3A_695 = tpu.vector_load %arg7[%get3A_693, %get3A_694] {strides = array<i32>} : memref<50x512xf32, #tpu.memory_space<vmem>>, vector<1x16xf32>,
        %get3A_696 = vector.shape_cast %get3A_695 : vector<1x16xf32> to vector<16xf32>
        %swap3A = arith.index_cast %scan3A_543 : i32 to index
        %swap3A_697 = arith.index_cast %scan3A_569 : i32 to index
        %swap3A_698 = arith.constant 0 : index
        %swap3A_699 = tpu.vector_load %arg8[%swap3A, %swap3A_697, %swap3A_698] {strides = array<i32>} : memref<3x50x512xf32, #tpu.memory_space<vmem>>, vector<1x1x16xf32>,
        %swap3A_700 = vector.shape_cast %swap3A_699 : vector<1x1x16xf32> to vector<16xf32>
        %swap3A_701 = vector.shape_cast %get3A_572 : vector<16xf32> to vector<1x1x16xf32>
        tpu.vector_store %arg8[%swap3A, %swap3A_697, %swap3A_698], %swap3A_701 {add = true, strides = array<i32>} : memref<3x50x512xf32, #tpu.memory_space<vmem>>, vector<1x1x16xf32>,
        %swap3A_702 = arith.index_cast %scan3A_543 : i32 to index
        %swap3A_703 = arith.index_cast %scan3A_569 : i32 to index
        %swap3A_704 = arith.constant 16 : index
        %swap3A_705 = tpu.vector_load %arg8[%swap3A_702, %swap3A_703, %swap3A_704] {strides = array<i32>} : memref<3x50x512xf32, #tpu.memory_space<vmem>>, vector<1x1x16xf32>,
        %swap3A_706 = vector.shape_cast %swap3A_705 : vector<1x1x16xf32> to vector<16xf32>
        %swap3A_707 = vector.shape_cast %get3A_576 : vector<16xf32> to vector<1x1x16xf32>
        tpu.vector_store %arg8[%swap3A_702, %swap3A_703, %swap3A_704], %swap3A_707 {add = true, strides = array<i32>} : memref<3x50x512xf32, #tpu.memory_space<vmem>>, vector<1x1x16xf32>,
        %swap3A_708 = arith.index_cast %scan3A_543 : i32 to index
        %swap3A_709 = arith.index_cast %scan3A_569 : i32 to index
        %swap3A_710 = arith.constant 32 : index
        %swap3A_711 = tpu.vector_load %arg8[%swap3A_708, %swap3A_709, %swap3A_710] {strides = array<i32>} : memref<3x50x512xf32, #tpu.memory_space<vmem>>, vector<1x1x16xf32>,
        %swap3A_712 = vector.shape_cast %swap3A_711 : vector<1x1x16xf32> to vector<16xf32>
        %swap3A_713 = vector.shape_cast %get3A_580 : vector<16xf32> to vector<1x1x16xf32>
        tpu.vector_store %arg8[%swap3A_708, %swap3A_709, %swap3A_710], %swap3A_713 {add = true, strides = array<i32>} : memref<3x50x512xf32, #tpu.memory_space<vmem>>, vector<1x1x16xf32>,
        %swap3A_714 = arith.index_cast %scan3A_543 : i32 to index
        %swap3A_715 = arith.index_cast %scan3A_569 : i32 to index
        %swap3A_716 = arith.constant 48 : index
        %swap3A_717 = tpu.vector_load %arg8[%swap3A_714, %swap3A_715, %swap3A_716] {strides = array<i32>} : memref<3x50x512xf32, #tpu.memory_space<vmem>>, vector<1x1x16xf32>,
        %swap3A_718 = vector.shape_cast %swap3A_717 : vector<1x1x16xf32> to vector<16xf32>
        %swap3A_719 = vector.shape_cast %get3A_584 : vector<16xf32> to vector<1x1x16xf32>
        tpu.vector_store %arg8[%swap3A_714, %swap3A_715, %swap3A_716], %swap3A_719 {add = true, strides = array<i32>} : memref<3x50x512xf32, #tpu.memory_space<vmem>>, vector<1x1x16xf32>,
        %swap3A_720 = arith.index_cast %scan3A_543 : i32 to index
        %swap3A_721 = arith.index_cast %scan3A_569 : i32 to index
        %swap3A_722 = arith.constant 64 : index
        %swap3A_723 = tpu.vector_load %arg8[%swap3A_720, %swap3A_721, %swap3A_722] {strides = array<i32>} : memref<3x50x512xf32, #tpu.memory_space<vmem>>, vector<1x1x16xf32>,
        %swap3A_724 = vector.shape_cast %swap3A_723 : vector<1x1x16xf32> to vector<16xf32>
        %swap3A_725 = vector.shape_cast %get3A_588 : vector<16xf32> to vector<1x1x16xf32>
        tpu.vector_store %arg8[%swap3A_720, %swap3A_721, %swap3A_722], %swap3A_725 {add = true, strides = array<i32>} : memref<3x50x512xf32, #tpu.memory_space<vmem>>, vector<1x1x16xf32>,
        %swap3A_726 = arith.index_cast %scan3A_543 : i32 to index
        %swap3A_727 = arith.index_cast %scan3A_569 : i32 to index
        %swap3A_728 = arith.constant 80 : index
        %swap3A_729 = tpu.vector_load %arg8[%swap3A_726, %swap3A_727, %swap3A_728] {strides = array<i32>} : memref<3x50x512xf32, #tpu.memory_space<vmem>>, vector<1x1x16xf32>,
        %swap3A_730 = vector.shape_cast %swap3A_729 : vector<1x1x16xf32> to vector<16xf32>
        %swap3A_731 = vector.shape_cast %get3A_592 : vector<16xf32> to vector<1x1x16xf32>
        tpu.vector_store %arg8[%swap3A_726, %swap3A_727, %swap3A_728], %swap3A_731 {add = true, strides = array<i32>} : memref<3x50x512xf32, #tpu.memory_space<vmem>>, vector<1x1x16xf32>,
        %swap3A_732 = arith.index_cast %scan3A_543 : i32 to index
        %swap3A_733 = arith.index_cast %scan3A_569 : i32 to index
        %swap3A_734 = arith.constant 96 : index
        %swap3A_735 = tpu.vector_load %arg8[%swap3A_732, %swap3A_733, %swap3A_734] {strides = array<i32>} : memref<3x50x512xf32, #tpu.memory_space<vmem>>, vector<1x1x16xf32>,
        %swap3A_736 = vector.shape_cast %swap3A_735 : vector<1x1x16xf32> to vector<16xf32>
        %swap3A_737 = vector.shape_cast %get3A_596 : vector<16xf32> to vector<1x1x16xf32>
        tpu.vector_store %arg8[%swap3A_732, %swap3A_733, %swap3A_734], %swap3A_737 {add = true, strides = array<i32>} : memref<3x50x512xf32, #tpu.memory_space<vmem>>, vector<1x1x16xf32>,
        %swap3A_738 = arith.index_cast %scan3A_543 : i32 to index
        %swap3A_739 = arith.index_cast %scan3A_569 : i32 to index
        %swap3A_740 = arith.constant 112 : index
        %swap3A_741 = tpu.vector_load %arg8[%swap3A_738, %swap3A_739, %swap3A_740] {strides = array<i32>} : memref<3x50x512xf32, #tpu.memory_space<vmem>>, vector<1x1x16xf32>,
        %swap3A_742 = vector.shape_cast %swap3A_741 : vector<1x1x16xf32> to vector<16xf32>
        %swap3A_743 = vector.shape_cast %get3A_600 : vector<16xf32> to vector<1x1x16xf32>
        tpu.vector_store %arg8[%swap3A_738, %swap3A_739, %swap3A_740], %swap3A_743 {add = true, strides = array<i32>} : memref<3x50x512xf32, #tpu.memory_space<vmem>>, vector<1x1x16xf32>,
        %swap3A_744 = arith.index_cast %scan3A_543 : i32 to index
        %swap3A_745 = arith.index_cast %scan3A_569 : i32 to index
        %swap3A_746 = arith.constant 128 : index
        %swap3A_747 = tpu.vector_load %arg8[%swap3A_744, %swap3A_745, %swap3A_746] {strides = array<i32>} : memref<3x50x512xf32, #tpu.memory_space<vmem>>, vector<1x1x16xf32>,
        %swap3A_748 = vector.shape_cast %swap3A_747 : vector<1x1x16xf32> to vector<16xf32>
        %swap3A_749 = vector.shape_cast %get3A_604 : vector<16xf32> to vector<1x1x16xf32>
        tpu.vector_store %arg8[%swap3A_744, %swap3A_745, %swap3A_746], %swap3A_749 {add = true, strides = array<i32>} : memref<3x50x512xf32, #tpu.memory_space<vmem>>, vector<1x1x16xf32>,
        %swap3A_750 = arith.index_cast %scan3A_543 : i32 to index
        %swap3A_751 = arith.index_cast %scan3A_569 : i32 to index
        %swap3A_752 = arith.constant 144 : index
        %swap3A_753 = tpu.vector_load %arg8[%swap3A_750, %swap3A_751, %swap3A_752] {strides = array<i32>} : memref<3x50x512xf32, #tpu.memory_space<vmem>>, vector<1x1x16xf32>,
        %swap3A_754 = vector.shape_cast %swap3A_753 : vector<1x1x16xf32> to vector<16xf32>
        %swap3A_755 = vector.shape_cast %get3A_608 : vector<16xf32> to vector<1x1x16xf32>
        tpu.vector_store %arg8[%swap3A_750, %swap3A_751, %swap3A_752], %swap3A_755 {add = true, strides = array<i32>} : memref<3x50x512xf32, #tpu.memory_space<vmem>>, vector<1x1x16xf32>,
        %swap3A_756 = arith.index_cast %scan3A_543 : i32 to index
        %swap3A_757 = arith.index_cast %scan3A_569 : i32 to index
        %swap3A_758 = arith.constant 160 : index
        %swap3A_759 = tpu.vector_load %arg8[%swap3A_756, %swap3A_757, %swap3A_758] {strides = array<i32>} : memref<3x50x512xf32, #tpu.memory_space<vmem>>, vector<1x1x16xf32>,
        %swap3A_760 = vector.shape_cast %swap3A_759 : vector<1x1x16xf32> to vector<16xf32>
        %swap3A_761 = vector.shape_cast %get3A_612 : vector<16xf32> to vector<1x1x16xf32>
        tpu.vector_store %arg8[%swap3A_756, %swap3A_757, %swap3A_758], %swap3A_761 {add = true, strides = array<i32>} : memref<3x50x512xf32, #tpu.memory_space<vmem>>, vector<1x1x16xf32>,
        %swap3A_762 = arith.index_cast %scan3A_543 : i32 to index
        %swap3A_763 = arith.index_cast %scan3A_569 : i32 to index
        %swap3A_764 = arith.constant 176 : index
        %swap3A_765 = tpu.vector_load %arg8[%swap3A_762, %swap3A_763, %swap3A_764] {strides = array<i32>} : memref<3x50x512xf32, #tpu.memory_space<vmem>>, vector<1x1x16xf32>,
        %swap3A_766 = vector.shape_cast %swap3A_765 : vector<1x1x16xf32> to vector<16xf32>
        %swap3A_767 = vector.shape_cast %get3A_616 : vector<16xf32> to vector<1x1x16xf32>
        tpu.vector_store %arg8[%swap3A_762, %swap3A_763, %swap3A_764], %swap3A_767 {add = true, strides = array<i32>} : memref<3x50x512xf32, #tpu.memory_space<vmem>>, vector<1x1x16xf32>,
        %swap3A_768 = arith.index_cast %scan3A_543 : i32 to index
        %swap3A_769 = arith.index_cast %scan3A_569 : i32 to index
        %swap3A_770 = arith.constant 192 : index
        %swap3A_771 = tpu.vector_load %arg8[%swap3A_768, %swap3A_769, %swap3A_770] {strides = array<i32>} : memref<3x50x512xf32, #tpu.memory_space<vmem>>, vector<1x1x16xf32>,
        %swap3A_772 = vector.shape_cast %swap3A_771 : vector<1x1x16xf32> to vector<16xf32>
        %swap3A_773 = vector.shape_cast %get3A_620 : vector<16xf32> to vector<1x1x16xf32>
        tpu.vector_store %arg8[%swap3A_768, %swap3A_769, %swap3A_770], %swap3A_773 {add = true, strides = array<i32>} : memref<3x50x512xf32, #tpu.memory_space<vmem>>, vector<1x1x16xf32>,
        %swap3A_774 = arith.index_cast %scan3A_543 : i32 to index
        %swap3A_775 = arith.index_cast %scan3A_569 : i32 to index
        %swap3A_776 = arith.constant 208 : index
        %swap3A_777 = tpu.vector_load %arg8[%swap3A_774, %swap3A_775, %swap3A_776] {strides = array<i32>} : memref<3x50x512xf32, #tpu.memory_space<vmem>>, vector<1x1x16xf32>,
        %swap3A_778 = vector.shape_cast %swap3A_777 : vector<1x1x16xf32> to vector<16xf32>
        %swap3A_779 = vector.shape_cast %get3A_624 : vector<16xf32> to vector<1x1x16xf32>
        tpu.vector_store %arg8[%swap3A_774, %swap3A_775, %swap3A_776], %swap3A_779 {add = true, strides = array<i32>} : memref<3x50x512xf32, #tpu.memory_space<vmem>>, vector<1x1x16xf32>,
        %swap3A_780 = arith.index_cast %scan3A_543 : i32 to index
        %swap3A_781 = arith.index_cast %scan3A_569 : i32 to index
        %swap3A_782 = arith.constant 224 : index
        %swap3A_783 = tpu.vector_load %arg8[%swap3A_780, %swap3A_781, %swap3A_782] {strides = array<i32>} : memref<3x50x512xf32, #tpu.memory_space<vmem>>, vector<1x1x16xf32>,
        %swap3A_784 = vector.shape_cast %swap3A_783 : vector<1x1x16xf32> to vector<16xf32>
        %swap3A_785 = vector.shape_cast %get3A_628 : vector<16xf32> to vector<1x1x16xf32>
        tpu.vector_store %arg8[%swap3A_780, %swap3A_781, %swap3A_782], %swap3A_785 {add = true, strides = array<i32>} : memref<3x50x512xf32, #tpu.memory_space<vmem>>, vector<1x1x16xf32>,
        %swap3A_786 = arith.index_cast %scan3A_543 : i32 to index
        %swap3A_787 = arith.index_cast %scan3A_569 : i32 to index
        %swap3A_788 = arith.constant 240 : index
        %swap3A_789 = tpu.vector_load %arg8[%swap3A_786, %swap3A_787, %swap3A_788] {strides = array<i32>} : memref<3x50x512xf32, #tpu.memory_space<vmem>>, vector<1x1x16xf32>,
        %swap3A_790 = vector.shape_cast %swap3A_789 : vector<1x1x16xf32> to vector<16xf32>
        %swap3A_791 = vector.shape_cast %get3A_632 : vector<16xf32> to vector<1x1x16xf32>
        tpu.vector_store %arg8[%swap3A_786, %swap3A_787, %swap3A_788], %swap3A_791 {add = true, strides = array<i32>} : memref<3x50x512xf32, #tpu.memory_space<vmem>>, vector<1x1x16xf32>,
        %swap3A_792 = arith.index_cast %scan3A_543 : i32 to index
        %swap3A_793 = arith.index_cast %scan3A_569 : i32 to index
        %swap3A_794 = arith.constant 256 : index
        %swap3A_795 = tpu.vector_load %arg8[%swap3A_792, %swap3A_793, %swap3A_794] {strides = array<i32>} : memref<3x50x512xf32, #tpu.memory_space<vmem>>, vector<1x1x16xf32>,
        %swap3A_796 = vector.shape_cast %swap3A_795 : vector<1x1x16xf32> to vector<16xf32>
        %swap3A_797 = vector.shape_cast %get3A_636 : vector<16xf32> to vector<1x1x16xf32>
        tpu.vector_store %arg8[%swap3A_792, %swap3A_793, %swap3A_794], %swap3A_797 {add = true, strides = array<i32>} : memref<3x50x512xf32, #tpu.memory_space<vmem>>, vector<1x1x16xf32>,
        %swap3A_798 = arith.index_cast %scan3A_543 : i32 to index
        %swap3A_799 = arith.index_cast %scan3A_569 : i32 to index
        %swap3A_800 = arith.constant 272 : index
        %swap3A_801 = tpu.vector_load %arg8[%swap3A_798, %swap3A_799, %swap3A_800] {strides = array<i32>} : memref<3x50x512xf32, #tpu.memory_space<vmem>>, vector<1x1x16xf32>,
        %swap3A_802 = vector.shape_cast %swap3A_801 : vector<1x1x16xf32> to vector<16xf32>
        %swap3A_803 = vector.shape_cast %get3A_640 : vector<16xf32> to vector<1x1x16xf32>
        tpu.vector_store %arg8[%swap3A_798, %swap3A_799, %swap3A_800], %swap3A_803 {add = true, strides = array<i32>} : memref<3x50x512xf32, #tpu.memory_space<vmem>>, vector<1x1x16xf32>,
        %swap3A_804 = arith.index_cast %scan3A_543 : i32 to index
        %swap3A_805 = arith.index_cast %scan3A_569 : i32 to index
        %swap3A_806 = arith.constant 288 : index
        %swap3A_807 = tpu.vector_load %arg8[%swap3A_804, %swap3A_805, %swap3A_806] {strides = array<i32>} : memref<3x50x512xf32, #tpu.memory_space<vmem>>, vector<1x1x16xf32>,
        %swap3A_808 = vector.shape_cast %swap3A_807 : vector<1x1x16xf32> to vector<16xf32>
        %swap3A_809 = vector.shape_cast %get3A_644 : vector<16xf32> to vector<1x1x16xf32>
        tpu.vector_store %arg8[%swap3A_804, %swap3A_805, %swap3A_806], %swap3A_809 {add = true, strides = array<i32>} : memref<3x50x512xf32, #tpu.memory_space<vmem>>, vector<1x1x16xf32>,
        %swap3A_810 = arith.index_cast %scan3A_543 : i32 to index
        %swap3A_811 = arith.index_cast %scan3A_569 : i32 to index
        %swap3A_812 = arith.constant 304 : index
        %swap3A_813 = tpu.vector_load %arg8[%swap3A_810, %swap3A_811, %swap3A_812] {strides = array<i32>} : memref<3x50x512xf32, #tpu.memory_space<vmem>>, vector<1x1x16xf32>,
        %swap3A_814 = vector.shape_cast %swap3A_813 : vector<1x1x16xf32> to vector<16xf32>
        %swap3A_815 = vector.shape_cast %get3A_648 : vector<16xf32> to vector<1x1x16xf32>
        tpu.vector_store %arg8[%swap3A_810, %swap3A_811, %swap3A_812], %swap3A_815 {add = true, strides = array<i32>} : memref<3x50x512xf32, #tpu.memory_space<vmem>>, vector<1x1x16xf32>,
        %swap3A_816 = arith.index_cast %scan3A_543 : i32 to index
        %swap3A_817 = arith.index_cast %scan3A_569 : i32 to index
        %swap3A_818 = arith.constant 320 : index
        %swap3A_819 = tpu.vector_load %arg8[%swap3A_816, %swap3A_817, %swap3A_818] {strides = array<i32>} : memref<3x50x512xf32, #tpu.memory_space<vmem>>, vector<1x1x16xf32>,
        %swap3A_820 = vector.shape_cast %swap3A_819 : vector<1x1x16xf32> to vector<16xf32>
        %swap3A_821 = vector.shape_cast %get3A_652 : vector<16xf32> to vector<1x1x16xf32>
        tpu.vector_store %arg8[%swap3A_816, %swap3A_817, %swap3A_818], %swap3A_821 {add = true, strides = array<i32>} : memref<3x50x512xf32, #tpu.memory_space<vmem>>, vector<1x1x16xf32>,
        %swap3A_822 = arith.index_cast %scan3A_543 : i32 to index
        %swap3A_823 = arith.index_cast %scan3A_569 : i32 to index
        %swap3A_824 = arith.constant 336 : index
        %swap3A_825 = tpu.vector_load %arg8[%swap3A_822, %swap3A_823, %swap3A_824] {strides = array<i32>} : memref<3x50x512xf32, #tpu.memory_space<vmem>>, vector<1x1x16xf32>,
        %swap3A_826 = vector.shape_cast %swap3A_825 : vector<1x1x16xf32> to vector<16xf32>
        %swap3A_827 = vector.shape_cast %get3A_656 : vector<16xf32> to vector<1x1x16xf32>
        tpu.vector_store %arg8[%swap3A_822, %swap3A_823, %swap3A_824], %swap3A_827 {add = true, strides = array<i32>} : memref<3x50x512xf32, #tpu.memory_space<vmem>>, vector<1x1x16xf32>,
        %swap3A_828 = arith.index_cast %scan3A_543 : i32 to index
        %swap3A_829 = arith.index_cast %scan3A_569 : i32 to index
        %swap3A_830 = arith.constant 352 : index
        %swap3A_831 = tpu.vector_load %arg8[%swap3A_828, %swap3A_829, %swap3A_830] {strides = array<i32>} : memref<3x50x512xf32, #tpu.memory_space<vmem>>, vector<1x1x16xf32>,
        %swap3A_832 = vector.shape_cast %swap3A_831 : vector<1x1x16xf32> to vector<16xf32>
        %swap3A_833 = vector.shape_cast %get3A_660 : vector<16xf32> to vector<1x1x16xf32>
        tpu.vector_store %arg8[%swap3A_828, %swap3A_829, %swap3A_830], %swap3A_833 {add = true, strides = array<i32>} : memref<3x50x512xf32, #tpu.memory_space<vmem>>, vector<1x1x16xf32>,
        %swap3A_834 = arith.index_cast %scan3A_543 : i32 to index
        %swap3A_835 = arith.index_cast %scan3A_569 : i32 to index
        %swap3A_836 = arith.constant 368 : index
        %swap3A_837 = tpu.vector_load %arg8[%swap3A_834, %swap3A_835, %swap3A_836] {strides = array<i32>} : memref<3x50x512xf32, #tpu.memory_space<vmem>>, vector<1x1x16xf32>,
        %swap3A_838 = vector.shape_cast %swap3A_837 : vector<1x1x16xf32> to vector<16xf32>
        %swap3A_839 = vector.shape_cast %get3A_664 : vector<16xf32> to vector<1x1x16xf32>
        tpu.vector_store %arg8[%swap3A_834, %swap3A_835, %swap3A_836], %swap3A_839 {add = true, strides = array<i32>} : memref<3x50x512xf32, #tpu.memory_space<vmem>>, vector<1x1x16xf32>,
        %swap3A_840 = arith.index_cast %scan3A_543 : i32 to index
        %swap3A_841 = arith.index_cast %scan3A_569 : i32 to index
        %swap3A_842 = arith.constant 384 : index
        %swap3A_843 = tpu.vector_load %arg8[%swap3A_840, %swap3A_841, %swap3A_842] {strides = array<i32>} : memref<3x50x512xf32, #tpu.memory_space<vmem>>, vector<1x1x16xf32>,
        %swap3A_844 = vector.shape_cast %swap3A_843 : vector<1x1x16xf32> to vector<16xf32>
        %swap3A_845 = vector.shape_cast %get3A_668 : vector<16xf32> to vector<1x1x16xf32>
        tpu.vector_store %arg8[%swap3A_840, %swap3A_841, %swap3A_842], %swap3A_845 {add = true, strides = array<i32>} : memref<3x50x512xf32, #tpu.memory_space<vmem>>, vector<1x1x16xf32>,
        %swap3A_846 = arith.index_cast %scan3A_543 : i32 to index
        %swap3A_847 = arith.index_cast %scan3A_569 : i32 to index
        %swap3A_848 = arith.constant 400 : index
        %swap3A_849 = tpu.vector_load %arg8[%swap3A_846, %swap3A_847, %swap3A_848] {strides = array<i32>} : memref<3x50x512xf32, #tpu.memory_space<vmem>>, vector<1x1x16xf32>,
        %swap3A_850 = vector.shape_cast %swap3A_849 : vector<1x1x16xf32> to vector<16xf32>
        %swap3A_851 = vector.shape_cast %get3A_672 : vector<16xf32> to vector<1x1x16xf32>
        tpu.vector_store %arg8[%swap3A_846, %swap3A_847, %swap3A_848], %swap3A_851 {add = true, strides = array<i32>} : memref<3x50x512xf32, #tpu.memory_space<vmem>>, vector<1x1x16xf32>,
        %swap3A_852 = arith.index_cast %scan3A_543 : i32 to index
        %swap3A_853 = arith.index_cast %scan3A_569 : i32 to index
        %swap3A_854 = arith.constant 416 : index
        %swap3A_855 = tpu.vector_load %arg8[%swap3A_852, %swap3A_853, %swap3A_854] {strides = array<i32>} : memref<3x50x512xf32, #tpu.memory_space<vmem>>, vector<1x1x16xf32>,
        %swap3A_856 = vector.shape_cast %swap3A_855 : vector<1x1x16xf32> to vector<16xf32>
        %swap3A_857 = vector.shape_cast %get3A_676 : vector<16xf32> to vector<1x1x16xf32>
        tpu.vector_store %arg8[%swap3A_852, %swap3A_853, %swap3A_854], %swap3A_857 {add = true, strides = array<i32>} : memref<3x50x512xf32, #tpu.memory_space<vmem>>, vector<1x1x16xf32>,
        %swap3A_858 = arith.index_cast %scan3A_543 : i32 to index
        %swap3A_859 = arith.index_cast %scan3A_569 : i32 to index
        %swap3A_860 = arith.constant 432 : index
        %swap3A_861 = tpu.vector_load %arg8[%swap3A_858, %swap3A_859, %swap3A_860] {strides = array<i32>} : memref<3x50x512xf32, #tpu.memory_space<vmem>>, vector<1x1x16xf32>,
        %swap3A_862 = vector.shape_cast %swap3A_861 : vector<1x1x16xf32> to vector<16xf32>
        %swap3A_863 = vector.shape_cast %get3A_680 : vector<16xf32> to vector<1x1x16xf32>
        tpu.vector_store %arg8[%swap3A_858, %swap3A_859, %swap3A_860], %swap3A_863 {add = true, strides = array<i32>} : memref<3x50x512xf32, #tpu.memory_space<vmem>>, vector<1x1x16xf32>,
        %swap3A_864 = arith.index_cast %scan3A_543 : i32 to index
        %swap3A_865 = arith.index_cast %scan3A_569 : i32 to index
        %swap3A_866 = arith.constant 448 : index
        %swap3A_867 = tpu.vector_load %arg8[%swap3A_864, %swap3A_865, %swap3A_866] {strides = array<i32>} : memref<3x50x512xf32, #tpu.memory_space<vmem>>, vector<1x1x16xf32>,
        %swap3A_868 = vector.shape_cast %swap3A_867 : vector<1x1x16xf32> to vector<16xf32>
        %swap3A_869 = vector.shape_cast %get3A_684 : vector<16xf32> to vector<1x1x16xf32>
        tpu.vector_store %arg8[%swap3A_864, %swap3A_865, %swap3A_866], %swap3A_869 {add = true, strides = array<i32>} : memref<3x50x512xf32, #tpu.memory_space<vmem>>, vector<1x1x16xf32>,
        %swap3A_870 = arith.index_cast %scan3A_543 : i32 to index
        %swap3A_871 = arith.index_cast %scan3A_569 : i32 to index
        %swap3A_872 = arith.constant 464 : index
        %swap3A_873 = tpu.vector_load %arg8[%swap3A_870, %swap3A_871, %swap3A_872] {strides = array<i32>} : memref<3x50x512xf32, #tpu.memory_space<vmem>>, vector<1x1x16xf32>,
        %swap3A_874 = vector.shape_cast %swap3A_873 : vector<1x1x16xf32> to vector<16xf32>
        %swap3A_875 = vector.shape_cast %get3A_688 : vector<16xf32> to vector<1x1x16xf32>
        tpu.vector_store %arg8[%swap3A_870, %swap3A_871, %swap3A_872], %swap3A_875 {add = true, strides = array<i32>} : memref<3x50x512xf32, #tpu.memory_space<vmem>>, vector<1x1x16xf32>,
        %swap3A_876 = arith.index_cast %scan3A_543 : i32 to index
        %swap3A_877 = arith.index_cast %scan3A_569 : i32 to index
        %swap3A_878 = arith.constant 480 : index
        %swap3A_879 = tpu.vector_load %arg8[%swap3A_876, %swap3A_877, %swap3A_878] {strides = array<i32>} : memref<3x50x512xf32, #tpu.memory_space<vmem>>, vector<1x1x16xf32>,
        %swap3A_880 = vector.shape_cast %swap3A_879 : vector<1x1x16xf32> to vector<16xf32>
        %swap3A_881 = vector.shape_cast %get3A_692 : vector<16xf32> to vector<1x1x16xf32>
        tpu.vector_store %arg8[%swap3A_876, %swap3A_877, %swap3A_878], %swap3A_881 {add = true, strides = array<i32>} : memref<3x50x512xf32, #tpu.memory_space<vmem>>, vector<1x1x16xf32>,
        %swap3A_882 = arith.index_cast %scan3A_543 : i32 to index
        %swap3A_883 = arith.index_cast %scan3A_569 : i32 to index
        %swap3A_884 = arith.constant 496 : index
        %swap3A_885 = tpu.vector_load %arg8[%swap3A_882, %swap3A_883, %swap3A_884] {strides = array<i32>} : memref<3x50x512xf32, #tpu.memory_space<vmem>>, vector<1x1x16xf32>,
        %swap3A_886 = vector.shape_cast %swap3A_885 : vector<1x1x16xf32> to vector<16xf32>
        %swap3A_887 = vector.shape_cast %get3A_696 : vector<16xf32> to vector<1x1x16xf32>
        tpu.vector_store %arg8[%swap3A_882, %swap3A_883, %swap3A_884], %swap3A_887 {add = true, strides = array<i32>} : memref<3x50x512xf32, #tpu.memory_space<vmem>>, vector<1x1x16xf32>,
      }
      %scan3A_548 = arith.constant 50 : i32
      %mul3A_549 = arith.constant 32 : i32
      %mul3A_550 = arith.muli %add3A, %mul3A_549 : i32
      %add3A_551 = arith.addi %mul3A_550, %add3A_509 : i32
      %dma_start3A_552 = arith.constant 2 : i32
      %dma_start3A_553 = arith.constant 0 : i32
      %dma_start3A_554 = arith.constant 0 : i32
      %dma_start3A_555 = tpu.memref_slice %arg8[%dma_start3A_552, %dma_start3A_553, %dma_start3A_554] : memref<3x50x512xf32, #tpu.memory_space<vmem>> -> memref<1x50x512xf32, #tpu.memory_space<vmem>>
      %dma_start3A_556 = tpu.memref_squeeze %dma_start3A_555 : memref<1x50x512xf32, #tpu.memory_space<vmem>> -> memref<50x512xf32, #tpu.memory_space<vmem>>
      %dma_start3A_557 = arith.constant 0 : i32
      %dma_start3A_558 = arith.constant 0 : i32
      %dma_start3A_559 = tpu.memref_slice %arg5[%add3A_551, %dma_start3A_557, %dma_start3A_558] : memref<1024x50x512xf32, #tpu.memory_space<hbm>> -> memref<1x50x512xf32, #tpu.memory_space<hbm>>
      %dma_start3A_560 = tpu.memref_squeeze %dma_start3A_559 : memref<1x50x512xf32, #tpu.memory_space<hbm>> -> memref<50x512xf32, #tpu.memory_space<hbm>>
      %dma_start3A_561 = arith.constant 0 : i32
      %dma_start3A_562 = arith.constant 0 : i32
      %dma_start3A_563 = tpu.memref_slice %arg5[%add3A_551, %dma_start3A_561, %dma_start3A_562] : memref<1024x50x512xf32, #tpu.memory_space<hbm>> -> memref<1x50x512xf32, #tpu.memory_space<hbm>>
      %dma_start3A_564 = tpu.memref_squeeze %dma_start3A_563 : memref<1x50x512xf32, #tpu.memory_space<hbm>> -> memref<50x512xf32, #tpu.memory_space<hbm>>
      %dma_start3A_565 = arith.constant 0 : i32
      %dma_start3A_566 = arith.constant 0 : i32
      %dma_start3A_567 = tpu.memref_slice %arg8[%dma_start3A_552, %dma_start3A_565, %dma_start3A_566] : memref<3x50x512xf32, #tpu.memory_space<vmem>> -> memref<1x50x512xf32, #tpu.memory_space<vmem>>
      %dma_start3A_568 = tpu.memref_squeeze %dma_start3A_567 : memref<1x50x512xf32, #tpu.memory_space<vmem>> -> memref<50x512xf32, #tpu.memory_space<vmem>>
      tpu.enqueue_dma source(%dma_start3A_568 : memref<50x512xf32, #tpu.memory_space<vmem>>) target(%dma_start3A_564 : memref<50x512xf32, #tpu.memory_space<hbm>>) target_semaphore(%arg14 : memref<!tpu.dma_semaphore, #tpu.memory_space<semaphore_mem>>)
    }
    %scan3A_28 = arith.constant 9 : i32
    %dma_wait3A = arith.constant 0 : i32
    %dma_wait3A_29 = arith.constant 0 : i32
    %dma_wait3A_30 = arith.constant 0 : i32
    %dma_wait3A_31 = tpu.memref_slice %arg8[%dma_wait3A, %dma_wait3A_29, %dma_wait3A_30] : memref<3x50x512xf32, #tpu.memory_space<vmem>> -> memref<1x50x512xf32, #tpu.memory_space<vmem>>
    %dma_wait3A_32 = tpu.memref_squeeze %dma_wait3A_31 : memref<1x50x512xf32, #tpu.memory_space<vmem>> -> memref<50x512xf32, #tpu.memory_space<vmem>>
    %dma_wait3A_33 = arith.constant 0 : i32
    %dma_wait3A_34 = arith.constant 0 : i32
    %dma_wait3A_35 = tpu.memref_slice %arg4[%dma_wait3A_33, %dma_wait3A_34] : memref<100000x512xf32, #tpu.memory_space<hbm>> -> memref<50x512xf32, #tpu.memory_space<hbm>>
    %dma_wait3A_36 = arith.constant 0 : i32
    %dma_wait3A_37 = arith.constant 0 : i32
    %dma_wait3A_38 = tpu.memref_slice %arg8[%dma_wait3A, %dma_wait3A_36, %dma_wait3A_37] : memref<3x50x512xf32, #tpu.memory_space<vmem>> -> memref<1x50x512xf32, #tpu.memory_space<vmem>>
    %dma_wait3A_39 = tpu.memref_squeeze %dma_wait3A_38 : memref<1x50x512xf32, #tpu.memory_space<vmem>> -> memref<50x512xf32, #tpu.memory_space<vmem>>
    %dma_wait3A_40 = arith.constant 0 : i32
    %dma_wait3A_41 = arith.constant 0 : i32
    %dma_wait3A_42 = tpu.memref_slice %arg4[%dma_wait3A_40, %dma_wait3A_41] : memref<100000x512xf32, #tpu.memory_space<hbm>> -> memref<50x512xf32, #tpu.memory_space<hbm>>
    tpu.wait_dma2 semaphore(%arg9 : memref<!tpu.dma_semaphore, #tpu.memory_space<semaphore_mem>>) src(%dma_wait3A_42 : memref<50x512xf32, #tpu.memory_space<hbm>>) dst(%dma_wait3A_39 : memref<50x512xf32, #tpu.memory_space<vmem>>)
    %dma_wait3A_43 = arith.constant 2 : i32
    %dma_wait3A_44 = arith.constant 0 : i32
    %dma_wait3A_45 = arith.constant 0 : i32
    %dma_wait3A_46 = arith.constant 0 : i32
    %dma_wait3A_47 = tpu.memref_slice %arg8[%dma_wait3A_43, %dma_wait3A_45, %dma_wait3A_46] : memref<3x50x512xf32, #tpu.memory_space<vmem>> -> memref<1x50x512xf32, #tpu.memory_space<vmem>>
    %dma_wait3A_48 = tpu.memref_squeeze %dma_wait3A_47 : memref<1x50x512xf32, #tpu.memory_space<vmem>> -> memref<50x512xf32, #tpu.memory_space<vmem>>
    %dma_wait3A_49 = arith.constant 0 : i32
    %dma_wait3A_50 = arith.constant 0 : i32
    %dma_wait3A_51 = tpu.memref_slice %arg5[%dma_wait3A_44, %dma_wait3A_49, %dma_wait3A_50] : memref<1024x50x512xf32, #tpu.memory_space<hbm>> -> memref<1x50x512xf32, #tpu.memory_space<hbm>>
    %dma_wait3A_52 = tpu.memref_squeeze %dma_wait3A_51 : memref<1x50x512xf32, #tpu.memory_space<hbm>> -> memref<50x512xf32, #tpu.memory_space<hbm>>
    %dma_wait3A_53 = arith.constant 0 : i32
    %dma_wait3A_54 = arith.constant 0 : i32
    %dma_wait3A_55 = tpu.memref_slice %arg5[%dma_wait3A_44, %dma_wait3A_53, %dma_wait3A_54] : memref<1024x50x512xf32, #tpu.memory_space<hbm>> -> memref<1x50x512xf32, #tpu.memory_space<hbm>>
    %dma_wait3A_56 = tpu.memref_squeeze %dma_wait3A_55 : memref<1x50x512xf32, #tpu.memory_space<hbm>> -> memref<50x512xf32, #tpu.memory_space<hbm>>
    %dma_wait3A_57 = arith.constant 0 : i32
    %dma_wait3A_58 = arith.constant 0 : i32
    %dma_wait3A_59 = tpu.memref_slice %arg8[%dma_wait3A_43, %dma_wait3A_57, %dma_wait3A_58] : memref<3x50x512xf32, #tpu.memory_space<vmem>> -> memref<1x50x512xf32, #tpu.memory_space<vmem>>
    %dma_wait3A_60 = tpu.memref_squeeze %dma_wait3A_59 : memref<1x50x512xf32, #tpu.memory_space<vmem>> -> memref<50x512xf32, #tpu.memory_space<vmem>>
    tpu.wait_dma2 semaphore(%arg14 : memref<!tpu.dma_semaphore, #tpu.memory_space<semaphore_mem>>) src(%dma_wait3A_60 : memref<50x512xf32, #tpu.memory_space<vmem>>) dst(%dma_wait3A_56 : memref<50x512xf32, #tpu.memory_space<hbm>>)
    %dma_start3A_61 = arith.constant 29 : i32
    %dma_start3A_62 = arith.constant 2 : i32
    %dma_start3A_63 = arith.constant 0 : i32
    %dma_start3A_64 = arith.constant 0 : i32
    %dma_start3A_65 = tpu.memref_slice %arg8[%dma_start3A_62, %dma_start3A_63, %dma_start3A_64] : memref<3x50x512xf32, #tpu.memory_space<vmem>> -> memref<1x50x512xf32, #tpu.memory_space<vmem>>
    %dma_start3A_66 = tpu.memref_squeeze %dma_start3A_65 : memref<1x50x512xf32, #tpu.memory_space<vmem>> -> memref<50x512xf32, #tpu.memory_space<vmem>>
    %dma_start3A_67 = arith.constant 0 : i32
    %dma_start3A_68 = tpu.memref_slice %arg6[%dma_start3A_61, %dma_start3A_67] : memref<32x50xi32, #tpu.memory_space<vmem>> -> memref<1x50xi32, #tpu.memory_space<vmem>>
    %dma_start3A_69 = tpu.memref_squeeze %dma_start3A_68 : memref<1x50xi32, #tpu.memory_space<vmem>> -> memref<50xi32, #tpu.memory_space<vmem>>
    %dma_start3A_70 = arith.constant 0 : i32
    %dma_start3A_71 = arith.constant 0 : i32
    %dma_start3A_72 = tpu.memref_slice %arg4[%dma_start3A_70, %dma_start3A_71] : memref<100000x512xf32, #tpu.memory_space<hbm>> -> memref<100000x512xf32, #tpu.memory_space<hbm>>
    tpu.enqueue_indirect_dma source(%dma_start3A_72 : memref<100000x512xf32, #tpu.memory_space<hbm>>) target(%dma_start3A_66 : memref<50x512xf32, #tpu.memory_space<vmem>>) offsets(%dma_start3A_69 : memref<50xi32, #tpu.memory_space<vmem>>) semaphore(%arg11 : memref<!tpu.dma_semaphore, #tpu.memory_space<semaphore_mem>>)
    %scan3A_73 = arith.constant 0 : i32
    %scan3A_74 = arith.constant 0 : i32
    %scan3A_75 = arith.constant 50 : i32
    %scan3A_76 = arith.addi %scan3A_74, %scan3A_75 : i32
    %scan3A_77 = arith.constant 1 : i32
    scf.for %scan3A_382 = %scan3A_74 to %scan3A_76 step %scan3A_77  : i32 {
      %get3A = arith.index_cast %scan3A_382 : i32 to index
      %get3A_383 = arith.constant 0 : index
      %get3A_384 = tpu.vector_load %arg7[%get3A, %get3A_383] {strides = array<i32>} : memref<50x512xf32, #tpu.memory_space<vmem>>, vector<1x16xf32>,
      %get3A_385 = vector.shape_cast %get3A_384 : vector<1x16xf32> to vector<16xf32>
      %get3A_386 = arith.index_cast %scan3A_382 : i32 to index
      %get3A_387 = arith.constant 16 : index
      %get3A_388 = tpu.vector_load %arg7[%get3A_386, %get3A_387] {strides = array<i32>} : memref<50x512xf32, #tpu.memory_space<vmem>>, vector<1x16xf32>,
      %get3A_389 = vector.shape_cast %get3A_388 : vector<1x16xf32> to vector<16xf32>
      %get3A_390 = arith.index_cast %scan3A_382 : i32 to index
      %get3A_391 = arith.constant 32 : index
      %get3A_392 = tpu.vector_load %arg7[%get3A_390, %get3A_391] {strides = array<i32>} : memref<50x512xf32, #tpu.memory_space<vmem>>, vector<1x16xf32>,
      %get3A_393 = vector.shape_cast %get3A_392 : vector<1x16xf32> to vector<16xf32>
      %get3A_394 = arith.index_cast %scan3A_382 : i32 to index
      %get3A_395 = arith.constant 48 : index
      %get3A_396 = tpu.vector_load %arg7[%get3A_394, %get3A_395] {strides = array<i32>} : memref<50x512xf32, #tpu.memory_space<vmem>>, vector<1x16xf32>,
      %get3A_397 = vector.shape_cast %get3A_396 : vector<1x16xf32> to vector<16xf32>
      %get3A_398 = arith.index_cast %scan3A_382 : i32 to index
      %get3A_399 = arith.constant 64 : index
      %get3A_400 = tpu.vector_load %arg7[%get3A_398, %get3A_399] {strides = array<i32>} : memref<50x512xf32, #tpu.memory_space<vmem>>, vector<1x16xf32>,
      %get3A_401 = vector.shape_cast %get3A_400 : vector<1x16xf32> to vector<16xf32>
      %get3A_402 = arith.index_cast %scan3A_382 : i32 to index
      %get3A_403 = arith.constant 80 : index
      %get3A_404 = tpu.vector_load %arg7[%get3A_402, %get3A_403] {strides = array<i32>} : memref<50x512xf32, #tpu.memory_space<vmem>>, vector<1x16xf32>,
      %get3A_405 = vector.shape_cast %get3A_404 : vector<1x16xf32> to vector<16xf32>
      %get3A_406 = arith.index_cast %scan3A_382 : i32 to index
      %get3A_407 = arith.constant 96 : index
      %get3A_408 = tpu.vector_load %arg7[%get3A_406, %get3A_407] {strides = array<i32>} : memref<50x512xf32, #tpu.memory_space<vmem>>, vector<1x16xf32>,
      %get3A_409 = vector.shape_cast %get3A_408 : vector<1x16xf32> to vector<16xf32>
      %get3A_410 = arith.index_cast %scan3A_382 : i32 to index
      %get3A_411 = arith.constant 112 : index
      %get3A_412 = tpu.vector_load %arg7[%get3A_410, %get3A_411] {strides = array<i32>} : memref<50x512xf32, #tpu.memory_space<vmem>>, vector<1x16xf32>,
      %get3A_413 = vector.shape_cast %get3A_412 : vector<1x16xf32> to vector<16xf32>
      %get3A_414 = arith.index_cast %scan3A_382 : i32 to index
      %get3A_415 = arith.constant 128 : index
      %get3A_416 = tpu.vector_load %arg7[%get3A_414, %get3A_415] {strides = array<i32>} : memref<50x512xf32, #tpu.memory_space<vmem>>, vector<1x16xf32>,
      %get3A_417 = vector.shape_cast %get3A_416 : vector<1x16xf32> to vector<16xf32>
      %get3A_418 = arith.index_cast %scan3A_382 : i32 to index
      %get3A_419 = arith.constant 144 : index
      %get3A_420 = tpu.vector_load %arg7[%get3A_418, %get3A_419] {strides = array<i32>} : memref<50x512xf32, #tpu.memory_space<vmem>>, vector<1x16xf32>,
      %get3A_421 = vector.shape_cast %get3A_420 : vector<1x16xf32> to vector<16xf32>
      %get3A_422 = arith.index_cast %scan3A_382 : i32 to index
      %get3A_423 = arith.constant 160 : index
      %get3A_424 = tpu.vector_load %arg7[%get3A_422, %get3A_423] {strides = array<i32>} : memref<50x512xf32, #tpu.memory_space<vmem>>, vector<1x16xf32>,
      %get3A_425 = vector.shape_cast %get3A_424 : vector<1x16xf32> to vector<16xf32>
      %get3A_426 = arith.index_cast %scan3A_382 : i32 to index
      %get3A_427 = arith.constant 176 : index
      %get3A_428 = tpu.vector_load %arg7[%get3A_426, %get3A_427] {strides = array<i32>} : memref<50x512xf32, #tpu.memory_space<vmem>>, vector<1x16xf32>,
      %get3A_429 = vector.shape_cast %get3A_428 : vector<1x16xf32> to vector<16xf32>
      %get3A_430 = arith.index_cast %scan3A_382 : i32 to index
      %get3A_431 = arith.constant 192 : index
      %get3A_432 = tpu.vector_load %arg7[%get3A_430, %get3A_431] {strides = array<i32>} : memref<50x512xf32, #tpu.memory_space<vmem>>, vector<1x16xf32>,
      %get3A_433 = vector.shape_cast %get3A_432 : vector<1x16xf32> to vector<16xf32>
      %get3A_434 = arith.index_cast %scan3A_382 : i32 to index
      %get3A_435 = arith.constant 208 : index
      %get3A_436 = tpu.vector_load %arg7[%get3A_434, %get3A_435] {strides = array<i32>} : memref<50x512xf32, #tpu.memory_space<vmem>>, vector<1x16xf32>,
      %get3A_437 = vector.shape_cast %get3A_436 : vector<1x16xf32> to vector<16xf32>
      %get3A_438 = arith.index_cast %scan3A_382 : i32 to index
      %get3A_439 = arith.constant 224 : index
      %get3A_440 = tpu.vector_load %arg7[%get3A_438, %get3A_439] {strides = array<i32>} : memref<50x512xf32, #tpu.memory_space<vmem>>, vector<1x16xf32>,
      %get3A_441 = vector.shape_cast %get3A_440 : vector<1x16xf32> to vector<16xf32>
      %get3A_442 = arith.index_cast %scan3A_382 : i32 to index
      %get3A_443 = arith.constant 240 : index
      %get3A_444 = tpu.vector_load %arg7[%get3A_442, %get3A_443] {strides = array<i32>} : memref<50x512xf32, #tpu.memory_space<vmem>>, vector<1x16xf32>,
      %get3A_445 = vector.shape_cast %get3A_444 : vector<1x16xf32> to vector<16xf32>
      %get3A_446 = arith.index_cast %scan3A_382 : i32 to index
      %get3A_447 = arith.constant 256 : index
      %get3A_448 = tpu.vector_load %arg7[%get3A_446, %get3A_447] {strides = array<i32>} : memref<50x512xf32, #tpu.memory_space<vmem>>, vector<1x16xf32>,
      %get3A_449 = vector.shape_cast %get3A_448 : vector<1x16xf32> to vector<16xf32>
      %get3A_450 = arith.index_cast %scan3A_382 : i32 to index
      %get3A_451 = arith.constant 272 : index
      %get3A_452 = tpu.vector_load %arg7[%get3A_450, %get3A_451] {strides = array<i32>} : memref<50x512xf32, #tpu.memory_space<vmem>>, vector<1x16xf32>,
      %get3A_453 = vector.shape_cast %get3A_452 : vector<1x16xf32> to vector<16xf32>
      %get3A_454 = arith.index_cast %scan3A_382 : i32 to index
      %get3A_455 = arith.constant 288 : index
      %get3A_456 = tpu.vector_load %arg7[%get3A_454, %get3A_455] {strides = array<i32>} : memref<50x512xf32, #tpu.memory_space<vmem>>, vector<1x16xf32>,
      %get3A_457 = vector.shape_cast %get3A_456 : vector<1x16xf32> to vector<16xf32>
      %get3A_458 = arith.index_cast %scan3A_382 : i32 to index
      %get3A_459 = arith.constant 304 : index
      %get3A_460 = tpu.vector_load %arg7[%get3A_458, %get3A_459] {strides = array<i32>} : memref<50x512xf32, #tpu.memory_space<vmem>>, vector<1x16xf32>,
      %get3A_461 = vector.shape_cast %get3A_460 : vector<1x16xf32> to vector<16xf32>
      %get3A_462 = arith.index_cast %scan3A_382 : i32 to index
      %get3A_463 = arith.constant 320 : index
      %get3A_464 = tpu.vector_load %arg7[%get3A_462, %get3A_463] {strides = array<i32>} : memref<50x512xf32, #tpu.memory_space<vmem>>, vector<1x16xf32>,
      %get3A_465 = vector.shape_cast %get3A_464 : vector<1x16xf32> to vector<16xf32>
      %get3A_466 = arith.index_cast %scan3A_382 : i32 to index
      %get3A_467 = arith.constant 336 : index
      %get3A_468 = tpu.vector_load %arg7[%get3A_466, %get3A_467] {strides = array<i32>} : memref<50x512xf32, #tpu.memory_space<vmem>>, vector<1x16xf32>,
      %get3A_469 = vector.shape_cast %get3A_468 : vector<1x16xf32> to vector<16xf32>
      %get3A_470 = arith.index_cast %scan3A_382 : i32 to index
      %get3A_471 = arith.constant 352 : index
      %get3A_472 = tpu.vector_load %arg7[%get3A_470, %get3A_471] {strides = array<i32>} : memref<50x512xf32, #tpu.memory_space<vmem>>, vector<1x16xf32>,
      %get3A_473 = vector.shape_cast %get3A_472 : vector<1x16xf32> to vector<16xf32>
      %get3A_474 = arith.index_cast %scan3A_382 : i32 to index
      %get3A_475 = arith.constant 368 : index
      %get3A_476 = tpu.vector_load %arg7[%get3A_474, %get3A_475] {strides = array<i32>} : memref<50x512xf32, #tpu.memory_space<vmem>>, vector<1x16xf32>,
      %get3A_477 = vector.shape_cast %get3A_476 : vector<1x16xf32> to vector<16xf32>
      %get3A_478 = arith.index_cast %scan3A_382 : i32 to index
      %get3A_479 = arith.constant 384 : index
      %get3A_480 = tpu.vector_load %arg7[%get3A_478, %get3A_479] {strides = array<i32>} : memref<50x512xf32, #tpu.memory_space<vmem>>, vector<1x16xf32>,
      %get3A_481 = vector.shape_cast %get3A_480 : vector<1x16xf32> to vector<16xf32>
      %get3A_482 = arith.index_cast %scan3A_382 : i32 to index
      %get3A_483 = arith.constant 400 : index
      %get3A_484 = tpu.vector_load %arg7[%get3A_482, %get3A_483] {strides = array<i32>} : memref<50x512xf32, #tpu.memory_space<vmem>>, vector<1x16xf32>,
      %get3A_485 = vector.shape_cast %get3A_484 : vector<1x16xf32> to vector<16xf32>
      %get3A_486 = arith.index_cast %scan3A_382 : i32 to index
      %get3A_487 = arith.constant 416 : index
      %get3A_488 = tpu.vector_load %arg7[%get3A_486, %get3A_487] {strides = array<i32>} : memref<50x512xf32, #tpu.memory_space<vmem>>, vector<1x16xf32>,
      %get3A_489 = vector.shape_cast %get3A_488 : vector<1x16xf32> to vector<16xf32>
      %get3A_490 = arith.index_cast %scan3A_382 : i32 to index
      %get3A_491 = arith.constant 432 : index
      %get3A_492 = tpu.vector_load %arg7[%get3A_490, %get3A_491] {strides = array<i32>} : memref<50x512xf32, #tpu.memory_space<vmem>>, vector<1x16xf32>,
      %get3A_493 = vector.shape_cast %get3A_492 : vector<1x16xf32> to vector<16xf32>
      %get3A_494 = arith.index_cast %scan3A_382 : i32 to index
      %get3A_495 = arith.constant 448 : index
      %get3A_496 = tpu.vector_load %arg7[%get3A_494, %get3A_495] {strides = array<i32>} : memref<50x512xf32, #tpu.memory_space<vmem>>, vector<1x16xf32>,
      %get3A_497 = vector.shape_cast %get3A_496 : vector<1x16xf32> to vector<16xf32>
      %get3A_498 = arith.index_cast %scan3A_382 : i32 to index
      %get3A_499 = arith.constant 464 : index
      %get3A_500 = tpu.vector_load %arg7[%get3A_498, %get3A_499] {strides = array<i32>} : memref<50x512xf32, #tpu.memory_space<vmem>>, vector<1x16xf32>,
      %get3A_501 = vector.shape_cast %get3A_500 : vector<1x16xf32> to vector<16xf32>
      %get3A_502 = arith.index_cast %scan3A_382 : i32 to index
      %get3A_503 = arith.constant 480 : index
      %get3A_504 = tpu.vector_load %arg7[%get3A_502, %get3A_503] {strides = array<i32>} : memref<50x512xf32, #tpu.memory_space<vmem>>, vector<1x16xf32>,
      %get3A_505 = vector.shape_cast %get3A_504 : vector<1x16xf32> to vector<16xf32>
      %get3A_506 = arith.index_cast %scan3A_382 : i32 to index
      %get3A_507 = arith.constant 496 : index
      %get3A_508 = tpu.vector_load %arg7[%get3A_506, %get3A_507] {strides = array<i32>} : memref<50x512xf32, #tpu.memory_space<vmem>>, vector<1x16xf32>,
      %get3A_509 = vector.shape_cast %get3A_508 : vector<1x16xf32> to vector<16xf32>
      %swap3A = arith.index_cast %scan3A_73 : i32 to index
      %swap3A_510 = arith.index_cast %scan3A_382 : i32 to index
      %swap3A_511 = arith.constant 0 : index
      %swap3A_512 = tpu.vector_load %arg8[%swap3A, %swap3A_510, %swap3A_511] {strides = array<i32>} : memref<3x50x512xf32, #tpu.memory_space<vmem>>, vector<1x1x16xf32>,
      %swap3A_513 = vector.shape_cast %swap3A_512 : vector<1x1x16xf32> to vector<16xf32>
      %swap3A_514 = vector.shape_cast %get3A_385 : vector<16xf32> to vector<1x1x16xf32>
      tpu.vector_store %arg8[%swap3A, %swap3A_510, %swap3A_511], %swap3A_514 {add = true, strides = array<i32>} : memref<3x50x512xf32, #tpu.memory_space<vmem>>, vector<1x1x16xf32>,
      %swap3A_515 = arith.index_cast %scan3A_73 : i32 to index
      %swap3A_516 = arith.index_cast %scan3A_382 : i32 to index
      %swap3A_517 = arith.constant 16 : index
      %swap3A_518 = tpu.vector_load %arg8[%swap3A_515, %swap3A_516, %swap3A_517] {strides = array<i32>} : memref<3x50x512xf32, #tpu.memory_space<vmem>>, vector<1x1x16xf32>,
      %swap3A_519 = vector.shape_cast %swap3A_518 : vector<1x1x16xf32> to vector<16xf32>
      %swap3A_520 = vector.shape_cast %get3A_389 : vector<16xf32> to vector<1x1x16xf32>
      tpu.vector_store %arg8[%swap3A_515, %swap3A_516, %swap3A_517], %swap3A_520 {add = true, strides = array<i32>} : memref<3x50x512xf32, #tpu.memory_space<vmem>>, vector<1x1x16xf32>,
      %swap3A_521 = arith.index_cast %scan3A_73 : i32 to index
      %swap3A_522 = arith.index_cast %scan3A_382 : i32 to index
      %swap3A_523 = arith.constant 32 : index
      %swap3A_524 = tpu.vector_load %arg8[%swap3A_521, %swap3A_522, %swap3A_523] {strides = array<i32>} : memref<3x50x512xf32, #tpu.memory_space<vmem>>, vector<1x1x16xf32>,
      %swap3A_525 = vector.shape_cast %swap3A_524 : vector<1x1x16xf32> to vector<16xf32>
      %swap3A_526 = vector.shape_cast %get3A_393 : vector<16xf32> to vector<1x1x16xf32>
      tpu.vector_store %arg8[%swap3A_521, %swap3A_522, %swap3A_523], %swap3A_526 {add = true, strides = array<i32>} : memref<3x50x512xf32, #tpu.memory_space<vmem>>, vector<1x1x16xf32>,
      %swap3A_527 = arith.index_cast %scan3A_73 : i32 to index
      %swap3A_528 = arith.index_cast %scan3A_382 : i32 to index
      %swap3A_529 = arith.constant 48 : index
      %swap3A_530 = tpu.vector_load %arg8[%swap3A_527, %swap3A_528, %swap3A_529] {strides = array<i32>} : memref<3x50x512xf32, #tpu.memory_space<vmem>>, vector<1x1x16xf32>,
      %swap3A_531 = vector.shape_cast %swap3A_530 : vector<1x1x16xf32> to vector<16xf32>
      %swap3A_532 = vector.shape_cast %get3A_397 : vector<16xf32> to vector<1x1x16xf32>
      tpu.vector_store %arg8[%swap3A_527, %swap3A_528, %swap3A_529], %swap3A_532 {add = true, strides = array<i32>} : memref<3x50x512xf32, #tpu.memory_space<vmem>>, vector<1x1x16xf32>,
      %swap3A_533 = arith.index_cast %scan3A_73 : i32 to index
      %swap3A_534 = arith.index_cast %scan3A_382 : i32 to index
      %swap3A_535 = arith.constant 64 : index
      %swap3A_536 = tpu.vector_load %arg8[%swap3A_533, %swap3A_534, %swap3A_535] {strides = array<i32>} : memref<3x50x512xf32, #tpu.memory_space<vmem>>, vector<1x1x16xf32>,
      %swap3A_537 = vector.shape_cast %swap3A_536 : vector<1x1x16xf32> to vector<16xf32>
      %swap3A_538 = vector.shape_cast %get3A_401 : vector<16xf32> to vector<1x1x16xf32>
      tpu.vector_store %arg8[%swap3A_533, %swap3A_534, %swap3A_535], %swap3A_538 {add = true, strides = array<i32>} : memref<3x50x512xf32, #tpu.memory_space<vmem>>, vector<1x1x16xf32>,
      %swap3A_539 = arith.index_cast %scan3A_73 : i32 to index
      %swap3A_540 = arith.index_cast %scan3A_382 : i32 to index
      %swap3A_541 = arith.constant 80 : index
      %swap3A_542 = tpu.vector_load %arg8[%swap3A_539, %swap3A_540, %swap3A_541] {strides = array<i32>} : memref<3x50x512xf32, #tpu.memory_space<vmem>>, vector<1x1x16xf32>,
      %swap3A_543 = vector.shape_cast %swap3A_542 : vector<1x1x16xf32> to vector<16xf32>
      %swap3A_544 = vector.shape_cast %get3A_405 : vector<16xf32> to vector<1x1x16xf32>
      tpu.vector_store %arg8[%swap3A_539, %swap3A_540, %swap3A_541], %swap3A_544 {add = true, strides = array<i32>} : memref<3x50x512xf32, #tpu.memory_space<vmem>>, vector<1x1x16xf32>,
      %swap3A_545 = arith.index_cast %scan3A_73 : i32 to index
      %swap3A_546 = arith.index_cast %scan3A_382 : i32 to index
      %swap3A_547 = arith.constant 96 : index
      %swap3A_548 = tpu.vector_load %arg8[%swap3A_545, %swap3A_546, %swap3A_547] {strides = array<i32>} : memref<3x50x512xf32, #tpu.memory_space<vmem>>, vector<1x1x16xf32>,
      %swap3A_549 = vector.shape_cast %swap3A_548 : vector<1x1x16xf32> to vector<16xf32>
      %swap3A_550 = vector.shape_cast %get3A_409 : vector<16xf32> to vector<1x1x16xf32>
      tpu.vector_store %arg8[%swap3A_545, %swap3A_546, %swap3A_547], %swap3A_550 {add = true, strides = array<i32>} : memref<3x50x512xf32, #tpu.memory_space<vmem>>, vector<1x1x16xf32>,
      %swap3A_551 = arith.index_cast %scan3A_73 : i32 to index
      %swap3A_552 = arith.index_cast %scan3A_382 : i32 to index
      %swap3A_553 = arith.constant 112 : index
      %swap3A_554 = tpu.vector_load %arg8[%swap3A_551, %swap3A_552, %swap3A_553] {strides = array<i32>} : memref<3x50x512xf32, #tpu.memory_space<vmem>>, vector<1x1x16xf32>,
      %swap3A_555 = vector.shape_cast %swap3A_554 : vector<1x1x16xf32> to vector<16xf32>
      %swap3A_556 = vector.shape_cast %get3A_413 : vector<16xf32> to vector<1x1x16xf32>
      tpu.vector_store %arg8[%swap3A_551, %swap3A_552, %swap3A_553], %swap3A_556 {add = true, strides = array<i32>} : memref<3x50x512xf32, #tpu.memory_space<vmem>>, vector<1x1x16xf32>,
      %swap3A_557 = arith.index_cast %scan3A_73 : i32 to index
      %swap3A_558 = arith.index_cast %scan3A_382 : i32 to index
      %swap3A_559 = arith.constant 128 : index
      %swap3A_560 = tpu.vector_load %arg8[%swap3A_557, %swap3A_558, %swap3A_559] {strides = array<i32>} : memref<3x50x512xf32, #tpu.memory_space<vmem>>, vector<1x1x16xf32>,
      %swap3A_561 = vector.shape_cast %swap3A_560 : vector<1x1x16xf32> to vector<16xf32>
      %swap3A_562 = vector.shape_cast %get3A_417 : vector<16xf32> to vector<1x1x16xf32>
      tpu.vector_store %arg8[%swap3A_557, %swap3A_558, %swap3A_559], %swap3A_562 {add = true, strides = array<i32>} : memref<3x50x512xf32, #tpu.memory_space<vmem>>, vector<1x1x16xf32>,
      %swap3A_563 = arith.index_cast %scan3A_73 : i32 to index
      %swap3A_564 = arith.index_cast %scan3A_382 : i32 to index
      %swap3A_565 = arith.constant 144 : index
      %swap3A_566 = tpu.vector_load %arg8[%swap3A_563, %swap3A_564, %swap3A_565] {strides = array<i32>} : memref<3x50x512xf32, #tpu.memory_space<vmem>>, vector<1x1x16xf32>,
      %swap3A_567 = vector.shape_cast %swap3A_566 : vector<1x1x16xf32> to vector<16xf32>
      %swap3A_568 = vector.shape_cast %get3A_421 : vector<16xf32> to vector<1x1x16xf32>
      tpu.vector_store %arg8[%swap3A_563, %swap3A_564, %swap3A_565], %swap3A_568 {add = true, strides = array<i32>} : memref<3x50x512xf32, #tpu.memory_space<vmem>>, vector<1x1x16xf32>,
      %swap3A_569 = arith.index_cast %scan3A_73 : i32 to index
      %swap3A_570 = arith.index_cast %scan3A_382 : i32 to index
      %swap3A_571 = arith.constant 160 : index
      %swap3A_572 = tpu.vector_load %arg8[%swap3A_569, %swap3A_570, %swap3A_571] {strides = array<i32>} : memref<3x50x512xf32, #tpu.memory_space<vmem>>, vector<1x1x16xf32>,
      %swap3A_573 = vector.shape_cast %swap3A_572 : vector<1x1x16xf32> to vector<16xf32>
      %swap3A_574 = vector.shape_cast %get3A_425 : vector<16xf32> to vector<1x1x16xf32>
      tpu.vector_store %arg8[%swap3A_569, %swap3A_570, %swap3A_571], %swap3A_574 {add = true, strides = array<i32>} : memref<3x50x512xf32, #tpu.memory_space<vmem>>, vector<1x1x16xf32>,
      %swap3A_575 = arith.index_cast %scan3A_73 : i32 to index
      %swap3A_576 = arith.index_cast %scan3A_382 : i32 to index
      %swap3A_577 = arith.constant 176 : index
      %swap3A_578 = tpu.vector_load %arg8[%swap3A_575, %swap3A_576, %swap3A_577] {strides = array<i32>} : memref<3x50x512xf32, #tpu.memory_space<vmem>>, vector<1x1x16xf32>,
      %swap3A_579 = vector.shape_cast %swap3A_578 : vector<1x1x16xf32> to vector<16xf32>
      %swap3A_580 = vector.shape_cast %get3A_429 : vector<16xf32> to vector<1x1x16xf32>
      tpu.vector_store %arg8[%swap3A_575, %swap3A_576, %swap3A_577], %swap3A_580 {add = true, strides = array<i32>} : memref<3x50x512xf32, #tpu.memory_space<vmem>>, vector<1x1x16xf32>,
      %swap3A_581 = arith.index_cast %scan3A_73 : i32 to index
      %swap3A_582 = arith.index_cast %scan3A_382 : i32 to index
      %swap3A_583 = arith.constant 192 : index
      %swap3A_584 = tpu.vector_load %arg8[%swap3A_581, %swap3A_582, %swap3A_583] {strides = array<i32>} : memref<3x50x512xf32, #tpu.memory_space<vmem>>, vector<1x1x16xf32>,
      %swap3A_585 = vector.shape_cast %swap3A_584 : vector<1x1x16xf32> to vector<16xf32>
      %swap3A_586 = vector.shape_cast %get3A_433 : vector<16xf32> to vector<1x1x16xf32>
      tpu.vector_store %arg8[%swap3A_581, %swap3A_582, %swap3A_583], %swap3A_586 {add = true, strides = array<i32>} : memref<3x50x512xf32, #tpu.memory_space<vmem>>, vector<1x1x16xf32>,
      %swap3A_587 = arith.index_cast %scan3A_73 : i32 to index
      %swap3A_588 = arith.index_cast %scan3A_382 : i32 to index
      %swap3A_589 = arith.constant 208 : index
      %swap3A_590 = tpu.vector_load %arg8[%swap3A_587, %swap3A_588, %swap3A_589] {strides = array<i32>} : memref<3x50x512xf32, #tpu.memory_space<vmem>>, vector<1x1x16xf32>,
      %swap3A_591 = vector.shape_cast %swap3A_590 : vector<1x1x16xf32> to vector<16xf32>
      %swap3A_592 = vector.shape_cast %get3A_437 : vector<16xf32> to vector<1x1x16xf32>
      tpu.vector_store %arg8[%swap3A_587, %swap3A_588, %swap3A_589], %swap3A_592 {add = true, strides = array<i32>} : memref<3x50x512xf32, #tpu.memory_space<vmem>>, vector<1x1x16xf32>,
      %swap3A_593 = arith.index_cast %scan3A_73 : i32 to index
      %swap3A_594 = arith.index_cast %scan3A_382 : i32 to index
      %swap3A_595 = arith.constant 224 : index
      %swap3A_596 = tpu.vector_load %arg8[%swap3A_593, %swap3A_594, %swap3A_595] {strides = array<i32>} : memref<3x50x512xf32, #tpu.memory_space<vmem>>, vector<1x1x16xf32>,
      %swap3A_597 = vector.shape_cast %swap3A_596 : vector<1x1x16xf32> to vector<16xf32>
      %swap3A_598 = vector.shape_cast %get3A_441 : vector<16xf32> to vector<1x1x16xf32>
      tpu.vector_store %arg8[%swap3A_593, %swap3A_594, %swap3A_595], %swap3A_598 {add = true, strides = array<i32>} : memref<3x50x512xf32, #tpu.memory_space<vmem>>, vector<1x1x16xf32>,
      %swap3A_599 = arith.index_cast %scan3A_73 : i32 to index
      %swap3A_600 = arith.index_cast %scan3A_382 : i32 to index
      %swap3A_601 = arith.constant 240 : index
      %swap3A_602 = tpu.vector_load %arg8[%swap3A_599, %swap3A_600, %swap3A_601] {strides = array<i32>} : memref<3x50x512xf32, #tpu.memory_space<vmem>>, vector<1x1x16xf32>,
      %swap3A_603 = vector.shape_cast %swap3A_602 : vector<1x1x16xf32> to vector<16xf32>
      %swap3A_604 = vector.shape_cast %get3A_445 : vector<16xf32> to vector<1x1x16xf32>
      tpu.vector_store %arg8[%swap3A_599, %swap3A_600, %swap3A_601], %swap3A_604 {add = true, strides = array<i32>} : memref<3x50x512xf32, #tpu.memory_space<vmem>>, vector<1x1x16xf32>,
      %swap3A_605 = arith.index_cast %scan3A_73 : i32 to index
      %swap3A_606 = arith.index_cast %scan3A_382 : i32 to index
      %swap3A_607 = arith.constant 256 : index
      %swap3A_608 = tpu.vector_load %arg8[%swap3A_605, %swap3A_606, %swap3A_607] {strides = array<i32>} : memref<3x50x512xf32, #tpu.memory_space<vmem>>, vector<1x1x16xf32>,
      %swap3A_609 = vector.shape_cast %swap3A_608 : vector<1x1x16xf32> to vector<16xf32>
      %swap3A_610 = vector.shape_cast %get3A_449 : vector<16xf32> to vector<1x1x16xf32>
      tpu.vector_store %arg8[%swap3A_605, %swap3A_606, %swap3A_607], %swap3A_610 {add = true, strides = array<i32>} : memref<3x50x512xf32, #tpu.memory_space<vmem>>, vector<1x1x16xf32>,
      %swap3A_611 = arith.index_cast %scan3A_73 : i32 to index
      %swap3A_612 = arith.index_cast %scan3A_382 : i32 to index
      %swap3A_613 = arith.constant 272 : index
      %swap3A_614 = tpu.vector_load %arg8[%swap3A_611, %swap3A_612, %swap3A_613] {strides = array<i32>} : memref<3x50x512xf32, #tpu.memory_space<vmem>>, vector<1x1x16xf32>,
      %swap3A_615 = vector.shape_cast %swap3A_614 : vector<1x1x16xf32> to vector<16xf32>
      %swap3A_616 = vector.shape_cast %get3A_453 : vector<16xf32> to vector<1x1x16xf32>
      tpu.vector_store %arg8[%swap3A_611, %swap3A_612, %swap3A_613], %swap3A_616 {add = true, strides = array<i32>} : memref<3x50x512xf32, #tpu.memory_space<vmem>>, vector<1x1x16xf32>,
      %swap3A_617 = arith.index_cast %scan3A_73 : i32 to index
      %swap3A_618 = arith.index_cast %scan3A_382 : i32 to index
      %swap3A_619 = arith.constant 288 : index
      %swap3A_620 = tpu.vector_load %arg8[%swap3A_617, %swap3A_618, %swap3A_619] {strides = array<i32>} : memref<3x50x512xf32, #tpu.memory_space<vmem>>, vector<1x1x16xf32>,
      %swap3A_621 = vector.shape_cast %swap3A_620 : vector<1x1x16xf32> to vector<16xf32>
      %swap3A_622 = vector.shape_cast %get3A_457 : vector<16xf32> to vector<1x1x16xf32>
      tpu.vector_store %arg8[%swap3A_617, %swap3A_618, %swap3A_619], %swap3A_622 {add = true, strides = array<i32>} : memref<3x50x512xf32, #tpu.memory_space<vmem>>, vector<1x1x16xf32>,
      %swap3A_623 = arith.index_cast %scan3A_73 : i32 to index
      %swap3A_624 = arith.index_cast %scan3A_382 : i32 to index
      %swap3A_625 = arith.constant 304 : index
      %swap3A_626 = tpu.vector_load %arg8[%swap3A_623, %swap3A_624, %swap3A_625] {strides = array<i32>} : memref<3x50x512xf32, #tpu.memory_space<vmem>>, vector<1x1x16xf32>,
      %swap3A_627 = vector.shape_cast %swap3A_626 : vector<1x1x16xf32> to vector<16xf32>
      %swap3A_628 = vector.shape_cast %get3A_461 : vector<16xf32> to vector<1x1x16xf32>
      tpu.vector_store %arg8[%swap3A_623, %swap3A_624, %swap3A_625], %swap3A_628 {add = true, strides = array<i32>} : memref<3x50x512xf32, #tpu.memory_space<vmem>>, vector<1x1x16xf32>,
      %swap3A_629 = arith.index_cast %scan3A_73 : i32 to index
      %swap3A_630 = arith.index_cast %scan3A_382 : i32 to index
      %swap3A_631 = arith.constant 320 : index
      %swap3A_632 = tpu.vector_load %arg8[%swap3A_629, %swap3A_630, %swap3A_631] {strides = array<i32>} : memref<3x50x512xf32, #tpu.memory_space<vmem>>, vector<1x1x16xf32>,
      %swap3A_633 = vector.shape_cast %swap3A_632 : vector<1x1x16xf32> to vector<16xf32>
      %swap3A_634 = vector.shape_cast %get3A_465 : vector<16xf32> to vector<1x1x16xf32>
      tpu.vector_store %arg8[%swap3A_629, %swap3A_630, %swap3A_631], %swap3A_634 {add = true, strides = array<i32>} : memref<3x50x512xf32, #tpu.memory_space<vmem>>, vector<1x1x16xf32>,
      %swap3A_635 = arith.index_cast %scan3A_73 : i32 to index
      %swap3A_636 = arith.index_cast %scan3A_382 : i32 to index
      %swap3A_637 = arith.constant 336 : index
      %swap3A_638 = tpu.vector_load %arg8[%swap3A_635, %swap3A_636, %swap3A_637] {strides = array<i32>} : memref<3x50x512xf32, #tpu.memory_space<vmem>>, vector<1x1x16xf32>,
      %swap3A_639 = vector.shape_cast %swap3A_638 : vector<1x1x16xf32> to vector<16xf32>
      %swap3A_640 = vector.shape_cast %get3A_469 : vector<16xf32> to vector<1x1x16xf32>
      tpu.vector_store %arg8[%swap3A_635, %swap3A_636, %swap3A_637], %swap3A_640 {add = true, strides = array<i32>} : memref<3x50x512xf32, #tpu.memory_space<vmem>>, vector<1x1x16xf32>,
      %swap3A_641 = arith.index_cast %scan3A_73 : i32 to index
      %swap3A_642 = arith.index_cast %scan3A_382 : i32 to index
      %swap3A_643 = arith.constant 352 : index
      %swap3A_644 = tpu.vector_load %arg8[%swap3A_641, %swap3A_642, %swap3A_643] {strides = array<i32>} : memref<3x50x512xf32, #tpu.memory_space<vmem>>, vector<1x1x16xf32>,
      %swap3A_645 = vector.shape_cast %swap3A_644 : vector<1x1x16xf32> to vector<16xf32>
      %swap3A_646 = vector.shape_cast %get3A_473 : vector<16xf32> to vector<1x1x16xf32>
      tpu.vector_store %arg8[%swap3A_641, %swap3A_642, %swap3A_643], %swap3A_646 {add = true, strides = array<i32>} : memref<3x50x512xf32, #tpu.memory_space<vmem>>, vector<1x1x16xf32>,
      %swap3A_647 = arith.index_cast %scan3A_73 : i32 to index
      %swap3A_648 = arith.index_cast %scan3A_382 : i32 to index
      %swap3A_649 = arith.constant 368 : index
      %swap3A_650 = tpu.vector_load %arg8[%swap3A_647, %swap3A_648, %swap3A_649] {strides = array<i32>} : memref<3x50x512xf32, #tpu.memory_space<vmem>>, vector<1x1x16xf32>,
      %swap3A_651 = vector.shape_cast %swap3A_650 : vector<1x1x16xf32> to vector<16xf32>
      %swap3A_652 = vector.shape_cast %get3A_477 : vector<16xf32> to vector<1x1x16xf32>
      tpu.vector_store %arg8[%swap3A_647, %swap3A_648, %swap3A_649], %swap3A_652 {add = true, strides = array<i32>} : memref<3x50x512xf32, #tpu.memory_space<vmem>>, vector<1x1x16xf32>,
      %swap3A_653 = arith.index_cast %scan3A_73 : i32 to index
      %swap3A_654 = arith.index_cast %scan3A_382 : i32 to index
      %swap3A_655 = arith.constant 384 : index
      %swap3A_656 = tpu.vector_load %arg8[%swap3A_653, %swap3A_654, %swap3A_655] {strides = array<i32>} : memref<3x50x512xf32, #tpu.memory_space<vmem>>, vector<1x1x16xf32>,
      %swap3A_657 = vector.shape_cast %swap3A_656 : vector<1x1x16xf32> to vector<16xf32>
      %swap3A_658 = vector.shape_cast %get3A_481 : vector<16xf32> to vector<1x1x16xf32>
      tpu.vector_store %arg8[%swap3A_653, %swap3A_654, %swap3A_655], %swap3A_658 {add = true, strides = array<i32>} : memref<3x50x512xf32, #tpu.memory_space<vmem>>, vector<1x1x16xf32>,
      %swap3A_659 = arith.index_cast %scan3A_73 : i32 to index
      %swap3A_660 = arith.index_cast %scan3A_382 : i32 to index
      %swap3A_661 = arith.constant 400 : index
      %swap3A_662 = tpu.vector_load %arg8[%swap3A_659, %swap3A_660, %swap3A_661] {strides = array<i32>} : memref<3x50x512xf32, #tpu.memory_space<vmem>>, vector<1x1x16xf32>,
      %swap3A_663 = vector.shape_cast %swap3A_662 : vector<1x1x16xf32> to vector<16xf32>
      %swap3A_664 = vector.shape_cast %get3A_485 : vector<16xf32> to vector<1x1x16xf32>
      tpu.vector_store %arg8[%swap3A_659, %swap3A_660, %swap3A_661], %swap3A_664 {add = true, strides = array<i32>} : memref<3x50x512xf32, #tpu.memory_space<vmem>>, vector<1x1x16xf32>,
      %swap3A_665 = arith.index_cast %scan3A_73 : i32 to index
      %swap3A_666 = arith.index_cast %scan3A_382 : i32 to index
      %swap3A_667 = arith.constant 416 : index
      %swap3A_668 = tpu.vector_load %arg8[%swap3A_665, %swap3A_666, %swap3A_667] {strides = array<i32>} : memref<3x50x512xf32, #tpu.memory_space<vmem>>, vector<1x1x16xf32>,
      %swap3A_669 = vector.shape_cast %swap3A_668 : vector<1x1x16xf32> to vector<16xf32>
      %swap3A_670 = vector.shape_cast %get3A_489 : vector<16xf32> to vector<1x1x16xf32>
      tpu.vector_store %arg8[%swap3A_665, %swap3A_666, %swap3A_667], %swap3A_670 {add = true, strides = array<i32>} : memref<3x50x512xf32, #tpu.memory_space<vmem>>, vector<1x1x16xf32>,
      %swap3A_671 = arith.index_cast %scan3A_73 : i32 to index
      %swap3A_672 = arith.index_cast %scan3A_382 : i32 to index
      %swap3A_673 = arith.constant 432 : index
      %swap3A_674 = tpu.vector_load %arg8[%swap3A_671, %swap3A_672, %swap3A_673] {strides = array<i32>} : memref<3x50x512xf32, #tpu.memory_space<vmem>>, vector<1x1x16xf32>,
      %swap3A_675 = vector.shape_cast %swap3A_674 : vector<1x1x16xf32> to vector<16xf32>
      %swap3A_676 = vector.shape_cast %get3A_493 : vector<16xf32> to vector<1x1x16xf32>
      tpu.vector_store %arg8[%swap3A_671, %swap3A_672, %swap3A_673], %swap3A_676 {add = true, strides = array<i32>} : memref<3x50x512xf32, #tpu.memory_space<vmem>>, vector<1x1x16xf32>,
      %swap3A_677 = arith.index_cast %scan3A_73 : i32 to index
      %swap3A_678 = arith.index_cast %scan3A_382 : i32 to index
      %swap3A_679 = arith.constant 448 : index
      %swap3A_680 = tpu.vector_load %arg8[%swap3A_677, %swap3A_678, %swap3A_679] {strides = array<i32>} : memref<3x50x512xf32, #tpu.memory_space<vmem>>, vector<1x1x16xf32>,
      %swap3A_681 = vector.shape_cast %swap3A_680 : vector<1x1x16xf32> to vector<16xf32>
      %swap3A_682 = vector.shape_cast %get3A_497 : vector<16xf32> to vector<1x1x16xf32>
      tpu.vector_store %arg8[%swap3A_677, %swap3A_678, %swap3A_679], %swap3A_682 {add = true, strides = array<i32>} : memref<3x50x512xf32, #tpu.memory_space<vmem>>, vector<1x1x16xf32>,
      %swap3A_683 = arith.index_cast %scan3A_73 : i32 to index
      %swap3A_684 = arith.index_cast %scan3A_382 : i32 to index
      %swap3A_685 = arith.constant 464 : index
      %swap3A_686 = tpu.vector_load %arg8[%swap3A_683, %swap3A_684, %swap3A_685] {strides = array<i32>} : memref<3x50x512xf32, #tpu.memory_space<vmem>>, vector<1x1x16xf32>,
      %swap3A_687 = vector.shape_cast %swap3A_686 : vector<1x1x16xf32> to vector<16xf32>
      %swap3A_688 = vector.shape_cast %get3A_501 : vector<16xf32> to vector<1x1x16xf32>
      tpu.vector_store %arg8[%swap3A_683, %swap3A_684, %swap3A_685], %swap3A_688 {add = true, strides = array<i32>} : memref<3x50x512xf32, #tpu.memory_space<vmem>>, vector<1x1x16xf32>,
      %swap3A_689 = arith.index_cast %scan3A_73 : i32 to index
      %swap3A_690 = arith.index_cast %scan3A_382 : i32 to index
      %swap3A_691 = arith.constant 480 : index
      %swap3A_692 = tpu.vector_load %arg8[%swap3A_689, %swap3A_690, %swap3A_691] {strides = array<i32>} : memref<3x50x512xf32, #tpu.memory_space<vmem>>, vector<1x1x16xf32>,
      %swap3A_693 = vector.shape_cast %swap3A_692 : vector<1x1x16xf32> to vector<16xf32>
      %swap3A_694 = vector.shape_cast %get3A_505 : vector<16xf32> to vector<1x1x16xf32>
      tpu.vector_store %arg8[%swap3A_689, %swap3A_690, %swap3A_691], %swap3A_694 {add = true, strides = array<i32>} : memref<3x50x512xf32, #tpu.memory_space<vmem>>, vector<1x1x16xf32>,
      %swap3A_695 = arith.index_cast %scan3A_73 : i32 to index
      %swap3A_696 = arith.index_cast %scan3A_382 : i32 to index
      %swap3A_697 = arith.constant 496 : index
      %swap3A_698 = tpu.vector_load %arg8[%swap3A_695, %swap3A_696, %swap3A_697] {strides = array<i32>} : memref<3x50x512xf32, #tpu.memory_space<vmem>>, vector<1x1x16xf32>,
      %swap3A_699 = vector.shape_cast %swap3A_698 : vector<1x1x16xf32> to vector<16xf32>
      %swap3A_700 = vector.shape_cast %get3A_509 : vector<16xf32> to vector<1x1x16xf32>
      tpu.vector_store %arg8[%swap3A_695, %swap3A_696, %swap3A_697], %swap3A_700 {add = true, strides = array<i32>} : memref<3x50x512xf32, #tpu.memory_space<vmem>>, vector<1x1x16xf32>,
    }
    %scan3A_78 = arith.constant 50 : i32
    %mul3A_79 = arith.constant 32 : i32
    %mul3A_80 = arith.muli %add3A, %mul3A_79 : i32
    %add3A_81 = arith.constant 27 : i32
    %add3A_82 = arith.addi %mul3A_80, %add3A_81 : i32
    %dma_start3A_83 = arith.constant 0 : i32
    %dma_start3A_84 = arith.constant 0 : i32
    %dma_start3A_85 = arith.constant 0 : i32
    %dma_start3A_86 = tpu.memref_slice %arg8[%dma_start3A_83, %dma_start3A_84, %dma_start3A_85] : memref<3x50x512xf32, #tpu.memory_space<vmem>> -> memref<1x50x512xf32, #tpu.memory_space<vmem>>
    %dma_start3A_87 = tpu.memref_squeeze %dma_start3A_86 : memref<1x50x512xf32, #tpu.memory_space<vmem>> -> memref<50x512xf32, #tpu.memory_space<vmem>>
    %dma_start3A_88 = arith.constant 0 : i32
    %dma_start3A_89 = arith.constant 0 : i32
    %dma_start3A_90 = tpu.memref_slice %arg5[%add3A_82, %dma_start3A_88, %dma_start3A_89] : memref<1024x50x512xf32, #tpu.memory_space<hbm>> -> memref<1x50x512xf32, #tpu.memory_space<hbm>>
    %dma_start3A_91 = tpu.memref_squeeze %dma_start3A_90 : memref<1x50x512xf32, #tpu.memory_space<hbm>> -> memref<50x512xf32, #tpu.memory_space<hbm>>
    %dma_start3A_92 = arith.constant 0 : i32
    %dma_start3A_93 = arith.constant 0 : i32
    %dma_start3A_94 = tpu.memref_slice %arg5[%add3A_82, %dma_start3A_92, %dma_start3A_93] : memref<1024x50x512xf32, #tpu.memory_space<hbm>> -> memref<1x50x512xf32, #tpu.memory_space<hbm>>
    %dma_start3A_95 = tpu.memref_squeeze %dma_start3A_94 : memref<1x50x512xf32, #tpu.memory_space<hbm>> -> memref<50x512xf32, #tpu.memory_space<hbm>>
    %dma_start3A_96 = arith.constant 0 : i32
    %dma_start3A_97 = arith.constant 0 : i32
    %dma_start3A_98 = tpu.memref_slice %arg8[%dma_start3A_83, %dma_start3A_96, %dma_start3A_97] : memref<3x50x512xf32, #tpu.memory_space<vmem>> -> memref<1x50x512xf32, #tpu.memory_space<vmem>>
    %dma_start3A_99 = tpu.memref_squeeze %dma_start3A_98 : memref<1x50x512xf32, #tpu.memory_space<vmem>> -> memref<50x512xf32, #tpu.memory_space<vmem>>
    tpu.enqueue_dma source(%dma_start3A_99 : memref<50x512xf32, #tpu.memory_space<vmem>>) target(%dma_start3A_95 : memref<50x512xf32, #tpu.memory_space<hbm>>) target_semaphore(%arg12 : memref<!tpu.dma_semaphore, #tpu.memory_space<semaphore_mem>>)
    %dma_wait3A_100 = arith.constant 1 : i32
    %dma_wait3A_101 = arith.constant 0 : i32
    %dma_wait3A_102 = arith.constant 0 : i32
    %dma_wait3A_103 = tpu.memref_slice %arg8[%dma_wait3A_100, %dma_wait3A_101, %dma_wait3A_102] : memref<3x50x512xf32, #tpu.memory_space<vmem>> -> memref<1x50x512xf32, #tpu.memory_space<vmem>>
    %dma_wait3A_104 = tpu.memref_squeeze %dma_wait3A_103 : memref<1x50x512xf32, #tpu.memory_space<vmem>> -> memref<50x512xf32, #tpu.memory_space<vmem>>
    %dma_wait3A_105 = arith.constant 0 : i32
    %dma_wait3A_106 = arith.constant 0 : i32
    %dma_wait3A_107 = tpu.memref_slice %arg4[%dma_wait3A_105, %dma_wait3A_106] : memref<100000x512xf32, #tpu.memory_space<hbm>> -> memref<50x512xf32, #tpu.memory_space<hbm>>
    %dma_wait3A_108 = arith.constant 0 : i32
    %dma_wait3A_109 = arith.constant 0 : i32
    %dma_wait3A_110 = tpu.memref_slice %arg8[%dma_wait3A_100, %dma_wait3A_108, %dma_wait3A_109] : memref<3x50x512xf32, #tpu.memory_space<vmem>> -> memref<1x50x512xf32, #tpu.memory_space<vmem>>
    %dma_wait3A_111 = tpu.memref_squeeze %dma_wait3A_110 : memref<1x50x512xf32, #tpu.memory_space<vmem>> -> memref<50x512xf32, #tpu.memory_space<vmem>>
    %dma_wait3A_112 = arith.constant 0 : i32
    %dma_wait3A_113 = arith.constant 0 : i32
    %dma_wait3A_114 = tpu.memref_slice %arg4[%dma_wait3A_112, %dma_wait3A_113] : memref<100000x512xf32, #tpu.memory_space<hbm>> -> memref<50x512xf32, #tpu.memory_space<hbm>>
    tpu.wait_dma2 semaphore(%arg10 : memref<!tpu.dma_semaphore, #tpu.memory_space<semaphore_mem>>) src(%dma_wait3A_114 : memref<50x512xf32, #tpu.memory_space<hbm>>) dst(%dma_wait3A_111 : memref<50x512xf32, #tpu.memory_space<vmem>>)
    %dma_wait3A_115 = arith.constant 0 : i32
    %dma_wait3A_116 = arith.constant 0 : i32
    %dma_wait3A_117 = arith.constant 0 : i32
    %dma_wait3A_118 = arith.constant 0 : i32
    %dma_wait3A_119 = tpu.memref_slice %arg8[%dma_wait3A_115, %dma_wait3A_117, %dma_wait3A_118] : memref<3x50x512xf32, #tpu.memory_space<vmem>> -> memref<1x50x512xf32, #tpu.memory_space<vmem>>
    %dma_wait3A_120 = tpu.memref_squeeze %dma_wait3A_119 : memref<1x50x512xf32, #tpu.memory_space<vmem>> -> memref<50x512xf32, #tpu.memory_space<vmem>>
    %dma_wait3A_121 = arith.constant 0 : i32
    %dma_wait3A_122 = arith.constant 0 : i32
    %dma_wait3A_123 = tpu.memref_slice %arg5[%dma_wait3A_116, %dma_wait3A_121, %dma_wait3A_122] : memref<1024x50x512xf32, #tpu.memory_space<hbm>> -> memref<1x50x512xf32, #tpu.memory_space<hbm>>
    %dma_wait3A_124 = tpu.memref_squeeze %dma_wait3A_123 : memref<1x50x512xf32, #tpu.memory_space<hbm>> -> memref<50x512xf32, #tpu.memory_space<hbm>>
    %dma_wait3A_125 = arith.constant 0 : i32
    %dma_wait3A_126 = arith.constant 0 : i32
    %dma_wait3A_127 = tpu.memref_slice %arg5[%dma_wait3A_116, %dma_wait3A_125, %dma_wait3A_126] : memref<1024x50x512xf32, #tpu.memory_space<hbm>> -> memref<1x50x512xf32, #tpu.memory_space<hbm>>
    %dma_wait3A_128 = tpu.memref_squeeze %dma_wait3A_127 : memref<1x50x512xf32, #tpu.memory_space<hbm>> -> memref<50x512xf32, #tpu.memory_space<hbm>>
    %dma_wait3A_129 = arith.constant 0 : i32
    %dma_wait3A_130 = arith.constant 0 : i32
    %dma_wait3A_131 = tpu.memref_slice %arg8[%dma_wait3A_115, %dma_wait3A_129, %dma_wait3A_130] : memref<3x50x512xf32, #tpu.memory_space<vmem>> -> memref<1x50x512xf32, #tpu.memory_space<vmem>>
    %dma_wait3A_132 = tpu.memref_squeeze %dma_wait3A_131 : memref<1x50x512xf32, #tpu.memory_space<vmem>> -> memref<50x512xf32, #tpu.memory_space<vmem>>
    tpu.wait_dma2 semaphore(%arg12 : memref<!tpu.dma_semaphore, #tpu.memory_space<semaphore_mem>>) src(%dma_wait3A_132 : memref<50x512xf32, #tpu.memory_space<vmem>>) dst(%dma_wait3A_128 : memref<50x512xf32, #tpu.memory_space<hbm>>)
    %dma_start3A_133 = arith.constant 30 : i32
    %dma_start3A_134 = arith.constant 0 : i32
    %dma_start3A_135 = arith.constant 0 : i32
    %dma_start3A_136 = arith.constant 0 : i32
    %dma_start3A_137 = tpu.memref_slice %arg8[%dma_start3A_134, %dma_start3A_135, %dma_start3A_136] : memref<3x50x512xf32, #tpu.memory_space<vmem>> -> memref<1x50x512xf32, #tpu.memory_space<vmem>>
    %dma_start3A_138 = tpu.memref_squeeze %dma_start3A_137 : memref<1x50x512xf32, #tpu.memory_space<vmem>> -> memref<50x512xf32, #tpu.memory_space<vmem>>
    %dma_start3A_139 = arith.constant 0 : i32
    %dma_start3A_140 = tpu.memref_slice %arg6[%dma_start3A_133, %dma_start3A_139] : memref<32x50xi32, #tpu.memory_space<vmem>> -> memref<1x50xi32, #tpu.memory_space<vmem>>
    %dma_start3A_141 = tpu.memref_squeeze %dma_start3A_140 : memref<1x50xi32, #tpu.memory_space<vmem>> -> memref<50xi32, #tpu.memory_space<vmem>>
    %dma_start3A_142 = arith.constant 0 : i32
    %dma_start3A_143 = arith.constant 0 : i32
    %dma_start3A_144 = tpu.memref_slice %arg4[%dma_start3A_142, %dma_start3A_143] : memref<100000x512xf32, #tpu.memory_space<hbm>> -> memref<100000x512xf32, #tpu.memory_space<hbm>>
    tpu.enqueue_indirect_dma source(%dma_start3A_144 : memref<100000x512xf32, #tpu.memory_space<hbm>>) target(%dma_start3A_138 : memref<50x512xf32, #tpu.memory_space<vmem>>) offsets(%dma_start3A_141 : memref<50xi32, #tpu.memory_space<vmem>>) semaphore(%arg9 : memref<!tpu.dma_semaphore, #tpu.memory_space<semaphore_mem>>)
    %scan3A_145 = arith.constant 1 : i32
    %scan3A_146 = arith.constant 0 : i32
    %scan3A_147 = arith.constant 50 : i32
    %scan3A_148 = arith.addi %scan3A_146, %scan3A_147 : i32
    %scan3A_149 = arith.constant 1 : i32
    scf.for %scan3A_382 = %scan3A_146 to %scan3A_148 step %scan3A_149  : i32 {
      %get3A = arith.index_cast %scan3A_382 : i32 to index
      %get3A_383 = arith.constant 0 : index
      %get3A_384 = tpu.vector_load %arg7[%get3A, %get3A_383] {strides = array<i32>} : memref<50x512xf32, #tpu.memory_space<vmem>>, vector<1x16xf32>,
      %get3A_385 = vector.shape_cast %get3A_384 : vector<1x16xf32> to vector<16xf32>
      %get3A_386 = arith.index_cast %scan3A_382 : i32 to index
      %get3A_387 = arith.constant 16 : index
      %get3A_388 = tpu.vector_load %arg7[%get3A_386, %get3A_387] {strides = array<i32>} : memref<50x512xf32, #tpu.memory_space<vmem>>, vector<1x16xf32>,
      %get3A_389 = vector.shape_cast %get3A_388 : vector<1x16xf32> to vector<16xf32>
      %get3A_390 = arith.index_cast %scan3A_382 : i32 to index
      %get3A_391 = arith.constant 32 : index
      %get3A_392 = tpu.vector_load %arg7[%get3A_390, %get3A_391] {strides = array<i32>} : memref<50x512xf32, #tpu.memory_space<vmem>>, vector<1x16xf32>,
      %get3A_393 = vector.shape_cast %get3A_392 : vector<1x16xf32> to vector<16xf32>
      %get3A_394 = arith.index_cast %scan3A_382 : i32 to index
      %get3A_395 = arith.constant 48 : index
      %get3A_396 = tpu.vector_load %arg7[%get3A_394, %get3A_395] {strides = array<i32>} : memref<50x512xf32, #tpu.memory_space<vmem>>, vector<1x16xf32>,
      %get3A_397 = vector.shape_cast %get3A_396 : vector<1x16xf32> to vector<16xf32>
      %get3A_398 = arith.index_cast %scan3A_382 : i32 to index
      %get3A_399 = arith.constant 64 : index
      %get3A_400 = tpu.vector_load %arg7[%get3A_398, %get3A_399] {strides = array<i32>} : memref<50x512xf32, #tpu.memory_space<vmem>>, vector<1x16xf32>,
      %get3A_401 = vector.shape_cast %get3A_400 : vector<1x16xf32> to vector<16xf32>
      %get3A_402 = arith.index_cast %scan3A_382 : i32 to index
      %get3A_403 = arith.constant 80 : index
      %get3A_404 = tpu.vector_load %arg7[%get3A_402, %get3A_403] {strides = array<i32>} : memref<50x512xf32, #tpu.memory_space<vmem>>, vector<1x16xf32>,
      %get3A_405 = vector.shape_cast %get3A_404 : vector<1x16xf32> to vector<16xf32>
      %get3A_406 = arith.index_cast %scan3A_382 : i32 to index
      %get3A_407 = arith.constant 96 : index
      %get3A_408 = tpu.vector_load %arg7[%get3A_406, %get3A_407] {strides = array<i32>} : memref<50x512xf32, #tpu.memory_space<vmem>>, vector<1x16xf32>,
      %get3A_409 = vector.shape_cast %get3A_408 : vector<1x16xf32> to vector<16xf32>
      %get3A_410 = arith.index_cast %scan3A_382 : i32 to index
      %get3A_411 = arith.constant 112 : index
      %get3A_412 = tpu.vector_load %arg7[%get3A_410, %get3A_411] {strides = array<i32>} : memref<50x512xf32, #tpu.memory_space<vmem>>, vector<1x16xf32>,
      %get3A_413 = vector.shape_cast %get3A_412 : vector<1x16xf32> to vector<16xf32>
      %get3A_414 = arith.index_cast %scan3A_382 : i32 to index
      %get3A_415 = arith.constant 128 : index
      %get3A_416 = tpu.vector_load %arg7[%get3A_414, %get3A_415] {strides = array<i32>} : memref<50x512xf32, #tpu.memory_space<vmem>>, vector<1x16xf32>,
      %get3A_417 = vector.shape_cast %get3A_416 : vector<1x16xf32> to vector<16xf32>
      %get3A_418 = arith.index_cast %scan3A_382 : i32 to index
      %get3A_419 = arith.constant 144 : index
      %get3A_420 = tpu.vector_load %arg7[%get3A_418, %get3A_419] {strides = array<i32>} : memref<50x512xf32, #tpu.memory_space<vmem>>, vector<1x16xf32>,
      %get3A_421 = vector.shape_cast %get3A_420 : vector<1x16xf32> to vector<16xf32>
      %get3A_422 = arith.index_cast %scan3A_382 : i32 to index
      %get3A_423 = arith.constant 160 : index
      %get3A_424 = tpu.vector_load %arg7[%get3A_422, %get3A_423] {strides = array<i32>} : memref<50x512xf32, #tpu.memory_space<vmem>>, vector<1x16xf32>,
      %get3A_425 = vector.shape_cast %get3A_424 : vector<1x16xf32> to vector<16xf32>
      %get3A_426 = arith.index_cast %scan3A_382 : i32 to index
      %get3A_427 = arith.constant 176 : index
      %get3A_428 = tpu.vector_load %arg7[%get3A_426, %get3A_427] {strides = array<i32>} : memref<50x512xf32, #tpu.memory_space<vmem>>, vector<1x16xf32>,
      %get3A_429 = vector.shape_cast %get3A_428 : vector<1x16xf32> to vector<16xf32>
      %get3A_430 = arith.index_cast %scan3A_382 : i32 to index
      %get3A_431 = arith.constant 192 : index
      %get3A_432 = tpu.vector_load %arg7[%get3A_430, %get3A_431] {strides = array<i32>} : memref<50x512xf32, #tpu.memory_space<vmem>>, vector<1x16xf32>,
      %get3A_433 = vector.shape_cast %get3A_432 : vector<1x16xf32> to vector<16xf32>
      %get3A_434 = arith.index_cast %scan3A_382 : i32 to index
      %get3A_435 = arith.constant 208 : index
      %get3A_436 = tpu.vector_load %arg7[%get3A_434, %get3A_435] {strides = array<i32>} : memref<50x512xf32, #tpu.memory_space<vmem>>, vector<1x16xf32>,
      %get3A_437 = vector.shape_cast %get3A_436 : vector<1x16xf32> to vector<16xf32>
      %get3A_438 = arith.index_cast %scan3A_382 : i32 to index
      %get3A_439 = arith.constant 224 : index
      %get3A_440 = tpu.vector_load %arg7[%get3A_438, %get3A_439] {strides = array<i32>} : memref<50x512xf32, #tpu.memory_space<vmem>>, vector<1x16xf32>,
      %get3A_441 = vector.shape_cast %get3A_440 : vector<1x16xf32> to vector<16xf32>
      %get3A_442 = arith.index_cast %scan3A_382 : i32 to index
      %get3A_443 = arith.constant 240 : index
      %get3A_444 = tpu.vector_load %arg7[%get3A_442, %get3A_443] {strides = array<i32>} : memref<50x512xf32, #tpu.memory_space<vmem>>, vector<1x16xf32>,
      %get3A_445 = vector.shape_cast %get3A_444 : vector<1x16xf32> to vector<16xf32>
      %get3A_446 = arith.index_cast %scan3A_382 : i32 to index
      %get3A_447 = arith.constant 256 : index
      %get3A_448 = tpu.vector_load %arg7[%get3A_446, %get3A_447] {strides = array<i32>} : memref<50x512xf32, #tpu.memory_space<vmem>>, vector<1x16xf32>,
      %get3A_449 = vector.shape_cast %get3A_448 : vector<1x16xf32> to vector<16xf32>
      %get3A_450 = arith.index_cast %scan3A_382 : i32 to index
      %get3A_451 = arith.constant 272 : index
      %get3A_452 = tpu.vector_load %arg7[%get3A_450, %get3A_451] {strides = array<i32>} : memref<50x512xf32, #tpu.memory_space<vmem>>, vector<1x16xf32>,
      %get3A_453 = vector.shape_cast %get3A_452 : vector<1x16xf32> to vector<16xf32>
      %get3A_454 = arith.index_cast %scan3A_382 : i32 to index
      %get3A_455 = arith.constant 288 : index
      %get3A_456 = tpu.vector_load %arg7[%get3A_454, %get3A_455] {strides = array<i32>} : memref<50x512xf32, #tpu.memory_space<vmem>>, vector<1x16xf32>,
      %get3A_457 = vector.shape_cast %get3A_456 : vector<1x16xf32> to vector<16xf32>
      %get3A_458 = arith.index_cast %scan3A_382 : i32 to index
      %get3A_459 = arith.constant 304 : index
      %get3A_460 = tpu.vector_load %arg7[%get3A_458, %get3A_459] {strides = array<i32>} : memref<50x512xf32, #tpu.memory_space<vmem>>, vector<1x16xf32>,
      %get3A_461 = vector.shape_cast %get3A_460 : vector<1x16xf32> to vector<16xf32>
      %get3A_462 = arith.index_cast %scan3A_382 : i32 to index
      %get3A_463 = arith.constant 320 : index
      %get3A_464 = tpu.vector_load %arg7[%get3A_462, %get3A_463] {strides = array<i32>} : memref<50x512xf32, #tpu.memory_space<vmem>>, vector<1x16xf32>,
      %get3A_465 = vector.shape_cast %get3A_464 : vector<1x16xf32> to vector<16xf32>
      %get3A_466 = arith.index_cast %scan3A_382 : i32 to index
      %get3A_467 = arith.constant 336 : index
      %get3A_468 = tpu.vector_load %arg7[%get3A_466, %get3A_467] {strides = array<i32>} : memref<50x512xf32, #tpu.memory_space<vmem>>, vector<1x16xf32>,
      %get3A_469 = vector.shape_cast %get3A_468 : vector<1x16xf32> to vector<16xf32>
      %get3A_470 = arith.index_cast %scan3A_382 : i32 to index
      %get3A_471 = arith.constant 352 : index
      %get3A_472 = tpu.vector_load %arg7[%get3A_470, %get3A_471] {strides = array<i32>} : memref<50x512xf32, #tpu.memory_space<vmem>>, vector<1x16xf32>,
      %get3A_473 = vector.shape_cast %get3A_472 : vector<1x16xf32> to vector<16xf32>
      %get3A_474 = arith.index_cast %scan3A_382 : i32 to index
      %get3A_475 = arith.constant 368 : index
      %get3A_476 = tpu.vector_load %arg7[%get3A_474, %get3A_475] {strides = array<i32>} : memref<50x512xf32, #tpu.memory_space<vmem>>, vector<1x16xf32>,
      %get3A_477 = vector.shape_cast %get3A_476 : vector<1x16xf32> to vector<16xf32>
      %get3A_478 = arith.index_cast %scan3A_382 : i32 to index
      %get3A_479 = arith.constant 384 : index
      %get3A_480 = tpu.vector_load %arg7[%get3A_478, %get3A_479] {strides = array<i32>} : memref<50x512xf32, #tpu.memory_space<vmem>>, vector<1x16xf32>,
      %get3A_481 = vector.shape_cast %get3A_480 : vector<1x16xf32> to vector<16xf32>
      %get3A_482 = arith.index_cast %scan3A_382 : i32 to index
      %get3A_483 = arith.constant 400 : index
      %get3A_484 = tpu.vector_load %arg7[%get3A_482, %get3A_483] {strides = array<i32>} : memref<50x512xf32, #tpu.memory_space<vmem>>, vector<1x16xf32>,
      %get3A_485 = vector.shape_cast %get3A_484 : vector<1x16xf32> to vector<16xf32>
      %get3A_486 = arith.index_cast %scan3A_382 : i32 to index
      %get3A_487 = arith.constant 416 : index
      %get3A_488 = tpu.vector_load %arg7[%get3A_486, %get3A_487] {strides = array<i32>} : memref<50x512xf32, #tpu.memory_space<vmem>>, vector<1x16xf32>,
      %get3A_489 = vector.shape_cast %get3A_488 : vector<1x16xf32> to vector<16xf32>
      %get3A_490 = arith.index_cast %scan3A_382 : i32 to index
      %get3A_491 = arith.constant 432 : index
      %get3A_492 = tpu.vector_load %arg7[%get3A_490, %get3A_491] {strides = array<i32>} : memref<50x512xf32, #tpu.memory_space<vmem>>, vector<1x16xf32>,
      %get3A_493 = vector.shape_cast %get3A_492 : vector<1x16xf32> to vector<16xf32>
      %get3A_494 = arith.index_cast %scan3A_382 : i32 to index
      %get3A_495 = arith.constant 448 : index
      %get3A_496 = tpu.vector_load %arg7[%get3A_494, %get3A_495] {strides = array<i32>} : memref<50x512xf32, #tpu.memory_space<vmem>>, vector<1x16xf32>,
      %get3A_497 = vector.shape_cast %get3A_496 : vector<1x16xf32> to vector<16xf32>
      %get3A_498 = arith.index_cast %scan3A_382 : i32 to index
      %get3A_499 = arith.constant 464 : index
      %get3A_500 = tpu.vector_load %arg7[%get3A_498, %get3A_499] {strides = array<i32>} : memref<50x512xf32, #tpu.memory_space<vmem>>, vector<1x16xf32>,
      %get3A_501 = vector.shape_cast %get3A_500 : vector<1x16xf32> to vector<16xf32>
      %get3A_502 = arith.index_cast %scan3A_382 : i32 to index
      %get3A_503 = arith.constant 480 : index
      %get3A_504 = tpu.vector_load %arg7[%get3A_502, %get3A_503] {strides = array<i32>} : memref<50x512xf32, #tpu.memory_space<vmem>>, vector<1x16xf32>,
      %get3A_505 = vector.shape_cast %get3A_504 : vector<1x16xf32> to vector<16xf32>
      %get3A_506 = arith.index_cast %scan3A_382 : i32 to index
      %get3A_507 = arith.constant 496 : index
      %get3A_508 = tpu.vector_load %arg7[%get3A_506, %get3A_507] {strides = array<i32>} : memref<50x512xf32, #tpu.memory_space<vmem>>, vector<1x16xf32>,
      %get3A_509 = vector.shape_cast %get3A_508 : vector<1x16xf32> to vector<16xf32>
      %swap3A = arith.index_cast %scan3A_145 : i32 to index
      %swap3A_510 = arith.index_cast %scan3A_382 : i32 to index
      %swap3A_511 = arith.constant 0 : index
      %swap3A_512 = tpu.vector_load %arg8[%swap3A, %swap3A_510, %swap3A_511] {strides = array<i32>} : memref<3x50x512xf32, #tpu.memory_space<vmem>>, vector<1x1x16xf32>,
      %swap3A_513 = vector.shape_cast %swap3A_512 : vector<1x1x16xf32> to vector<16xf32>
      %swap3A_514 = vector.shape_cast %get3A_385 : vector<16xf32> to vector<1x1x16xf32>
      tpu.vector_store %arg8[%swap3A, %swap3A_510, %swap3A_511], %swap3A_514 {add = true, strides = array<i32>} : memref<3x50x512xf32, #tpu.memory_space<vmem>>, vector<1x1x16xf32>,
      %swap3A_515 = arith.index_cast %scan3A_145 : i32 to index
      %swap3A_516 = arith.index_cast %scan3A_382 : i32 to index
      %swap3A_517 = arith.constant 16 : index
      %swap3A_518 = tpu.vector_load %arg8[%swap3A_515, %swap3A_516, %swap3A_517] {strides = array<i32>} : memref<3x50x512xf32, #tpu.memory_space<vmem>>, vector<1x1x16xf32>,
      %swap3A_519 = vector.shape_cast %swap3A_518 : vector<1x1x16xf32> to vector<16xf32>
      %swap3A_520 = vector.shape_cast %get3A_389 : vector<16xf32> to vector<1x1x16xf32>
      tpu.vector_store %arg8[%swap3A_515, %swap3A_516, %swap3A_517], %swap3A_520 {add = true, strides = array<i32>} : memref<3x50x512xf32, #tpu.memory_space<vmem>>, vector<1x1x16xf32>,
      %swap3A_521 = arith.index_cast %scan3A_145 : i32 to index
      %swap3A_522 = arith.index_cast %scan3A_382 : i32 to index
      %swap3A_523 = arith.constant 32 : index
      %swap3A_524 = tpu.vector_load %arg8[%swap3A_521, %swap3A_522, %swap3A_523] {strides = array<i32>} : memref<3x50x512xf32, #tpu.memory_space<vmem>>, vector<1x1x16xf32>,
      %swap3A_525 = vector.shape_cast %swap3A_524 : vector<1x1x16xf32> to vector<16xf32>
      %swap3A_526 = vector.shape_cast %get3A_393 : vector<16xf32> to vector<1x1x16xf32>
      tpu.vector_store %arg8[%swap3A_521, %swap3A_522, %swap3A_523], %swap3A_526 {add = true, strides = array<i32>} : memref<3x50x512xf32, #tpu.memory_space<vmem>>, vector<1x1x16xf32>,
      %swap3A_527 = arith.index_cast %scan3A_145 : i32 to index
      %swap3A_528 = arith.index_cast %scan3A_382 : i32 to index
      %swap3A_529 = arith.constant 48 : index
      %swap3A_530 = tpu.vector_load %arg8[%swap3A_527, %swap3A_528, %swap3A_529] {strides = array<i32>} : memref<3x50x512xf32, #tpu.memory_space<vmem>>, vector<1x1x16xf32>,
      %swap3A_531 = vector.shape_cast %swap3A_530 : vector<1x1x16xf32> to vector<16xf32>
      %swap3A_532 = vector.shape_cast %get3A_397 : vector<16xf32> to vector<1x1x16xf32>
      tpu.vector_store %arg8[%swap3A_527, %swap3A_528, %swap3A_529], %swap3A_532 {add = true, strides = array<i32>} : memref<3x50x512xf32, #tpu.memory_space<vmem>>, vector<1x1x16xf32>,
      %swap3A_533 = arith.index_cast %scan3A_145 : i32 to index
      %swap3A_534 = arith.index_cast %scan3A_382 : i32 to index
      %swap3A_535 = arith.constant 64 : index
      %swap3A_536 = tpu.vector_load %arg8[%swap3A_533, %swap3A_534, %swap3A_535] {strides = array<i32>} : memref<3x50x512xf32, #tpu.memory_space<vmem>>, vector<1x1x16xf32>,
      %swap3A_537 = vector.shape_cast %swap3A_536 : vector<1x1x16xf32> to vector<16xf32>
      %swap3A_538 = vector.shape_cast %get3A_401 : vector<16xf32> to vector<1x1x16xf32>
      tpu.vector_store %arg8[%swap3A_533, %swap3A_534, %swap3A_535], %swap3A_538 {add = true, strides = array<i32>} : memref<3x50x512xf32, #tpu.memory_space<vmem>>, vector<1x1x16xf32>,
      %swap3A_539 = arith.index_cast %scan3A_145 : i32 to index
      %swap3A_540 = arith.index_cast %scan3A_382 : i32 to index
      %swap3A_541 = arith.constant 80 : index
      %swap3A_542 = tpu.vector_load %arg8[%swap3A_539, %swap3A_540, %swap3A_541] {strides = array<i32>} : memref<3x50x512xf32, #tpu.memory_space<vmem>>, vector<1x1x16xf32>,
      %swap3A_543 = vector.shape_cast %swap3A_542 : vector<1x1x16xf32> to vector<16xf32>
      %swap3A_544 = vector.shape_cast %get3A_405 : vector<16xf32> to vector<1x1x16xf32>
      tpu.vector_store %arg8[%swap3A_539, %swap3A_540, %swap3A_541], %swap3A_544 {add = true, strides = array<i32>} : memref<3x50x512xf32, #tpu.memory_space<vmem>>, vector<1x1x16xf32>,
      %swap3A_545 = arith.index_cast %scan3A_145 : i32 to index
      %swap3A_546 = arith.index_cast %scan3A_382 : i32 to index
      %swap3A_547 = arith.constant 96 : index
      %swap3A_548 = tpu.vector_load %arg8[%swap3A_545, %swap3A_546, %swap3A_547] {strides = array<i32>} : memref<3x50x512xf32, #tpu.memory_space<vmem>>, vector<1x1x16xf32>,
      %swap3A_549 = vector.shape_cast %swap3A_548 : vector<1x1x16xf32> to vector<16xf32>
      %swap3A_550 = vector.shape_cast %get3A_409 : vector<16xf32> to vector<1x1x16xf32>
      tpu.vector_store %arg8[%swap3A_545, %swap3A_546, %swap3A_547], %swap3A_550 {add = true, strides = array<i32>} : memref<3x50x512xf32, #tpu.memory_space<vmem>>, vector<1x1x16xf32>,
      %swap3A_551 = arith.index_cast %scan3A_145 : i32 to index
      %swap3A_552 = arith.index_cast %scan3A_382 : i32 to index
      %swap3A_553 = arith.constant 112 : index
      %swap3A_554 = tpu.vector_load %arg8[%swap3A_551, %swap3A_552, %swap3A_553] {strides = array<i32>} : memref<3x50x512xf32, #tpu.memory_space<vmem>>, vector<1x1x16xf32>,
      %swap3A_555 = vector.shape_cast %swap3A_554 : vector<1x1x16xf32> to vector<16xf32>
      %swap3A_556 = vector.shape_cast %get3A_413 : vector<16xf32> to vector<1x1x16xf32>
      tpu.vector_store %arg8[%swap3A_551, %swap3A_552, %swap3A_553], %swap3A_556 {add = true, strides = array<i32>} : memref<3x50x512xf32, #tpu.memory_space<vmem>>, vector<1x1x16xf32>,
      %swap3A_557 = arith.index_cast %scan3A_145 : i32 to index
      %swap3A_558 = arith.index_cast %scan3A_382 : i32 to index
      %swap3A_559 = arith.constant 128 : index
      %swap3A_560 = tpu.vector_load %arg8[%swap3A_557, %swap3A_558, %swap3A_559] {strides = array<i32>} : memref<3x50x512xf32, #tpu.memory_space<vmem>>, vector<1x1x16xf32>,
      %swap3A_561 = vector.shape_cast %swap3A_560 : vector<1x1x16xf32> to vector<16xf32>
      %swap3A_562 = vector.shape_cast %get3A_417 : vector<16xf32> to vector<1x1x16xf32>
      tpu.vector_store %arg8[%swap3A_557, %swap3A_558, %swap3A_559], %swap3A_562 {add = true, strides = array<i32>} : memref<3x50x512xf32, #tpu.memory_space<vmem>>, vector<1x1x16xf32>,
      %swap3A_563 = arith.index_cast %scan3A_145 : i32 to index
      %swap3A_564 = arith.index_cast %scan3A_382 : i32 to index
      %swap3A_565 = arith.constant 144 : index
      %swap3A_566 = tpu.vector_load %arg8[%swap3A_563, %swap3A_564, %swap3A_565] {strides = array<i32>} : memref<3x50x512xf32, #tpu.memory_space<vmem>>, vector<1x1x16xf32>,
      %swap3A_567 = vector.shape_cast %swap3A_566 : vector<1x1x16xf32> to vector<16xf32>
      %swap3A_568 = vector.shape_cast %get3A_421 : vector<16xf32> to vector<1x1x16xf32>
      tpu.vector_store %arg8[%swap3A_563, %swap3A_564, %swap3A_565], %swap3A_568 {add = true, strides = array<i32>} : memref<3x50x512xf32, #tpu.memory_space<vmem>>, vector<1x1x16xf32>,
      %swap3A_569 = arith.index_cast %scan3A_145 : i32 to index
      %swap3A_570 = arith.index_cast %scan3A_382 : i32 to index
      %swap3A_571 = arith.constant 160 : index
      %swap3A_572 = tpu.vector_load %arg8[%swap3A_569, %swap3A_570, %swap3A_571] {strides = array<i32>} : memref<3x50x512xf32, #tpu.memory_space<vmem>>, vector<1x1x16xf32>,
      %swap3A_573 = vector.shape_cast %swap3A_572 : vector<1x1x16xf32> to vector<16xf32>
      %swap3A_574 = vector.shape_cast %get3A_425 : vector<16xf32> to vector<1x1x16xf32>
      tpu.vector_store %arg8[%swap3A_569, %swap3A_570, %swap3A_571], %swap3A_574 {add = true, strides = array<i32>} : memref<3x50x512xf32, #tpu.memory_space<vmem>>, vector<1x1x16xf32>,
      %swap3A_575 = arith.index_cast %scan3A_145 : i32 to index
      %swap3A_576 = arith.index_cast %scan3A_382 : i32 to index
      %swap3A_577 = arith.constant 176 : index
      %swap3A_578 = tpu.vector_load %arg8[%swap3A_575, %swap3A_576, %swap3A_577] {strides = array<i32>} : memref<3x50x512xf32, #tpu.memory_space<vmem>>, vector<1x1x16xf32>,
      %swap3A_579 = vector.shape_cast %swap3A_578 : vector<1x1x16xf32> to vector<16xf32>
      %swap3A_580 = vector.shape_cast %get3A_429 : vector<16xf32> to vector<1x1x16xf32>
      tpu.vector_store %arg8[%swap3A_575, %swap3A_576, %swap3A_577], %swap3A_580 {add = true, strides = array<i32>} : memref<3x50x512xf32, #tpu.memory_space<vmem>>, vector<1x1x16xf32>,
      %swap3A_581 = arith.index_cast %scan3A_145 : i32 to index
      %swap3A_582 = arith.index_cast %scan3A_382 : i32 to index
      %swap3A_583 = arith.constant 192 : index
      %swap3A_584 = tpu.vector_load %arg8[%swap3A_581, %swap3A_582, %swap3A_583] {strides = array<i32>} : memref<3x50x512xf32, #tpu.memory_space<vmem>>, vector<1x1x16xf32>,
      %swap3A_585 = vector.shape_cast %swap3A_584 : vector<1x1x16xf32> to vector<16xf32>
      %swap3A_586 = vector.shape_cast %get3A_433 : vector<16xf32> to vector<1x1x16xf32>
      tpu.vector_store %arg8[%swap3A_581, %swap3A_582, %swap3A_583], %swap3A_586 {add = true, strides = array<i32>} : memref<3x50x512xf32, #tpu.memory_space<vmem>>, vector<1x1x16xf32>,
      %swap3A_587 = arith.index_cast %scan3A_145 : i32 to index
      %swap3A_588 = arith.index_cast %scan3A_382 : i32 to index
      %swap3A_589 = arith.constant 208 : index
      %swap3A_590 = tpu.vector_load %arg8[%swap3A_587, %swap3A_588, %swap3A_589] {strides = array<i32>} : memref<3x50x512xf32, #tpu.memory_space<vmem>>, vector<1x1x16xf32>,
      %swap3A_591 = vector.shape_cast %swap3A_590 : vector<1x1x16xf32> to vector<16xf32>
      %swap3A_592 = vector.shape_cast %get3A_437 : vector<16xf32> to vector<1x1x16xf32>
      tpu.vector_store %arg8[%swap3A_587, %swap3A_588, %swap3A_589], %swap3A_592 {add = true, strides = array<i32>} : memref<3x50x512xf32, #tpu.memory_space<vmem>>, vector<1x1x16xf32>,
      %swap3A_593 = arith.index_cast %scan3A_145 : i32 to index
      %swap3A_594 = arith.index_cast %scan3A_382 : i32 to index
      %swap3A_595 = arith.constant 224 : index
      %swap3A_596 = tpu.vector_load %arg8[%swap3A_593, %swap3A_594, %swap3A_595] {strides = array<i32>} : memref<3x50x512xf32, #tpu.memory_space<vmem>>, vector<1x1x16xf32>,
      %swap3A_597 = vector.shape_cast %swap3A_596 : vector<1x1x16xf32> to vector<16xf32>
      %swap3A_598 = vector.shape_cast %get3A_441 : vector<16xf32> to vector<1x1x16xf32>
      tpu.vector_store %arg8[%swap3A_593, %swap3A_594, %swap3A_595], %swap3A_598 {add = true, strides = array<i32>} : memref<3x50x512xf32, #tpu.memory_space<vmem>>, vector<1x1x16xf32>,
      %swap3A_599 = arith.index_cast %scan3A_145 : i32 to index
      %swap3A_600 = arith.index_cast %scan3A_382 : i32 to index
      %swap3A_601 = arith.constant 240 : index
      %swap3A_602 = tpu.vector_load %arg8[%swap3A_599, %swap3A_600, %swap3A_601] {strides = array<i32>} : memref<3x50x512xf32, #tpu.memory_space<vmem>>, vector<1x1x16xf32>,
      %swap3A_603 = vector.shape_cast %swap3A_602 : vector<1x1x16xf32> to vector<16xf32>
      %swap3A_604 = vector.shape_cast %get3A_445 : vector<16xf32> to vector<1x1x16xf32>
      tpu.vector_store %arg8[%swap3A_599, %swap3A_600, %swap3A_601], %swap3A_604 {add = true, strides = array<i32>} : memref<3x50x512xf32, #tpu.memory_space<vmem>>, vector<1x1x16xf32>,
      %swap3A_605 = arith.index_cast %scan3A_145 : i32 to index
      %swap3A_606 = arith.index_cast %scan3A_382 : i32 to index
      %swap3A_607 = arith.constant 256 : index
      %swap3A_608 = tpu.vector_load %arg8[%swap3A_605, %swap3A_606, %swap3A_607] {strides = array<i32>} : memref<3x50x512xf32, #tpu.memory_space<vmem>>, vector<1x1x16xf32>,
      %swap3A_609 = vector.shape_cast %swap3A_608 : vector<1x1x16xf32> to vector<16xf32>
      %swap3A_610 = vector.shape_cast %get3A_449 : vector<16xf32> to vector<1x1x16xf32>
      tpu.vector_store %arg8[%swap3A_605, %swap3A_606, %swap3A_607], %swap3A_610 {add = true, strides = array<i32>} : memref<3x50x512xf32, #tpu.memory_space<vmem>>, vector<1x1x16xf32>,
      %swap3A_611 = arith.index_cast %scan3A_145 : i32 to index
      %swap3A_612 = arith.index_cast %scan3A_382 : i32 to index
      %swap3A_613 = arith.constant 272 : index
      %swap3A_614 = tpu.vector_load %arg8[%swap3A_611, %swap3A_612, %swap3A_613] {strides = array<i32>} : memref<3x50x512xf32, #tpu.memory_space<vmem>>, vector<1x1x16xf32>,
      %swap3A_615 = vector.shape_cast %swap3A_614 : vector<1x1x16xf32> to vector<16xf32>
      %swap3A_616 = vector.shape_cast %get3A_453 : vector<16xf32> to vector<1x1x16xf32>
      tpu.vector_store %arg8[%swap3A_611, %swap3A_612, %swap3A_613], %swap3A_616 {add = true, strides = array<i32>} : memref<3x50x512xf32, #tpu.memory_space<vmem>>, vector<1x1x16xf32>,
      %swap3A_617 = arith.index_cast %scan3A_145 : i32 to index
      %swap3A_618 = arith.index_cast %scan3A_382 : i32 to index
      %swap3A_619 = arith.constant 288 : index
      %swap3A_620 = tpu.vector_load %arg8[%swap3A_617, %swap3A_618, %swap3A_619] {strides = array<i32>} : memref<3x50x512xf32, #tpu.memory_space<vmem>>, vector<1x1x16xf32>,
      %swap3A_621 = vector.shape_cast %swap3A_620 : vector<1x1x16xf32> to vector<16xf32>
      %swap3A_622 = vector.shape_cast %get3A_457 : vector<16xf32> to vector<1x1x16xf32>
      tpu.vector_store %arg8[%swap3A_617, %swap3A_618, %swap3A_619], %swap3A_622 {add = true, strides = array<i32>} : memref<3x50x512xf32, #tpu.memory_space<vmem>>, vector<1x1x16xf32>,
      %swap3A_623 = arith.index_cast %scan3A_145 : i32 to index
      %swap3A_624 = arith.index_cast %scan3A_382 : i32 to index
      %swap3A_625 = arith.constant 304 : index
      %swap3A_626 = tpu.vector_load %arg8[%swap3A_623, %swap3A_624, %swap3A_625] {strides = array<i32>} : memref<3x50x512xf32, #tpu.memory_space<vmem>>, vector<1x1x16xf32>,
      %swap3A_627 = vector.shape_cast %swap3A_626 : vector<1x1x16xf32> to vector<16xf32>
      %swap3A_628 = vector.shape_cast %get3A_461 : vector<16xf32> to vector<1x1x16xf32>
      tpu.vector_store %arg8[%swap3A_623, %swap3A_624, %swap3A_625], %swap3A_628 {add = true, strides = array<i32>} : memref<3x50x512xf32, #tpu.memory_space<vmem>>, vector<1x1x16xf32>,
      %swap3A_629 = arith.index_cast %scan3A_145 : i32 to index
      %swap3A_630 = arith.index_cast %scan3A_382 : i32 to index
      %swap3A_631 = arith.constant 320 : index
      %swap3A_632 = tpu.vector_load %arg8[%swap3A_629, %swap3A_630, %swap3A_631] {strides = array<i32>} : memref<3x50x512xf32, #tpu.memory_space<vmem>>, vector<1x1x16xf32>,
      %swap3A_633 = vector.shape_cast %swap3A_632 : vector<1x1x16xf32> to vector<16xf32>
      %swap3A_634 = vector.shape_cast %get3A_465 : vector<16xf32> to vector<1x1x16xf32>
      tpu.vector_store %arg8[%swap3A_629, %swap3A_630, %swap3A_631], %swap3A_634 {add = true, strides = array<i32>} : memref<3x50x512xf32, #tpu.memory_space<vmem>>, vector<1x1x16xf32>,
      %swap3A_635 = arith.index_cast %scan3A_145 : i32 to index
      %swap3A_636 = arith.index_cast %scan3A_382 : i32 to index
      %swap3A_637 = arith.constant 336 : index
      %swap3A_638 = tpu.vector_load %arg8[%swap3A_635, %swap3A_636, %swap3A_637] {strides = array<i32>} : memref<3x50x512xf32, #tpu.memory_space<vmem>>, vector<1x1x16xf32>,
      %swap3A_639 = vector.shape_cast %swap3A_638 : vector<1x1x16xf32> to vector<16xf32>
      %swap3A_640 = vector.shape_cast %get3A_469 : vector<16xf32> to vector<1x1x16xf32>
      tpu.vector_store %arg8[%swap3A_635, %swap3A_636, %swap3A_637], %swap3A_640 {add = true, strides = array<i32>} : memref<3x50x512xf32, #tpu.memory_space<vmem>>, vector<1x1x16xf32>,
      %swap3A_641 = arith.index_cast %scan3A_145 : i32 to index
      %swap3A_642 = arith.index_cast %scan3A_382 : i32 to index
      %swap3A_643 = arith.constant 352 : index
      %swap3A_644 = tpu.vector_load %arg8[%swap3A_641, %swap3A_642, %swap3A_643] {strides = array<i32>} : memref<3x50x512xf32, #tpu.memory_space<vmem>>, vector<1x1x16xf32>,
      %swap3A_645 = vector.shape_cast %swap3A_644 : vector<1x1x16xf32> to vector<16xf32>
      %swap3A_646 = vector.shape_cast %get3A_473 : vector<16xf32> to vector<1x1x16xf32>
      tpu.vector_store %arg8[%swap3A_641, %swap3A_642, %swap3A_643], %swap3A_646 {add = true, strides = array<i32>} : memref<3x50x512xf32, #tpu.memory_space<vmem>>, vector<1x1x16xf32>,
      %swap3A_647 = arith.index_cast %scan3A_145 : i32 to index
      %swap3A_648 = arith.index_cast %scan3A_382 : i32 to index
      %swap3A_649 = arith.constant 368 : index
      %swap3A_650 = tpu.vector_load %arg8[%swap3A_647, %swap3A_648, %swap3A_649] {strides = array<i32>} : memref<3x50x512xf32, #tpu.memory_space<vmem>>, vector<1x1x16xf32>,
      %swap3A_651 = vector.shape_cast %swap3A_650 : vector<1x1x16xf32> to vector<16xf32>
      %swap3A_652 = vector.shape_cast %get3A_477 : vector<16xf32> to vector<1x1x16xf32>
      tpu.vector_store %arg8[%swap3A_647, %swap3A_648, %swap3A_649], %swap3A_652 {add = true, strides = array<i32>} : memref<3x50x512xf32, #tpu.memory_space<vmem>>, vector<1x1x16xf32>,
      %swap3A_653 = arith.index_cast %scan3A_145 : i32 to index
      %swap3A_654 = arith.index_cast %scan3A_382 : i32 to index
      %swap3A_655 = arith.constant 384 : index
      %swap3A_656 = tpu.vector_load %arg8[%swap3A_653, %swap3A_654, %swap3A_655] {strides = array<i32>} : memref<3x50x512xf32, #tpu.memory_space<vmem>>, vector<1x1x16xf32>,
      %swap3A_657 = vector.shape_cast %swap3A_656 : vector<1x1x16xf32> to vector<16xf32>
      %swap3A_658 = vector.shape_cast %get3A_481 : vector<16xf32> to vector<1x1x16xf32>
      tpu.vector_store %arg8[%swap3A_653, %swap3A_654, %swap3A_655], %swap3A_658 {add = true, strides = array<i32>} : memref<3x50x512xf32, #tpu.memory_space<vmem>>, vector<1x1x16xf32>,
      %swap3A_659 = arith.index_cast %scan3A_145 : i32 to index
      %swap3A_660 = arith.index_cast %scan3A_382 : i32 to index
      %swap3A_661 = arith.constant 400 : index
      %swap3A_662 = tpu.vector_load %arg8[%swap3A_659, %swap3A_660, %swap3A_661] {strides = array<i32>} : memref<3x50x512xf32, #tpu.memory_space<vmem>>, vector<1x1x16xf32>,
      %swap3A_663 = vector.shape_cast %swap3A_662 : vector<1x1x16xf32> to vector<16xf32>
      %swap3A_664 = vector.shape_cast %get3A_485 : vector<16xf32> to vector<1x1x16xf32>
      tpu.vector_store %arg8[%swap3A_659, %swap3A_660, %swap3A_661], %swap3A_664 {add = true, strides = array<i32>} : memref<3x50x512xf32, #tpu.memory_space<vmem>>, vector<1x1x16xf32>,
      %swap3A_665 = arith.index_cast %scan3A_145 : i32 to index
      %swap3A_666 = arith.index_cast %scan3A_382 : i32 to index
      %swap3A_667 = arith.constant 416 : index
      %swap3A_668 = tpu.vector_load %arg8[%swap3A_665, %swap3A_666, %swap3A_667] {strides = array<i32>} : memref<3x50x512xf32, #tpu.memory_space<vmem>>, vector<1x1x16xf32>,
      %swap3A_669 = vector.shape_cast %swap3A_668 : vector<1x1x16xf32> to vector<16xf32>
      %swap3A_670 = vector.shape_cast %get3A_489 : vector<16xf32> to vector<1x1x16xf32>
      tpu.vector_store %arg8[%swap3A_665, %swap3A_666, %swap3A_667], %swap3A_670 {add = true, strides = array<i32>} : memref<3x50x512xf32, #tpu.memory_space<vmem>>, vector<1x1x16xf32>,
      %swap3A_671 = arith.index_cast %scan3A_145 : i32 to index
      %swap3A_672 = arith.index_cast %scan3A_382 : i32 to index
      %swap3A_673 = arith.constant 432 : index
      %swap3A_674 = tpu.vector_load %arg8[%swap3A_671, %swap3A_672, %swap3A_673] {strides = array<i32>} : memref<3x50x512xf32, #tpu.memory_space<vmem>>, vector<1x1x16xf32>,
      %swap3A_675 = vector.shape_cast %swap3A_674 : vector<1x1x16xf32> to vector<16xf32>
      %swap3A_676 = vector.shape_cast %get3A_493 : vector<16xf32> to vector<1x1x16xf32>
      tpu.vector_store %arg8[%swap3A_671, %swap3A_672, %swap3A_673], %swap3A_676 {add = true, strides = array<i32>} : memref<3x50x512xf32, #tpu.memory_space<vmem>>, vector<1x1x16xf32>,
      %swap3A_677 = arith.index_cast %scan3A_145 : i32 to index
      %swap3A_678 = arith.index_cast %scan3A_382 : i32 to index
      %swap3A_679 = arith.constant 448 : index
      %swap3A_680 = tpu.vector_load %arg8[%swap3A_677, %swap3A_678, %swap3A_679] {strides = array<i32>} : memref<3x50x512xf32, #tpu.memory_space<vmem>>, vector<1x1x16xf32>,
      %swap3A_681 = vector.shape_cast %swap3A_680 : vector<1x1x16xf32> to vector<16xf32>
      %swap3A_682 = vector.shape_cast %get3A_497 : vector<16xf32> to vector<1x1x16xf32>
      tpu.vector_store %arg8[%swap3A_677, %swap3A_678, %swap3A_679], %swap3A_682 {add = true, strides = array<i32>} : memref<3x50x512xf32, #tpu.memory_space<vmem>>, vector<1x1x16xf32>,
      %swap3A_683 = arith.index_cast %scan3A_145 : i32 to index
      %swap3A_684 = arith.index_cast %scan3A_382 : i32 to index
      %swap3A_685 = arith.constant 464 : index
      %swap3A_686 = tpu.vector_load %arg8[%swap3A_683, %swap3A_684, %swap3A_685] {strides = array<i32>} : memref<3x50x512xf32, #tpu.memory_space<vmem>>, vector<1x1x16xf32>,
      %swap3A_687 = vector.shape_cast %swap3A_686 : vector<1x1x16xf32> to vector<16xf32>
      %swap3A_688 = vector.shape_cast %get3A_501 : vector<16xf32> to vector<1x1x16xf32>
      tpu.vector_store %arg8[%swap3A_683, %swap3A_684, %swap3A_685], %swap3A_688 {add = true, strides = array<i32>} : memref<3x50x512xf32, #tpu.memory_space<vmem>>, vector<1x1x16xf32>,
      %swap3A_689 = arith.index_cast %scan3A_145 : i32 to index
      %swap3A_690 = arith.index_cast %scan3A_382 : i32 to index
      %swap3A_691 = arith.constant 480 : index
      %swap3A_692 = tpu.vector_load %arg8[%swap3A_689, %swap3A_690, %swap3A_691] {strides = array<i32>} : memref<3x50x512xf32, #tpu.memory_space<vmem>>, vector<1x1x16xf32>,
      %swap3A_693 = vector.shape_cast %swap3A_692 : vector<1x1x16xf32> to vector<16xf32>
      %swap3A_694 = vector.shape_cast %get3A_505 : vector<16xf32> to vector<1x1x16xf32>
      tpu.vector_store %arg8[%swap3A_689, %swap3A_690, %swap3A_691], %swap3A_694 {add = true, strides = array<i32>} : memref<3x50x512xf32, #tpu.memory_space<vmem>>, vector<1x1x16xf32>,
      %swap3A_695 = arith.index_cast %scan3A_145 : i32 to index
      %swap3A_696 = arith.index_cast %scan3A_382 : i32 to index
      %swap3A_697 = arith.constant 496 : index
      %swap3A_698 = tpu.vector_load %arg8[%swap3A_695, %swap3A_696, %swap3A_697] {strides = array<i32>} : memref<3x50x512xf32, #tpu.memory_space<vmem>>, vector<1x1x16xf32>,
      %swap3A_699 = vector.shape_cast %swap3A_698 : vector<1x1x16xf32> to vector<16xf32>
      %swap3A_700 = vector.shape_cast %get3A_509 : vector<16xf32> to vector<1x1x16xf32>
      tpu.vector_store %arg8[%swap3A_695, %swap3A_696, %swap3A_697], %swap3A_700 {add = true, strides = array<i32>} : memref<3x50x512xf32, #tpu.memory_space<vmem>>, vector<1x1x16xf32>,
    }
    %scan3A_150 = arith.constant 50 : i32
    %mul3A_151 = arith.constant 32 : i32
    %mul3A_152 = arith.muli %add3A, %mul3A_151 : i32
    %add3A_153 = arith.constant 28 : i32
    %add3A_154 = arith.addi %mul3A_152, %add3A_153 : i32
    %dma_start3A_155 = arith.constant 1 : i32
    %dma_start3A_156 = arith.constant 0 : i32
    %dma_start3A_157 = arith.constant 0 : i32
    %dma_start3A_158 = tpu.memref_slice %arg8[%dma_start3A_155, %dma_start3A_156, %dma_start3A_157] : memref<3x50x512xf32, #tpu.memory_space<vmem>> -> memref<1x50x512xf32, #tpu.memory_space<vmem>>
    %dma_start3A_159 = tpu.memref_squeeze %dma_start3A_158 : memref<1x50x512xf32, #tpu.memory_space<vmem>> -> memref<50x512xf32, #tpu.memory_space<vmem>>
    %dma_start3A_160 = arith.constant 0 : i32
    %dma_start3A_161 = arith.constant 0 : i32
    %dma_start3A_162 = tpu.memref_slice %arg5[%add3A_154, %dma_start3A_160, %dma_start3A_161] : memref<1024x50x512xf32, #tpu.memory_space<hbm>> -> memref<1x50x512xf32, #tpu.memory_space<hbm>>
    %dma_start3A_163 = tpu.memref_squeeze %dma_start3A_162 : memref<1x50x512xf32, #tpu.memory_space<hbm>> -> memref<50x512xf32, #tpu.memory_space<hbm>>
    %dma_start3A_164 = arith.constant 0 : i32
    %dma_start3A_165 = arith.constant 0 : i32
    %dma_start3A_166 = tpu.memref_slice %arg5[%add3A_154, %dma_start3A_164, %dma_start3A_165] : memref<1024x50x512xf32, #tpu.memory_space<hbm>> -> memref<1x50x512xf32, #tpu.memory_space<hbm>>
    %dma_start3A_167 = tpu.memref_squeeze %dma_start3A_166 : memref<1x50x512xf32, #tpu.memory_space<hbm>> -> memref<50x512xf32, #tpu.memory_space<hbm>>
    %dma_start3A_168 = arith.constant 0 : i32
    %dma_start3A_169 = arith.constant 0 : i32
    %dma_start3A_170 = tpu.memref_slice %arg8[%dma_start3A_155, %dma_start3A_168, %dma_start3A_169] : memref<3x50x512xf32, #tpu.memory_space<vmem>> -> memref<1x50x512xf32, #tpu.memory_space<vmem>>
    %dma_start3A_171 = tpu.memref_squeeze %dma_start3A_170 : memref<1x50x512xf32, #tpu.memory_space<vmem>> -> memref<50x512xf32, #tpu.memory_space<vmem>>
    tpu.enqueue_dma source(%dma_start3A_171 : memref<50x512xf32, #tpu.memory_space<vmem>>) target(%dma_start3A_167 : memref<50x512xf32, #tpu.memory_space<hbm>>) target_semaphore(%arg13 : memref<!tpu.dma_semaphore, #tpu.memory_space<semaphore_mem>>)
    %dma_wait3A_172 = arith.constant 2 : i32
    %dma_wait3A_173 = arith.constant 0 : i32
    %dma_wait3A_174 = arith.constant 0 : i32
    %dma_wait3A_175 = tpu.memref_slice %arg8[%dma_wait3A_172, %dma_wait3A_173, %dma_wait3A_174] : memref<3x50x512xf32, #tpu.memory_space<vmem>> -> memref<1x50x512xf32, #tpu.memory_space<vmem>>
    %dma_wait3A_176 = tpu.memref_squeeze %dma_wait3A_175 : memref<1x50x512xf32, #tpu.memory_space<vmem>> -> memref<50x512xf32, #tpu.memory_space<vmem>>
    %dma_wait3A_177 = arith.constant 0 : i32
    %dma_wait3A_178 = arith.constant 0 : i32
    %dma_wait3A_179 = tpu.memref_slice %arg4[%dma_wait3A_177, %dma_wait3A_178] : memref<100000x512xf32, #tpu.memory_space<hbm>> -> memref<50x512xf32, #tpu.memory_space<hbm>>
    %dma_wait3A_180 = arith.constant 0 : i32
    %dma_wait3A_181 = arith.constant 0 : i32
    %dma_wait3A_182 = tpu.memref_slice %arg8[%dma_wait3A_172, %dma_wait3A_180, %dma_wait3A_181] : memref<3x50x512xf32, #tpu.memory_space<vmem>> -> memref<1x50x512xf32, #tpu.memory_space<vmem>>
    %dma_wait3A_183 = tpu.memref_squeeze %dma_wait3A_182 : memref<1x50x512xf32, #tpu.memory_space<vmem>> -> memref<50x512xf32, #tpu.memory_space<vmem>>
    %dma_wait3A_184 = arith.constant 0 : i32
    %dma_wait3A_185 = arith.constant 0 : i32
    %dma_wait3A_186 = tpu.memref_slice %arg4[%dma_wait3A_184, %dma_wait3A_185] : memref<100000x512xf32, #tpu.memory_space<hbm>> -> memref<50x512xf32, #tpu.memory_space<hbm>>
    tpu.wait_dma2 semaphore(%arg11 : memref<!tpu.dma_semaphore, #tpu.memory_space<semaphore_mem>>) src(%dma_wait3A_186 : memref<50x512xf32, #tpu.memory_space<hbm>>) dst(%dma_wait3A_183 : memref<50x512xf32, #tpu.memory_space<vmem>>)
    %dma_wait3A_187 = arith.constant 1 : i32
    %dma_wait3A_188 = arith.constant 0 : i32
    %dma_wait3A_189 = arith.constant 0 : i32
    %dma_wait3A_190 = arith.constant 0 : i32
    %dma_wait3A_191 = tpu.memref_slice %arg8[%dma_wait3A_187, %dma_wait3A_189, %dma_wait3A_190] : memref<3x50x512xf32, #tpu.memory_space<vmem>> -> memref<1x50x512xf32, #tpu.memory_space<vmem>>
    %dma_wait3A_192 = tpu.memref_squeeze %dma_wait3A_191 : memref<1x50x512xf32, #tpu.memory_space<vmem>> -> memref<50x512xf32, #tpu.memory_space<vmem>>
    %dma_wait3A_193 = arith.constant 0 : i32
    %dma_wait3A_194 = arith.constant 0 : i32
    %dma_wait3A_195 = tpu.memref_slice %arg5[%dma_wait3A_188, %dma_wait3A_193, %dma_wait3A_194] : memref<1024x50x512xf32, #tpu.memory_space<hbm>> -> memref<1x50x512xf32, #tpu.memory_space<hbm>>
    %dma_wait3A_196 = tpu.memref_squeeze %dma_wait3A_195 : memref<1x50x512xf32, #tpu.memory_space<hbm>> -> memref<50x512xf32, #tpu.memory_space<hbm>>
    %dma_wait3A_197 = arith.constant 0 : i32
    %dma_wait3A_198 = arith.constant 0 : i32
    %dma_wait3A_199 = tpu.memref_slice %arg5[%dma_wait3A_188, %dma_wait3A_197, %dma_wait3A_198] : memref<1024x50x512xf32, #tpu.memory_space<hbm>> -> memref<1x50x512xf32, #tpu.memory_space<hbm>>
    %dma_wait3A_200 = tpu.memref_squeeze %dma_wait3A_199 : memref<1x50x512xf32, #tpu.memory_space<hbm>> -> memref<50x512xf32, #tpu.memory_space<hbm>>
    %dma_wait3A_201 = arith.constant 0 : i32
    %dma_wait3A_202 = arith.constant 0 : i32
    %dma_wait3A_203 = tpu.memref_slice %arg8[%dma_wait3A_187, %dma_wait3A_201, %dma_wait3A_202] : memref<3x50x512xf32, #tpu.memory_space<vmem>> -> memref<1x50x512xf32, #tpu.memory_space<vmem>>
    %dma_wait3A_204 = tpu.memref_squeeze %dma_wait3A_203 : memref<1x50x512xf32, #tpu.memory_space<vmem>> -> memref<50x512xf32, #tpu.memory_space<vmem>>
    tpu.wait_dma2 semaphore(%arg13 : memref<!tpu.dma_semaphore, #tpu.memory_space<semaphore_mem>>) src(%dma_wait3A_204 : memref<50x512xf32, #tpu.memory_space<vmem>>) dst(%dma_wait3A_200 : memref<50x512xf32, #tpu.memory_space<hbm>>)
    %dma_start3A_205 = arith.constant 31 : i32
    %dma_start3A_206 = arith.constant 1 : i32
    %dma_start3A_207 = arith.constant 0 : i32
    %dma_start3A_208 = arith.constant 0 : i32
    %dma_start3A_209 = tpu.memref_slice %arg8[%dma_start3A_206, %dma_start3A_207, %dma_start3A_208] : memref<3x50x512xf32, #tpu.memory_space<vmem>> -> memref<1x50x512xf32, #tpu.memory_space<vmem>>
    %dma_start3A_210 = tpu.memref_squeeze %dma_start3A_209 : memref<1x50x512xf32, #tpu.memory_space<vmem>> -> memref<50x512xf32, #tpu.memory_space<vmem>>
    %dma_start3A_211 = arith.constant 0 : i32
    %dma_start3A_212 = tpu.memref_slice %arg6[%dma_start3A_205, %dma_start3A_211] : memref<32x50xi32, #tpu.memory_space<vmem>> -> memref<1x50xi32, #tpu.memory_space<vmem>>
    %dma_start3A_213 = tpu.memref_squeeze %dma_start3A_212 : memref<1x50xi32, #tpu.memory_space<vmem>> -> memref<50xi32, #tpu.memory_space<vmem>>
    %dma_start3A_214 = arith.constant 0 : i32
    %dma_start3A_215 = arith.constant 0 : i32
    %dma_start3A_216 = tpu.memref_slice %arg4[%dma_start3A_214, %dma_start3A_215] : memref<100000x512xf32, #tpu.memory_space<hbm>> -> memref<100000x512xf32, #tpu.memory_space<hbm>>
    tpu.enqueue_indirect_dma source(%dma_start3A_216 : memref<100000x512xf32, #tpu.memory_space<hbm>>) target(%dma_start3A_210 : memref<50x512xf32, #tpu.memory_space<vmem>>) offsets(%dma_start3A_213 : memref<50xi32, #tpu.memory_space<vmem>>) semaphore(%arg10 : memref<!tpu.dma_semaphore, #tpu.memory_space<semaphore_mem>>)
    %scan3A_217 = arith.constant 2 : i32
    %scan3A_218 = arith.constant 0 : i32
    %scan3A_219 = arith.constant 50 : i32
    %scan3A_220 = arith.addi %scan3A_218, %scan3A_219 : i32
    %scan3A_221 = arith.constant 1 : i32
    scf.for %scan3A_382 = %scan3A_218 to %scan3A_220 step %scan3A_221  : i32 {
      %get3A = arith.index_cast %scan3A_382 : i32 to index
      %get3A_383 = arith.constant 0 : index
      %get3A_384 = tpu.vector_load %arg7[%get3A, %get3A_383] {strides = array<i32>} : memref<50x512xf32, #tpu.memory_space<vmem>>, vector<1x16xf32>,
      %get3A_385 = vector.shape_cast %get3A_384 : vector<1x16xf32> to vector<16xf32>
      %get3A_386 = arith.index_cast %scan3A_382 : i32 to index
      %get3A_387 = arith.constant 16 : index
      %get3A_388 = tpu.vector_load %arg7[%get3A_386, %get3A_387] {strides = array<i32>} : memref<50x512xf32, #tpu.memory_space<vmem>>, vector<1x16xf32>,
      %get3A_389 = vector.shape_cast %get3A_388 : vector<1x16xf32> to vector<16xf32>
      %get3A_390 = arith.index_cast %scan3A_382 : i32 to index
      %get3A_391 = arith.constant 32 : index
      %get3A_392 = tpu.vector_load %arg7[%get3A_390, %get3A_391] {strides = array<i32>} : memref<50x512xf32, #tpu.memory_space<vmem>>, vector<1x16xf32>,
      %get3A_393 = vector.shape_cast %get3A_392 : vector<1x16xf32> to vector<16xf32>
      %get3A_394 = arith.index_cast %scan3A_382 : i32 to index
      %get3A_395 = arith.constant 48 : index
      %get3A_396 = tpu.vector_load %arg7[%get3A_394, %get3A_395] {strides = array<i32>} : memref<50x512xf32, #tpu.memory_space<vmem>>, vector<1x16xf32>,
      %get3A_397 = vector.shape_cast %get3A_396 : vector<1x16xf32> to vector<16xf32>
      %get3A_398 = arith.index_cast %scan3A_382 : i32 to index
      %get3A_399 = arith.constant 64 : index
      %get3A_400 = tpu.vector_load %arg7[%get3A_398, %get3A_399] {strides = array<i32>} : memref<50x512xf32, #tpu.memory_space<vmem>>, vector<1x16xf32>,
      %get3A_401 = vector.shape_cast %get3A_400 : vector<1x16xf32> to vector<16xf32>
      %get3A_402 = arith.index_cast %scan3A_382 : i32 to index
      %get3A_403 = arith.constant 80 : index
      %get3A_404 = tpu.vector_load %arg7[%get3A_402, %get3A_403] {strides = array<i32>} : memref<50x512xf32, #tpu.memory_space<vmem>>, vector<1x16xf32>,
      %get3A_405 = vector.shape_cast %get3A_404 : vector<1x16xf32> to vector<16xf32>
      %get3A_406 = arith.index_cast %scan3A_382 : i32 to index
      %get3A_407 = arith.constant 96 : index
      %get3A_408 = tpu.vector_load %arg7[%get3A_406, %get3A_407] {strides = array<i32>} : memref<50x512xf32, #tpu.memory_space<vmem>>, vector<1x16xf32>,
      %get3A_409 = vector.shape_cast %get3A_408 : vector<1x16xf32> to vector<16xf32>
      %get3A_410 = arith.index_cast %scan3A_382 : i32 to index
      %get3A_411 = arith.constant 112 : index
      %get3A_412 = tpu.vector_load %arg7[%get3A_410, %get3A_411] {strides = array<i32>} : memref<50x512xf32, #tpu.memory_space<vmem>>, vector<1x16xf32>,
      %get3A_413 = vector.shape_cast %get3A_412 : vector<1x16xf32> to vector<16xf32>
      %get3A_414 = arith.index_cast %scan3A_382 : i32 to index
      %get3A_415 = arith.constant 128 : index
      %get3A_416 = tpu.vector_load %arg7[%get3A_414, %get3A_415] {strides = array<i32>} : memref<50x512xf32, #tpu.memory_space<vmem>>, vector<1x16xf32>,
      %get3A_417 = vector.shape_cast %get3A_416 : vector<1x16xf32> to vector<16xf32>
      %get3A_418 = arith.index_cast %scan3A_382 : i32 to index
      %get3A_419 = arith.constant 144 : index
      %get3A_420 = tpu.vector_load %arg7[%get3A_418, %get3A_419] {strides = array<i32>} : memref<50x512xf32, #tpu.memory_space<vmem>>, vector<1x16xf32>,
      %get3A_421 = vector.shape_cast %get3A_420 : vector<1x16xf32> to vector<16xf32>
      %get3A_422 = arith.index_cast %scan3A_382 : i32 to index
      %get3A_423 = arith.constant 160 : index
      %get3A_424 = tpu.vector_load %arg7[%get3A_422, %get3A_423] {strides = array<i32>} : memref<50x512xf32, #tpu.memory_space<vmem>>, vector<1x16xf32>,
      %get3A_425 = vector.shape_cast %get3A_424 : vector<1x16xf32> to vector<16xf32>
      %get3A_426 = arith.index_cast %scan3A_382 : i32 to index
      %get3A_427 = arith.constant 176 : index
      %get3A_428 = tpu.vector_load %arg7[%get3A_426, %get3A_427] {strides = array<i32>} : memref<50x512xf32, #tpu.memory_space<vmem>>, vector<1x16xf32>,
      %get3A_429 = vector.shape_cast %get3A_428 : vector<1x16xf32> to vector<16xf32>
      %get3A_430 = arith.index_cast %scan3A_382 : i32 to index
      %get3A_431 = arith.constant 192 : index
      %get3A_432 = tpu.vector_load %arg7[%get3A_430, %get3A_431] {strides = array<i32>} : memref<50x512xf32, #tpu.memory_space<vmem>>, vector<1x16xf32>,
      %get3A_433 = vector.shape_cast %get3A_432 : vector<1x16xf32> to vector<16xf32>
      %get3A_434 = arith.index_cast %scan3A_382 : i32 to index
      %get3A_435 = arith.constant 208 : index
      %get3A_436 = tpu.vector_load %arg7[%get3A_434, %get3A_435] {strides = array<i32>} : memref<50x512xf32, #tpu.memory_space<vmem>>, vector<1x16xf32>,
      %get3A_437 = vector.shape_cast %get3A_436 : vector<1x16xf32> to vector<16xf32>
      %get3A_438 = arith.index_cast %scan3A_382 : i32 to index
      %get3A_439 = arith.constant 224 : index
      %get3A_440 = tpu.vector_load %arg7[%get3A_438, %get3A_439] {strides = array<i32>} : memref<50x512xf32, #tpu.memory_space<vmem>>, vector<1x16xf32>,
      %get3A_441 = vector.shape_cast %get3A_440 : vector<1x16xf32> to vector<16xf32>
      %get3A_442 = arith.index_cast %scan3A_382 : i32 to index
      %get3A_443 = arith.constant 240 : index
      %get3A_444 = tpu.vector_load %arg7[%get3A_442, %get3A_443] {strides = array<i32>} : memref<50x512xf32, #tpu.memory_space<vmem>>, vector<1x16xf32>,
      %get3A_445 = vector.shape_cast %get3A_444 : vector<1x16xf32> to vector<16xf32>
      %get3A_446 = arith.index_cast %scan3A_382 : i32 to index
      %get3A_447 = arith.constant 256 : index
      %get3A_448 = tpu.vector_load %arg7[%get3A_446, %get3A_447] {strides = array<i32>} : memref<50x512xf32, #tpu.memory_space<vmem>>, vector<1x16xf32>,
      %get3A_449 = vector.shape_cast %get3A_448 : vector<1x16xf32> to vector<16xf32>
      %get3A_450 = arith.index_cast %scan3A_382 : i32 to index
      %get3A_451 = arith.constant 272 : index
      %get3A_452 = tpu.vector_load %arg7[%get3A_450, %get3A_451] {strides = array<i32>} : memref<50x512xf32, #tpu.memory_space<vmem>>, vector<1x16xf32>,
      %get3A_453 = vector.shape_cast %get3A_452 : vector<1x16xf32> to vector<16xf32>
      %get3A_454 = arith.index_cast %scan3A_382 : i32 to index
      %get3A_455 = arith.constant 288 : index
      %get3A_456 = tpu.vector_load %arg7[%get3A_454, %get3A_455] {strides = array<i32>} : memref<50x512xf32, #tpu.memory_space<vmem>>, vector<1x16xf32>,
      %get3A_457 = vector.shape_cast %get3A_456 : vector<1x16xf32> to vector<16xf32>
      %get3A_458 = arith.index_cast %scan3A_382 : i32 to index
      %get3A_459 = arith.constant 304 : index
      %get3A_460 = tpu.vector_load %arg7[%get3A_458, %get3A_459] {strides = array<i32>} : memref<50x512xf32, #tpu.memory_space<vmem>>, vector<1x16xf32>,
      %get3A_461 = vector.shape_cast %get3A_460 : vector<1x16xf32> to vector<16xf32>
      %get3A_462 = arith.index_cast %scan3A_382 : i32 to index
      %get3A_463 = arith.constant 320 : index
      %get3A_464 = tpu.vector_load %arg7[%get3A_462, %get3A_463] {strides = array<i32>} : memref<50x512xf32, #tpu.memory_space<vmem>>, vector<1x16xf32>,
      %get3A_465 = vector.shape_cast %get3A_464 : vector<1x16xf32> to vector<16xf32>
      %get3A_466 = arith.index_cast %scan3A_382 : i32 to index
      %get3A_467 = arith.constant 336 : index
      %get3A_468 = tpu.vector_load %arg7[%get3A_466, %get3A_467] {strides = array<i32>} : memref<50x512xf32, #tpu.memory_space<vmem>>, vector<1x16xf32>,
      %get3A_469 = vector.shape_cast %get3A_468 : vector<1x16xf32> to vector<16xf32>
      %get3A_470 = arith.index_cast %scan3A_382 : i32 to index
      %get3A_471 = arith.constant 352 : index
      %get3A_472 = tpu.vector_load %arg7[%get3A_470, %get3A_471] {strides = array<i32>} : memref<50x512xf32, #tpu.memory_space<vmem>>, vector<1x16xf32>,
      %get3A_473 = vector.shape_cast %get3A_472 : vector<1x16xf32> to vector<16xf32>
      %get3A_474 = arith.index_cast %scan3A_382 : i32 to index
      %get3A_475 = arith.constant 368 : index
      %get3A_476 = tpu.vector_load %arg7[%get3A_474, %get3A_475] {strides = array<i32>} : memref<50x512xf32, #tpu.memory_space<vmem>>, vector<1x16xf32>,
      %get3A_477 = vector.shape_cast %get3A_476 : vector<1x16xf32> to vector<16xf32>
      %get3A_478 = arith.index_cast %scan3A_382 : i32 to index
      %get3A_479 = arith.constant 384 : index
      %get3A_480 = tpu.vector_load %arg7[%get3A_478, %get3A_479] {strides = array<i32>} : memref<50x512xf32, #tpu.memory_space<vmem>>, vector<1x16xf32>,
      %get3A_481 = vector.shape_cast %get3A_480 : vector<1x16xf32> to vector<16xf32>
      %get3A_482 = arith.index_cast %scan3A_382 : i32 to index
      %get3A_483 = arith.constant 400 : index
      %get3A_484 = tpu.vector_load %arg7[%get3A_482, %get3A_483] {strides = array<i32>} : memref<50x512xf32, #tpu.memory_space<vmem>>, vector<1x16xf32>,
      %get3A_485 = vector.shape_cast %get3A_484 : vector<1x16xf32> to vector<16xf32>
      %get3A_486 = arith.index_cast %scan3A_382 : i32 to index
      %get3A_487 = arith.constant 416 : index
      %get3A_488 = tpu.vector_load %arg7[%get3A_486, %get3A_487] {strides = array<i32>} : memref<50x512xf32, #tpu.memory_space<vmem>>, vector<1x16xf32>,
      %get3A_489 = vector.shape_cast %get3A_488 : vector<1x16xf32> to vector<16xf32>
      %get3A_490 = arith.index_cast %scan3A_382 : i32 to index
      %get3A_491 = arith.constant 432 : index
      %get3A_492 = tpu.vector_load %arg7[%get3A_490, %get3A_491] {strides = array<i32>} : memref<50x512xf32, #tpu.memory_space<vmem>>, vector<1x16xf32>,
      %get3A_493 = vector.shape_cast %get3A_492 : vector<1x16xf32> to vector<16xf32>
      %get3A_494 = arith.index_cast %scan3A_382 : i32 to index
      %get3A_495 = arith.constant 448 : index
      %get3A_496 = tpu.vector_load %arg7[%get3A_494, %get3A_495] {strides = array<i32>} : memref<50x512xf32, #tpu.memory_space<vmem>>, vector<1x16xf32>,
      %get3A_497 = vector.shape_cast %get3A_496 : vector<1x16xf32> to vector<16xf32>
      %get3A_498 = arith.index_cast %scan3A_382 : i32 to index
      %get3A_499 = arith.constant 464 : index
      %get3A_500 = tpu.vector_load %arg7[%get3A_498, %get3A_499] {strides = array<i32>} : memref<50x512xf32, #tpu.memory_space<vmem>>, vector<1x16xf32>,
      %get3A_501 = vector.shape_cast %get3A_500 : vector<1x16xf32> to vector<16xf32>
      %get3A_502 = arith.index_cast %scan3A_382 : i32 to index
      %get3A_503 = arith.constant 480 : index
      %get3A_504 = tpu.vector_load %arg7[%get3A_502, %get3A_503] {strides = array<i32>} : memref<50x512xf32, #tpu.memory_space<vmem>>, vector<1x16xf32>,
      %get3A_505 = vector.shape_cast %get3A_504 : vector<1x16xf32> to vector<16xf32>
      %get3A_506 = arith.index_cast %scan3A_382 : i32 to index
      %get3A_507 = arith.constant 496 : index
      %get3A_508 = tpu.vector_load %arg7[%get3A_506, %get3A_507] {strides = array<i32>} : memref<50x512xf32, #tpu.memory_space<vmem>>, vector<1x16xf32>,
      %get3A_509 = vector.shape_cast %get3A_508 : vector<1x16xf32> to vector<16xf32>
      %swap3A = arith.index_cast %scan3A_217 : i32 to index
      %swap3A_510 = arith.index_cast %scan3A_382 : i32 to index
      %swap3A_511 = arith.constant 0 : index
      %swap3A_512 = tpu.vector_load %arg8[%swap3A, %swap3A_510, %swap3A_511] {strides = array<i32>} : memref<3x50x512xf32, #tpu.memory_space<vmem>>, vector<1x1x16xf32>,
      %swap3A_513 = vector.shape_cast %swap3A_512 : vector<1x1x16xf32> to vector<16xf32>
      %swap3A_514 = vector.shape_cast %get3A_385 : vector<16xf32> to vector<1x1x16xf32>
      tpu.vector_store %arg8[%swap3A, %swap3A_510, %swap3A_511], %swap3A_514 {add = true, strides = array<i32>} : memref<3x50x512xf32, #tpu.memory_space<vmem>>, vector<1x1x16xf32>,
      %swap3A_515 = arith.index_cast %scan3A_217 : i32 to index
      %swap3A_516 = arith.index_cast %scan3A_382 : i32 to index
      %swap3A_517 = arith.constant 16 : index
      %swap3A_518 = tpu.vector_load %arg8[%swap3A_515, %swap3A_516, %swap3A_517] {strides = array<i32>} : memref<3x50x512xf32, #tpu.memory_space<vmem>>, vector<1x1x16xf32>,
      %swap3A_519 = vector.shape_cast %swap3A_518 : vector<1x1x16xf32> to vector<16xf32>
      %swap3A_520 = vector.shape_cast %get3A_389 : vector<16xf32> to vector<1x1x16xf32>
      tpu.vector_store %arg8[%swap3A_515, %swap3A_516, %swap3A_517], %swap3A_520 {add = true, strides = array<i32>} : memref<3x50x512xf32, #tpu.memory_space<vmem>>, vector<1x1x16xf32>,
      %swap3A_521 = arith.index_cast %scan3A_217 : i32 to index
      %swap3A_522 = arith.index_cast %scan3A_382 : i32 to index
      %swap3A_523 = arith.constant 32 : index
      %swap3A_524 = tpu.vector_load %arg8[%swap3A_521, %swap3A_522, %swap3A_523] {strides = array<i32>} : memref<3x50x512xf32, #tpu.memory_space<vmem>>, vector<1x1x16xf32>,
      %swap3A_525 = vector.shape_cast %swap3A_524 : vector<1x1x16xf32> to vector<16xf32>
      %swap3A_526 = vector.shape_cast %get3A_393 : vector<16xf32> to vector<1x1x16xf32>
      tpu.vector_store %arg8[%swap3A_521, %swap3A_522, %swap3A_523], %swap3A_526 {add = true, strides = array<i32>} : memref<3x50x512xf32, #tpu.memory_space<vmem>>, vector<1x1x16xf32>,
      %swap3A_527 = arith.index_cast %scan3A_217 : i32 to index
      %swap3A_528 = arith.index_cast %scan3A_382 : i32 to index
      %swap3A_529 = arith.constant 48 : index
      %swap3A_530 = tpu.vector_load %arg8[%swap3A_527, %swap3A_528, %swap3A_529] {strides = array<i32>} : memref<3x50x512xf32, #tpu.memory_space<vmem>>, vector<1x1x16xf32>,
      %swap3A_531 = vector.shape_cast %swap3A_530 : vector<1x1x16xf32> to vector<16xf32>
      %swap3A_532 = vector.shape_cast %get3A_397 : vector<16xf32> to vector<1x1x16xf32>
      tpu.vector_store %arg8[%swap3A_527, %swap3A_528, %swap3A_529], %swap3A_532 {add = true, strides = array<i32>} : memref<3x50x512xf32, #tpu.memory_space<vmem>>, vector<1x1x16xf32>,
      %swap3A_533 = arith.index_cast %scan3A_217 : i32 to index
      %swap3A_534 = arith.index_cast %scan3A_382 : i32 to index
      %swap3A_535 = arith.constant 64 : index
      %swap3A_536 = tpu.vector_load %arg8[%swap3A_533, %swap3A_534, %swap3A_535] {strides = array<i32>} : memref<3x50x512xf32, #tpu.memory_space<vmem>>, vector<1x1x16xf32>,
      %swap3A_537 = vector.shape_cast %swap3A_536 : vector<1x1x16xf32> to vector<16xf32>
      %swap3A_538 = vector.shape_cast %get3A_401 : vector<16xf32> to vector<1x1x16xf32>
      tpu.vector_store %arg8[%swap3A_533, %swap3A_534, %swap3A_535], %swap3A_538 {add = true, strides = array<i32>} : memref<3x50x512xf32, #tpu.memory_space<vmem>>, vector<1x1x16xf32>,
      %swap3A_539 = arith.index_cast %scan3A_217 : i32 to index
      %swap3A_540 = arith.index_cast %scan3A_382 : i32 to index
      %swap3A_541 = arith.constant 80 : index
      %swap3A_542 = tpu.vector_load %arg8[%swap3A_539, %swap3A_540, %swap3A_541] {strides = array<i32>} : memref<3x50x512xf32, #tpu.memory_space<vmem>>, vector<1x1x16xf32>,
      %swap3A_543 = vector.shape_cast %swap3A_542 : vector<1x1x16xf32> to vector<16xf32>
      %swap3A_544 = vector.shape_cast %get3A_405 : vector<16xf32> to vector<1x1x16xf32>
      tpu.vector_store %arg8[%swap3A_539, %swap3A_540, %swap3A_541], %swap3A_544 {add = true, strides = array<i32>} : memref<3x50x512xf32, #tpu.memory_space<vmem>>, vector<1x1x16xf32>,
      %swap3A_545 = arith.index_cast %scan3A_217 : i32 to index
      %swap3A_546 = arith.index_cast %scan3A_382 : i32 to index
      %swap3A_547 = arith.constant 96 : index
      %swap3A_548 = tpu.vector_load %arg8[%swap3A_545, %swap3A_546, %swap3A_547] {strides = array<i32>} : memref<3x50x512xf32, #tpu.memory_space<vmem>>, vector<1x1x16xf32>,
      %swap3A_549 = vector.shape_cast %swap3A_548 : vector<1x1x16xf32> to vector<16xf32>
      %swap3A_550 = vector.shape_cast %get3A_409 : vector<16xf32> to vector<1x1x16xf32>
      tpu.vector_store %arg8[%swap3A_545, %swap3A_546, %swap3A_547], %swap3A_550 {add = true, strides = array<i32>} : memref<3x50x512xf32, #tpu.memory_space<vmem>>, vector<1x1x16xf32>,
      %swap3A_551 = arith.index_cast %scan3A_217 : i32 to index
      %swap3A_552 = arith.index_cast %scan3A_382 : i32 to index
      %swap3A_553 = arith.constant 112 : index
      %swap3A_554 = tpu.vector_load %arg8[%swap3A_551, %swap3A_552, %swap3A_553] {strides = array<i32>} : memref<3x50x512xf32, #tpu.memory_space<vmem>>, vector<1x1x16xf32>,
      %swap3A_555 = vector.shape_cast %swap3A_554 : vector<1x1x16xf32> to vector<16xf32>
      %swap3A_556 = vector.shape_cast %get3A_413 : vector<16xf32> to vector<1x1x16xf32>
      tpu.vector_store %arg8[%swap3A_551, %swap3A_552, %swap3A_553], %swap3A_556 {add = true, strides = array<i32>} : memref<3x50x512xf32, #tpu.memory_space<vmem>>, vector<1x1x16xf32>,
      %swap3A_557 = arith.index_cast %scan3A_217 : i32 to index
      %swap3A_558 = arith.index_cast %scan3A_382 : i32 to index
      %swap3A_559 = arith.constant 128 : index
      %swap3A_560 = tpu.vector_load %arg8[%swap3A_557, %swap3A_558, %swap3A_559] {strides = array<i32>} : memref<3x50x512xf32, #tpu.memory_space<vmem>>, vector<1x1x16xf32>,
      %swap3A_561 = vector.shape_cast %swap3A_560 : vector<1x1x16xf32> to vector<16xf32>
      %swap3A_562 = vector.shape_cast %get3A_417 : vector<16xf32> to vector<1x1x16xf32>
      tpu.vector_store %arg8[%swap3A_557, %swap3A_558, %swap3A_559], %swap3A_562 {add = true, strides = array<i32>} : memref<3x50x512xf32, #tpu.memory_space<vmem>>, vector<1x1x16xf32>,
      %swap3A_563 = arith.index_cast %scan3A_217 : i32 to index
      %swap3A_564 = arith.index_cast %scan3A_382 : i32 to index
      %swap3A_565 = arith.constant 144 : index
      %swap3A_566 = tpu.vector_load %arg8[%swap3A_563, %swap3A_564, %swap3A_565] {strides = array<i32>} : memref<3x50x512xf32, #tpu.memory_space<vmem>>, vector<1x1x16xf32>,
      %swap3A_567 = vector.shape_cast %swap3A_566 : vector<1x1x16xf32> to vector<16xf32>
      %swap3A_568 = vector.shape_cast %get3A_421 : vector<16xf32> to vector<1x1x16xf32>
      tpu.vector_store %arg8[%swap3A_563, %swap3A_564, %swap3A_565], %swap3A_568 {add = true, strides = array<i32>} : memref<3x50x512xf32, #tpu.memory_space<vmem>>, vector<1x1x16xf32>,
      %swap3A_569 = arith.index_cast %scan3A_217 : i32 to index
      %swap3A_570 = arith.index_cast %scan3A_382 : i32 to index
      %swap3A_571 = arith.constant 160 : index
      %swap3A_572 = tpu.vector_load %arg8[%swap3A_569, %swap3A_570, %swap3A_571] {strides = array<i32>} : memref<3x50x512xf32, #tpu.memory_space<vmem>>, vector<1x1x16xf32>,
      %swap3A_573 = vector.shape_cast %swap3A_572 : vector<1x1x16xf32> to vector<16xf32>
      %swap3A_574 = vector.shape_cast %get3A_425 : vector<16xf32> to vector<1x1x16xf32>
      tpu.vector_store %arg8[%swap3A_569, %swap3A_570, %swap3A_571], %swap3A_574 {add = true, strides = array<i32>} : memref<3x50x512xf32, #tpu.memory_space<vmem>>, vector<1x1x16xf32>,
      %swap3A_575 = arith.index_cast %scan3A_217 : i32 to index
      %swap3A_576 = arith.index_cast %scan3A_382 : i32 to index
      %swap3A_577 = arith.constant 176 : index
      %swap3A_578 = tpu.vector_load %arg8[%swap3A_575, %swap3A_576, %swap3A_577] {strides = array<i32>} : memref<3x50x512xf32, #tpu.memory_space<vmem>>, vector<1x1x16xf32>,
      %swap3A_579 = vector.shape_cast %swap3A_578 : vector<1x1x16xf32> to vector<16xf32>
      %swap3A_580 = vector.shape_cast %get3A_429 : vector<16xf32> to vector<1x1x16xf32>
      tpu.vector_store %arg8[%swap3A_575, %swap3A_576, %swap3A_577], %swap3A_580 {add = true, strides = array<i32>} : memref<3x50x512xf32, #tpu.memory_space<vmem>>, vector<1x1x16xf32>,
      %swap3A_581 = arith.index_cast %scan3A_217 : i32 to index
      %swap3A_582 = arith.index_cast %scan3A_382 : i32 to index
      %swap3A_583 = arith.constant 192 : index
      %swap3A_584 = tpu.vector_load %arg8[%swap3A_581, %swap3A_582, %swap3A_583] {strides = array<i32>} : memref<3x50x512xf32, #tpu.memory_space<vmem>>, vector<1x1x16xf32>,
      %swap3A_585 = vector.shape_cast %swap3A_584 : vector<1x1x16xf32> to vector<16xf32>
      %swap3A_586 = vector.shape_cast %get3A_433 : vector<16xf32> to vector<1x1x16xf32>
      tpu.vector_store %arg8[%swap3A_581, %swap3A_582, %swap3A_583], %swap3A_586 {add = true, strides = array<i32>} : memref<3x50x512xf32, #tpu.memory_space<vmem>>, vector<1x1x16xf32>,
      %swap3A_587 = arith.index_cast %scan3A_217 : i32 to index
      %swap3A_588 = arith.index_cast %scan3A_382 : i32 to index
      %swap3A_589 = arith.constant 208 : index
      %swap3A_590 = tpu.vector_load %arg8[%swap3A_587, %swap3A_588, %swap3A_589] {strides = array<i32>} : memref<3x50x512xf32, #tpu.memory_space<vmem>>, vector<1x1x16xf32>,
      %swap3A_591 = vector.shape_cast %swap3A_590 : vector<1x1x16xf32> to vector<16xf32>
      %swap3A_592 = vector.shape_cast %get3A_437 : vector<16xf32> to vector<1x1x16xf32>
      tpu.vector_store %arg8[%swap3A_587, %swap3A_588, %swap3A_589], %swap3A_592 {add = true, strides = array<i32>} : memref<3x50x512xf32, #tpu.memory_space<vmem>>, vector<1x1x16xf32>,
      %swap3A_593 = arith.index_cast %scan3A_217 : i32 to index
      %swap3A_594 = arith.index_cast %scan3A_382 : i32 to index
      %swap3A_595 = arith.constant 224 : index
      %swap3A_596 = tpu.vector_load %arg8[%swap3A_593, %swap3A_594, %swap3A_595] {strides = array<i32>} : memref<3x50x512xf32, #tpu.memory_space<vmem>>, vector<1x1x16xf32>,
      %swap3A_597 = vector.shape_cast %swap3A_596 : vector<1x1x16xf32> to vector<16xf32>
      %swap3A_598 = vector.shape_cast %get3A_441 : vector<16xf32> to vector<1x1x16xf32>
      tpu.vector_store %arg8[%swap3A_593, %swap3A_594, %swap3A_595], %swap3A_598 {add = true, strides = array<i32>} : memref<3x50x512xf32, #tpu.memory_space<vmem>>, vector<1x1x16xf32>,
      %swap3A_599 = arith.index_cast %scan3A_217 : i32 to index
      %swap3A_600 = arith.index_cast %scan3A_382 : i32 to index
      %swap3A_601 = arith.constant 240 : index
      %swap3A_602 = tpu.vector_load %arg8[%swap3A_599, %swap3A_600, %swap3A_601] {strides = array<i32>} : memref<3x50x512xf32, #tpu.memory_space<vmem>>, vector<1x1x16xf32>,
      %swap3A_603 = vector.shape_cast %swap3A_602 : vector<1x1x16xf32> to vector<16xf32>
      %swap3A_604 = vector.shape_cast %get3A_445 : vector<16xf32> to vector<1x1x16xf32>
      tpu.vector_store %arg8[%swap3A_599, %swap3A_600, %swap3A_601], %swap3A_604 {add = true, strides = array<i32>} : memref<3x50x512xf32, #tpu.memory_space<vmem>>, vector<1x1x16xf32>,
      %swap3A_605 = arith.index_cast %scan3A_217 : i32 to index
      %swap3A_606 = arith.index_cast %scan3A_382 : i32 to index
      %swap3A_607 = arith.constant 256 : index
      %swap3A_608 = tpu.vector_load %arg8[%swap3A_605, %swap3A_606, %swap3A_607] {strides = array<i32>} : memref<3x50x512xf32, #tpu.memory_space<vmem>>, vector<1x1x16xf32>,
      %swap3A_609 = vector.shape_cast %swap3A_608 : vector<1x1x16xf32> to vector<16xf32>
      %swap3A_610 = vector.shape_cast %get3A_449 : vector<16xf32> to vector<1x1x16xf32>
      tpu.vector_store %arg8[%swap3A_605, %swap3A_606, %swap3A_607], %swap3A_610 {add = true, strides = array<i32>} : memref<3x50x512xf32, #tpu.memory_space<vmem>>, vector<1x1x16xf32>,
      %swap3A_611 = arith.index_cast %scan3A_217 : i32 to index
      %swap3A_612 = arith.index_cast %scan3A_382 : i32 to index
      %swap3A_613 = arith.constant 272 : index
      %swap3A_614 = tpu.vector_load %arg8[%swap3A_611, %swap3A_612, %swap3A_613] {strides = array<i32>} : memref<3x50x512xf32, #tpu.memory_space<vmem>>, vector<1x1x16xf32>,
      %swap3A_615 = vector.shape_cast %swap3A_614 : vector<1x1x16xf32> to vector<16xf32>
      %swap3A_616 = vector.shape_cast %get3A_453 : vector<16xf32> to vector<1x1x16xf32>
      tpu.vector_store %arg8[%swap3A_611, %swap3A_612, %swap3A_613], %swap3A_616 {add = true, strides = array<i32>} : memref<3x50x512xf32, #tpu.memory_space<vmem>>, vector<1x1x16xf32>,
      %swap3A_617 = arith.index_cast %scan3A_217 : i32 to index
      %swap3A_618 = arith.index_cast %scan3A_382 : i32 to index
      %swap3A_619 = arith.constant 288 : index
      %swap3A_620 = tpu.vector_load %arg8[%swap3A_617, %swap3A_618, %swap3A_619] {strides = array<i32>} : memref<3x50x512xf32, #tpu.memory_space<vmem>>, vector<1x1x16xf32>,
      %swap3A_621 = vector.shape_cast %swap3A_620 : vector<1x1x16xf32> to vector<16xf32>
      %swap3A_622 = vector.shape_cast %get3A_457 : vector<16xf32> to vector<1x1x16xf32>
      tpu.vector_store %arg8[%swap3A_617, %swap3A_618, %swap3A_619], %swap3A_622 {add = true, strides = array<i32>} : memref<3x50x512xf32, #tpu.memory_space<vmem>>, vector<1x1x16xf32>,
      %swap3A_623 = arith.index_cast %scan3A_217 : i32 to index
      %swap3A_624 = arith.index_cast %scan3A_382 : i32 to index
      %swap3A_625 = arith.constant 304 : index
      %swap3A_626 = tpu.vector_load %arg8[%swap3A_623, %swap3A_624, %swap3A_625] {strides = array<i32>} : memref<3x50x512xf32, #tpu.memory_space<vmem>>, vector<1x1x16xf32>,
      %swap3A_627 = vector.shape_cast %swap3A_626 : vector<1x1x16xf32> to vector<16xf32>
      %swap3A_628 = vector.shape_cast %get3A_461 : vector<16xf32> to vector<1x1x16xf32>
      tpu.vector_store %arg8[%swap3A_623, %swap3A_624, %swap3A_625], %swap3A_628 {add = true, strides = array<i32>} : memref<3x50x512xf32, #tpu.memory_space<vmem>>, vector<1x1x16xf32>,
      %swap3A_629 = arith.index_cast %scan3A_217 : i32 to index
      %swap3A_630 = arith.index_cast %scan3A_382 : i32 to index
      %swap3A_631 = arith.constant 320 : index
      %swap3A_632 = tpu.vector_load %arg8[%swap3A_629, %swap3A_630, %swap3A_631] {strides = array<i32>} : memref<3x50x512xf32, #tpu.memory_space<vmem>>, vector<1x1x16xf32>,
      %swap3A_633 = vector.shape_cast %swap3A_632 : vector<1x1x16xf32> to vector<16xf32>
      %swap3A_634 = vector.shape_cast %get3A_465 : vector<16xf32> to vector<1x1x16xf32>
      tpu.vector_store %arg8[%swap3A_629, %swap3A_630, %swap3A_631], %swap3A_634 {add = true, strides = array<i32>} : memref<3x50x512xf32, #tpu.memory_space<vmem>>, vector<1x1x16xf32>,
      %swap3A_635 = arith.index_cast %scan3A_217 : i32 to index
      %swap3A_636 = arith.index_cast %scan3A_382 : i32 to index
      %swap3A_637 = arith.constant 336 : index
      %swap3A_638 = tpu.vector_load %arg8[%swap3A_635, %swap3A_636, %swap3A_637] {strides = array<i32>} : memref<3x50x512xf32, #tpu.memory_space<vmem>>, vector<1x1x16xf32>,
      %swap3A_639 = vector.shape_cast %swap3A_638 : vector<1x1x16xf32> to vector<16xf32>
      %swap3A_640 = vector.shape_cast %get3A_469 : vector<16xf32> to vector<1x1x16xf32>
      tpu.vector_store %arg8[%swap3A_635, %swap3A_636, %swap3A_637], %swap3A_640 {add = true, strides = array<i32>} : memref<3x50x512xf32, #tpu.memory_space<vmem>>, vector<1x1x16xf32>,
      %swap3A_641 = arith.index_cast %scan3A_217 : i32 to index
      %swap3A_642 = arith.index_cast %scan3A_382 : i32 to index
      %swap3A_643 = arith.constant 352 : index
      %swap3A_644 = tpu.vector_load %arg8[%swap3A_641, %swap3A_642, %swap3A_643] {strides = array<i32>} : memref<3x50x512xf32, #tpu.memory_space<vmem>>, vector<1x1x16xf32>,
      %swap3A_645 = vector.shape_cast %swap3A_644 : vector<1x1x16xf32> to vector<16xf32>
      %swap3A_646 = vector.shape_cast %get3A_473 : vector<16xf32> to vector<1x1x16xf32>
      tpu.vector_store %arg8[%swap3A_641, %swap3A_642, %swap3A_643], %swap3A_646 {add = true, strides = array<i32>} : memref<3x50x512xf32, #tpu.memory_space<vmem>>, vector<1x1x16xf32>,
      %swap3A_647 = arith.index_cast %scan3A_217 : i32 to index
      %swap3A_648 = arith.index_cast %scan3A_382 : i32 to index
      %swap3A_649 = arith.constant 368 : index
      %swap3A_650 = tpu.vector_load %arg8[%swap3A_647, %swap3A_648, %swap3A_649] {strides = array<i32>} : memref<3x50x512xf32, #tpu.memory_space<vmem>>, vector<1x1x16xf32>,
      %swap3A_651 = vector.shape_cast %swap3A_650 : vector<1x1x16xf32> to vector<16xf32>
      %swap3A_652 = vector.shape_cast %get3A_477 : vector<16xf32> to vector<1x1x16xf32>
      tpu.vector_store %arg8[%swap3A_647, %swap3A_648, %swap3A_649], %swap3A_652 {add = true, strides = array<i32>} : memref<3x50x512xf32, #tpu.memory_space<vmem>>, vector<1x1x16xf32>,
      %swap3A_653 = arith.index_cast %scan3A_217 : i32 to index
      %swap3A_654 = arith.index_cast %scan3A_382 : i32 to index
      %swap3A_655 = arith.constant 384 : index
      %swap3A_656 = tpu.vector_load %arg8[%swap3A_653, %swap3A_654, %swap3A_655] {strides = array<i32>} : memref<3x50x512xf32, #tpu.memory_space<vmem>>, vector<1x1x16xf32>,
      %swap3A_657 = vector.shape_cast %swap3A_656 : vector<1x1x16xf32> to vector<16xf32>
      %swap3A_658 = vector.shape_cast %get3A_481 : vector<16xf32> to vector<1x1x16xf32>
      tpu.vector_store %arg8[%swap3A_653, %swap3A_654, %swap3A_655], %swap3A_658 {add = true, strides = array<i32>} : memref<3x50x512xf32, #tpu.memory_space<vmem>>, vector<1x1x16xf32>,
      %swap3A_659 = arith.index_cast %scan3A_217 : i32 to index
      %swap3A_660 = arith.index_cast %scan3A_382 : i32 to index
      %swap3A_661 = arith.constant 400 : index
      %swap3A_662 = tpu.vector_load %arg8[%swap3A_659, %swap3A_660, %swap3A_661] {strides = array<i32>} : memref<3x50x512xf32, #tpu.memory_space<vmem>>, vector<1x1x16xf32>,
      %swap3A_663 = vector.shape_cast %swap3A_662 : vector<1x1x16xf32> to vector<16xf32>
      %swap3A_664 = vector.shape_cast %get3A_485 : vector<16xf32> to vector<1x1x16xf32>
      tpu.vector_store %arg8[%swap3A_659, %swap3A_660, %swap3A_661], %swap3A_664 {add = true, strides = array<i32>} : memref<3x50x512xf32, #tpu.memory_space<vmem>>, vector<1x1x16xf32>,
      %swap3A_665 = arith.index_cast %scan3A_217 : i32 to index
      %swap3A_666 = arith.index_cast %scan3A_382 : i32 to index
      %swap3A_667 = arith.constant 416 : index
      %swap3A_668 = tpu.vector_load %arg8[%swap3A_665, %swap3A_666, %swap3A_667] {strides = array<i32>} : memref<3x50x512xf32, #tpu.memory_space<vmem>>, vector<1x1x16xf32>,
      %swap3A_669 = vector.shape_cast %swap3A_668 : vector<1x1x16xf32> to vector<16xf32>
      %swap3A_670 = vector.shape_cast %get3A_489 : vector<16xf32> to vector<1x1x16xf32>
      tpu.vector_store %arg8[%swap3A_665, %swap3A_666, %swap3A_667], %swap3A_670 {add = true, strides = array<i32>} : memref<3x50x512xf32, #tpu.memory_space<vmem>>, vector<1x1x16xf32>,
      %swap3A_671 = arith.index_cast %scan3A_217 : i32 to index
      %swap3A_672 = arith.index_cast %scan3A_382 : i32 to index
      %swap3A_673 = arith.constant 432 : index
      %swap3A_674 = tpu.vector_load %arg8[%swap3A_671, %swap3A_672, %swap3A_673] {strides = array<i32>} : memref<3x50x512xf32, #tpu.memory_space<vmem>>, vector<1x1x16xf32>,
      %swap3A_675 = vector.shape_cast %swap3A_674 : vector<1x1x16xf32> to vector<16xf32>
      %swap3A_676 = vector.shape_cast %get3A_493 : vector<16xf32> to vector<1x1x16xf32>
      tpu.vector_store %arg8[%swap3A_671, %swap3A_672, %swap3A_673], %swap3A_676 {add = true, strides = array<i32>} : memref<3x50x512xf32, #tpu.memory_space<vmem>>, vector<1x1x16xf32>,
      %swap3A_677 = arith.index_cast %scan3A_217 : i32 to index
      %swap3A_678 = arith.index_cast %scan3A_382 : i32 to index
      %swap3A_679 = arith.constant 448 : index
      %swap3A_680 = tpu.vector_load %arg8[%swap3A_677, %swap3A_678, %swap3A_679] {strides = array<i32>} : memref<3x50x512xf32, #tpu.memory_space<vmem>>, vector<1x1x16xf32>,
      %swap3A_681 = vector.shape_cast %swap3A_680 : vector<1x1x16xf32> to vector<16xf32>
      %swap3A_682 = vector.shape_cast %get3A_497 : vector<16xf32> to vector<1x1x16xf32>
      tpu.vector_store %arg8[%swap3A_677, %swap3A_678, %swap3A_679], %swap3A_682 {add = true, strides = array<i32>} : memref<3x50x512xf32, #tpu.memory_space<vmem>>, vector<1x1x16xf32>,
      %swap3A_683 = arith.index_cast %scan3A_217 : i32 to index
      %swap3A_684 = arith.index_cast %scan3A_382 : i32 to index
      %swap3A_685 = arith.constant 464 : index
      %swap3A_686 = tpu.vector_load %arg8[%swap3A_683, %swap3A_684, %swap3A_685] {strides = array<i32>} : memref<3x50x512xf32, #tpu.memory_space<vmem>>, vector<1x1x16xf32>,
      %swap3A_687 = vector.shape_cast %swap3A_686 : vector<1x1x16xf32> to vector<16xf32>
      %swap3A_688 = vector.shape_cast %get3A_501 : vector<16xf32> to vector<1x1x16xf32>
      tpu.vector_store %arg8[%swap3A_683, %swap3A_684, %swap3A_685], %swap3A_688 {add = true, strides = array<i32>} : memref<3x50x512xf32, #tpu.memory_space<vmem>>, vector<1x1x16xf32>,
      %swap3A_689 = arith.index_cast %scan3A_217 : i32 to index
      %swap3A_690 = arith.index_cast %scan3A_382 : i32 to index
      %swap3A_691 = arith.constant 480 : index
      %swap3A_692 = tpu.vector_load %arg8[%swap3A_689, %swap3A_690, %swap3A_691] {strides = array<i32>} : memref<3x50x512xf32, #tpu.memory_space<vmem>>, vector<1x1x16xf32>,
      %swap3A_693 = vector.shape_cast %swap3A_692 : vector<1x1x16xf32> to vector<16xf32>
      %swap3A_694 = vector.shape_cast %get3A_505 : vector<16xf32> to vector<1x1x16xf32>
      tpu.vector_store %arg8[%swap3A_689, %swap3A_690, %swap3A_691], %swap3A_694 {add = true, strides = array<i32>} : memref<3x50x512xf32, #tpu.memory_space<vmem>>, vector<1x1x16xf32>,
      %swap3A_695 = arith.index_cast %scan3A_217 : i32 to index
      %swap3A_696 = arith.index_cast %scan3A_382 : i32 to index
      %swap3A_697 = arith.constant 496 : index
      %swap3A_698 = tpu.vector_load %arg8[%swap3A_695, %swap3A_696, %swap3A_697] {strides = array<i32>} : memref<3x50x512xf32, #tpu.memory_space<vmem>>, vector<1x1x16xf32>,
      %swap3A_699 = vector.shape_cast %swap3A_698 : vector<1x1x16xf32> to vector<16xf32>
      %swap3A_700 = vector.shape_cast %get3A_509 : vector<16xf32> to vector<1x1x16xf32>
      tpu.vector_store %arg8[%swap3A_695, %swap3A_696, %swap3A_697], %swap3A_700 {add = true, strides = array<i32>} : memref<3x50x512xf32, #tpu.memory_space<vmem>>, vector<1x1x16xf32>,
    }
    %scan3A_222 = arith.constant 50 : i32
    %mul3A_223 = arith.constant 32 : i32
    %mul3A_224 = arith.muli %add3A, %mul3A_223 : i32
    %add3A_225 = arith.constant 29 : i32
    %add3A_226 = arith.addi %mul3A_224, %add3A_225 : i32
    %dma_start3A_227 = arith.constant 2 : i32
    %dma_start3A_228 = arith.constant 0 : i32
    %dma_start3A_229 = arith.constant 0 : i32
    %dma_start3A_230 = tpu.memref_slice %arg8[%dma_start3A_227, %dma_start3A_228, %dma_start3A_229] : memref<3x50x512xf32, #tpu.memory_space<vmem>> -> memref<1x50x512xf32, #tpu.memory_space<vmem>>
    %dma_start3A_231 = tpu.memref_squeeze %dma_start3A_230 : memref<1x50x512xf32, #tpu.memory_space<vmem>> -> memref<50x512xf32, #tpu.memory_space<vmem>>
    %dma_start3A_232 = arith.constant 0 : i32
    %dma_start3A_233 = arith.constant 0 : i32
    %dma_start3A_234 = tpu.memref_slice %arg5[%add3A_226, %dma_start3A_232, %dma_start3A_233] : memref<1024x50x512xf32, #tpu.memory_space<hbm>> -> memref<1x50x512xf32, #tpu.memory_space<hbm>>
    %dma_start3A_235 = tpu.memref_squeeze %dma_start3A_234 : memref<1x50x512xf32, #tpu.memory_space<hbm>> -> memref<50x512xf32, #tpu.memory_space<hbm>>
    %dma_start3A_236 = arith.constant 0 : i32
    %dma_start3A_237 = arith.constant 0 : i32
    %dma_start3A_238 = tpu.memref_slice %arg5[%add3A_226, %dma_start3A_236, %dma_start3A_237] : memref<1024x50x512xf32, #tpu.memory_space<hbm>> -> memref<1x50x512xf32, #tpu.memory_space<hbm>>
    %dma_start3A_239 = tpu.memref_squeeze %dma_start3A_238 : memref<1x50x512xf32, #tpu.memory_space<hbm>> -> memref<50x512xf32, #tpu.memory_space<hbm>>
    %dma_start3A_240 = arith.constant 0 : i32
    %dma_start3A_241 = arith.constant 0 : i32
    %dma_start3A_242 = tpu.memref_slice %arg8[%dma_start3A_227, %dma_start3A_240, %dma_start3A_241] : memref<3x50x512xf32, #tpu.memory_space<vmem>> -> memref<1x50x512xf32, #tpu.memory_space<vmem>>
    %dma_start3A_243 = tpu.memref_squeeze %dma_start3A_242 : memref<1x50x512xf32, #tpu.memory_space<vmem>> -> memref<50x512xf32, #tpu.memory_space<vmem>>
    tpu.enqueue_dma source(%dma_start3A_243 : memref<50x512xf32, #tpu.memory_space<vmem>>) target(%dma_start3A_239 : memref<50x512xf32, #tpu.memory_space<hbm>>) target_semaphore(%arg14 : memref<!tpu.dma_semaphore, #tpu.memory_space<semaphore_mem>>)
    %dma_wait3A_244 = arith.constant 0 : i32
    %dma_wait3A_245 = arith.constant 0 : i32
    %dma_wait3A_246 = arith.constant 0 : i32
    %dma_wait3A_247 = tpu.memref_slice %arg8[%dma_wait3A_244, %dma_wait3A_245, %dma_wait3A_246] : memref<3x50x512xf32, #tpu.memory_space<vmem>> -> memref<1x50x512xf32, #tpu.memory_space<vmem>>
    %dma_wait3A_248 = tpu.memref_squeeze %dma_wait3A_247 : memref<1x50x512xf32, #tpu.memory_space<vmem>> -> memref<50x512xf32, #tpu.memory_space<vmem>>
    %dma_wait3A_249 = arith.constant 0 : i32
    %dma_wait3A_250 = arith.constant 0 : i32
    %dma_wait3A_251 = tpu.memref_slice %arg4[%dma_wait3A_249, %dma_wait3A_250] : memref<100000x512xf32, #tpu.memory_space<hbm>> -> memref<50x512xf32, #tpu.memory_space<hbm>>
    %dma_wait3A_252 = arith.constant 0 : i32
    %dma_wait3A_253 = arith.constant 0 : i32
    %dma_wait3A_254 = tpu.memref_slice %arg8[%dma_wait3A_244, %dma_wait3A_252, %dma_wait3A_253] : memref<3x50x512xf32, #tpu.memory_space<vmem>> -> memref<1x50x512xf32, #tpu.memory_space<vmem>>
    %dma_wait3A_255 = tpu.memref_squeeze %dma_wait3A_254 : memref<1x50x512xf32, #tpu.memory_space<vmem>> -> memref<50x512xf32, #tpu.memory_space<vmem>>
    %dma_wait3A_256 = arith.constant 0 : i32
    %dma_wait3A_257 = arith.constant 0 : i32
    %dma_wait3A_258 = tpu.memref_slice %arg4[%dma_wait3A_256, %dma_wait3A_257] : memref<100000x512xf32, #tpu.memory_space<hbm>> -> memref<50x512xf32, #tpu.memory_space<hbm>>
    tpu.wait_dma2 semaphore(%arg9 : memref<!tpu.dma_semaphore, #tpu.memory_space<semaphore_mem>>) src(%dma_wait3A_258 : memref<50x512xf32, #tpu.memory_space<hbm>>) dst(%dma_wait3A_255 : memref<50x512xf32, #tpu.memory_space<vmem>>)
    %dma_wait3A_259 = arith.constant 2 : i32
    %dma_wait3A_260 = arith.constant 0 : i32
    %dma_wait3A_261 = arith.constant 0 : i32
    %dma_wait3A_262 = arith.constant 0 : i32
    %dma_wait3A_263 = tpu.memref_slice %arg8[%dma_wait3A_259, %dma_wait3A_261, %dma_wait3A_262] : memref<3x50x512xf32, #tpu.memory_space<vmem>> -> memref<1x50x512xf32, #tpu.memory_space<vmem>>
    %dma_wait3A_264 = tpu.memref_squeeze %dma_wait3A_263 : memref<1x50x512xf32, #tpu.memory_space<vmem>> -> memref<50x512xf32, #tpu.memory_space<vmem>>
    %dma_wait3A_265 = arith.constant 0 : i32
    %dma_wait3A_266 = arith.constant 0 : i32
    %dma_wait3A_267 = tpu.memref_slice %arg5[%dma_wait3A_260, %dma_wait3A_265, %dma_wait3A_266] : memref<1024x50x512xf32, #tpu.memory_space<hbm>> -> memref<1x50x512xf32, #tpu.memory_space<hbm>>
    %dma_wait3A_268 = tpu.memref_squeeze %dma_wait3A_267 : memref<1x50x512xf32, #tpu.memory_space<hbm>> -> memref<50x512xf32, #tpu.memory_space<hbm>>
    %dma_wait3A_269 = arith.constant 0 : i32
    %dma_wait3A_270 = arith.constant 0 : i32
    %dma_wait3A_271 = tpu.memref_slice %arg5[%dma_wait3A_260, %dma_wait3A_269, %dma_wait3A_270] : memref<1024x50x512xf32, #tpu.memory_space<hbm>> -> memref<1x50x512xf32, #tpu.memory_space<hbm>>
    %dma_wait3A_272 = tpu.memref_squeeze %dma_wait3A_271 : memref<1x50x512xf32, #tpu.memory_space<hbm>> -> memref<50x512xf32, #tpu.memory_space<hbm>>
    %dma_wait3A_273 = arith.constant 0 : i32
    %dma_wait3A_274 = arith.constant 0 : i32
    %dma_wait3A_275 = tpu.memref_slice %arg8[%dma_wait3A_259, %dma_wait3A_273, %dma_wait3A_274] : memref<3x50x512xf32, #tpu.memory_space<vmem>> -> memref<1x50x512xf32, #tpu.memory_space<vmem>>
    %dma_wait3A_276 = tpu.memref_squeeze %dma_wait3A_275 : memref<1x50x512xf32, #tpu.memory_space<vmem>> -> memref<50x512xf32, #tpu.memory_space<vmem>>
    tpu.wait_dma2 semaphore(%arg14 : memref<!tpu.dma_semaphore, #tpu.memory_space<semaphore_mem>>) src(%dma_wait3A_276 : memref<50x512xf32, #tpu.memory_space<vmem>>) dst(%dma_wait3A_272 : memref<50x512xf32, #tpu.memory_space<hbm>>)
    %scan3A_277 = arith.constant 0 : i32
    %scan3A_278 = arith.constant 0 : i32
    %scan3A_279 = arith.constant 50 : i32
    %scan3A_280 = arith.addi %scan3A_278, %scan3A_279 : i32
    %scan3A_281 = arith.constant 1 : i32
    scf.for %scan3A_382 = %scan3A_278 to %scan3A_280 step %scan3A_281  : i32 {
      %get3A = arith.index_cast %scan3A_382 : i32 to index
      %get3A_383 = arith.constant 0 : index
      %get3A_384 = tpu.vector_load %arg7[%get3A, %get3A_383] {strides = array<i32>} : memref<50x512xf32, #tpu.memory_space<vmem>>, vector<1x16xf32>,
      %get3A_385 = vector.shape_cast %get3A_384 : vector<1x16xf32> to vector<16xf32>
      %get3A_386 = arith.index_cast %scan3A_382 : i32 to index
      %get3A_387 = arith.constant 16 : index
      %get3A_388 = tpu.vector_load %arg7[%get3A_386, %get3A_387] {strides = array<i32>} : memref<50x512xf32, #tpu.memory_space<vmem>>, vector<1x16xf32>,
      %get3A_389 = vector.shape_cast %get3A_388 : vector<1x16xf32> to vector<16xf32>
      %get3A_390 = arith.index_cast %scan3A_382 : i32 to index
      %get3A_391 = arith.constant 32 : index
      %get3A_392 = tpu.vector_load %arg7[%get3A_390, %get3A_391] {strides = array<i32>} : memref<50x512xf32, #tpu.memory_space<vmem>>, vector<1x16xf32>,
      %get3A_393 = vector.shape_cast %get3A_392 : vector<1x16xf32> to vector<16xf32>
      %get3A_394 = arith.index_cast %scan3A_382 : i32 to index
      %get3A_395 = arith.constant 48 : index
      %get3A_396 = tpu.vector_load %arg7[%get3A_394, %get3A_395] {strides = array<i32>} : memref<50x512xf32, #tpu.memory_space<vmem>>, vector<1x16xf32>,
      %get3A_397 = vector.shape_cast %get3A_396 : vector<1x16xf32> to vector<16xf32>
      %get3A_398 = arith.index_cast %scan3A_382 : i32 to index
      %get3A_399 = arith.constant 64 : index
      %get3A_400 = tpu.vector_load %arg7[%get3A_398, %get3A_399] {strides = array<i32>} : memref<50x512xf32, #tpu.memory_space<vmem>>, vector<1x16xf32>,
      %get3A_401 = vector.shape_cast %get3A_400 : vector<1x16xf32> to vector<16xf32>
      %get3A_402 = arith.index_cast %scan3A_382 : i32 to index
      %get3A_403 = arith.constant 80 : index
      %get3A_404 = tpu.vector_load %arg7[%get3A_402, %get3A_403] {strides = array<i32>} : memref<50x512xf32, #tpu.memory_space<vmem>>, vector<1x16xf32>,
      %get3A_405 = vector.shape_cast %get3A_404 : vector<1x16xf32> to vector<16xf32>
      %get3A_406 = arith.index_cast %scan3A_382 : i32 to index
      %get3A_407 = arith.constant 96 : index
      %get3A_408 = tpu.vector_load %arg7[%get3A_406, %get3A_407] {strides = array<i32>} : memref<50x512xf32, #tpu.memory_space<vmem>>, vector<1x16xf32>,
      %get3A_409 = vector.shape_cast %get3A_408 : vector<1x16xf32> to vector<16xf32>
      %get3A_410 = arith.index_cast %scan3A_382 : i32 to index
      %get3A_411 = arith.constant 112 : index
      %get3A_412 = tpu.vector_load %arg7[%get3A_410, %get3A_411] {strides = array<i32>} : memref<50x512xf32, #tpu.memory_space<vmem>>, vector<1x16xf32>,
      %get3A_413 = vector.shape_cast %get3A_412 : vector<1x16xf32> to vector<16xf32>
      %get3A_414 = arith.index_cast %scan3A_382 : i32 to index
      %get3A_415 = arith.constant 128 : index
      %get3A_416 = tpu.vector_load %arg7[%get3A_414, %get3A_415] {strides = array<i32>} : memref<50x512xf32, #tpu.memory_space<vmem>>, vector<1x16xf32>,
      %get3A_417 = vector.shape_cast %get3A_416 : vector<1x16xf32> to vector<16xf32>
      %get3A_418 = arith.index_cast %scan3A_382 : i32 to index
      %get3A_419 = arith.constant 144 : index
      %get3A_420 = tpu.vector_load %arg7[%get3A_418, %get3A_419] {strides = array<i32>} : memref<50x512xf32, #tpu.memory_space<vmem>>, vector<1x16xf32>,
      %get3A_421 = vector.shape_cast %get3A_420 : vector<1x16xf32> to vector<16xf32>
      %get3A_422 = arith.index_cast %scan3A_382 : i32 to index
      %get3A_423 = arith.constant 160 : index
      %get3A_424 = tpu.vector_load %arg7[%get3A_422, %get3A_423] {strides = array<i32>} : memref<50x512xf32, #tpu.memory_space<vmem>>, vector<1x16xf32>,
      %get3A_425 = vector.shape_cast %get3A_424 : vector<1x16xf32> to vector<16xf32>
      %get3A_426 = arith.index_cast %scan3A_382 : i32 to index
      %get3A_427 = arith.constant 176 : index
      %get3A_428 = tpu.vector_load %arg7[%get3A_426, %get3A_427] {strides = array<i32>} : memref<50x512xf32, #tpu.memory_space<vmem>>, vector<1x16xf32>,
      %get3A_429 = vector.shape_cast %get3A_428 : vector<1x16xf32> to vector<16xf32>
      %get3A_430 = arith.index_cast %scan3A_382 : i32 to index
      %get3A_431 = arith.constant 192 : index
      %get3A_432 = tpu.vector_load %arg7[%get3A_430, %get3A_431] {strides = array<i32>} : memref<50x512xf32, #tpu.memory_space<vmem>>, vector<1x16xf32>,
      %get3A_433 = vector.shape_cast %get3A_432 : vector<1x16xf32> to vector<16xf32>
      %get3A_434 = arith.index_cast %scan3A_382 : i32 to index
      %get3A_435 = arith.constant 208 : index
      %get3A_436 = tpu.vector_load %arg7[%get3A_434, %get3A_435] {strides = array<i32>} : memref<50x512xf32, #tpu.memory_space<vmem>>, vector<1x16xf32>,
      %get3A_437 = vector.shape_cast %get3A_436 : vector<1x16xf32> to vector<16xf32>
      %get3A_438 = arith.index_cast %scan3A_382 : i32 to index
      %get3A_439 = arith.constant 224 : index
      %get3A_440 = tpu.vector_load %arg7[%get3A_438, %get3A_439] {strides = array<i32>} : memref<50x512xf32, #tpu.memory_space<vmem>>, vector<1x16xf32>,
      %get3A_441 = vector.shape_cast %get3A_440 : vector<1x16xf32> to vector<16xf32>
      %get3A_442 = arith.index_cast %scan3A_382 : i32 to index
      %get3A_443 = arith.constant 240 : index
      %get3A_444 = tpu.vector_load %arg7[%get3A_442, %get3A_443] {strides = array<i32>} : memref<50x512xf32, #tpu.memory_space<vmem>>, vector<1x16xf32>,
      %get3A_445 = vector.shape_cast %get3A_444 : vector<1x16xf32> to vector<16xf32>
      %get3A_446 = arith.index_cast %scan3A_382 : i32 to index
      %get3A_447 = arith.constant 256 : index
      %get3A_448 = tpu.vector_load %arg7[%get3A_446, %get3A_447] {strides = array<i32>} : memref<50x512xf32, #tpu.memory_space<vmem>>, vector<1x16xf32>,
      %get3A_449 = vector.shape_cast %get3A_448 : vector<1x16xf32> to vector<16xf32>
      %get3A_450 = arith.index_cast %scan3A_382 : i32 to index
      %get3A_451 = arith.constant 272 : index
      %get3A_452 = tpu.vector_load %arg7[%get3A_450, %get3A_451] {strides = array<i32>} : memref<50x512xf32, #tpu.memory_space<vmem>>, vector<1x16xf32>,
      %get3A_453 = vector.shape_cast %get3A_452 : vector<1x16xf32> to vector<16xf32>
      %get3A_454 = arith.index_cast %scan3A_382 : i32 to index
      %get3A_455 = arith.constant 288 : index
      %get3A_456 = tpu.vector_load %arg7[%get3A_454, %get3A_455] {strides = array<i32>} : memref<50x512xf32, #tpu.memory_space<vmem>>, vector<1x16xf32>,
      %get3A_457 = vector.shape_cast %get3A_456 : vector<1x16xf32> to vector<16xf32>
      %get3A_458 = arith.index_cast %scan3A_382 : i32 to index
      %get3A_459 = arith.constant 304 : index
      %get3A_460 = tpu.vector_load %arg7[%get3A_458, %get3A_459] {strides = array<i32>} : memref<50x512xf32, #tpu.memory_space<vmem>>, vector<1x16xf32>,
      %get3A_461 = vector.shape_cast %get3A_460 : vector<1x16xf32> to vector<16xf32>
      %get3A_462 = arith.index_cast %scan3A_382 : i32 to index
      %get3A_463 = arith.constant 320 : index
      %get3A_464 = tpu.vector_load %arg7[%get3A_462, %get3A_463] {strides = array<i32>} : memref<50x512xf32, #tpu.memory_space<vmem>>, vector<1x16xf32>,
      %get3A_465 = vector.shape_cast %get3A_464 : vector<1x16xf32> to vector<16xf32>
      %get3A_466 = arith.index_cast %scan3A_382 : i32 to index
      %get3A_467 = arith.constant 336 : index
      %get3A_468 = tpu.vector_load %arg7[%get3A_466, %get3A_467] {strides = array<i32>} : memref<50x512xf32, #tpu.memory_space<vmem>>, vector<1x16xf32>,
      %get3A_469 = vector.shape_cast %get3A_468 : vector<1x16xf32> to vector<16xf32>
      %get3A_470 = arith.index_cast %scan3A_382 : i32 to index
      %get3A_471 = arith.constant 352 : index
      %get3A_472 = tpu.vector_load %arg7[%get3A_470, %get3A_471] {strides = array<i32>} : memref<50x512xf32, #tpu.memory_space<vmem>>, vector<1x16xf32>,
      %get3A_473 = vector.shape_cast %get3A_472 : vector<1x16xf32> to vector<16xf32>
      %get3A_474 = arith.index_cast %scan3A_382 : i32 to index
      %get3A_475 = arith.constant 368 : index
      %get3A_476 = tpu.vector_load %arg7[%get3A_474, %get3A_475] {strides = array<i32>} : memref<50x512xf32, #tpu.memory_space<vmem>>, vector<1x16xf32>,
      %get3A_477 = vector.shape_cast %get3A_476 : vector<1x16xf32> to vector<16xf32>
      %get3A_478 = arith.index_cast %scan3A_382 : i32 to index
      %get3A_479 = arith.constant 384 : index
      %get3A_480 = tpu.vector_load %arg7[%get3A_478, %get3A_479] {strides = array<i32>} : memref<50x512xf32, #tpu.memory_space<vmem>>, vector<1x16xf32>,
      %get3A_481 = vector.shape_cast %get3A_480 : vector<1x16xf32> to vector<16xf32>
      %get3A_482 = arith.index_cast %scan3A_382 : i32 to index
      %get3A_483 = arith.constant 400 : index
      %get3A_484 = tpu.vector_load %arg7[%get3A_482, %get3A_483] {strides = array<i32>} : memref<50x512xf32, #tpu.memory_space<vmem>>, vector<1x16xf32>,
      %get3A_485 = vector.shape_cast %get3A_484 : vector<1x16xf32> to vector<16xf32>
      %get3A_486 = arith.index_cast %scan3A_382 : i32 to index
      %get3A_487 = arith.constant 416 : index
      %get3A_488 = tpu.vector_load %arg7[%get3A_486, %get3A_487] {strides = array<i32>} : memref<50x512xf32, #tpu.memory_space<vmem>>, vector<1x16xf32>,
      %get3A_489 = vector.shape_cast %get3A_488 : vector<1x16xf32> to vector<16xf32>
      %get3A_490 = arith.index_cast %scan3A_382 : i32 to index
      %get3A_491 = arith.constant 432 : index
      %get3A_492 = tpu.vector_load %arg7[%get3A_490, %get3A_491] {strides = array<i32>} : memref<50x512xf32, #tpu.memory_space<vmem>>, vector<1x16xf32>,
      %get3A_493 = vector.shape_cast %get3A_492 : vector<1x16xf32> to vector<16xf32>
      %get3A_494 = arith.index_cast %scan3A_382 : i32 to index
      %get3A_495 = arith.constant 448 : index
      %get3A_496 = tpu.vector_load %arg7[%get3A_494, %get3A_495] {strides = array<i32>} : memref<50x512xf32, #tpu.memory_space<vmem>>, vector<1x16xf32>,
      %get3A_497 = vector.shape_cast %get3A_496 : vector<1x16xf32> to vector<16xf32>
      %get3A_498 = arith.index_cast %scan3A_382 : i32 to index
      %get3A_499 = arith.constant 464 : index
      %get3A_500 = tpu.vector_load %arg7[%get3A_498, %get3A_499] {strides = array<i32>} : memref<50x512xf32, #tpu.memory_space<vmem>>, vector<1x16xf32>,
      %get3A_501 = vector.shape_cast %get3A_500 : vector<1x16xf32> to vector<16xf32>
      %get3A_502 = arith.index_cast %scan3A_382 : i32 to index
      %get3A_503 = arith.constant 480 : index
      %get3A_504 = tpu.vector_load %arg7[%get3A_502, %get3A_503] {strides = array<i32>} : memref<50x512xf32, #tpu.memory_space<vmem>>, vector<1x16xf32>,
      %get3A_505 = vector.shape_cast %get3A_504 : vector<1x16xf32> to vector<16xf32>
      %get3A_506 = arith.index_cast %scan3A_382 : i32 to index
      %get3A_507 = arith.constant 496 : index
      %get3A_508 = tpu.vector_load %arg7[%get3A_506, %get3A_507] {strides = array<i32>} : memref<50x512xf32, #tpu.memory_space<vmem>>, vector<1x16xf32>,
      %get3A_509 = vector.shape_cast %get3A_508 : vector<1x16xf32> to vector<16xf32>
      %swap3A = arith.index_cast %scan3A_277 : i32 to index
      %swap3A_510 = arith.index_cast %scan3A_382 : i32 to index
      %swap3A_511 = arith.constant 0 : index
      %swap3A_512 = tpu.vector_load %arg8[%swap3A, %swap3A_510, %swap3A_511] {strides = array<i32>} : memref<3x50x512xf32, #tpu.memory_space<vmem>>, vector<1x1x16xf32>,
      %swap3A_513 = vector.shape_cast %swap3A_512 : vector<1x1x16xf32> to vector<16xf32>
      %swap3A_514 = vector.shape_cast %get3A_385 : vector<16xf32> to vector<1x1x16xf32>
      tpu.vector_store %arg8[%swap3A, %swap3A_510, %swap3A_511], %swap3A_514 {add = true, strides = array<i32>} : memref<3x50x512xf32, #tpu.memory_space<vmem>>, vector<1x1x16xf32>,
      %swap3A_515 = arith.index_cast %scan3A_277 : i32 to index
      %swap3A_516 = arith.index_cast %scan3A_382 : i32 to index
      %swap3A_517 = arith.constant 16 : index
      %swap3A_518 = tpu.vector_load %arg8[%swap3A_515, %swap3A_516, %swap3A_517] {strides = array<i32>} : memref<3x50x512xf32, #tpu.memory_space<vmem>>, vector<1x1x16xf32>,
      %swap3A_519 = vector.shape_cast %swap3A_518 : vector<1x1x16xf32> to vector<16xf32>
      %swap3A_520 = vector.shape_cast %get3A_389 : vector<16xf32> to vector<1x1x16xf32>
      tpu.vector_store %arg8[%swap3A_515, %swap3A_516, %swap3A_517], %swap3A_520 {add = true, strides = array<i32>} : memref<3x50x512xf32, #tpu.memory_space<vmem>>, vector<1x1x16xf32>,
      %swap3A_521 = arith.index_cast %scan3A_277 : i32 to index
      %swap3A_522 = arith.index_cast %scan3A_382 : i32 to index
      %swap3A_523 = arith.constant 32 : index
      %swap3A_524 = tpu.vector_load %arg8[%swap3A_521, %swap3A_522, %swap3A_523] {strides = array<i32>} : memref<3x50x512xf32, #tpu.memory_space<vmem>>, vector<1x1x16xf32>,
      %swap3A_525 = vector.shape_cast %swap3A_524 : vector<1x1x16xf32> to vector<16xf32>
      %swap3A_526 = vector.shape_cast %get3A_393 : vector<16xf32> to vector<1x1x16xf32>
      tpu.vector_store %arg8[%swap3A_521, %swap3A_522, %swap3A_523], %swap3A_526 {add = true, strides = array<i32>} : memref<3x50x512xf32, #tpu.memory_space<vmem>>, vector<1x1x16xf32>,
      %swap3A_527 = arith.index_cast %scan3A_277 : i32 to index
      %swap3A_528 = arith.index_cast %scan3A_382 : i32 to index
      %swap3A_529 = arith.constant 48 : index
      %swap3A_530 = tpu.vector_load %arg8[%swap3A_527, %swap3A_528, %swap3A_529] {strides = array<i32>} : memref<3x50x512xf32, #tpu.memory_space<vmem>>, vector<1x1x16xf32>,
      %swap3A_531 = vector.shape_cast %swap3A_530 : vector<1x1x16xf32> to vector<16xf32>
      %swap3A_532 = vector.shape_cast %get3A_397 : vector<16xf32> to vector<1x1x16xf32>
      tpu.vector_store %arg8[%swap3A_527, %swap3A_528, %swap3A_529], %swap3A_532 {add = true, strides = array<i32>} : memref<3x50x512xf32, #tpu.memory_space<vmem>>, vector<1x1x16xf32>,
      %swap3A_533 = arith.index_cast %scan3A_277 : i32 to index
      %swap3A_534 = arith.index_cast %scan3A_382 : i32 to index
      %swap3A_535 = arith.constant 64 : index
      %swap3A_536 = tpu.vector_load %arg8[%swap3A_533, %swap3A_534, %swap3A_535] {strides = array<i32>} : memref<3x50x512xf32, #tpu.memory_space<vmem>>, vector<1x1x16xf32>,
      %swap3A_537 = vector.shape_cast %swap3A_536 : vector<1x1x16xf32> to vector<16xf32>
      %swap3A_538 = vector.shape_cast %get3A_401 : vector<16xf32> to vector<1x1x16xf32>
      tpu.vector_store %arg8[%swap3A_533, %swap3A_534, %swap3A_535], %swap3A_538 {add = true, strides = array<i32>} : memref<3x50x512xf32, #tpu.memory_space<vmem>>, vector<1x1x16xf32>,
      %swap3A_539 = arith.index_cast %scan3A_277 : i32 to index
      %swap3A_540 = arith.index_cast %scan3A_382 : i32 to index
      %swap3A_541 = arith.constant 80 : index
      %swap3A_542 = tpu.vector_load %arg8[%swap3A_539, %swap3A_540, %swap3A_541] {strides = array<i32>} : memref<3x50x512xf32, #tpu.memory_space<vmem>>, vector<1x1x16xf32>,
      %swap3A_543 = vector.shape_cast %swap3A_542 : vector<1x1x16xf32> to vector<16xf32>
      %swap3A_544 = vector.shape_cast %get3A_405 : vector<16xf32> to vector<1x1x16xf32>
      tpu.vector_store %arg8[%swap3A_539, %swap3A_540, %swap3A_541], %swap3A_544 {add = true, strides = array<i32>} : memref<3x50x512xf32, #tpu.memory_space<vmem>>, vector<1x1x16xf32>,
      %swap3A_545 = arith.index_cast %scan3A_277 : i32 to index
      %swap3A_546 = arith.index_cast %scan3A_382 : i32 to index
      %swap3A_547 = arith.constant 96 : index
      %swap3A_548 = tpu.vector_load %arg8[%swap3A_545, %swap3A_546, %swap3A_547] {strides = array<i32>} : memref<3x50x512xf32, #tpu.memory_space<vmem>>, vector<1x1x16xf32>,
      %swap3A_549 = vector.shape_cast %swap3A_548 : vector<1x1x16xf32> to vector<16xf32>
      %swap3A_550 = vector.shape_cast %get3A_409 : vector<16xf32> to vector<1x1x16xf32>
      tpu.vector_store %arg8[%swap3A_545, %swap3A_546, %swap3A_547], %swap3A_550 {add = true, strides = array<i32>} : memref<3x50x512xf32, #tpu.memory_space<vmem>>, vector<1x1x16xf32>,
      %swap3A_551 = arith.index_cast %scan3A_277 : i32 to index
      %swap3A_552 = arith.index_cast %scan3A_382 : i32 to index
      %swap3A_553 = arith.constant 112 : index
      %swap3A_554 = tpu.vector_load %arg8[%swap3A_551, %swap3A_552, %swap3A_553] {strides = array<i32>} : memref<3x50x512xf32, #tpu.memory_space<vmem>>, vector<1x1x16xf32>,
      %swap3A_555 = vector.shape_cast %swap3A_554 : vector<1x1x16xf32> to vector<16xf32>
      %swap3A_556 = vector.shape_cast %get3A_413 : vector<16xf32> to vector<1x1x16xf32>
      tpu.vector_store %arg8[%swap3A_551, %swap3A_552, %swap3A_553], %swap3A_556 {add = true, strides = array<i32>} : memref<3x50x512xf32, #tpu.memory_space<vmem>>, vector<1x1x16xf32>,
      %swap3A_557 = arith.index_cast %scan3A_277 : i32 to index
      %swap3A_558 = arith.index_cast %scan3A_382 : i32 to index
      %swap3A_559 = arith.constant 128 : index
      %swap3A_560 = tpu.vector_load %arg8[%swap3A_557, %swap3A_558, %swap3A_559] {strides = array<i32>} : memref<3x50x512xf32, #tpu.memory_space<vmem>>, vector<1x1x16xf32>,
      %swap3A_561 = vector.shape_cast %swap3A_560 : vector<1x1x16xf32> to vector<16xf32>
      %swap3A_562 = vector.shape_cast %get3A_417 : vector<16xf32> to vector<1x1x16xf32>
      tpu.vector_store %arg8[%swap3A_557, %swap3A_558, %swap3A_559], %swap3A_562 {add = true, strides = array<i32>} : memref<3x50x512xf32, #tpu.memory_space<vmem>>, vector<1x1x16xf32>,
      %swap3A_563 = arith.index_cast %scan3A_277 : i32 to index
      %swap3A_564 = arith.index_cast %scan3A_382 : i32 to index
      %swap3A_565 = arith.constant 144 : index
      %swap3A_566 = tpu.vector_load %arg8[%swap3A_563, %swap3A_564, %swap3A_565] {strides = array<i32>} : memref<3x50x512xf32, #tpu.memory_space<vmem>>, vector<1x1x16xf32>,
      %swap3A_567 = vector.shape_cast %swap3A_566 : vector<1x1x16xf32> to vector<16xf32>
      %swap3A_568 = vector.shape_cast %get3A_421 : vector<16xf32> to vector<1x1x16xf32>
      tpu.vector_store %arg8[%swap3A_563, %swap3A_564, %swap3A_565], %swap3A_568 {add = true, strides = array<i32>} : memref<3x50x512xf32, #tpu.memory_space<vmem>>, vector<1x1x16xf32>,
      %swap3A_569 = arith.index_cast %scan3A_277 : i32 to index
      %swap3A_570 = arith.index_cast %scan3A_382 : i32 to index
      %swap3A_571 = arith.constant 160 : index
      %swap3A_572 = tpu.vector_load %arg8[%swap3A_569, %swap3A_570, %swap3A_571] {strides = array<i32>} : memref<3x50x512xf32, #tpu.memory_space<vmem>>, vector<1x1x16xf32>,
      %swap3A_573 = vector.shape_cast %swap3A_572 : vector<1x1x16xf32> to vector<16xf32>
      %swap3A_574 = vector.shape_cast %get3A_425 : vector<16xf32> to vector<1x1x16xf32>
      tpu.vector_store %arg8[%swap3A_569, %swap3A_570, %swap3A_571], %swap3A_574 {add = true, strides = array<i32>} : memref<3x50x512xf32, #tpu.memory_space<vmem>>, vector<1x1x16xf32>,
      %swap3A_575 = arith.index_cast %scan3A_277 : i32 to index
      %swap3A_576 = arith.index_cast %scan3A_382 : i32 to index
      %swap3A_577 = arith.constant 176 : index
      %swap3A_578 = tpu.vector_load %arg8[%swap3A_575, %swap3A_576, %swap3A_577] {strides = array<i32>} : memref<3x50x512xf32, #tpu.memory_space<vmem>>, vector<1x1x16xf32>,
      %swap3A_579 = vector.shape_cast %swap3A_578 : vector<1x1x16xf32> to vector<16xf32>
      %swap3A_580 = vector.shape_cast %get3A_429 : vector<16xf32> to vector<1x1x16xf32>
      tpu.vector_store %arg8[%swap3A_575, %swap3A_576, %swap3A_577], %swap3A_580 {add = true, strides = array<i32>} : memref<3x50x512xf32, #tpu.memory_space<vmem>>, vector<1x1x16xf32>,
      %swap3A_581 = arith.index_cast %scan3A_277 : i32 to index
      %swap3A_582 = arith.index_cast %scan3A_382 : i32 to index
      %swap3A_583 = arith.constant 192 : index
      %swap3A_584 = tpu.vector_load %arg8[%swap3A_581, %swap3A_582, %swap3A_583] {strides = array<i32>} : memref<3x50x512xf32, #tpu.memory_space<vmem>>, vector<1x1x16xf32>,
      %swap3A_585 = vector.shape_cast %swap3A_584 : vector<1x1x16xf32> to vector<16xf32>
      %swap3A_586 = vector.shape_cast %get3A_433 : vector<16xf32> to vector<1x1x16xf32>
      tpu.vector_store %arg8[%swap3A_581, %swap3A_582, %swap3A_583], %swap3A_586 {add = true, strides = array<i32>} : memref<3x50x512xf32, #tpu.memory_space<vmem>>, vector<1x1x16xf32>,
      %swap3A_587 = arith.index_cast %scan3A_277 : i32 to index
      %swap3A_588 = arith.index_cast %scan3A_382 : i32 to index
      %swap3A_589 = arith.constant 208 : index
      %swap3A_590 = tpu.vector_load %arg8[%swap3A_587, %swap3A_588, %swap3A_589] {strides = array<i32>} : memref<3x50x512xf32, #tpu.memory_space<vmem>>, vector<1x1x16xf32>,
      %swap3A_591 = vector.shape_cast %swap3A_590 : vector<1x1x16xf32> to vector<16xf32>
      %swap3A_592 = vector.shape_cast %get3A_437 : vector<16xf32> to vector<1x1x16xf32>
      tpu.vector_store %arg8[%swap3A_587, %swap3A_588, %swap3A_589], %swap3A_592 {add = true, strides = array<i32>} : memref<3x50x512xf32, #tpu.memory_space<vmem>>, vector<1x1x16xf32>,
      %swap3A_593 = arith.index_cast %scan3A_277 : i32 to index
      %swap3A_594 = arith.index_cast %scan3A_382 : i32 to index
      %swap3A_595 = arith.constant 224 : index
      %swap3A_596 = tpu.vector_load %arg8[%swap3A_593, %swap3A_594, %swap3A_595] {strides = array<i32>} : memref<3x50x512xf32, #tpu.memory_space<vmem>>, vector<1x1x16xf32>,
      %swap3A_597 = vector.shape_cast %swap3A_596 : vector<1x1x16xf32> to vector<16xf32>
      %swap3A_598 = vector.shape_cast %get3A_441 : vector<16xf32> to vector<1x1x16xf32>
      tpu.vector_store %arg8[%swap3A_593, %swap3A_594, %swap3A_595], %swap3A_598 {add = true, strides = array<i32>} : memref<3x50x512xf32, #tpu.memory_space<vmem>>, vector<1x1x16xf32>,
      %swap3A_599 = arith.index_cast %scan3A_277 : i32 to index
      %swap3A_600 = arith.index_cast %scan3A_382 : i32 to index
      %swap3A_601 = arith.constant 240 : index
      %swap3A_602 = tpu.vector_load %arg8[%swap3A_599, %swap3A_600, %swap3A_601] {strides = array<i32>} : memref<3x50x512xf32, #tpu.memory_space<vmem>>, vector<1x1x16xf32>,
      %swap3A_603 = vector.shape_cast %swap3A_602 : vector<1x1x16xf32> to vector<16xf32>
      %swap3A_604 = vector.shape_cast %get3A_445 : vector<16xf32> to vector<1x1x16xf32>
      tpu.vector_store %arg8[%swap3A_599, %swap3A_600, %swap3A_601], %swap3A_604 {add = true, strides = array<i32>} : memref<3x50x512xf32, #tpu.memory_space<vmem>>, vector<1x1x16xf32>,
      %swap3A_605 = arith.index_cast %scan3A_277 : i32 to index
      %swap3A_606 = arith.index_cast %scan3A_382 : i32 to index
      %swap3A_607 = arith.constant 256 : index
      %swap3A_608 = tpu.vector_load %arg8[%swap3A_605, %swap3A_606, %swap3A_607] {strides = array<i32>} : memref<3x50x512xf32, #tpu.memory_space<vmem>>, vector<1x1x16xf32>,
      %swap3A_609 = vector.shape_cast %swap3A_608 : vector<1x1x16xf32> to vector<16xf32>
      %swap3A_610 = vector.shape_cast %get3A_449 : vector<16xf32> to vector<1x1x16xf32>
      tpu.vector_store %arg8[%swap3A_605, %swap3A_606, %swap3A_607], %swap3A_610 {add = true, strides = array<i32>} : memref<3x50x512xf32, #tpu.memory_space<vmem>>, vector<1x1x16xf32>,
      %swap3A_611 = arith.index_cast %scan3A_277 : i32 to index
      %swap3A_612 = arith.index_cast %scan3A_382 : i32 to index
      %swap3A_613 = arith.constant 272 : index
      %swap3A_614 = tpu.vector_load %arg8[%swap3A_611, %swap3A_612, %swap3A_613] {strides = array<i32>} : memref<3x50x512xf32, #tpu.memory_space<vmem>>, vector<1x1x16xf32>,
      %swap3A_615 = vector.shape_cast %swap3A_614 : vector<1x1x16xf32> to vector<16xf32>
      %swap3A_616 = vector.shape_cast %get3A_453 : vector<16xf32> to vector<1x1x16xf32>
      tpu.vector_store %arg8[%swap3A_611, %swap3A_612, %swap3A_613], %swap3A_616 {add = true, strides = array<i32>} : memref<3x50x512xf32, #tpu.memory_space<vmem>>, vector<1x1x16xf32>,
      %swap3A_617 = arith.index_cast %scan3A_277 : i32 to index
      %swap3A_618 = arith.index_cast %scan3A_382 : i32 to index
      %swap3A_619 = arith.constant 288 : index
      %swap3A_620 = tpu.vector_load %arg8[%swap3A_617, %swap3A_618, %swap3A_619] {strides = array<i32>} : memref<3x50x512xf32, #tpu.memory_space<vmem>>, vector<1x1x16xf32>,
      %swap3A_621 = vector.shape_cast %swap3A_620 : vector<1x1x16xf32> to vector<16xf32>
      %swap3A_622 = vector.shape_cast %get3A_457 : vector<16xf32> to vector<1x1x16xf32>
      tpu.vector_store %arg8[%swap3A_617, %swap3A_618, %swap3A_619], %swap3A_622 {add = true, strides = array<i32>} : memref<3x50x512xf32, #tpu.memory_space<vmem>>, vector<1x1x16xf32>,
      %swap3A_623 = arith.index_cast %scan3A_277 : i32 to index
      %swap3A_624 = arith.index_cast %scan3A_382 : i32 to index
      %swap3A_625 = arith.constant 304 : index
      %swap3A_626 = tpu.vector_load %arg8[%swap3A_623, %swap3A_624, %swap3A_625] {strides = array<i32>} : memref<3x50x512xf32, #tpu.memory_space<vmem>>, vector<1x1x16xf32>,
      %swap3A_627 = vector.shape_cast %swap3A_626 : vector<1x1x16xf32> to vector<16xf32>
      %swap3A_628 = vector.shape_cast %get3A_461 : vector<16xf32> to vector<1x1x16xf32>
      tpu.vector_store %arg8[%swap3A_623, %swap3A_624, %swap3A_625], %swap3A_628 {add = true, strides = array<i32>} : memref<3x50x512xf32, #tpu.memory_space<vmem>>, vector<1x1x16xf32>,
      %swap3A_629 = arith.index_cast %scan3A_277 : i32 to index
      %swap3A_630 = arith.index_cast %scan3A_382 : i32 to index
      %swap3A_631 = arith.constant 320 : index
      %swap3A_632 = tpu.vector_load %arg8[%swap3A_629, %swap3A_630, %swap3A_631] {strides = array<i32>} : memref<3x50x512xf32, #tpu.memory_space<vmem>>, vector<1x1x16xf32>,
      %swap3A_633 = vector.shape_cast %swap3A_632 : vector<1x1x16xf32> to vector<16xf32>
      %swap3A_634 = vector.shape_cast %get3A_465 : vector<16xf32> to vector<1x1x16xf32>
      tpu.vector_store %arg8[%swap3A_629, %swap3A_630, %swap3A_631], %swap3A_634 {add = true, strides = array<i32>} : memref<3x50x512xf32, #tpu.memory_space<vmem>>, vector<1x1x16xf32>,
      %swap3A_635 = arith.index_cast %scan3A_277 : i32 to index
      %swap3A_636 = arith.index_cast %scan3A_382 : i32 to index
      %swap3A_637 = arith.constant 336 : index
      %swap3A_638 = tpu.vector_load %arg8[%swap3A_635, %swap3A_636, %swap3A_637] {strides = array<i32>} : memref<3x50x512xf32, #tpu.memory_space<vmem>>, vector<1x1x16xf32>,
      %swap3A_639 = vector.shape_cast %swap3A_638 : vector<1x1x16xf32> to vector<16xf32>
      %swap3A_640 = vector.shape_cast %get3A_469 : vector<16xf32> to vector<1x1x16xf32>
      tpu.vector_store %arg8[%swap3A_635, %swap3A_636, %swap3A_637], %swap3A_640 {add = true, strides = array<i32>} : memref<3x50x512xf32, #tpu.memory_space<vmem>>, vector<1x1x16xf32>,
      %swap3A_641 = arith.index_cast %scan3A_277 : i32 to index
      %swap3A_642 = arith.index_cast %scan3A_382 : i32 to index
      %swap3A_643 = arith.constant 352 : index
      %swap3A_644 = tpu.vector_load %arg8[%swap3A_641, %swap3A_642, %swap3A_643] {strides = array<i32>} : memref<3x50x512xf32, #tpu.memory_space<vmem>>, vector<1x1x16xf32>,
      %swap3A_645 = vector.shape_cast %swap3A_644 : vector<1x1x16xf32> to vector<16xf32>
      %swap3A_646 = vector.shape_cast %get3A_473 : vector<16xf32> to vector<1x1x16xf32>
      tpu.vector_store %arg8[%swap3A_641, %swap3A_642, %swap3A_643], %swap3A_646 {add = true, strides = array<i32>} : memref<3x50x512xf32, #tpu.memory_space<vmem>>, vector<1x1x16xf32>,
      %swap3A_647 = arith.index_cast %scan3A_277 : i32 to index
      %swap3A_648 = arith.index_cast %scan3A_382 : i32 to index
      %swap3A_649 = arith.constant 368 : index
      %swap3A_650 = tpu.vector_load %arg8[%swap3A_647, %swap3A_648, %swap3A_649] {strides = array<i32>} : memref<3x50x512xf32, #tpu.memory_space<vmem>>, vector<1x1x16xf32>,
      %swap3A_651 = vector.shape_cast %swap3A_650 : vector<1x1x16xf32> to vector<16xf32>
      %swap3A_652 = vector.shape_cast %get3A_477 : vector<16xf32> to vector<1x1x16xf32>
      tpu.vector_store %arg8[%swap3A_647, %swap3A_648, %swap3A_649], %swap3A_652 {add = true, strides = array<i32>} : memref<3x50x512xf32, #tpu.memory_space<vmem>>, vector<1x1x16xf32>,
      %swap3A_653 = arith.index_cast %scan3A_277 : i32 to index
      %swap3A_654 = arith.index_cast %scan3A_382 : i32 to index
      %swap3A_655 = arith.constant 384 : index
      %swap3A_656 = tpu.vector_load %arg8[%swap3A_653, %swap3A_654, %swap3A_655] {strides = array<i32>} : memref<3x50x512xf32, #tpu.memory_space<vmem>>, vector<1x1x16xf32>,
      %swap3A_657 = vector.shape_cast %swap3A_656 : vector<1x1x16xf32> to vector<16xf32>
      %swap3A_658 = vector.shape_cast %get3A_481 : vector<16xf32> to vector<1x1x16xf32>
      tpu.vector_store %arg8[%swap3A_653, %swap3A_654, %swap3A_655], %swap3A_658 {add = true, strides = array<i32>} : memref<3x50x512xf32, #tpu.memory_space<vmem>>, vector<1x1x16xf32>,
      %swap3A_659 = arith.index_cast %scan3A_277 : i32 to index
      %swap3A_660 = arith.index_cast %scan3A_382 : i32 to index
      %swap3A_661 = arith.constant 400 : index
      %swap3A_662 = tpu.vector_load %arg8[%swap3A_659, %swap3A_660, %swap3A_661] {strides = array<i32>} : memref<3x50x512xf32, #tpu.memory_space<vmem>>, vector<1x1x16xf32>,
      %swap3A_663 = vector.shape_cast %swap3A_662 : vector<1x1x16xf32> to vector<16xf32>
      %swap3A_664 = vector.shape_cast %get3A_485 : vector<16xf32> to vector<1x1x16xf32>
      tpu.vector_store %arg8[%swap3A_659, %swap3A_660, %swap3A_661], %swap3A_664 {add = true, strides = array<i32>} : memref<3x50x512xf32, #tpu.memory_space<vmem>>, vector<1x1x16xf32>,
      %swap3A_665 = arith.index_cast %scan3A_277 : i32 to index
      %swap3A_666 = arith.index_cast %scan3A_382 : i32 to index
      %swap3A_667 = arith.constant 416 : index
      %swap3A_668 = tpu.vector_load %arg8[%swap3A_665, %swap3A_666, %swap3A_667] {strides = array<i32>} : memref<3x50x512xf32, #tpu.memory_space<vmem>>, vector<1x1x16xf32>,
      %swap3A_669 = vector.shape_cast %swap3A_668 : vector<1x1x16xf32> to vector<16xf32>
      %swap3A_670 = vector.shape_cast %get3A_489 : vector<16xf32> to vector<1x1x16xf32>
      tpu.vector_store %arg8[%swap3A_665, %swap3A_666, %swap3A_667], %swap3A_670 {add = true, strides = array<i32>} : memref<3x50x512xf32, #tpu.memory_space<vmem>>, vector<1x1x16xf32>,
      %swap3A_671 = arith.index_cast %scan3A_277 : i32 to index
      %swap3A_672 = arith.index_cast %scan3A_382 : i32 to index
      %swap3A_673 = arith.constant 432 : index
      %swap3A_674 = tpu.vector_load %arg8[%swap3A_671, %swap3A_672, %swap3A_673] {strides = array<i32>} : memref<3x50x512xf32, #tpu.memory_space<vmem>>, vector<1x1x16xf32>,
      %swap3A_675 = vector.shape_cast %swap3A_674 : vector<1x1x16xf32> to vector<16xf32>
      %swap3A_676 = vector.shape_cast %get3A_493 : vector<16xf32> to vector<1x1x16xf32>
      tpu.vector_store %arg8[%swap3A_671, %swap3A_672, %swap3A_673], %swap3A_676 {add = true, strides = array<i32>} : memref<3x50x512xf32, #tpu.memory_space<vmem>>, vector<1x1x16xf32>,
      %swap3A_677 = arith.index_cast %scan3A_277 : i32 to index
      %swap3A_678 = arith.index_cast %scan3A_382 : i32 to index
      %swap3A_679 = arith.constant 448 : index
      %swap3A_680 = tpu.vector_load %arg8[%swap3A_677, %swap3A_678, %swap3A_679] {strides = array<i32>} : memref<3x50x512xf32, #tpu.memory_space<vmem>>, vector<1x1x16xf32>,
      %swap3A_681 = vector.shape_cast %swap3A_680 : vector<1x1x16xf32> to vector<16xf32>
      %swap3A_682 = vector.shape_cast %get3A_497 : vector<16xf32> to vector<1x1x16xf32>
      tpu.vector_store %arg8[%swap3A_677, %swap3A_678, %swap3A_679], %swap3A_682 {add = true, strides = array<i32>} : memref<3x50x512xf32, #tpu.memory_space<vmem>>, vector<1x1x16xf32>,
      %swap3A_683 = arith.index_cast %scan3A_277 : i32 to index
      %swap3A_684 = arith.index_cast %scan3A_382 : i32 to index
      %swap3A_685 = arith.constant 464 : index
      %swap3A_686 = tpu.vector_load %arg8[%swap3A_683, %swap3A_684, %swap3A_685] {strides = array<i32>} : memref<3x50x512xf32, #tpu.memory_space<vmem>>, vector<1x1x16xf32>,
      %swap3A_687 = vector.shape_cast %swap3A_686 : vector<1x1x16xf32> to vector<16xf32>
      %swap3A_688 = vector.shape_cast %get3A_501 : vector<16xf32> to vector<1x1x16xf32>
      tpu.vector_store %arg8[%swap3A_683, %swap3A_684, %swap3A_685], %swap3A_688 {add = true, strides = array<i32>} : memref<3x50x512xf32, #tpu.memory_space<vmem>>, vector<1x1x16xf32>,
      %swap3A_689 = arith.index_cast %scan3A_277 : i32 to index
      %swap3A_690 = arith.index_cast %scan3A_382 : i32 to index
      %swap3A_691 = arith.constant 480 : index
      %swap3A_692 = tpu.vector_load %arg8[%swap3A_689, %swap3A_690, %swap3A_691] {strides = array<i32>} : memref<3x50x512xf32, #tpu.memory_space<vmem>>, vector<1x1x16xf32>,
      %swap3A_693 = vector.shape_cast %swap3A_692 : vector<1x1x16xf32> to vector<16xf32>
      %swap3A_694 = vector.shape_cast %get3A_505 : vector<16xf32> to vector<1x1x16xf32>
      tpu.vector_store %arg8[%swap3A_689, %swap3A_690, %swap3A_691], %swap3A_694 {add = true, strides = array<i32>} : memref<3x50x512xf32, #tpu.memory_space<vmem>>, vector<1x1x16xf32>,
      %swap3A_695 = arith.index_cast %scan3A_277 : i32 to index
      %swap3A_696 = arith.index_cast %scan3A_382 : i32 to index
      %swap3A_697 = arith.constant 496 : index
      %swap3A_698 = tpu.vector_load %arg8[%swap3A_695, %swap3A_696, %swap3A_697] {strides = array<i32>} : memref<3x50x512xf32, #tpu.memory_space<vmem>>, vector<1x1x16xf32>,
      %swap3A_699 = vector.shape_cast %swap3A_698 : vector<1x1x16xf32> to vector<16xf32>
      %swap3A_700 = vector.shape_cast %get3A_509 : vector<16xf32> to vector<1x1x16xf32>
      tpu.vector_store %arg8[%swap3A_695, %swap3A_696, %swap3A_697], %swap3A_700 {add = true, strides = array<i32>} : memref<3x50x512xf32, #tpu.memory_space<vmem>>, vector<1x1x16xf32>,
    }
    %scan3A_282 = arith.constant 50 : i32
    %mul3A_283 = arith.constant 32 : i32
    %mul3A_284 = arith.muli %add3A, %mul3A_283 : i32
    %add3A_285 = arith.constant 30 : i32
    %add3A_286 = arith.addi %mul3A_284, %add3A_285 : i32
    %dma_start3A_287 = arith.constant 0 : i32
    %dma_start3A_288 = arith.constant 0 : i32
    %dma_start3A_289 = arith.constant 0 : i32
    %dma_start3A_290 = tpu.memref_slice %arg8[%dma_start3A_287, %dma_start3A_288, %dma_start3A_289] : memref<3x50x512xf32, #tpu.memory_space<vmem>> -> memref<1x50x512xf32, #tpu.memory_space<vmem>>
    %dma_start3A_291 = tpu.memref_squeeze %dma_start3A_290 : memref<1x50x512xf32, #tpu.memory_space<vmem>> -> memref<50x512xf32, #tpu.memory_space<vmem>>
    %dma_start3A_292 = arith.constant 0 : i32
    %dma_start3A_293 = arith.constant 0 : i32
    %dma_start3A_294 = tpu.memref_slice %arg5[%add3A_286, %dma_start3A_292, %dma_start3A_293] : memref<1024x50x512xf32, #tpu.memory_space<hbm>> -> memref<1x50x512xf32, #tpu.memory_space<hbm>>
    %dma_start3A_295 = tpu.memref_squeeze %dma_start3A_294 : memref<1x50x512xf32, #tpu.memory_space<hbm>> -> memref<50x512xf32, #tpu.memory_space<hbm>>
    %dma_start3A_296 = arith.constant 0 : i32
    %dma_start3A_297 = arith.constant 0 : i32
    %dma_start3A_298 = tpu.memref_slice %arg5[%add3A_286, %dma_start3A_296, %dma_start3A_297] : memref<1024x50x512xf32, #tpu.memory_space<hbm>> -> memref<1x50x512xf32, #tpu.memory_space<hbm>>
    %dma_start3A_299 = tpu.memref_squeeze %dma_start3A_298 : memref<1x50x512xf32, #tpu.memory_space<hbm>> -> memref<50x512xf32, #tpu.memory_space<hbm>>
    %dma_start3A_300 = arith.constant 0 : i32
    %dma_start3A_301 = arith.constant 0 : i32
    %dma_start3A_302 = tpu.memref_slice %arg8[%dma_start3A_287, %dma_start3A_300, %dma_start3A_301] : memref<3x50x512xf32, #tpu.memory_space<vmem>> -> memref<1x50x512xf32, #tpu.memory_space<vmem>>
    %dma_start3A_303 = tpu.memref_squeeze %dma_start3A_302 : memref<1x50x512xf32, #tpu.memory_space<vmem>> -> memref<50x512xf32, #tpu.memory_space<vmem>>
    tpu.enqueue_dma source(%dma_start3A_303 : memref<50x512xf32, #tpu.memory_space<vmem>>) target(%dma_start3A_299 : memref<50x512xf32, #tpu.memory_space<hbm>>) target_semaphore(%arg12 : memref<!tpu.dma_semaphore, #tpu.memory_space<semaphore_mem>>)
    %dma_wait3A_304 = arith.constant 1 : i32
    %dma_wait3A_305 = arith.constant 0 : i32
    %dma_wait3A_306 = arith.constant 0 : i32
    %dma_wait3A_307 = tpu.memref_slice %arg8[%dma_wait3A_304, %dma_wait3A_305, %dma_wait3A_306] : memref<3x50x512xf32, #tpu.memory_space<vmem>> -> memref<1x50x512xf32, #tpu.memory_space<vmem>>
    %dma_wait3A_308 = tpu.memref_squeeze %dma_wait3A_307 : memref<1x50x512xf32, #tpu.memory_space<vmem>> -> memref<50x512xf32, #tpu.memory_space<vmem>>
    %dma_wait3A_309 = arith.constant 0 : i32
    %dma_wait3A_310 = arith.constant 0 : i32
    %dma_wait3A_311 = tpu.memref_slice %arg4[%dma_wait3A_309, %dma_wait3A_310] : memref<100000x512xf32, #tpu.memory_space<hbm>> -> memref<50x512xf32, #tpu.memory_space<hbm>>
    %dma_wait3A_312 = arith.constant 0 : i32
    %dma_wait3A_313 = arith.constant 0 : i32
    %dma_wait3A_314 = tpu.memref_slice %arg8[%dma_wait3A_304, %dma_wait3A_312, %dma_wait3A_313] : memref<3x50x512xf32, #tpu.memory_space<vmem>> -> memref<1x50x512xf32, #tpu.memory_space<vmem>>
    %dma_wait3A_315 = tpu.memref_squeeze %dma_wait3A_314 : memref<1x50x512xf32, #tpu.memory_space<vmem>> -> memref<50x512xf32, #tpu.memory_space<vmem>>
    %dma_wait3A_316 = arith.constant 0 : i32
    %dma_wait3A_317 = arith.constant 0 : i32
    %dma_wait3A_318 = tpu.memref_slice %arg4[%dma_wait3A_316, %dma_wait3A_317] : memref<100000x512xf32, #tpu.memory_space<hbm>> -> memref<50x512xf32, #tpu.memory_space<hbm>>
    tpu.wait_dma2 semaphore(%arg10 : memref<!tpu.dma_semaphore, #tpu.memory_space<semaphore_mem>>) src(%dma_wait3A_318 : memref<50x512xf32, #tpu.memory_space<hbm>>) dst(%dma_wait3A_315 : memref<50x512xf32, #tpu.memory_space<vmem>>)
    %dma_wait3A_319 = arith.constant 0 : i32
    %dma_wait3A_320 = arith.constant 0 : i32
    %dma_wait3A_321 = arith.constant 0 : i32
    %dma_wait3A_322 = arith.constant 0 : i32
    %dma_wait3A_323 = tpu.memref_slice %arg8[%dma_wait3A_319, %dma_wait3A_321, %dma_wait3A_322] : memref<3x50x512xf32, #tpu.memory_space<vmem>> -> memref<1x50x512xf32, #tpu.memory_space<vmem>>
    %dma_wait3A_324 = tpu.memref_squeeze %dma_wait3A_323 : memref<1x50x512xf32, #tpu.memory_space<vmem>> -> memref<50x512xf32, #tpu.memory_space<vmem>>
    %dma_wait3A_325 = arith.constant 0 : i32
    %dma_wait3A_326 = arith.constant 0 : i32
    %dma_wait3A_327 = tpu.memref_slice %arg5[%dma_wait3A_320, %dma_wait3A_325, %dma_wait3A_326] : memref<1024x50x512xf32, #tpu.memory_space<hbm>> -> memref<1x50x512xf32, #tpu.memory_space<hbm>>
    %dma_wait3A_328 = tpu.memref_squeeze %dma_wait3A_327 : memref<1x50x512xf32, #tpu.memory_space<hbm>> -> memref<50x512xf32, #tpu.memory_space<hbm>>
    %dma_wait3A_329 = arith.constant 0 : i32
    %dma_wait3A_330 = arith.constant 0 : i32
    %dma_wait3A_331 = tpu.memref_slice %arg5[%dma_wait3A_320, %dma_wait3A_329, %dma_wait3A_330] : memref<1024x50x512xf32, #tpu.memory_space<hbm>> -> memref<1x50x512xf32, #tpu.memory_space<hbm>>
    %dma_wait3A_332 = tpu.memref_squeeze %dma_wait3A_331 : memref<1x50x512xf32, #tpu.memory_space<hbm>> -> memref<50x512xf32, #tpu.memory_space<hbm>>
    %dma_wait3A_333 = arith.constant 0 : i32
    %dma_wait3A_334 = arith.constant 0 : i32
    %dma_wait3A_335 = tpu.memref_slice %arg8[%dma_wait3A_319, %dma_wait3A_333, %dma_wait3A_334] : memref<3x50x512xf32, #tpu.memory_space<vmem>> -> memref<1x50x512xf32, #tpu.memory_space<vmem>>
    %dma_wait3A_336 = tpu.memref_squeeze %dma_wait3A_335 : memref<1x50x512xf32, #tpu.memory_space<vmem>> -> memref<50x512xf32, #tpu.memory_space<vmem>>
    tpu.wait_dma2 semaphore(%arg12 : memref<!tpu.dma_semaphore, #tpu.memory_space<semaphore_mem>>) src(%dma_wait3A_336 : memref<50x512xf32, #tpu.memory_space<vmem>>) dst(%dma_wait3A_332 : memref<50x512xf32, #tpu.memory_space<hbm>>)
    %scan3A_337 = arith.constant 1 : i32
    %scan3A_338 = arith.constant 0 : i32
    %scan3A_339 = arith.constant 50 : i32
    %scan3A_340 = arith.addi %scan3A_338, %scan3A_339 : i32
    %scan3A_341 = arith.constant 1 : i32
    scf.for %scan3A_382 = %scan3A_338 to %scan3A_340 step %scan3A_341  : i32 {
      %get3A = arith.index_cast %scan3A_382 : i32 to index
      %get3A_383 = arith.constant 0 : index
      %get3A_384 = tpu.vector_load %arg7[%get3A, %get3A_383] {strides = array<i32>} : memref<50x512xf32, #tpu.memory_space<vmem>>, vector<1x16xf32>,
      %get3A_385 = vector.shape_cast %get3A_384 : vector<1x16xf32> to vector<16xf32>
      %get3A_386 = arith.index_cast %scan3A_382 : i32 to index
      %get3A_387 = arith.constant 16 : index
      %get3A_388 = tpu.vector_load %arg7[%get3A_386, %get3A_387] {strides = array<i32>} : memref<50x512xf32, #tpu.memory_space<vmem>>, vector<1x16xf32>,
      %get3A_389 = vector.shape_cast %get3A_388 : vector<1x16xf32> to vector<16xf32>
      %get3A_390 = arith.index_cast %scan3A_382 : i32 to index
      %get3A_391 = arith.constant 32 : index
      %get3A_392 = tpu.vector_load %arg7[%get3A_390, %get3A_391] {strides = array<i32>} : memref<50x512xf32, #tpu.memory_space<vmem>>, vector<1x16xf32>,
      %get3A_393 = vector.shape_cast %get3A_392 : vector<1x16xf32> to vector<16xf32>
      %get3A_394 = arith.index_cast %scan3A_382 : i32 to index
      %get3A_395 = arith.constant 48 : index
      %get3A_396 = tpu.vector_load %arg7[%get3A_394, %get3A_395] {strides = array<i32>} : memref<50x512xf32, #tpu.memory_space<vmem>>, vector<1x16xf32>,
      %get3A_397 = vector.shape_cast %get3A_396 : vector<1x16xf32> to vector<16xf32>
      %get3A_398 = arith.index_cast %scan3A_382 : i32 to index
      %get3A_399 = arith.constant 64 : index
      %get3A_400 = tpu.vector_load %arg7[%get3A_398, %get3A_399] {strides = array<i32>} : memref<50x512xf32, #tpu.memory_space<vmem>>, vector<1x16xf32>,
      %get3A_401 = vector.shape_cast %get3A_400 : vector<1x16xf32> to vector<16xf32>
      %get3A_402 = arith.index_cast %scan3A_382 : i32 to index
      %get3A_403 = arith.constant 80 : index
      %get3A_404 = tpu.vector_load %arg7[%get3A_402, %get3A_403] {strides = array<i32>} : memref<50x512xf32, #tpu.memory_space<vmem>>, vector<1x16xf32>,
      %get3A_405 = vector.shape_cast %get3A_404 : vector<1x16xf32> to vector<16xf32>
      %get3A_406 = arith.index_cast %scan3A_382 : i32 to index
      %get3A_407 = arith.constant 96 : index
      %get3A_408 = tpu.vector_load %arg7[%get3A_406, %get3A_407] {strides = array<i32>} : memref<50x512xf32, #tpu.memory_space<vmem>>, vector<1x16xf32>,
      %get3A_409 = vector.shape_cast %get3A_408 : vector<1x16xf32> to vector<16xf32>
      %get3A_410 = arith.index_cast %scan3A_382 : i32 to index
      %get3A_411 = arith.constant 112 : index
      %get3A_412 = tpu.vector_load %arg7[%get3A_410, %get3A_411] {strides = array<i32>} : memref<50x512xf32, #tpu.memory_space<vmem>>, vector<1x16xf32>,
      %get3A_413 = vector.shape_cast %get3A_412 : vector<1x16xf32> to vector<16xf32>
      %get3A_414 = arith.index_cast %scan3A_382 : i32 to index
      %get3A_415 = arith.constant 128 : index
      %get3A_416 = tpu.vector_load %arg7[%get3A_414, %get3A_415] {strides = array<i32>} : memref<50x512xf32, #tpu.memory_space<vmem>>, vector<1x16xf32>,
      %get3A_417 = vector.shape_cast %get3A_416 : vector<1x16xf32> to vector<16xf32>
      %get3A_418 = arith.index_cast %scan3A_382 : i32 to index
      %get3A_419 = arith.constant 144 : index
      %get3A_420 = tpu.vector_load %arg7[%get3A_418, %get3A_419] {strides = array<i32>} : memref<50x512xf32, #tpu.memory_space<vmem>>, vector<1x16xf32>,
      %get3A_421 = vector.shape_cast %get3A_420 : vector<1x16xf32> to vector<16xf32>
      %get3A_422 = arith.index_cast %scan3A_382 : i32 to index
      %get3A_423 = arith.constant 160 : index
      %get3A_424 = tpu.vector_load %arg7[%get3A_422, %get3A_423] {strides = array<i32>} : memref<50x512xf32, #tpu.memory_space<vmem>>, vector<1x16xf32>,
      %get3A_425 = vector.shape_cast %get3A_424 : vector<1x16xf32> to vector<16xf32>
      %get3A_426 = arith.index_cast %scan3A_382 : i32 to index
      %get3A_427 = arith.constant 176 : index
      %get3A_428 = tpu.vector_load %arg7[%get3A_426, %get3A_427] {strides = array<i32>} : memref<50x512xf32, #tpu.memory_space<vmem>>, vector<1x16xf32>,
      %get3A_429 = vector.shape_cast %get3A_428 : vector<1x16xf32> to vector<16xf32>
      %get3A_430 = arith.index_cast %scan3A_382 : i32 to index
      %get3A_431 = arith.constant 192 : index
      %get3A_432 = tpu.vector_load %arg7[%get3A_430, %get3A_431] {strides = array<i32>} : memref<50x512xf32, #tpu.memory_space<vmem>>, vector<1x16xf32>,
      %get3A_433 = vector.shape_cast %get3A_432 : vector<1x16xf32> to vector<16xf32>
      %get3A_434 = arith.index_cast %scan3A_382 : i32 to index
      %get3A_435 = arith.constant 208 : index
      %get3A_436 = tpu.vector_load %arg7[%get3A_434, %get3A_435] {strides = array<i32>} : memref<50x512xf32, #tpu.memory_space<vmem>>, vector<1x16xf32>,
      %get3A_437 = vector.shape_cast %get3A_436 : vector<1x16xf32> to vector<16xf32>
      %get3A_438 = arith.index_cast %scan3A_382 : i32 to index
      %get3A_439 = arith.constant 224 : index
      %get3A_440 = tpu.vector_load %arg7[%get3A_438, %get3A_439] {strides = array<i32>} : memref<50x512xf32, #tpu.memory_space<vmem>>, vector<1x16xf32>,
      %get3A_441 = vector.shape_cast %get3A_440 : vector<1x16xf32> to vector<16xf32>
      %get3A_442 = arith.index_cast %scan3A_382 : i32 to index
      %get3A_443 = arith.constant 240 : index
      %get3A_444 = tpu.vector_load %arg7[%get3A_442, %get3A_443] {strides = array<i32>} : memref<50x512xf32, #tpu.memory_space<vmem>>, vector<1x16xf32>,
      %get3A_445 = vector.shape_cast %get3A_444 : vector<1x16xf32> to vector<16xf32>
      %get3A_446 = arith.index_cast %scan3A_382 : i32 to index
      %get3A_447 = arith.constant 256 : index
      %get3A_448 = tpu.vector_load %arg7[%get3A_446, %get3A_447] {strides = array<i32>} : memref<50x512xf32, #tpu.memory_space<vmem>>, vector<1x16xf32>,
      %get3A_449 = vector.shape_cast %get3A_448 : vector<1x16xf32> to vector<16xf32>
      %get3A_450 = arith.index_cast %scan3A_382 : i32 to index
      %get3A_451 = arith.constant 272 : index
      %get3A_452 = tpu.vector_load %arg7[%get3A_450, %get3A_451] {strides = array<i32>} : memref<50x512xf32, #tpu.memory_space<vmem>>, vector<1x16xf32>,
      %get3A_453 = vector.shape_cast %get3A_452 : vector<1x16xf32> to vector<16xf32>
      %get3A_454 = arith.index_cast %scan3A_382 : i32 to index
      %get3A_455 = arith.constant 288 : index
      %get3A_456 = tpu.vector_load %arg7[%get3A_454, %get3A_455] {strides = array<i32>} : memref<50x512xf32, #tpu.memory_space<vmem>>, vector<1x16xf32>,
      %get3A_457 = vector.shape_cast %get3A_456 : vector<1x16xf32> to vector<16xf32>
      %get3A_458 = arith.index_cast %scan3A_382 : i32 to index
      %get3A_459 = arith.constant 304 : index
      %get3A_460 = tpu.vector_load %arg7[%get3A_458, %get3A_459] {strides = array<i32>} : memref<50x512xf32, #tpu.memory_space<vmem>>, vector<1x16xf32>,
      %get3A_461 = vector.shape_cast %get3A_460 : vector<1x16xf32> to vector<16xf32>
      %get3A_462 = arith.index_cast %scan3A_382 : i32 to index
      %get3A_463 = arith.constant 320 : index
      %get3A_464 = tpu.vector_load %arg7[%get3A_462, %get3A_463] {strides = array<i32>} : memref<50x512xf32, #tpu.memory_space<vmem>>, vector<1x16xf32>,
      %get3A_465 = vector.shape_cast %get3A_464 : vector<1x16xf32> to vector<16xf32>
      %get3A_466 = arith.index_cast %scan3A_382 : i32 to index
      %get3A_467 = arith.constant 336 : index
      %get3A_468 = tpu.vector_load %arg7[%get3A_466, %get3A_467] {strides = array<i32>} : memref<50x512xf32, #tpu.memory_space<vmem>>, vector<1x16xf32>,
      %get3A_469 = vector.shape_cast %get3A_468 : vector<1x16xf32> to vector<16xf32>
      %get3A_470 = arith.index_cast %scan3A_382 : i32 to index
      %get3A_471 = arith.constant 352 : index
      %get3A_472 = tpu.vector_load %arg7[%get3A_470, %get3A_471] {strides = array<i32>} : memref<50x512xf32, #tpu.memory_space<vmem>>, vector<1x16xf32>,
      %get3A_473 = vector.shape_cast %get3A_472 : vector<1x16xf32> to vector<16xf32>
      %get3A_474 = arith.index_cast %scan3A_382 : i32 to index
      %get3A_475 = arith.constant 368 : index
      %get3A_476 = tpu.vector_load %arg7[%get3A_474, %get3A_475] {strides = array<i32>} : memref<50x512xf32, #tpu.memory_space<vmem>>, vector<1x16xf32>,
      %get3A_477 = vector.shape_cast %get3A_476 : vector<1x16xf32> to vector<16xf32>
      %get3A_478 = arith.index_cast %scan3A_382 : i32 to index
      %get3A_479 = arith.constant 384 : index
      %get3A_480 = tpu.vector_load %arg7[%get3A_478, %get3A_479] {strides = array<i32>} : memref<50x512xf32, #tpu.memory_space<vmem>>, vector<1x16xf32>,
      %get3A_481 = vector.shape_cast %get3A_480 : vector<1x16xf32> to vector<16xf32>
      %get3A_482 = arith.index_cast %scan3A_382 : i32 to index
      %get3A_483 = arith.constant 400 : index
      %get3A_484 = tpu.vector_load %arg7[%get3A_482, %get3A_483] {strides = array<i32>} : memref<50x512xf32, #tpu.memory_space<vmem>>, vector<1x16xf32>,
      %get3A_485 = vector.shape_cast %get3A_484 : vector<1x16xf32> to vector<16xf32>
      %get3A_486 = arith.index_cast %scan3A_382 : i32 to index
      %get3A_487 = arith.constant 416 : index
      %get3A_488 = tpu.vector_load %arg7[%get3A_486, %get3A_487] {strides = array<i32>} : memref<50x512xf32, #tpu.memory_space<vmem>>, vector<1x16xf32>,
      %get3A_489 = vector.shape_cast %get3A_488 : vector<1x16xf32> to vector<16xf32>
      %get3A_490 = arith.index_cast %scan3A_382 : i32 to index
      %get3A_491 = arith.constant 432 : index
      %get3A_492 = tpu.vector_load %arg7[%get3A_490, %get3A_491] {strides = array<i32>} : memref<50x512xf32, #tpu.memory_space<vmem>>, vector<1x16xf32>,
      %get3A_493 = vector.shape_cast %get3A_492 : vector<1x16xf32> to vector<16xf32>
      %get3A_494 = arith.index_cast %scan3A_382 : i32 to index
      %get3A_495 = arith.constant 448 : index
      %get3A_496 = tpu.vector_load %arg7[%get3A_494, %get3A_495] {strides = array<i32>} : memref<50x512xf32, #tpu.memory_space<vmem>>, vector<1x16xf32>,
      %get3A_497 = vector.shape_cast %get3A_496 : vector<1x16xf32> to vector<16xf32>
      %get3A_498 = arith.index_cast %scan3A_382 : i32 to index
      %get3A_499 = arith.constant 464 : index
      %get3A_500 = tpu.vector_load %arg7[%get3A_498, %get3A_499] {strides = array<i32>} : memref<50x512xf32, #tpu.memory_space<vmem>>, vector<1x16xf32>,
      %get3A_501 = vector.shape_cast %get3A_500 : vector<1x16xf32> to vector<16xf32>
      %get3A_502 = arith.index_cast %scan3A_382 : i32 to index
      %get3A_503 = arith.constant 480 : index
      %get3A_504 = tpu.vector_load %arg7[%get3A_502, %get3A_503] {strides = array<i32>} : memref<50x512xf32, #tpu.memory_space<vmem>>, vector<1x16xf32>,
      %get3A_505 = vector.shape_cast %get3A_504 : vector<1x16xf32> to vector<16xf32>
      %get3A_506 = arith.index_cast %scan3A_382 : i32 to index
      %get3A_507 = arith.constant 496 : index
      %get3A_508 = tpu.vector_load %arg7[%get3A_506, %get3A_507] {strides = array<i32>} : memref<50x512xf32, #tpu.memory_space<vmem>>, vector<1x16xf32>,
      %get3A_509 = vector.shape_cast %get3A_508 : vector<1x16xf32> to vector<16xf32>
      %swap3A = arith.index_cast %scan3A_337 : i32 to index
      %swap3A_510 = arith.index_cast %scan3A_382 : i32 to index
      %swap3A_511 = arith.constant 0 : index
      %swap3A_512 = tpu.vector_load %arg8[%swap3A, %swap3A_510, %swap3A_511] {strides = array<i32>} : memref<3x50x512xf32, #tpu.memory_space<vmem>>, vector<1x1x16xf32>,
      %swap3A_513 = vector.shape_cast %swap3A_512 : vector<1x1x16xf32> to vector<16xf32>
      %swap3A_514 = vector.shape_cast %get3A_385 : vector<16xf32> to vector<1x1x16xf32>
      tpu.vector_store %arg8[%swap3A, %swap3A_510, %swap3A_511], %swap3A_514 {add = true, strides = array<i32>} : memref<3x50x512xf32, #tpu.memory_space<vmem>>, vector<1x1x16xf32>,
      %swap3A_515 = arith.index_cast %scan3A_337 : i32 to index
      %swap3A_516 = arith.index_cast %scan3A_382 : i32 to index
      %swap3A_517 = arith.constant 16 : index
      %swap3A_518 = tpu.vector_load %arg8[%swap3A_515, %swap3A_516, %swap3A_517] {strides = array<i32>} : memref<3x50x512xf32, #tpu.memory_space<vmem>>, vector<1x1x16xf32>,
      %swap3A_519 = vector.shape_cast %swap3A_518 : vector<1x1x16xf32> to vector<16xf32>
      %swap3A_520 = vector.shape_cast %get3A_389 : vector<16xf32> to vector<1x1x16xf32>
      tpu.vector_store %arg8[%swap3A_515, %swap3A_516, %swap3A_517], %swap3A_520 {add = true, strides = array<i32>} : memref<3x50x512xf32, #tpu.memory_space<vmem>>, vector<1x1x16xf32>,
      %swap3A_521 = arith.index_cast %scan3A_337 : i32 to index
      %swap3A_522 = arith.index_cast %scan3A_382 : i32 to index
      %swap3A_523 = arith.constant 32 : index
      %swap3A_524 = tpu.vector_load %arg8[%swap3A_521, %swap3A_522, %swap3A_523] {strides = array<i32>} : memref<3x50x512xf32, #tpu.memory_space<vmem>>, vector<1x1x16xf32>,
      %swap3A_525 = vector.shape_cast %swap3A_524 : vector<1x1x16xf32> to vector<16xf32>
      %swap3A_526 = vector.shape_cast %get3A_393 : vector<16xf32> to vector<1x1x16xf32>
      tpu.vector_store %arg8[%swap3A_521, %swap3A_522, %swap3A_523], %swap3A_526 {add = true, strides = array<i32>} : memref<3x50x512xf32, #tpu.memory_space<vmem>>, vector<1x1x16xf32>,
      %swap3A_527 = arith.index_cast %scan3A_337 : i32 to index
      %swap3A_528 = arith.index_cast %scan3A_382 : i32 to index
      %swap3A_529 = arith.constant 48 : index
      %swap3A_530 = tpu.vector_load %arg8[%swap3A_527, %swap3A_528, %swap3A_529] {strides = array<i32>} : memref<3x50x512xf32, #tpu.memory_space<vmem>>, vector<1x1x16xf32>,
      %swap3A_531 = vector.shape_cast %swap3A_530 : vector<1x1x16xf32> to vector<16xf32>
      %swap3A_532 = vector.shape_cast %get3A_397 : vector<16xf32> to vector<1x1x16xf32>
      tpu.vector_store %arg8[%swap3A_527, %swap3A_528, %swap3A_529], %swap3A_532 {add = true, strides = array<i32>} : memref<3x50x512xf32, #tpu.memory_space<vmem>>, vector<1x1x16xf32>,
      %swap3A_533 = arith.index_cast %scan3A_337 : i32 to index
      %swap3A_534 = arith.index_cast %scan3A_382 : i32 to index
      %swap3A_535 = arith.constant 64 : index
      %swap3A_536 = tpu.vector_load %arg8[%swap3A_533, %swap3A_534, %swap3A_535] {strides = array<i32>} : memref<3x50x512xf32, #tpu.memory_space<vmem>>, vector<1x1x16xf32>,
      %swap3A_537 = vector.shape_cast %swap3A_536 : vector<1x1x16xf32> to vector<16xf32>
      %swap3A_538 = vector.shape_cast %get3A_401 : vector<16xf32> to vector<1x1x16xf32>
      tpu.vector_store %arg8[%swap3A_533, %swap3A_534, %swap3A_535], %swap3A_538 {add = true, strides = array<i32>} : memref<3x50x512xf32, #tpu.memory_space<vmem>>, vector<1x1x16xf32>,
      %swap3A_539 = arith.index_cast %scan3A_337 : i32 to index
      %swap3A_540 = arith.index_cast %scan3A_382 : i32 to index
      %swap3A_541 = arith.constant 80 : index
      %swap3A_542 = tpu.vector_load %arg8[%swap3A_539, %swap3A_540, %swap3A_541] {strides = array<i32>} : memref<3x50x512xf32, #tpu.memory_space<vmem>>, vector<1x1x16xf32>,
      %swap3A_543 = vector.shape_cast %swap3A_542 : vector<1x1x16xf32> to vector<16xf32>
      %swap3A_544 = vector.shape_cast %get3A_405 : vector<16xf32> to vector<1x1x16xf32>
      tpu.vector_store %arg8[%swap3A_539, %swap3A_540, %swap3A_541], %swap3A_544 {add = true, strides = array<i32>} : memref<3x50x512xf32, #tpu.memory_space<vmem>>, vector<1x1x16xf32>,
      %swap3A_545 = arith.index_cast %scan3A_337 : i32 to index
      %swap3A_546 = arith.index_cast %scan3A_382 : i32 to index
      %swap3A_547 = arith.constant 96 : index
      %swap3A_548 = tpu.vector_load %arg8[%swap3A_545, %swap3A_546, %swap3A_547] {strides = array<i32>} : memref<3x50x512xf32, #tpu.memory_space<vmem>>, vector<1x1x16xf32>,
      %swap3A_549 = vector.shape_cast %swap3A_548 : vector<1x1x16xf32> to vector<16xf32>
      %swap3A_550 = vector.shape_cast %get3A_409 : vector<16xf32> to vector<1x1x16xf32>
      tpu.vector_store %arg8[%swap3A_545, %swap3A_546, %swap3A_547], %swap3A_550 {add = true, strides = array<i32>} : memref<3x50x512xf32, #tpu.memory_space<vmem>>, vector<1x1x16xf32>,
      %swap3A_551 = arith.index_cast %scan3A_337 : i32 to index
      %swap3A_552 = arith.index_cast %scan3A_382 : i32 to index
      %swap3A_553 = arith.constant 112 : index
      %swap3A_554 = tpu.vector_load %arg8[%swap3A_551, %swap3A_552, %swap3A_553] {strides = array<i32>} : memref<3x50x512xf32, #tpu.memory_space<vmem>>, vector<1x1x16xf32>,
      %swap3A_555 = vector.shape_cast %swap3A_554 : vector<1x1x16xf32> to vector<16xf32>
      %swap3A_556 = vector.shape_cast %get3A_413 : vector<16xf32> to vector<1x1x16xf32>
      tpu.vector_store %arg8[%swap3A_551, %swap3A_552, %swap3A_553], %swap3A_556 {add = true, strides = array<i32>} : memref<3x50x512xf32, #tpu.memory_space<vmem>>, vector<1x1x16xf32>,
      %swap3A_557 = arith.index_cast %scan3A_337 : i32 to index
      %swap3A_558 = arith.index_cast %scan3A_382 : i32 to index
      %swap3A_559 = arith.constant 128 : index
      %swap3A_560 = tpu.vector_load %arg8[%swap3A_557, %swap3A_558, %swap3A_559] {strides = array<i32>} : memref<3x50x512xf32, #tpu.memory_space<vmem>>, vector<1x1x16xf32>,
      %swap3A_561 = vector.shape_cast %swap3A_560 : vector<1x1x16xf32> to vector<16xf32>
      %swap3A_562 = vector.shape_cast %get3A_417 : vector<16xf32> to vector<1x1x16xf32>
      tpu.vector_store %arg8[%swap3A_557, %swap3A_558, %swap3A_559], %swap3A_562 {add = true, strides = array<i32>} : memref<3x50x512xf32, #tpu.memory_space<vmem>>, vector<1x1x16xf32>,
      %swap3A_563 = arith.index_cast %scan3A_337 : i32 to index
      %swap3A_564 = arith.index_cast %scan3A_382 : i32 to index
      %swap3A_565 = arith.constant 144 : index
      %swap3A_566 = tpu.vector_load %arg8[%swap3A_563, %swap3A_564, %swap3A_565] {strides = array<i32>} : memref<3x50x512xf32, #tpu.memory_space<vmem>>, vector<1x1x16xf32>,
      %swap3A_567 = vector.shape_cast %swap3A_566 : vector<1x1x16xf32> to vector<16xf32>
      %swap3A_568 = vector.shape_cast %get3A_421 : vector<16xf32> to vector<1x1x16xf32>
      tpu.vector_store %arg8[%swap3A_563, %swap3A_564, %swap3A_565], %swap3A_568 {add = true, strides = array<i32>} : memref<3x50x512xf32, #tpu.memory_space<vmem>>, vector<1x1x16xf32>,
      %swap3A_569 = arith.index_cast %scan3A_337 : i32 to index
      %swap3A_570 = arith.index_cast %scan3A_382 : i32 to index
      %swap3A_571 = arith.constant 160 : index
      %swap3A_572 = tpu.vector_load %arg8[%swap3A_569, %swap3A_570, %swap3A_571] {strides = array<i32>} : memref<3x50x512xf32, #tpu.memory_space<vmem>>, vector<1x1x16xf32>,
      %swap3A_573 = vector.shape_cast %swap3A_572 : vector<1x1x16xf32> to vector<16xf32>
      %swap3A_574 = vector.shape_cast %get3A_425 : vector<16xf32> to vector<1x1x16xf32>
      tpu.vector_store %arg8[%swap3A_569, %swap3A_570, %swap3A_571], %swap3A_574 {add = true, strides = array<i32>} : memref<3x50x512xf32, #tpu.memory_space<vmem>>, vector<1x1x16xf32>,
      %swap3A_575 = arith.index_cast %scan3A_337 : i32 to index
      %swap3A_576 = arith.index_cast %scan3A_382 : i32 to index
      %swap3A_577 = arith.constant 176 : index
      %swap3A_578 = tpu.vector_load %arg8[%swap3A_575, %swap3A_576, %swap3A_577] {strides = array<i32>} : memref<3x50x512xf32, #tpu.memory_space<vmem>>, vector<1x1x16xf32>,
      %swap3A_579 = vector.shape_cast %swap3A_578 : vector<1x1x16xf32> to vector<16xf32>
      %swap3A_580 = vector.shape_cast %get3A_429 : vector<16xf32> to vector<1x1x16xf32>
      tpu.vector_store %arg8[%swap3A_575, %swap3A_576, %swap3A_577], %swap3A_580 {add = true, strides = array<i32>} : memref<3x50x512xf32, #tpu.memory_space<vmem>>, vector<1x1x16xf32>,
      %swap3A_581 = arith.index_cast %scan3A_337 : i32 to index
      %swap3A_582 = arith.index_cast %scan3A_382 : i32 to index
      %swap3A_583 = arith.constant 192 : index
      %swap3A_584 = tpu.vector_load %arg8[%swap3A_581, %swap3A_582, %swap3A_583] {strides = array<i32>} : memref<3x50x512xf32, #tpu.memory_space<vmem>>, vector<1x1x16xf32>,
      %swap3A_585 = vector.shape_cast %swap3A_584 : vector<1x1x16xf32> to vector<16xf32>
      %swap3A_586 = vector.shape_cast %get3A_433 : vector<16xf32> to vector<1x1x16xf32>
      tpu.vector_store %arg8[%swap3A_581, %swap3A_582, %swap3A_583], %swap3A_586 {add = true, strides = array<i32>} : memref<3x50x512xf32, #tpu.memory_space<vmem>>, vector<1x1x16xf32>,
      %swap3A_587 = arith.index_cast %scan3A_337 : i32 to index
      %swap3A_588 = arith.index_cast %scan3A_382 : i32 to index
      %swap3A_589 = arith.constant 208 : index
      %swap3A_590 = tpu.vector_load %arg8[%swap3A_587, %swap3A_588, %swap3A_589] {strides = array<i32>} : memref<3x50x512xf32, #tpu.memory_space<vmem>>, vector<1x1x16xf32>,
      %swap3A_591 = vector.shape_cast %swap3A_590 : vector<1x1x16xf32> to vector<16xf32>
      %swap3A_592 = vector.shape_cast %get3A_437 : vector<16xf32> to vector<1x1x16xf32>
      tpu.vector_store %arg8[%swap3A_587, %swap3A_588, %swap3A_589], %swap3A_592 {add = true, strides = array<i32>} : memref<3x50x512xf32, #tpu.memory_space<vmem>>, vector<1x1x16xf32>,
      %swap3A_593 = arith.index_cast %scan3A_337 : i32 to index
      %swap3A_594 = arith.index_cast %scan3A_382 : i32 to index
      %swap3A_595 = arith.constant 224 : index
      %swap3A_596 = tpu.vector_load %arg8[%swap3A_593, %swap3A_594, %swap3A_595] {strides = array<i32>} : memref<3x50x512xf32, #tpu.memory_space<vmem>>, vector<1x1x16xf32>,
      %swap3A_597 = vector.shape_cast %swap3A_596 : vector<1x1x16xf32> to vector<16xf32>
      %swap3A_598 = vector.shape_cast %get3A_441 : vector<16xf32> to vector<1x1x16xf32>
      tpu.vector_store %arg8[%swap3A_593, %swap3A_594, %swap3A_595], %swap3A_598 {add = true, strides = array<i32>} : memref<3x50x512xf32, #tpu.memory_space<vmem>>, vector<1x1x16xf32>,
      %swap3A_599 = arith.index_cast %scan3A_337 : i32 to index
      %swap3A_600 = arith.index_cast %scan3A_382 : i32 to index
      %swap3A_601 = arith.constant 240 : index
      %swap3A_602 = tpu.vector_load %arg8[%swap3A_599, %swap3A_600, %swap3A_601] {strides = array<i32>} : memref<3x50x512xf32, #tpu.memory_space<vmem>>, vector<1x1x16xf32>,
      %swap3A_603 = vector.shape_cast %swap3A_602 : vector<1x1x16xf32> to vector<16xf32>
      %swap3A_604 = vector.shape_cast %get3A_445 : vector<16xf32> to vector<1x1x16xf32>
      tpu.vector_store %arg8[%swap3A_599, %swap3A_600, %swap3A_601], %swap3A_604 {add = true, strides = array<i32>} : memref<3x50x512xf32, #tpu.memory_space<vmem>>, vector<1x1x16xf32>,
      %swap3A_605 = arith.index_cast %scan3A_337 : i32 to index
      %swap3A_606 = arith.index_cast %scan3A_382 : i32 to index
      %swap3A_607 = arith.constant 256 : index
      %swap3A_608 = tpu.vector_load %arg8[%swap3A_605, %swap3A_606, %swap3A_607] {strides = array<i32>} : memref<3x50x512xf32, #tpu.memory_space<vmem>>, vector<1x1x16xf32>,
      %swap3A_609 = vector.shape_cast %swap3A_608 : vector<1x1x16xf32> to vector<16xf32>
      %swap3A_610 = vector.shape_cast %get3A_449 : vector<16xf32> to vector<1x1x16xf32>
      tpu.vector_store %arg8[%swap3A_605, %swap3A_606, %swap3A_607], %swap3A_610 {add = true, strides = array<i32>} : memref<3x50x512xf32, #tpu.memory_space<vmem>>, vector<1x1x16xf32>,
      %swap3A_611 = arith.index_cast %scan3A_337 : i32 to index
      %swap3A_612 = arith.index_cast %scan3A_382 : i32 to index
      %swap3A_613 = arith.constant 272 : index
      %swap3A_614 = tpu.vector_load %arg8[%swap3A_611, %swap3A_612, %swap3A_613] {strides = array<i32>} : memref<3x50x512xf32, #tpu.memory_space<vmem>>, vector<1x1x16xf32>,
      %swap3A_615 = vector.shape_cast %swap3A_614 : vector<1x1x16xf32> to vector<16xf32>
      %swap3A_616 = vector.shape_cast %get3A_453 : vector<16xf32> to vector<1x1x16xf32>
      tpu.vector_store %arg8[%swap3A_611, %swap3A_612, %swap3A_613], %swap3A_616 {add = true, strides = array<i32>} : memref<3x50x512xf32, #tpu.memory_space<vmem>>, vector<1x1x16xf32>,
      %swap3A_617 = arith.index_cast %scan3A_337 : i32 to index
      %swap3A_618 = arith.index_cast %scan3A_382 : i32 to index
      %swap3A_619 = arith.constant 288 : index
      %swap3A_620 = tpu.vector_load %arg8[%swap3A_617, %swap3A_618, %swap3A_619] {strides = array<i32>} : memref<3x50x512xf32, #tpu.memory_space<vmem>>, vector<1x1x16xf32>,
      %swap3A_621 = vector.shape_cast %swap3A_620 : vector<1x1x16xf32> to vector<16xf32>
      %swap3A_622 = vector.shape_cast %get3A_457 : vector<16xf32> to vector<1x1x16xf32>
      tpu.vector_store %arg8[%swap3A_617, %swap3A_618, %swap3A_619], %swap3A_622 {add = true, strides = array<i32>} : memref<3x50x512xf32, #tpu.memory_space<vmem>>, vector<1x1x16xf32>,
      %swap3A_623 = arith.index_cast %scan3A_337 : i32 to index
      %swap3A_624 = arith.index_cast %scan3A_382 : i32 to index
      %swap3A_625 = arith.constant 304 : index
      %swap3A_626 = tpu.vector_load %arg8[%swap3A_623, %swap3A_624, %swap3A_625] {strides = array<i32>} : memref<3x50x512xf32, #tpu.memory_space<vmem>>, vector<1x1x16xf32>,
      %swap3A_627 = vector.shape_cast %swap3A_626 : vector<1x1x16xf32> to vector<16xf32>
      %swap3A_628 = vector.shape_cast %get3A_461 : vector<16xf32> to vector<1x1x16xf32>
      tpu.vector_store %arg8[%swap3A_623, %swap3A_624, %swap3A_625], %swap3A_628 {add = true, strides = array<i32>} : memref<3x50x512xf32, #tpu.memory_space<vmem>>, vector<1x1x16xf32>,
      %swap3A_629 = arith.index_cast %scan3A_337 : i32 to index
      %swap3A_630 = arith.index_cast %scan3A_382 : i32 to index
      %swap3A_631 = arith.constant 320 : index
      %swap3A_632 = tpu.vector_load %arg8[%swap3A_629, %swap3A_630, %swap3A_631] {strides = array<i32>} : memref<3x50x512xf32, #tpu.memory_space<vmem>>, vector<1x1x16xf32>,
      %swap3A_633 = vector.shape_cast %swap3A_632 : vector<1x1x16xf32> to vector<16xf32>
      %swap3A_634 = vector.shape_cast %get3A_465 : vector<16xf32> to vector<1x1x16xf32>
      tpu.vector_store %arg8[%swap3A_629, %swap3A_630, %swap3A_631], %swap3A_634 {add = true, strides = array<i32>} : memref<3x50x512xf32, #tpu.memory_space<vmem>>, vector<1x1x16xf32>,
      %swap3A_635 = arith.index_cast %scan3A_337 : i32 to index
      %swap3A_636 = arith.index_cast %scan3A_382 : i32 to index
      %swap3A_637 = arith.constant 336 : index
      %swap3A_638 = tpu.vector_load %arg8[%swap3A_635, %swap3A_636, %swap3A_637] {strides = array<i32>} : memref<3x50x512xf32, #tpu.memory_space<vmem>>, vector<1x1x16xf32>,
      %swap3A_639 = vector.shape_cast %swap3A_638 : vector<1x1x16xf32> to vector<16xf32>
      %swap3A_640 = vector.shape_cast %get3A_469 : vector<16xf32> to vector<1x1x16xf32>
      tpu.vector_store %arg8[%swap3A_635, %swap3A_636, %swap3A_637], %swap3A_640 {add = true, strides = array<i32>} : memref<3x50x512xf32, #tpu.memory_space<vmem>>, vector<1x1x16xf32>,
      %swap3A_641 = arith.index_cast %scan3A_337 : i32 to index
      %swap3A_642 = arith.index_cast %scan3A_382 : i32 to index
      %swap3A_643 = arith.constant 352 : index
      %swap3A_644 = tpu.vector_load %arg8[%swap3A_641, %swap3A_642, %swap3A_643] {strides = array<i32>} : memref<3x50x512xf32, #tpu.memory_space<vmem>>, vector<1x1x16xf32>,
      %swap3A_645 = vector.shape_cast %swap3A_644 : vector<1x1x16xf32> to vector<16xf32>
      %swap3A_646 = vector.shape_cast %get3A_473 : vector<16xf32> to vector<1x1x16xf32>
      tpu.vector_store %arg8[%swap3A_641, %swap3A_642, %swap3A_643], %swap3A_646 {add = true, strides = array<i32>} : memref<3x50x512xf32, #tpu.memory_space<vmem>>, vector<1x1x16xf32>,
      %swap3A_647 = arith.index_cast %scan3A_337 : i32 to index
      %swap3A_648 = arith.index_cast %scan3A_382 : i32 to index
      %swap3A_649 = arith.constant 368 : index
      %swap3A_650 = tpu.vector_load %arg8[%swap3A_647, %swap3A_648, %swap3A_649] {strides = array<i32>} : memref<3x50x512xf32, #tpu.memory_space<vmem>>, vector<1x1x16xf32>,
      %swap3A_651 = vector.shape_cast %swap3A_650 : vector<1x1x16xf32> to vector<16xf32>
      %swap3A_652 = vector.shape_cast %get3A_477 : vector<16xf32> to vector<1x1x16xf32>
      tpu.vector_store %arg8[%swap3A_647, %swap3A_648, %swap3A_649], %swap3A_652 {add = true, strides = array<i32>} : memref<3x50x512xf32, #tpu.memory_space<vmem>>, vector<1x1x16xf32>,
      %swap3A_653 = arith.index_cast %scan3A_337 : i32 to index
      %swap3A_654 = arith.index_cast %scan3A_382 : i32 to index
      %swap3A_655 = arith.constant 384 : index
      %swap3A_656 = tpu.vector_load %arg8[%swap3A_653, %swap3A_654, %swap3A_655] {strides = array<i32>} : memref<3x50x512xf32, #tpu.memory_space<vmem>>, vector<1x1x16xf32>,
      %swap3A_657 = vector.shape_cast %swap3A_656 : vector<1x1x16xf32> to vector<16xf32>
      %swap3A_658 = vector.shape_cast %get3A_481 : vector<16xf32> to vector<1x1x16xf32>
      tpu.vector_store %arg8[%swap3A_653, %swap3A_654, %swap3A_655], %swap3A_658 {add = true, strides = array<i32>} : memref<3x50x512xf32, #tpu.memory_space<vmem>>, vector<1x1x16xf32>,
      %swap3A_659 = arith.index_cast %scan3A_337 : i32 to index
      %swap3A_660 = arith.index_cast %scan3A_382 : i32 to index
      %swap3A_661 = arith.constant 400 : index
      %swap3A_662 = tpu.vector_load %arg8[%swap3A_659, %swap3A_660, %swap3A_661] {strides = array<i32>} : memref<3x50x512xf32, #tpu.memory_space<vmem>>, vector<1x1x16xf32>,
      %swap3A_663 = vector.shape_cast %swap3A_662 : vector<1x1x16xf32> to vector<16xf32>
      %swap3A_664 = vector.shape_cast %get3A_485 : vector<16xf32> to vector<1x1x16xf32>
      tpu.vector_store %arg8[%swap3A_659, %swap3A_660, %swap3A_661], %swap3A_664 {add = true, strides = array<i32>} : memref<3x50x512xf32, #tpu.memory_space<vmem>>, vector<1x1x16xf32>,
      %swap3A_665 = arith.index_cast %scan3A_337 : i32 to index
      %swap3A_666 = arith.index_cast %scan3A_382 : i32 to index
      %swap3A_667 = arith.constant 416 : index
      %swap3A_668 = tpu.vector_load %arg8[%swap3A_665, %swap3A_666, %swap3A_667] {strides = array<i32>} : memref<3x50x512xf32, #tpu.memory_space<vmem>>, vector<1x1x16xf32>,
      %swap3A_669 = vector.shape_cast %swap3A_668 : vector<1x1x16xf32> to vector<16xf32>
      %swap3A_670 = vector.shape_cast %get3A_489 : vector<16xf32> to vector<1x1x16xf32>
      tpu.vector_store %arg8[%swap3A_665, %swap3A_666, %swap3A_667], %swap3A_670 {add = true, strides = array<i32>} : memref<3x50x512xf32, #tpu.memory_space<vmem>>, vector<1x1x16xf32>,
      %swap3A_671 = arith.index_cast %scan3A_337 : i32 to index
      %swap3A_672 = arith.index_cast %scan3A_382 : i32 to index
      %swap3A_673 = arith.constant 432 : index
      %swap3A_674 = tpu.vector_load %arg8[%swap3A_671, %swap3A_672, %swap3A_673] {strides = array<i32>} : memref<3x50x512xf32, #tpu.memory_space<vmem>>, vector<1x1x16xf32>,
      %swap3A_675 = vector.shape_cast %swap3A_674 : vector<1x1x16xf32> to vector<16xf32>
      %swap3A_676 = vector.shape_cast %get3A_493 : vector<16xf32> to vector<1x1x16xf32>
      tpu.vector_store %arg8[%swap3A_671, %swap3A_672, %swap3A_673], %swap3A_676 {add = true, strides = array<i32>} : memref<3x50x512xf32, #tpu.memory_space<vmem>>, vector<1x1x16xf32>,
      %swap3A_677 = arith.index_cast %scan3A_337 : i32 to index
      %swap3A_678 = arith.index_cast %scan3A_382 : i32 to index
      %swap3A_679 = arith.constant 448 : index
      %swap3A_680 = tpu.vector_load %arg8[%swap3A_677, %swap3A_678, %swap3A_679] {strides = array<i32>} : memref<3x50x512xf32, #tpu.memory_space<vmem>>, vector<1x1x16xf32>,
      %swap3A_681 = vector.shape_cast %swap3A_680 : vector<1x1x16xf32> to vector<16xf32>
      %swap3A_682 = vector.shape_cast %get3A_497 : vector<16xf32> to vector<1x1x16xf32>
      tpu.vector_store %arg8[%swap3A_677, %swap3A_678, %swap3A_679], %swap3A_682 {add = true, strides = array<i32>} : memref<3x50x512xf32, #tpu.memory_space<vmem>>, vector<1x1x16xf32>,
      %swap3A_683 = arith.index_cast %scan3A_337 : i32 to index
      %swap3A_684 = arith.index_cast %scan3A_382 : i32 to index
      %swap3A_685 = arith.constant 464 : index
      %swap3A_686 = tpu.vector_load %arg8[%swap3A_683, %swap3A_684, %swap3A_685] {strides = array<i32>} : memref<3x50x512xf32, #tpu.memory_space<vmem>>, vector<1x1x16xf32>,
      %swap3A_687 = vector.shape_cast %swap3A_686 : vector<1x1x16xf32> to vector<16xf32>
      %swap3A_688 = vector.shape_cast %get3A_501 : vector<16xf32> to vector<1x1x16xf32>
      tpu.vector_store %arg8[%swap3A_683, %swap3A_684, %swap3A_685], %swap3A_688 {add = true, strides = array<i32>} : memref<3x50x512xf32, #tpu.memory_space<vmem>>, vector<1x1x16xf32>,
      %swap3A_689 = arith.index_cast %scan3A_337 : i32 to index
      %swap3A_690 = arith.index_cast %scan3A_382 : i32 to index
      %swap3A_691 = arith.constant 480 : index
      %swap3A_692 = tpu.vector_load %arg8[%swap3A_689, %swap3A_690, %swap3A_691] {strides = array<i32>} : memref<3x50x512xf32, #tpu.memory_space<vmem>>, vector<1x1x16xf32>,
      %swap3A_693 = vector.shape_cast %swap3A_692 : vector<1x1x16xf32> to vector<16xf32>
      %swap3A_694 = vector.shape_cast %get3A_505 : vector<16xf32> to vector<1x1x16xf32>
      tpu.vector_store %arg8[%swap3A_689, %swap3A_690, %swap3A_691], %swap3A_694 {add = true, strides = array<i32>} : memref<3x50x512xf32, #tpu.memory_space<vmem>>, vector<1x1x16xf32>,
      %swap3A_695 = arith.index_cast %scan3A_337 : i32 to index
      %swap3A_696 = arith.index_cast %scan3A_382 : i32 to index
      %swap3A_697 = arith.constant 496 : index
      %swap3A_698 = tpu.vector_load %arg8[%swap3A_695, %swap3A_696, %swap3A_697] {strides = array<i32>} : memref<3x50x512xf32, #tpu.memory_space<vmem>>, vector<1x1x16xf32>,
      %swap3A_699 = vector.shape_cast %swap3A_698 : vector<1x1x16xf32> to vector<16xf32>
      %swap3A_700 = vector.shape_cast %get3A_509 : vector<16xf32> to vector<1x1x16xf32>
      tpu.vector_store %arg8[%swap3A_695, %swap3A_696, %swap3A_697], %swap3A_700 {add = true, strides = array<i32>} : memref<3x50x512xf32, #tpu.memory_space<vmem>>, vector<1x1x16xf32>,
    }
    %scan3A_342 = arith.constant 50 : i32
    %mul3A_343 = arith.constant 32 : i32
    %mul3A_344 = arith.muli %add3A, %mul3A_343 : i32
    %add3A_345 = arith.constant 31 : i32
    %add3A_346 = arith.addi %mul3A_344, %add3A_345 : i32
    %dma_start3A_347 = arith.constant 1 : i32
    %dma_start3A_348 = arith.constant 0 : i32
    %dma_start3A_349 = arith.constant 0 : i32
    %dma_start3A_350 = tpu.memref_slice %arg8[%dma_start3A_347, %dma_start3A_348, %dma_start3A_349] : memref<3x50x512xf32, #tpu.memory_space<vmem>> -> memref<1x50x512xf32, #tpu.memory_space<vmem>>
    %dma_start3A_351 = tpu.memref_squeeze %dma_start3A_350 : memref<1x50x512xf32, #tpu.memory_space<vmem>> -> memref<50x512xf32, #tpu.memory_space<vmem>>
    %dma_start3A_352 = arith.constant 0 : i32
    %dma_start3A_353 = arith.constant 0 : i32
    %dma_start3A_354 = tpu.memref_slice %arg5[%add3A_346, %dma_start3A_352, %dma_start3A_353] : memref<1024x50x512xf32, #tpu.memory_space<hbm>> -> memref<1x50x512xf32, #tpu.memory_space<hbm>>
    %dma_start3A_355 = tpu.memref_squeeze %dma_start3A_354 : memref<1x50x512xf32, #tpu.memory_space<hbm>> -> memref<50x512xf32, #tpu.memory_space<hbm>>
    %dma_start3A_356 = arith.constant 0 : i32
    %dma_start3A_357 = arith.constant 0 : i32
    %dma_start3A_358 = tpu.memref_slice %arg5[%add3A_346, %dma_start3A_356, %dma_start3A_357] : memref<1024x50x512xf32, #tpu.memory_space<hbm>> -> memref<1x50x512xf32, #tpu.memory_space<hbm>>
    %dma_start3A_359 = tpu.memref_squeeze %dma_start3A_358 : memref<1x50x512xf32, #tpu.memory_space<hbm>> -> memref<50x512xf32, #tpu.memory_space<hbm>>
    %dma_start3A_360 = arith.constant 0 : i32
    %dma_start3A_361 = arith.constant 0 : i32
    %dma_start3A_362 = tpu.memref_slice %arg8[%dma_start3A_347, %dma_start3A_360, %dma_start3A_361] : memref<3x50x512xf32, #tpu.memory_space<vmem>> -> memref<1x50x512xf32, #tpu.memory_space<vmem>>
    %dma_start3A_363 = tpu.memref_squeeze %dma_start3A_362 : memref<1x50x512xf32, #tpu.memory_space<vmem>> -> memref<50x512xf32, #tpu.memory_space<vmem>>
    tpu.enqueue_dma source(%dma_start3A_363 : memref<50x512xf32, #tpu.memory_space<vmem>>) target(%dma_start3A_359 : memref<50x512xf32, #tpu.memory_space<hbm>>) target_semaphore(%arg13 : memref<!tpu.dma_semaphore, #tpu.memory_space<semaphore_mem>>)
    %dma_wait3A_364 = arith.constant 1 : i32
    %dma_wait3A_365 = arith.constant 0 : i32
    %dma_wait3A_366 = arith.constant 0 : i32
    %dma_wait3A_367 = arith.constant 0 : i32
    %dma_wait3A_368 = tpu.memref_slice %arg8[%dma_wait3A_364, %dma_wait3A_366, %dma_wait3A_367] : memref<3x50x512xf32, #tpu.memory_space<vmem>> -> memref<1x50x512xf32, #tpu.memory_space<vmem>>
    %dma_wait3A_369 = tpu.memref_squeeze %dma_wait3A_368 : memref<1x50x512xf32, #tpu.memory_space<vmem>> -> memref<50x512xf32, #tpu.memory_space<vmem>>
    %dma_wait3A_370 = arith.constant 0 : i32
    %dma_wait3A_371 = arith.constant 0 : i32
    %dma_wait3A_372 = tpu.memref_slice %arg5[%dma_wait3A_365, %dma_wait3A_370, %dma_wait3A_371] : memref<1024x50x512xf32, #tpu.memory_space<hbm>> -> memref<1x50x512xf32, #tpu.memory_space<hbm>>
    %dma_wait3A_373 = tpu.memref_squeeze %dma_wait3A_372 : memref<1x50x512xf32, #tpu.memory_space<hbm>> -> memref<50x512xf32, #tpu.memory_space<hbm>>
    %dma_wait3A_374 = arith.constant 0 : i32
    %dma_wait3A_375 = arith.constant 0 : i32
    %dma_wait3A_376 = tpu.memref_slice %arg5[%dma_wait3A_365, %dma_wait3A_374, %dma_wait3A_375] : memref<1024x50x512xf32, #tpu.memory_space<hbm>> -> memref<1x50x512xf32, #tpu.memory_space<hbm>>
    %dma_wait3A_377 = tpu.memref_squeeze %dma_wait3A_376 : memref<1x50x512xf32, #tpu.memory_space<hbm>> -> memref<50x512xf32, #tpu.memory_space<hbm>>
    %dma_wait3A_378 = arith.constant 0 : i32
    %dma_wait3A_379 = arith.constant 0 : i32
    %dma_wait3A_380 = tpu.memref_slice %arg8[%dma_wait3A_364, %dma_wait3A_378, %dma_wait3A_379] : memref<3x50x512xf32, #tpu.memory_space<vmem>> -> memref<1x50x512xf32, #tpu.memory_space<vmem>>
    %dma_wait3A_381 = tpu.memref_squeeze %dma_wait3A_380 : memref<1x50x512xf32, #tpu.memory_space<vmem>> -> memref<50x512xf32, #tpu.memory_space<vmem>>
    tpu.wait_dma2 semaphore(%arg13 : memref<!tpu.dma_semaphore, #tpu.memory_space<semaphore_mem>>) src(%dma_wait3A_381 : memref<50x512xf32, #tpu.memory_space<vmem>>) dst(%dma_wait3A_377 : memref<50x512xf32, #tpu.memory_space<hbm>>)
    return
  }
}

</mosaic_0001>

<sc_bundles>
// kernel: kernel.3.cloned.1.call-start
scs
__scs_entry_jumppad:
0x0: {  	(pc) =	sbr.rel $0x88, $3  }
0x1: {  	(tag) =	ssettag $0x0;
	lr =	simm.s32 $0x1  }
0x2: {  	[smem:$0x3F9F] =	sst lr;
	_ =	strace $0xD0000000  }
0x3: {  	_ = 	snop  }
0x4: {  	_ = 	snop  }
0x5: {  	_ = 	snop  }
0x6: {  	_ = 	snop  }
0x7: {  	_ = 	snop  }
__scs_overlays_trampoline_lowered:
0x8: {  	[smem:$0x3FAE] =	sst s0  }
0x9: {  	[smem:$0x3FAF] =	sst s1  }
0xa: {  	[smem:$0x3FB0] =	sst s2  }
0xb: {  	[smem:$0x3FB1] =	sst s3  }
0xc: {  	[smem:$0x3FB2] =	sst s4  }
0xd: {  	[smem:$0x3FB3] =	sst s5  }
0xe: {  	[smem:$0x3FB4] =	sst s6  }
0xf: {  	[smem:$0x3FB5] =	sst s7  }
0x10: {  	[smem:$0x3FB6] =	sst s8  }
0x11: {  	[smem:$0x3FB7] =	sst s9;
	s0 =	simm.s32 @!p0 $0x0  }
0x12: {  	s1 =	sld [smem:$0x3F9D];
	s0 =	simm.s32 @p0 $0x1  }
0x13: {  	[smem:$0x3FB8] =	sst s0;
	s0 =	simm.s32 @!p1 $0x0  }
0x14: {  	s2 =	sld [smem:$0x3F9C];
	s0 =	simm.s32 @p1 $0x1  }
0x15: {  	[smem:$0x3FB9] =	sst s0;
	s0 =	simm.s32 @!p2 $0x0  }
0x16: {  	s3 =	sld [smem:$0x3FDB];
	s0 =	simm.s32 @p2 $0x1  }
0x17: {  	s4 =	simm.s32 $0x1BF5;
	[smem:$0x3FBB] =	sst s0  }
0x18: {  	s0 =	sld [smem:$0x3F9E];
	_ =	swait.ge [sflag:s4], $0x0  }
0x19: {  	s7 =	sld [smem:$0x3F9F]  }
0x1a: {  	s8 =	sadd.s32 $0xFFFFE003, lr  }
0x1b: {  	s9 =	sadd.s32 $0xFFFFFEF7, lr;
	s5 =	simm.s32 $0xFFFFFFFF;
	p2 =	slt.u32 s8, $0xFFFFF086  }
0x1c: {  	p1 =	slt.u32 s9, $0xF7A;
	s5 =	simm.s32 @!p2 $0x0  }
0x1d: {  	s5 =	simm.s32 @p1 $0x1;
	p0 =	seq.s32 s7, s2  }
0x1e: {  	s7 =	smul.u32 @!p0 $0xF7A, s2;
	p2 =	seq.s32 @!p0 s5, $0x0  }
0x1f: {  	s9 =	smul.u32 $0xF7A, s1;
	s8 =	simm.s32 @!p0 $0x1BF5;
	p2 =	por !p2, p0  }
0x20: {  	[sflag:s8] =	ssyncset.s32 @!p0 $0xFFFFF086;
	s6 =	sadd.s32 @!p0 s3, s7;
	s7 =	simm.s32 @!p0 $0x108  }
0x21: {  	s3 =	sadd.s32 s3, s9;
	s6 =	sadd.s32 @!p0 $0x88, s6;
	s7 =	simm.s32 @p2 $0x1082  }
0x22: {  	[simem:s7], [sflag:s8] =	dma.local @!p0 [hbm:s6], $0xF7A  }
0x23: {  	s9 =	sor.u32 $0xD0000000, s2;
	s6 =	simm.s32 $0x108;
	_ =	swait.ge @!p0 [sflag:s8], $0x0  }
0x24: {  	s3 =	sadd.s32 $0x88, s3;
	s6 =	simm.s32 @!p1 $0x1082;
	[sflag:s4] =	ssyncset.s32 $0xFFFFF086  }
0x25: {  	[simem:s6], [sflag:s4] =	dma.local [hbm:s3], $0xF7A  }
0x26: {  	[smem:$0x3F9F] =	sst s1;
	(tag) =	ssettag s2;
	_ =	strace s9  }
0x27: {  	s1 =	sld [smem:$0x3FAF]  }
0x28: {  	s2 =	sld [smem:$0x3FB0]  }
0x29: {  	s4 =	sld [smem:$0x3FB2]  }
0x2a: {  	p0 =	seq.s32 s5, $0x0;
	s5 =	sld [smem:$0x3FB3]  }
0x2b: {  	s6 =	sld [smem:$0x3FB4]  }
0x2c: {  	s7 =	sld [smem:$0x3FB5]  }
0x2d: {  	s3 =	simm.s32 $0x108;
	s8 =	sld [smem:$0x3FB6]  }
0x2e: {  	s3 =	simm.s32 @!p0 $0x1082;
	s9 =	sld [smem:$0x3FB7]  }
0x2f: {  	lr =	sadd.s32 s0, s3;
	s0 =	sld [smem:$0x3FAE]  }
0x30: {  	s3 =	sld [smem:$0x3FB1]  }
0x31: {  	[smem:$0x3FBA] =	sst s10  }
0x32: {  	s10 =	sld [smem:$0x3FB8];
	_ =	sdelay $0x3  }
0x33: {  	p0 =	seq.s32 s10, $0x1;
	s10 =	sld [smem:$0x3FBA];
	_ =	sdelay $0x3  }
0x34: {  	[smem:$0x3FBA] =	sst s10  }
0x35: {  	s10 =	sld [smem:$0x3FB9];
	_ =	sdelay $0x3  }
0x36: {  	p1 =	seq.s32 s10, $0x1;
	s10 =	sld [smem:$0x3FBA];
	_ =	sdelay $0x3  }
0x37: {  	[smem:$0x3FBA] =	sst s10  }
0x38: {  	s10 =	sld [smem:$0x3FBB]  }
0x39: {  	_ = 	snop;
	(pc) =	sbr.ind lr, $3  }
0x3a: {  	_ = 	snop  }
0x3b: {  	_ = 	snop  }
0x3c: {  	p2 =	seq.s32 s10, $0x1;
	s10 =	sld [smem:$0x3FBA]  }
0x3d: {  	_ =	shalt  }
0x3e: {  	_ =	shalt  }
0x3f: {  	_ =	shalt  }
0x40: {  	_ =	shalt  }
0x41: {  	_ =	shalt  }
0x42: {  	_ =	shalt  }
0x43: {  	_ =	shalt  }
0x44: {  	_ =	shalt  }
0x45: {  	_ =	shalt  }
0x46: {  	_ =	shalt  }
0x47: {  	_ =	shalt  }
0x48: {  	_ =	shalt  }
0x49: {  	_ =	shalt  }
0x4a: {  	_ =	shalt  }
0x4b: {  	_ =	shalt  }
0x4c: {  	_ =	shalt  }
0x4d: {  	_ =	shalt  }
0x4e: {  	_ =	shalt  }
0x4f: {  	_ =	shalt  }
0x50: {  	_ =	shalt  }
0x51: {  	_ =	shalt  }
0x52: {  	_ =	shalt  }
0x53: {  	_ =	shalt  }
0x54: {  	_ =	shalt  }
0x55: {  	_ =	shalt  }
0x56: {  	_ =	shalt  }
0x57: {  	_ =	shalt  }
0x58: {  	_ =	shalt  }
0x59: {  	_ =	shalt  }
0x5a: {  	_ =	shalt  }
0x5b: {  	_ =	shalt  }
0x5c: {  	_ =	shalt  }
0x5d: {  	_ =	shalt  }
0x5e: {  	_ =	shalt  }
0x5f: {  	_ =	shalt  }
0x60: {  	_ =	shalt  }
0x61: {  	_ =	shalt  }
0x62: {  	_ =	shalt  }
0x63: {  	_ =	shalt  }
0x64: {  	_ =	shalt  }
0x65: {  	_ =	shalt  }
0x66: {  	_ =	shalt  }
0x67: {  	_ =	shalt  }
0x68: {  	_ =	shalt  }
0x69: {  	_ =	shalt  }
0x6a: {  	_ =	shalt  }
0x6b: {  	_ =	shalt  }
0x6c: {  	_ =	shalt  }
0x6d: {  	_ =	shalt  }
0x6e: {  	_ =	shalt  }
0x6f: {  	_ =	shalt  }
0x70: {  	_ =	shalt  }
0x71: {  	_ =	shalt  }
0x72: {  	_ =	shalt  }
0x73: {  	_ =	shalt  }
0x74: {  	_ =	shalt  }
0x75: {  	_ =	shalt  }
0x76: {  	_ =	shalt  }
0x77: {  	_ =	shalt  }
0x78: {  	_ =	shalt  }
0x79: {  	_ =	shalt  }
0x7a: {  	_ =	shalt  }
0x7b: {  	_ =	shalt  }
0x7c: {  	_ =	shalt  }
0x7d: {  	_ =	shalt  }
0x7e: {  	_ =	shalt  }
0x7f: {  	_ =	shalt  }
0x80: {  	_ =	shalt  }
0x81: {  	_ =	shalt  }
0x82: {  	_ =	shalt  }
0x83: {  	_ =	shalt  }
0x84: {  	_ =	shalt  }
0x85: {  	_ =	shalt  }
0x86: {  	_ =	shalt  }
0x87: {  	_ =	shalt  }
.Lfunc_end0:
.L_simem_size_0:
called_computation.2_lowered:
.L_overlay_start_0:
0x88: {  	s2 =	sld [smem:$0x3FD9]  }
0x89: {  	s3 =	sld [smem:$0x3FFE];
	_ =	sdelay $0x1  }
0x8a: {  	s1 =	srdreg.scid  }
0x8b: {  	s0 =	sand.u32 $0x1, s1  }
0x8c: {  	s17 =	sshll.u32 s0, $0xA;
	s2 =	sadd.s32 s3, s2  }
0x8d: {  	s2 =	sadd.s32 s2, s17  }
0x8e: {  	[smem:$0x3FC6] =	sst s2  }
0x8f: {  	_ = 	snop  }
0x90: {  	s2 =	sld [smem:$0x3FD0];
	(tm) =	ssettm $0x1  }
0x91: {  	s18 =	sld [smem:$0x3FFB];
	_ =	sdelay $0x3  }
0x92: {  	_ =	strace s18  }
0x93: {  	s3 =	sld [smem:$0x3FFC];
	_ =	sdelay $0x3  }
0x94: {  	_ =	strace s3  }
0x95: {  	s3 =	sld [smem:$0x3FFD];
	_ =	sdelay $0x3  }
0x96: {  	_ =	strace s3  }
0x97: {  	_ =	strace $0x8FFFFFFF  }
0x98: {  	s19 =	sld [smem:$0x3FDB];
	_ =	sdelay $0x1  }
0x99: {  	s4 =	simm.s32 $_scs_section_size  }
0x9a: {  	s5 =	simm.s32 $_size__tile_overlayer_lowered;
	s6 =	simm.s32 $_tile_overlayer_lowered  }
0x9b: {  	s22 =	simm.s32 $0x1BFF;
	s21 =	sshll.u32 s6, $0x1;
	s3 =	sadd.s32 s4, s19  }
0x9c: {  	s7 =	simm.s32 $0x0;
	s20 =	sshll.u32 s5, $0x1;
	s5 =	sadd.s32 s21, s3  }
0x9d: {  	[timem:s7], [sflag:s22] =	dma.local [hbm:s5], s20  }
0x9e: {  	_ =	swait.ge [sflag:s22], s20  }
0x9f: {  	s4 =	ssub.s32 $0x0, s20;
	[sflag:s22] =	ssyncset.done $0x0  }
0xa0: {  	[sflag:s22] =	ssyncadd.s32 s4;
	_ =	sdelay $0x1  }
0xa1: {  	s23 =	simm.s32 $0x1B8B  }
0xa2: {  	_ =	swait.ge [sflag:s23], $0x1  }
0xa3: {  	[sflag:s23] =	ssyncset.done $0x0  }
0xa4: {  	s25 =	simm.s32 $0x1B8E;
	s24 =	sld [smem:$0x3FFE];
	[sflag:s23] =	ssyncadd.s32 $0xFFFFFFFF  }
0xa5: {  	s26 =	simm.s32 $execute0_lowered;
	[smem:$0x3FD2] =	sst s25  }
0xa6: {  	s5 =	sshll.u32 s26, $0x1;
	_ =	strace $0x80000049;
	[dreg:$0x1] =	wrdreg $0xFFFFFFFF  }
0xa7: {  	s28 =	simm.s32 $_size_execute0_lowered;
	s3 =	sadd.s32 s3, s5;
	[dreg:$0x0] =	wrdreg $0x0  }
0xa8: {  	s5 =	sshll.u32 s28, $0x1;
	[dreg:$0x2] =	wrdreg s3  }
0xa9: {  	[dreg:$0x3] =	wrdreg s5  }
0xaa: {  	[dreg:$0x4] =	wrdreg $0xC0  }
0xab: {  	_ =	task [dreg:s7], $0x5FFFF  }
0xac: {  	[dreg:$0x1] =	wrdreg $0xFFFFFFFF  }
0xad: {  	[dreg:$0x0] =	wrdreg $0x60  }
0xae: {  	[dreg:$0x2] =	wrdreg s24  }
0xaf: {  	[dreg:$0x3] =	wrdreg s2  }
0xb0: {  	[dreg:$0x4] =	wrdreg $0x9  }
0xb1: {  	_ =	task.clear_ibuf [dreg:s7], $0x5FFFF;
	_ =	strace $0x90000049  }
0xb2: {  	s29 =	simm.s32 $0x9;
	_ =	strace $0x8000004B  }
0xb3: {  	_ =	swait.ge [sflag:s29], $0x1  }
0xb4: {  	[sflag:s29] =	ssyncadd.s32 $0xFFFFFFFF  }
0xb5: {  	_ =	strace $0x9000004B  }
0xb6: {  	_ =	sfence  }
0xb7: {  	s30 =	sld [smem:$0x0];
	_ =	sdelay $0x2  }
0xb8: {  	s31 =	sshll.u32 s1, $0xD;
	s1 =	sshrl.u32 s1, $0x2  }
0xb9: {  	s3 =	sand.u32 $0x4000, s31;
	s1 =	sadd.s32 s1, s30  }
0xba: {  	s0 =	sor.u32 s3, s0;
	s1 =	sshll.u32 s1, $0x11  }
0xbb: {  	s0 =	sor.u32 s1, s0  }
0xbc: {  	s0 =	sadd.s32 $0x8F2B, s0  }
0xbd: {  	[sflag:s0] =	ssyncadd.remote.s32 $0x1  }
0xbe: {  	_ =	sfence.sel $0xFFFF  }
0xbf: {  	[dreg:$0x0] =	wrdreg $0xFFFFFFFF;
	(pc) =	sbr.abs _section_cstart, $3  }
0xc0: {  	[dreg:$0x1] =	wrdreg $0xFFFFFFFF  }
0xc1: {  	_ =	task.clear_ibuf [dreg:s7], $0x2FFFF;
	_ =	strace $0x9FFFFFFF  }
0xc2: {  	(tm) =	ssettm $0x7FFFFFFF  }
0xc3: {  	_ =	shalt  }
tec
execute0_lowered:
.L_overlay_start_1:
0x0: {  	(tag) =	ssettag $0x1  }
0x1: {  	s0 =	rddreg [dreg:$0x0];
	s1 =	srdreg.scid  }
0x2: {  	s3 =	stileid.u32;
	s2 =	rddreg [dreg:$0x1];
	s15 =	simm.s32 $0x7  }
0x3: {  	s17 =	simm.s32 $0x32;
	s18 =	simm.s32 $0x6B00;
	s20 =	simm.s32 $0xCF00  }
0x4: {  	s21 =	simm.s32 $0x1;
	s22 =	simm.s32 $0x13300;
	s23 =	simm.s32 $0x2  }
0x5: {  	s24 =	simm.s32 $0x4;
	s25 =	simm.s32 $0x3;
	s26 =	simm.s32 $0x5  }
0x6: {  	s28 =	simm.s32 $0x6;
	s1 =	sand.u32 $0x1, s1;
	s4 =	sshll.u32 s3, $0x1  }
0x7: {  	s3 =	simm.s32 $0x0;
	s5 =	sadd.s32 $0x800, s0;
	s7 =	sor.u32 s1, s4  }
0x8: {  	[smem:$0x7FF] =	sst s3;
	s1 =	ssub.s32 $0x2, s1;
	s4 =	smul.u32 $0xE0, s7  }
0x9: {  	_ =	strace $0x8000004A;
	s6 =	smul.u32 $0xC8000, s7;
	s9 =	sshrl.u32 s1, $0x1  }
0xa: {  	s7 =	sshll.u32 s7, $0x5;
	s30 =	ssub.s32 s1, s9;
	s8 =	sadd.s32 s4, s0  }
0xb: {  	s4 =	sadd.s32 $0x61B000, s0;
	s31 =	sshrl.u32 s6, $0x3;
	s14 =	smax.u32 s30, $0x1  }
0xc: {  	s6 =	sadd.s32 $0x61BE00, s8;
	s1 =	sadd.s32 s2, s31;
	s8 =	sor.u32 $0x1, s7  }
0xd: {  	s9 =	sadd.s32 $0x15180, s1;
	s10 =	sadd.s32 $0x15E00, s1;
	s11 =	sadd.s32 $0x16A80, s1  }
0xe: {  	s12 =	sadd.s32 $0x17700, s1;
	s13 =	sadd.s32 $0x18380, s1;
	s1 =	simm.s32 $0x0  }
.LBB2_1:
0xf: {  	[tilespmem:s3], [sflag:$0x7] =	stream.linear.gather [hbm4b:s6+s3], $0x700, $0x38;
	[tilespmem:$0x19700] =	vst v63  }
0x10: {  	_ =	swait.ge [sflag:s15], $0x700  }
0x11: {  	[sflag:s15] =	ssyncset.done $0x0  }
0x12: {  	s0 =	simm.s32 $0x700;
	[sflag:s15] =	ssyncadd.s32 $0xFFFFF900  }
0x13: {  	[tilespmem:s0], [sflag:$0x7] =	stream.linear.gather [hbm4b:s4+s3], $0x6400, $0x38;
	[tilespmem:$0x19700] =	vst v63  }
0x14: {  	_ =	swait.ge [sflag:s15], $0x6400  }
0x15: {  	[sflag:s15] =	ssyncset.done $0x0  }
0x16: {  	[sflag:s15] =	ssyncadd.s32 $0xFFFF9C00  }
0x17: {  	[tilespmem:s18], [sflag:$0x1] =	stream.indirect.gather [hbm4b:s5+s17], $0x200, s3, s17, $0xb8;
	[tilespmem:$0x19700] =	vst v63  }
0x18: {  	s31 =	simm.s32 $0x38;
	s0 =	simm.s32 $0x0  }
0x19: {  	[tilespmem:s20], [sflag:$0x2] =	stream.indirect.gather [hbm4b:s5+s17], $0x200, s31, s17, $0xb8;
	[tilespmem:$0x19700] =	vst v63  }
.LBB2_2:
0x1a: {  	s19 =	smul.u32 $0x3, s0;
	_ =	swait.ge [sflag:s21], $0x6400  }
0x1b: {  	p0 =	seq.s32 s0, $0x0;
	[sflag:s21] =	ssyncset.done $0x0  }
0x1c: {  	s29 =	simm.s32 @!p0 $0x6;
	[sflag:s21] =	ssyncadd.s32 $0xFFFF9C00;
	s16 =	sadd.s32 $0x2, s19  }
0x1d: {  	_ =	swait.ge @!p0 [sflag:s29], $0x6400;
	s30 =	smul.u32 $0xE0, s16  }
0x1e: {  	[sflag:s29] =	ssyncset.done @!p0 $0x0  }
0x1f: {  	[sflag:s29] =	ssyncadd.s32 @!p0 $0xFFFF9C00;
	s29 =	sshra.s32 s30, $0x2  }
0x20: {  	[tilespmem:s22], [sflag:$0x3] =	stream.indirect.gather [hbm4b:s5+s17], $0x200, s29, s17, $0xb8;
	[tilespmem:$0x19700] =	vst v63  }
0x21: {  	s30 =	simm.s32 $0x800;
	s29 =	simm.s32 $0x0  }
.LBB2_3:
0x22: {  	p0 =	sne.s32 s30, $0x18800;
	v0 =	vld [tilespmem:s29+$0x8F0]  }
0x23: {  	v1 =	vld [tilespmem:s29+$0x700]  }
0x24: {  	v2 =	vld [tilespmem:s29+$0x710]  }
0x25: {  	v3 =	vld [tilespmem:s29+$0x720]  }
0x26: {  	v4 =	vld [tilespmem:s29+$0x730]  }
0x27: {  	[tilespmem:s29+$0x6CF0] =	vst.add.f32.msk $0xffff, v0  }
0x28: {  	v0 =	vld [tilespmem:s29+$0x740]  }
0x29: {  	v5 =	vld [tilespmem:s29+$0x750]  }
0x2a: {  	v6 =	vld [tilespmem:s29+$0x760]  }
0x2b: {  	v7 =	vld [tilespmem:s29+$0x770]  }
0x2c: {  	v8 =	vld [tilespmem:s29+$0x780]  }
0x2d: {  	v9 =	vld [tilespmem:s29+$0x790]  }
0x2e: {  	v10 =	vld [tilespmem:s29+$0x7A0]  }
0x2f: {  	v11 =	vld [tilespmem:s29+$0x7B0]  }
0x30: {  	v12 =	vld [tilespmem:s29+$0x7C0]  }
0x31: {  	v13 =	vld [tilespmem:s29+$0x7D0]  }
0x32: {  	v14 =	vld [tilespmem:s29+$0x7E0]  }
0x33: {  	v15 =	vld [tilespmem:s29+$0x7F0]  }
0x34: {  	v16 =	vld [tilespmem:s29+$0x800]  }
0x35: {  	v17 =	vld [tilespmem:s29+$0x810]  }
0x36: {  	v18 =	vld [tilespmem:s29+$0x820]  }
0x37: {  	v19 =	vld [tilespmem:s29+$0x830]  }
0x38: {  	v20 =	vld [tilespmem:s29+$0x840]  }
0x39: {  	v21 =	vld [tilespmem:s29+$0x850]  }
0x3a: {  	v22 =	vld [tilespmem:s29+$0x860]  }
0x3b: {  	v23 =	vld [tilespmem:s29+$0x870]  }
0x3c: {  	v24 =	vld [tilespmem:s29+$0x880]  }
0x3d: {  	v25 =	vld [tilespmem:s29+$0x890]  }
0x3e: {  	v26 =	vld [tilespmem:s29+$0x8A0]  }
0x3f: {  	v27 =	vld [tilespmem:s29+$0x8B0]  }
0x40: {  	v28 =	vld [tilespmem:s29+$0x8C0]  }
0x41: {  	v29 =	vld [tilespmem:s29+$0x8D0]  }
0x42: {  	v30 =	vld [tilespmem:s29+$0x8E0]  }
0x43: {  	[tilespmem:s29+$0x6B00] =	vst.add.f32.msk $0xffff, v1  }
0x44: {  	[tilespmem:s29+$0x6B10] =	vst.add.f32.msk $0xffff, v2  }
0x45: {  	[tilespmem:s29+$0x6B20] =	vst.add.f32.msk $0xffff, v3  }
0x46: {  	[tilespmem:s29+$0x6B30] =	vst.add.f32.msk $0xffff, v4  }
0x47: {  	[tilespmem:s29+$0x6B40] =	vst.add.f32.msk $0xffff, v0  }
0x48: {  	[tilespmem:s29+$0x6B50] =	vst.add.f32.msk $0xffff, v5  }
0x49: {  	[tilespmem:s29+$0x6B60] =	vst.add.f32.msk $0xffff, v6  }
0x4a: {  	[tilespmem:s29+$0x6B70] =	vst.add.f32.msk $0xffff, v7  }
0x4b: {  	[tilespmem:s29+$0x6B80] =	vst.add.f32.msk $0xffff, v8  }
0x4c: {  	[tilespmem:s29+$0x6B90] =	vst.add.f32.msk $0xffff, v9  }
0x4d: {  	[tilespmem:s29+$0x6BA0] =	vst.add.f32.msk $0xffff, v10  }
0x4e: {  	[tilespmem:s29+$0x6BB0] =	vst.add.f32.msk $0xffff, v11  }
0x4f: {  	[tilespmem:s29+$0x6BC0] =	vst.add.f32.msk $0xffff, v12  }
0x50: {  	[tilespmem:s29+$0x6BD0] =	vst.add.f32.msk $0xffff, v13  }
0x51: {  	[tilespmem:s29+$0x6BE0] =	vst.add.f32.msk $0xffff, v14  }
0x52: {  	[tilespmem:s29+$0x6BF0] =	vst.add.f32.msk $0xffff, v15  }
0x53: {  	[tilespmem:s29+$0x6C00] =	vst.add.f32.msk $0xffff, v16  }
0x54: {  	[tilespmem:s29+$0x6C10] =	vst.add.f32.msk $0xffff, v17  }
0x55: {  	[tilespmem:s29+$0x6C20] =	vst.add.f32.msk $0xffff, v18  }
0x56: {  	[tilespmem:s29+$0x6C30] =	vst.add.f32.msk $0xffff, v19  }
0x57: {  	[tilespmem:s29+$0x6C40] =	vst.add.f32.msk $0xffff, v20  }
0x58: {  	[tilespmem:s29+$0x6C50] =	vst.add.f32.msk $0xffff, v21  }
0x59: {  	[tilespmem:s29+$0x6C60] =	vst.add.f32.msk $0xffff, v22  }
0x5a: {  	[tilespmem:s29+$0x6C70] =	vst.add.f32.msk $0xffff, v23  }
0x5b: {  	[tilespmem:s29+$0x6C80] =	vst.add.f32.msk $0xffff, v24  }
0x5c: {  	[tilespmem:s29+$0x6C90] =	vst.add.f32.msk $0xffff, v25  }
.Ltmp0:
0x5d: {  	[tilespmem:s29+$0x6CA0] =	vst.add.f32.msk $0xffff, v26;
	(pc) =	sbr.rel @p0 .LBB2_3-.Ltmp0, $4  }
0x5e: {  	[tilespmem:s29+$0x6CB0] =	vst.add.f32.msk $0xffff, v27  }
0x5f: {  	[tilespmem:s29+$0x6CC0] =	vst.add.f32.msk $0xffff, v28  }
0x60: {  	[tilespmem:s29+$0x6CD0] =	vst.add.f32.msk $0xffff, v29  }
0x61: {  	[tilespmem:s29+$0x6CE0] =	vst.add.f32.msk $0xffff, v30;
	s29 =	sshra.s32 s30, $0x2;
	s30 =	sadd.s32 $0x800, s30  }
0x62: {  	v0 =	vld [tilespmem:s29+$0x8F0]  }
0x63: {  	v1 =	vld [tilespmem:s29+$0x700]  }
0x64: {  	v2 =	vld [tilespmem:s29+$0x710]  }
0x65: {  	v3 =	vld [tilespmem:s29+$0x720]  }
0x66: {  	v4 =	vld [tilespmem:s29+$0x730]  }
0x67: {  	v63 =	vld [tilespmem:s29+$0x740]  }
0x68: {  	v5 =	vld [tilespmem:s29+$0x750]  }
0x69: {  	v6 =	vld [tilespmem:s29+$0x760]  }
0x6a: {  	v7 =	vld [tilespmem:s29+$0x770]  }
0x6b: {  	v8 =	vld [tilespmem:s29+$0x780]  }
0x6c: {  	v9 =	vld [tilespmem:s29+$0x790]  }
0x6d: {  	v10 =	vld [tilespmem:s29+$0x7A0]  }
0x6e: {  	v11 =	vld [tilespmem:s29+$0x7B0]  }
0x6f: {  	v12 =	vld [tilespmem:s29+$0x7C0]  }
0x70: {  	v13 =	vld [tilespmem:s29+$0x7D0]  }
0x71: {  	v14 =	vld [tilespmem:s29+$0x7E0]  }
0x72: {  	v15 =	vld [tilespmem:s29+$0x7F0]  }
0x73: {  	v16 =	vld [tilespmem:s29+$0x800]  }
0x74: {  	v17 =	vld [tilespmem:s29+$0x810]  }
0x75: {  	v18 =	vld [tilespmem:s29+$0x820]  }
0x76: {  	v19 =	vld [tilespmem:s29+$0x830]  }
0x77: {  	v20 =	vld [tilespmem:s29+$0x840]  }
0x78: {  	v21 =	vld [tilespmem:s29+$0x850]  }
0x79: {  	v22 =	vld [tilespmem:s29+$0x860]  }
0x7a: {  	v23 =	vld [tilespmem:s29+$0x870]  }
0x7b: {  	v24 =	vld [tilespmem:s29+$0x880]  }
0x7c: {  	v25 =	vld [tilespmem:s29+$0x890]  }
0x7d: {  	v26 =	vld [tilespmem:s29+$0x8A0]  }
0x7e: {  	v27 =	vld [tilespmem:s29+$0x8B0]  }
0x7f: {  	v28 =	vld [tilespmem:s29+$0x8C0]  }
0x80: {  	v29 =	vld [tilespmem:s29+$0x8D0]  }
0x81: {  	v30 =	vld [tilespmem:s29+$0x8E0]  }
0x82: {  	[tilespmem:s29+$0x6CF0] =	vst.add.f32.msk $0xffff, v0  }
0x83: {  	[tilespmem:s29+$0x6B00] =	vst.add.f32.msk $0xffff, v1  }
0x84: {  	[tilespmem:s29+$0x6B10] =	vst.add.f32.msk $0xffff, v2  }
0x85: {  	[tilespmem:s29+$0x6B20] =	vst.add.f32.msk $0xffff, v3  }
0x86: {  	[tilespmem:s29+$0x6B30] =	vst.add.f32.msk $0xffff, v4  }
0x87: {  	[tilespmem:s29+$0x6B40] =	vst.add.f32.msk $0xffff, v63  }
0x88: {  	[tilespmem:s29+$0x6B50] =	vst.add.f32.msk $0xffff, v5  }
0x89: {  	[tilespmem:s29+$0x6B60] =	vst.add.f32.msk $0xffff, v6  }
0x8a: {  	[tilespmem:s29+$0x6B70] =	vst.add.f32.msk $0xffff, v7  }
0x8b: {  	[tilespmem:s29+$0x6B80] =	vst.add.f32.msk $0xffff, v8  }
0x8c: {  	[tilespmem:s29+$0x6B90] =	vst.add.f32.msk $0xffff, v9  }
0x8d: {  	[tilespmem:s29+$0x6BA0] =	vst.add.f32.msk $0xffff, v10  }
0x8e: {  	[tilespmem:s29+$0x6BB0] =	vst.add.f32.msk $0xffff, v11  }
0x8f: {  	[tilespmem:s29+$0x6BC0] =	vst.add.f32.msk $0xffff, v12  }
0x90: {  	[tilespmem:s29+$0x6BD0] =	vst.add.f32.msk $0xffff, v13  }
0x91: {  	[tilespmem:s29+$0x6BE0] =	vst.add.f32.msk $0xffff, v14  }
0x92: {  	[tilespmem:s29+$0x6BF0] =	vst.add.f32.msk $0xffff, v15  }
0x93: {  	[tilespmem:s29+$0x6C00] =	vst.add.f32.msk $0xffff, v16  }
0x94: {  	[tilespmem:s29+$0x6C10] =	vst.add.f32.msk $0xffff, v17  }
0x95: {  	[tilespmem:s29+$0x6C20] =	vst.add.f32.msk $0xffff, v18  }
0x96: {  	[tilespmem:s29+$0x6C30] =	vst.add.f32.msk $0xffff, v19  }
0x97: {  	[tilespmem:s29+$0x6C40] =	vst.add.f32.msk $0xffff, v20  }
0x98: {  	[tilespmem:s29+$0x6C50] =	vst.add.f32.msk $0xffff, v21  }
0x99: {  	[tilespmem:s29+$0x6C60] =	vst.add.f32.msk $0xffff, v22  }
0x9a: {  	[tilespmem:s29+$0x6C70] =	vst.add.f32.msk $0xffff, v23  }
0x9b: {  	[tilespmem:s29+$0x6C80] =	vst.add.f32.msk $0xffff, v24  }
0x9c: {  	[tilespmem:s29+$0x6C90] =	vst.add.f32.msk $0xffff, v25  }
0x9d: {  	[tilespmem:s29+$0x6CA0] =	vst.add.f32.msk $0xffff, v26  }
0x9e: {  	s30 =	sadd.s32 s7, s19;
	[tilespmem:s29+$0x6CB0] =	vst.add.f32.msk $0xffff, v27  }
0x9f: {  	s30 =	smul.u32 $0xC80, s30;
	[tilespmem:s29+$0x6CC0] =	vst.add.f32.msk $0xffff, v28  }
0xa0: {  	[tilespmem:s29+$0x6CD0] =	vst.add.f32.msk $0xffff, v29  }
0xa1: {  	[tilespmem:s29+$0x6CE0] =	vst.add.f32.msk $0xffff, v30;
	s29 =	sadd.s32 s2, s30;
	s30 =	simm.s32 $0x0  }
0xa2: {  	[hbm4b:s29+s30] =	stream.linear.scatter [tilespmem:s18], [sflag:$0x4], $0x6400, $0x38;
	[tilespmem:$0x19700] =	vst v63  }
0xa3: {  	_ =	swait.ge [sflag:s23], $0x6400  }
0xa4: {  	[sflag:s23] =	ssyncset.done $0x0  }
0xa5: {  	s29 =	smul.u32 $0x2A0, s0;
	[sflag:s23] =	ssyncadd.s32 $0xFFFF9C00  }
0xa6: {  	_ =	swait.ge [sflag:s24], $0x6400  }
0xa7: {  	s29 =	sshra.s32 s29, $0x2;
	[sflag:s24] =	ssyncset.done $0x0  }
0xa8: {  	s30 =	sadd.s32 $0xA8, s29;
	[sflag:s24] =	ssyncadd.s32 $0xFFFF9C00  }
0xa9: {  	[tilespmem:s18], [sflag:$0x1] =	stream.indirect.gather [hbm4b:s5+s17], $0x200, s30, s17, $0xb8;
	[tilespmem:$0x19700] =	vst v63  }
0xaa: {  	s31 =	simm.s32 $0x800;
	s30 =	simm.s32 $0x0  }
.LBB2_5:
0xab: {  	p0 =	sne.s32 s31, $0x18800;
	v0 =	vld [tilespmem:s30+$0x8F0]  }
0xac: {  	v1 =	vld [tilespmem:s30+$0x700]  }
0xad: {  	v2 =	vld [tilespmem:s30+$0x710]  }
0xae: {  	v3 =	vld [tilespmem:s30+$0x720]  }
0xaf: {  	v4 =	vld [tilespmem:s30+$0x730]  }
0xb0: {  	[tilespmem:s30+$0xD0F0] =	vst.add.f32.msk $0xffff, v0  }
0xb1: {  	v0 =	vld [tilespmem:s30+$0x740]  }
0xb2: {  	v5 =	vld [tilespmem:s30+$0x750]  }
0xb3: {  	v6 =	vld [tilespmem:s30+$0x760]  }
0xb4: {  	v7 =	vld [tilespmem:s30+$0x770]  }
0xb5: {  	v8 =	vld [tilespmem:s30+$0x780]  }
0xb6: {  	v9 =	vld [tilespmem:s30+$0x790]  }
0xb7: {  	v10 =	vld [tilespmem:s30+$0x7A0]  }
0xb8: {  	v11 =	vld [tilespmem:s30+$0x7B0]  }
0xb9: {  	v12 =	vld [tilespmem:s30+$0x7C0]  }
0xba: {  	v13 =	vld [tilespmem:s30+$0x7D0]  }
0xbb: {  	v14 =	vld [tilespmem:s30+$0x7E0]  }
0xbc: {  	v15 =	vld [tilespmem:s30+$0x7F0]  }
0xbd: {  	v16 =	vld [tilespmem:s30+$0x800]  }
0xbe: {  	v17 =	vld [tilespmem:s30+$0x810]  }
0xbf: {  	v18 =	vld [tilespmem:s30+$0x820]  }
0xc0: {  	v19 =	vld [tilespmem:s30+$0x830]  }
0xc1: {  	v20 =	vld [tilespmem:s30+$0x840]  }
0xc2: {  	v21 =	vld [tilespmem:s30+$0x850]  }
0xc3: {  	v22 =	vld [tilespmem:s30+$0x860]  }
0xc4: {  	v23 =	vld [tilespmem:s30+$0x870]  }
0xc5: {  	v24 =	vld [tilespmem:s30+$0x880]  }
0xc6: {  	v25 =	vld [tilespmem:s30+$0x890]  }
0xc7: {  	v26 =	vld [tilespmem:s30+$0x8A0]  }
0xc8: {  	v27 =	vld [tilespmem:s30+$0x8B0]  }
0xc9: {  	v28 =	vld [tilespmem:s30+$0x8C0]  }
0xca: {  	v29 =	vld [tilespmem:s30+$0x8D0]  }
0xcb: {  	v30 =	vld [tilespmem:s30+$0x8E0]  }
0xcc: {  	[tilespmem:s30+$0xCF00] =	vst.add.f32.msk $0xffff, v1  }
0xcd: {  	[tilespmem:s30+$0xCF10] =	vst.add.f32.msk $0xffff, v2  }
0xce: {  	[tilespmem:s30+$0xCF20] =	vst.add.f32.msk $0xffff, v3  }
0xcf: {  	[tilespmem:s30+$0xCF30] =	vst.add.f32.msk $0xffff, v4  }
0xd0: {  	[tilespmem:s30+$0xCF40] =	vst.add.f32.msk $0xffff, v0  }
0xd1: {  	[tilespmem:s30+$0xCF50] =	vst.add.f32.msk $0xffff, v5  }
0xd2: {  	[tilespmem:s30+$0xCF60] =	vst.add.f32.msk $0xffff, v6  }
0xd3: {  	[tilespmem:s30+$0xCF70] =	vst.add.f32.msk $0xffff, v7  }
0xd4: {  	[tilespmem:s30+$0xCF80] =	vst.add.f32.msk $0xffff, v8  }
0xd5: {  	[tilespmem:s30+$0xCF90] =	vst.add.f32.msk $0xffff, v9  }
0xd6: {  	[tilespmem:s30+$0xCFA0] =	vst.add.f32.msk $0xffff, v10  }
0xd7: {  	[tilespmem:s30+$0xCFB0] =	vst.add.f32.msk $0xffff, v11  }
0xd8: {  	[tilespmem:s30+$0xCFC0] =	vst.add.f32.msk $0xffff, v12  }
0xd9: {  	[tilespmem:s30+$0xCFD0] =	vst.add.f32.msk $0xffff, v13  }
0xda: {  	[tilespmem:s30+$0xCFE0] =	vst.add.f32.msk $0xffff, v14  }
0xdb: {  	[tilespmem:s30+$0xCFF0] =	vst.add.f32.msk $0xffff, v15  }
0xdc: {  	[tilespmem:s30+$0xD000] =	vst.add.f32.msk $0xffff, v16  }
0xdd: {  	[tilespmem:s30+$0xD010] =	vst.add.f32.msk $0xffff, v17  }
0xde: {  	[tilespmem:s30+$0xD020] =	vst.add.f32.msk $0xffff, v18  }
0xdf: {  	[tilespmem:s30+$0xD030] =	vst.add.f32.msk $0xffff, v19  }
0xe0: {  	[tilespmem:s30+$0xD040] =	vst.add.f32.msk $0xffff, v20  }
0xe1: {  	[tilespmem:s30+$0xD050] =	vst.add.f32.msk $0xffff, v21  }
0xe2: {  	[tilespmem:s30+$0xD060] =	vst.add.f32.msk $0xffff, v22  }
0xe3: {  	[tilespmem:s30+$0xD070] =	vst.add.f32.msk $0xffff, v23  }
0xe4: {  	[tilespmem:s30+$0xD080] =	vst.add.f32.msk $0xffff, v24  }
0xe5: {  	[tilespmem:s30+$0xD090] =	vst.add.f32.msk $0xffff, v25  }
.Ltmp1:
0xe6: {  	[tilespmem:s30+$0xD0A0] =	vst.add.f32.msk $0xffff, v26;
	(pc) =	sbr.rel @p0 .LBB2_5-.Ltmp1, $4  }
0xe7: {  	[tilespmem:s30+$0xD0B0] =	vst.add.f32.msk $0xffff, v27  }
0xe8: {  	[tilespmem:s30+$0xD0C0] =	vst.add.f32.msk $0xffff, v28  }
0xe9: {  	[tilespmem:s30+$0xD0D0] =	vst.add.f32.msk $0xffff, v29  }
0xea: {  	[tilespmem:s30+$0xD0E0] =	vst.add.f32.msk $0xffff, v30;
	s30 =	sshra.s32 s31, $0x2;
	s31 =	sadd.s32 $0x800, s31  }
0xeb: {  	v0 =	vld [tilespmem:s30+$0x8F0]  }
0xec: {  	v1 =	vld [tilespmem:s30+$0x700]  }
0xed: {  	v2 =	vld [tilespmem:s30+$0x710]  }
0xee: {  	v3 =	vld [tilespmem:s30+$0x720]  }
0xef: {  	v4 =	vld [tilespmem:s30+$0x730]  }
0xf0: {  	v63 =	vld [tilespmem:s30+$0x740]  }
0xf1: {  	v5 =	vld [tilespmem:s30+$0x750]  }
0xf2: {  	v6 =	vld [tilespmem:s30+$0x760]  }
0xf3: {  	v7 =	vld [tilespmem:s30+$0x770]  }
0xf4: {  	v8 =	vld [tilespmem:s30+$0x780]  }
0xf5: {  	v9 =	vld [tilespmem:s30+$0x790]  }
0xf6: {  	v10 =	vld [tilespmem:s30+$0x7A0]  }
0xf7: {  	v11 =	vld [tilespmem:s30+$0x7B0]  }
0xf8: {  	v12 =	vld [tilespmem:s30+$0x7C0]  }
0xf9: {  	v13 =	vld [tilespmem:s30+$0x7D0]  }
0xfa: {  	v14 =	vld [tilespmem:s30+$0x7E0]  }
0xfb: {  	v15 =	vld [tilespmem:s30+$0x7F0]  }
0xfc: {  	v16 =	vld [tilespmem:s30+$0x800]  }
0xfd: {  	v17 =	vld [tilespmem:s30+$0x810]  }
0xfe: {  	v18 =	vld [tilespmem:s30+$0x820]  }
0xff: {  	v19 =	vld [tilespmem:s30+$0x830]  }
0x100: {  	v20 =	vld [tilespmem:s30+$0x840]  }
0x101: {  	v21 =	vld [tilespmem:s30+$0x850]  }
0x102: {  	v22 =	vld [tilespmem:s30+$0x860]  }
0x103: {  	v23 =	vld [tilespmem:s30+$0x870]  }
0x104: {  	v24 =	vld [tilespmem:s30+$0x880]  }
0x105: {  	v25 =	vld [tilespmem:s30+$0x890]  }
0x106: {  	v26 =	vld [tilespmem:s30+$0x8A0]  }
0x107: {  	v27 =	vld [tilespmem:s30+$0x8B0]  }
0x108: {  	v28 =	vld [tilespmem:s30+$0x8C0]  }
0x109: {  	v29 =	vld [tilespmem:s30+$0x8D0]  }
0x10a: {  	v30 =	vld [tilespmem:s30+$0x8E0]  }
0x10b: {  	[tilespmem:s30+$0xD0F0] =	vst.add.f32.msk $0xffff, v0  }
0x10c: {  	[tilespmem:s30+$0xCF00] =	vst.add.f32.msk $0xffff, v1  }
0x10d: {  	[tilespmem:s30+$0xCF10] =	vst.add.f32.msk $0xffff, v2  }
0x10e: {  	[tilespmem:s30+$0xCF20] =	vst.add.f32.msk $0xffff, v3  }
0x10f: {  	[tilespmem:s30+$0xCF30] =	vst.add.f32.msk $0xffff, v4  }
0x110: {  	[tilespmem:s30+$0xCF40] =	vst.add.f32.msk $0xffff, v63  }
0x111: {  	[tilespmem:s30+$0xCF50] =	vst.add.f32.msk $0xffff, v5  }
0x112: {  	[tilespmem:s30+$0xCF60] =	vst.add.f32.msk $0xffff, v6  }
0x113: {  	[tilespmem:s30+$0xCF70] =	vst.add.f32.msk $0xffff, v7  }
0x114: {  	[tilespmem:s30+$0xCF80] =	vst.add.f32.msk $0xffff, v8  }
0x115: {  	[tilespmem:s30+$0xCF90] =	vst.add.f32.msk $0xffff, v9  }
0x116: {  	[tilespmem:s30+$0xCFA0] =	vst.add.f32.msk $0xffff, v10  }
0x117: {  	[tilespmem:s30+$0xCFB0] =	vst.add.f32.msk $0xffff, v11  }
0x118: {  	[tilespmem:s30+$0xCFC0] =	vst.add.f32.msk $0xffff, v12  }
0x119: {  	[tilespmem:s30+$0xCFD0] =	vst.add.f32.msk $0xffff, v13  }
0x11a: {  	[tilespmem:s30+$0xCFE0] =	vst.add.f32.msk $0xffff, v14  }
0x11b: {  	[tilespmem:s30+$0xCFF0] =	vst.add.f32.msk $0xffff, v15  }
0x11c: {  	[tilespmem:s30+$0xD000] =	vst.add.f32.msk $0xffff, v16  }
0x11d: {  	[tilespmem:s30+$0xD010] =	vst.add.f32.msk $0xffff, v17  }
0x11e: {  	[tilespmem:s30+$0xD020] =	vst.add.f32.msk $0xffff, v18  }
0x11f: {  	[tilespmem:s30+$0xD030] =	vst.add.f32.msk $0xffff, v19  }
0x120: {  	[tilespmem:s30+$0xD040] =	vst.add.f32.msk $0xffff, v20  }
0x121: {  	[tilespmem:s30+$0xD050] =	vst.add.f32.msk $0xffff, v21  }
0x122: {  	[tilespmem:s30+$0xD060] =	vst.add.f32.msk $0xffff, v22  }
0x123: {  	[tilespmem:s30+$0xD070] =	vst.add.f32.msk $0xffff, v23  }
0x124: {  	[tilespmem:s30+$0xD080] =	vst.add.f32.msk $0xffff, v24  }
0x125: {  	[tilespmem:s30+$0xD090] =	vst.add.f32.msk $0xffff, v25  }
0x126: {  	[tilespmem:s30+$0xD0A0] =	vst.add.f32.msk $0xffff, v26  }
0x127: {  	s19 =	sadd.s32 s19, s8;
	[tilespmem:s30+$0xD0B0] =	vst.add.f32.msk $0xffff, v27  }
0x128: {  	s19 =	smul.u32 $0xC80, s19;
	[tilespmem:s30+$0xD0C0] =	vst.add.f32.msk $0xffff, v28  }
0x129: {  	[tilespmem:s30+$0xD0D0] =	vst.add.f32.msk $0xffff, v29  }
0x12a: {  	s31 =	simm.s32 $0x0;
	s19 =	sadd.s32 s2, s19;
	[tilespmem:s30+$0xD0E0] =	vst.add.f32.msk $0xffff, v30  }
0x12b: {  	[hbm4b:s19+s31] =	stream.linear.scatter [tilespmem:s20], [sflag:$0x5], $0x6400, $0x38;
	[tilespmem:$0x19700] =	vst v63  }
0x12c: {  	_ =	swait.ge [sflag:s25], $0x6400  }
0x12d: {  	[sflag:s25] =	ssyncset.done $0x0  }
0x12e: {  	[sflag:s25] =	ssyncadd.s32 $0xFFFF9C00  }
0x12f: {  	_ =	swait.ge [sflag:s26], $0x6400  }
0x130: {  	s31 =	sadd.s32 $0xE0, s29;
	[sflag:s26] =	ssyncset.done $0x0  }
0x131: {  	s19 =	simm.s32 $0x0;
	s29 =	simm.s32 $0x800;
	[sflag:s26] =	ssyncadd.s32 $0xFFFF9C00  }
0x132: {  	[tilespmem:s20], [sflag:$0x2] =	stream.indirect.gather [hbm4b:s5+s17], $0x200, s31, s17, $0xb8;
	[tilespmem:$0x19700] =	vst v63  }
.LBB2_7:
0x133: {  	p0 =	sne.s32 s29, $0x18800;
	v0 =	vld [tilespmem:s19+$0x8F0]  }
0x134: {  	v1 =	vld [tilespmem:s19+$0x700]  }
0x135: {  	v2 =	vld [tilespmem:s19+$0x710]  }
0x136: {  	v3 =	vld [tilespmem:s19+$0x720]  }
0x137: {  	v4 =	vld [tilespmem:s19+$0x730]  }
0x138: {  	[tilespmem:s19+$0x134F0] =	vst.add.f32.msk $0xffff, v0  }
0x139: {  	v0 =	vld [tilespmem:s19+$0x740]  }
0x13a: {  	v5 =	vld [tilespmem:s19+$0x750]  }
0x13b: {  	v6 =	vld [tilespmem:s19+$0x760]  }
0x13c: {  	v7 =	vld [tilespmem:s19+$0x770]  }
0x13d: {  	v8 =	vld [tilespmem:s19+$0x780]  }
0x13e: {  	v9 =	vld [tilespmem:s19+$0x790]  }
0x13f: {  	v10 =	vld [tilespmem:s19+$0x7A0]  }
0x140: {  	v11 =	vld [tilespmem:s19+$0x7B0]  }
0x141: {  	v12 =	vld [tilespmem:s19+$0x7C0]  }
0x142: {  	v13 =	vld [tilespmem:s19+$0x7D0]  }
0x143: {  	v14 =	vld [tilespmem:s19+$0x7E0]  }
0x144: {  	v15 =	vld [tilespmem:s19+$0x7F0]  }
0x145: {  	v16 =	vld [tilespmem:s19+$0x800]  }
0x146: {  	v17 =	vld [tilespmem:s19+$0x810]  }
0x147: {  	v18 =	vld [tilespmem:s19+$0x820]  }
0x148: {  	v19 =	vld [tilespmem:s19+$0x830]  }
0x149: {  	v20 =	vld [tilespmem:s19+$0x840]  }
0x14a: {  	v21 =	vld [tilespmem:s19+$0x850]  }
0x14b: {  	v22 =	vld [tilespmem:s19+$0x860]  }
0x14c: {  	v23 =	vld [tilespmem:s19+$0x870]  }
0x14d: {  	v24 =	vld [tilespmem:s19+$0x880]  }
0x14e: {  	v25 =	vld [tilespmem:s19+$0x890]  }
0x14f: {  	v26 =	vld [tilespmem:s19+$0x8A0]  }
0x150: {  	v27 =	vld [tilespmem:s19+$0x8B0]  }
0x151: {  	v28 =	vld [tilespmem:s19+$0x8C0]  }
0x152: {  	v29 =	vld [tilespmem:s19+$0x8D0]  }
0x153: {  	v30 =	vld [tilespmem:s19+$0x8E0]  }
0x154: {  	[tilespmem:s19+$0x13300] =	vst.add.f32.msk $0xffff, v1  }
0x155: {  	[tilespmem:s19+$0x13310] =	vst.add.f32.msk $0xffff, v2  }
0x156: {  	[tilespmem:s19+$0x13320] =	vst.add.f32.msk $0xffff, v3  }
0x157: {  	[tilespmem:s19+$0x13330] =	vst.add.f32.msk $0xffff, v4  }
0x158: {  	[tilespmem:s19+$0x13340] =	vst.add.f32.msk $0xffff, v0  }
0x159: {  	[tilespmem:s19+$0x13350] =	vst.add.f32.msk $0xffff, v5  }
0x15a: {  	[tilespmem:s19+$0x13360] =	vst.add.f32.msk $0xffff, v6  }
0x15b: {  	[tilespmem:s19+$0x13370] =	vst.add.f32.msk $0xffff, v7  }
0x15c: {  	[tilespmem:s19+$0x13380] =	vst.add.f32.msk $0xffff, v8  }
0x15d: {  	[tilespmem:s19+$0x13390] =	vst.add.f32.msk $0xffff, v9  }
0x15e: {  	[tilespmem:s19+$0x133A0] =	vst.add.f32.msk $0xffff, v10  }
0x15f: {  	[tilespmem:s19+$0x133B0] =	vst.add.f32.msk $0xffff, v11  }
0x160: {  	[tilespmem:s19+$0x133C0] =	vst.add.f32.msk $0xffff, v12  }
0x161: {  	[tilespmem:s19+$0x133D0] =	vst.add.f32.msk $0xffff, v13  }
0x162: {  	[tilespmem:s19+$0x133E0] =	vst.add.f32.msk $0xffff, v14  }
0x163: {  	[tilespmem:s19+$0x133F0] =	vst.add.f32.msk $0xffff, v15  }
0x164: {  	[tilespmem:s19+$0x13400] =	vst.add.f32.msk $0xffff, v16  }
0x165: {  	[tilespmem:s19+$0x13410] =	vst.add.f32.msk $0xffff, v17  }
0x166: {  	[tilespmem:s19+$0x13420] =	vst.add.f32.msk $0xffff, v18  }
0x167: {  	[tilespmem:s19+$0x13430] =	vst.add.f32.msk $0xffff, v19  }
0x168: {  	[tilespmem:s19+$0x13440] =	vst.add.f32.msk $0xffff, v20  }
0x169: {  	[tilespmem:s19+$0x13450] =	vst.add.f32.msk $0xffff, v21  }
0x16a: {  	[tilespmem:s19+$0x13460] =	vst.add.f32.msk $0xffff, v22  }
0x16b: {  	[tilespmem:s19+$0x13470] =	vst.add.f32.msk $0xffff, v23  }
0x16c: {  	[tilespmem:s19+$0x13480] =	vst.add.f32.msk $0xffff, v24  }
0x16d: {  	[tilespmem:s19+$0x13490] =	vst.add.f32.msk $0xffff, v25  }
.Ltmp2:
0x16e: {  	[tilespmem:s19+$0x134A0] =	vst.add.f32.msk $0xffff, v26;
	(pc) =	sbr.rel @p0 .LBB2_7-.Ltmp2, $4  }
0x16f: {  	[tilespmem:s19+$0x134B0] =	vst.add.f32.msk $0xffff, v27  }
0x170: {  	[tilespmem:s19+$0x134C0] =	vst.add.f32.msk $0xffff, v28  }
0x171: {  	[tilespmem:s19+$0x134D0] =	vst.add.f32.msk $0xffff, v29  }
0x172: {  	[tilespmem:s19+$0x134E0] =	vst.add.f32.msk $0xffff, v30;
	s19 =	sshra.s32 s29, $0x2;
	s29 =	sadd.s32 $0x800, s29  }
0x173: {  	v0 =	vld [tilespmem:s19+$0x8F0]  }
0x174: {  	v1 =	vld [tilespmem:s19+$0x700]  }
0x175: {  	v2 =	vld [tilespmem:s19+$0x710]  }
0x176: {  	v3 =	vld [tilespmem:s19+$0x720]  }
0x177: {  	v4 =	vld [tilespmem:s19+$0x730]  }
0x178: {  	v63 =	vld [tilespmem:s19+$0x740]  }
0x179: {  	v5 =	vld [tilespmem:s19+$0x750]  }
0x17a: {  	v6 =	vld [tilespmem:s19+$0x760]  }
0x17b: {  	v7 =	vld [tilespmem:s19+$0x770]  }
0x17c: {  	v8 =	vld [tilespmem:s19+$0x780]  }
0x17d: {  	v9 =	vld [tilespmem:s19+$0x790]  }
0x17e: {  	v10 =	vld [tilespmem:s19+$0x7A0]  }
0x17f: {  	v11 =	vld [tilespmem:s19+$0x7B0]  }
0x180: {  	v12 =	vld [tilespmem:s19+$0x7C0]  }
0x181: {  	v13 =	vld [tilespmem:s19+$0x7D0]  }
0x182: {  	v14 =	vld [tilespmem:s19+$0x7E0]  }
0x183: {  	v15 =	vld [tilespmem:s19+$0x7F0]  }
0x184: {  	v16 =	vld [tilespmem:s19+$0x800]  }
0x185: {  	v17 =	vld [tilespmem:s19+$0x810]  }
0x186: {  	v18 =	vld [tilespmem:s19+$0x820]  }
0x187: {  	v19 =	vld [tilespmem:s19+$0x830]  }
0x188: {  	v20 =	vld [tilespmem:s19+$0x840]  }
0x189: {  	v21 =	vld [tilespmem:s19+$0x850]  }
0x18a: {  	v22 =	vld [tilespmem:s19+$0x860]  }
0x18b: {  	v23 =	vld [tilespmem:s19+$0x870]  }
0x18c: {  	v24 =	vld [tilespmem:s19+$0x880]  }
0x18d: {  	v25 =	vld [tilespmem:s19+$0x890]  }
0x18e: {  	v26 =	vld [tilespmem:s19+$0x8A0]  }
0x18f: {  	v27 =	vld [tilespmem:s19+$0x8B0]  }
0x190: {  	v28 =	vld [tilespmem:s19+$0x8C0]  }
0x191: {  	v29 =	vld [tilespmem:s19+$0x8D0]  }
0x192: {  	v30 =	vld [tilespmem:s19+$0x8E0]  }
0x193: {  	[tilespmem:s19+$0x134F0] =	vst.add.f32.msk $0xffff, v0  }
0x194: {  	[tilespmem:s19+$0x13300] =	vst.add.f32.msk $0xffff, v1  }
0x195: {  	[tilespmem:s19+$0x13310] =	vst.add.f32.msk $0xffff, v2  }
0x196: {  	[tilespmem:s19+$0x13320] =	vst.add.f32.msk $0xffff, v3  }
0x197: {  	[tilespmem:s19+$0x13330] =	vst.add.f32.msk $0xffff, v4  }
0x198: {  	[tilespmem:s19+$0x13340] =	vst.add.f32.msk $0xffff, v63  }
0x199: {  	[tilespmem:s19+$0x13350] =	vst.add.f32.msk $0xffff, v5  }
0x19a: {  	[tilespmem:s19+$0x13360] =	vst.add.f32.msk $0xffff, v6  }
0x19b: {  	[tilespmem:s19+$0x13370] =	vst.add.f32.msk $0xffff, v7  }
0x19c: {  	[tilespmem:s19+$0x13380] =	vst.add.f32.msk $0xffff, v8  }
0x19d: {  	[tilespmem:s19+$0x13390] =	vst.add.f32.msk $0xffff, v9  }
0x19e: {  	[tilespmem:s19+$0x133A0] =	vst.add.f32.msk $0xffff, v10  }
0x19f: {  	[tilespmem:s19+$0x133B0] =	vst.add.f32.msk $0xffff, v11  }
0x1a0: {  	[tilespmem:s19+$0x133C0] =	vst.add.f32.msk $0xffff, v12  }
0x1a1: {  	[tilespmem:s19+$0x133D0] =	vst.add.f32.msk $0xffff, v13  }
0x1a2: {  	[tilespmem:s19+$0x133E0] =	vst.add.f32.msk $0xffff, v14  }
0x1a3: {  	[tilespmem:s19+$0x133F0] =	vst.add.f32.msk $0xffff, v15  }
0x1a4: {  	[tilespmem:s19+$0x13400] =	vst.add.f32.msk $0xffff, v16  }
0x1a5: {  	[tilespmem:s19+$0x13410] =	vst.add.f32.msk $0xffff, v17  }
0x1a6: {  	[tilespmem:s19+$0x13420] =	vst.add.f32.msk $0xffff, v18  }
0x1a7: {  	[tilespmem:s19+$0x13430] =	vst.add.f32.msk $0xffff, v19  }
0x1a8: {  	[tilespmem:s19+$0x13440] =	vst.add.f32.msk $0xffff, v20  }
0x1a9: {  	[tilespmem:s19+$0x13450] =	vst.add.f32.msk $0xffff, v21  }
0x1aa: {  	[tilespmem:s19+$0x13460] =	vst.add.f32.msk $0xffff, v22  }
0x1ab: {  	[tilespmem:s19+$0x13470] =	vst.add.f32.msk $0xffff, v23  }
0x1ac: {  	[tilespmem:s19+$0x13480] =	vst.add.f32.msk $0xffff, v24  }
0x1ad: {  	s0 =	sadd.s32 $0x1, s0;
	[tilespmem:s19+$0x13490] =	vst.add.f32.msk $0xffff, v25  }
0x1ae: {  	p0 =	sne.s32 s0, $0x9;
	[tilespmem:s19+$0x134A0] =	vst.add.f32.msk $0xffff, v26  }
.Ltmp3:
0x1af: {  	s16 =	sadd.s32 s7, s16;
	[tilespmem:s19+$0x134B0] =	vst.add.f32.msk $0xffff, v27;
	(pc) =	sbr.rel @p0 .LBB2_2-.Ltmp3, $4  }
0x1b0: {  	s16 =	smul.u32 $0xC80, s16;
	[tilespmem:s19+$0x134C0] =	vst.add.f32.msk $0xffff, v28  }
0x1b1: {  	[tilespmem:s19+$0x134D0] =	vst.add.f32.msk $0xffff, v29  }
0x1b2: {  	s16 =	sadd.s32 s2, s16;
	[tilespmem:s19+$0x134E0] =	vst.add.f32.msk $0xffff, v30  }
0x1b3: {  	[hbm4b:s16+s3] =	stream.linear.scatter [tilespmem:s22], [sflag:$0x6], $0x6400, $0x38;
	[tilespmem:$0x19700] =	vst v63  }
0x1b4: {  	_ =	swait.ge [sflag:s21], $0x6400  }
0x1b5: {  	[sflag:s21] =	ssyncset.done $0x0  }
0x1b6: {  	[sflag:s21] =	ssyncadd.s32 $0xFFFF9C00  }
0x1b7: {  	_ =	swait.ge [sflag:s28], $0x6400  }
0x1b8: {  	[sflag:s28] =	ssyncset.done $0x0  }
0x1b9: {  	s0 =	simm.s32 $0x658;
	[sflag:s28] =	ssyncadd.s32 $0xFFFF9C00  }
0x1ba: {  	[tilespmem:s22], [sflag:$0x3] =	stream.indirect.gather [hbm4b:s5+s17], $0x200, s0, s17, $0xb8;
	[tilespmem:$0x19700] =	vst v63  }
0x1bb: {  	s16 =	simm.s32 $0x800;
	s0 =	simm.s32 $0x0  }
.LBB2_10:
0x1bc: {  	p0 =	sne.s32 s16, $0x18800;
	v0 =	vld [tilespmem:s0+$0x8F0]  }
0x1bd: {  	v1 =	vld [tilespmem:s0+$0x700]  }
0x1be: {  	v2 =	vld [tilespmem:s0+$0x710]  }
0x1bf: {  	v3 =	vld [tilespmem:s0+$0x720]  }
0x1c0: {  	v4 =	vld [tilespmem:s0+$0x730]  }
0x1c1: {  	[tilespmem:s0+$0x6CF0] =	vst.add.f32.msk $0xffff, v0  }
0x1c2: {  	v0 =	vld [tilespmem:s0+$0x740]  }
0x1c3: {  	v5 =	vld [tilespmem:s0+$0x750]  }
0x1c4: {  	v6 =	vld [tilespmem:s0+$0x760]  }
0x1c5: {  	v7 =	vld [tilespmem:s0+$0x770]  }
0x1c6: {  	v8 =	vld [tilespmem:s0+$0x780]  }
0x1c7: {  	v9 =	vld [tilespmem:s0+$0x790]  }
0x1c8: {  	v10 =	vld [tilespmem:s0+$0x7A0]  }
0x1c9: {  	v11 =	vld [tilespmem:s0+$0x7B0]  }
0x1ca: {  	v12 =	vld [tilespmem:s0+$0x7C0]  }
0x1cb: {  	v13 =	vld [tilespmem:s0+$0x7D0]  }
0x1cc: {  	v14 =	vld [tilespmem:s0+$0x7E0]  }
0x1cd: {  	v15 =	vld [tilespmem:s0+$0x7F0]  }
0x1ce: {  	v16 =	vld [tilespmem:s0+$0x800]  }
0x1cf: {  	v17 =	vld [tilespmem:s0+$0x810]  }
0x1d0: {  	v18 =	vld [tilespmem:s0+$0x820]  }
0x1d1: {  	v19 =	vld [tilespmem:s0+$0x830]  }
0x1d2: {  	v20 =	vld [tilespmem:s0+$0x840]  }
0x1d3: {  	v21 =	vld [tilespmem:s0+$0x850]  }
0x1d4: {  	v22 =	vld [tilespmem:s0+$0x860]  }
0x1d5: {  	v23 =	vld [tilespmem:s0+$0x870]  }
0x1d6: {  	v24 =	vld [tilespmem:s0+$0x880]  }
0x1d7: {  	v25 =	vld [tilespmem:s0+$0x890]  }
0x1d8: {  	v26 =	vld [tilespmem:s0+$0x8A0]  }
0x1d9: {  	v27 =	vld [tilespmem:s0+$0x8B0]  }
0x1da: {  	v28 =	vld [tilespmem:s0+$0x8C0]  }
0x1db: {  	v29 =	vld [tilespmem:s0+$0x8D0]  }
0x1dc: {  	v30 =	vld [tilespmem:s0+$0x8E0]  }
0x1dd: {  	[tilespmem:s0+$0x6B00] =	vst.add.f32.msk $0xffff, v1  }
0x1de: {  	[tilespmem:s0+$0x6B10] =	vst.add.f32.msk $0xffff, v2  }
0x1df: {  	[tilespmem:s0+$0x6B20] =	vst.add.f32.msk $0xffff, v3  }
0x1e0: {  	[tilespmem:s0+$0x6B30] =	vst.add.f32.msk $0xffff, v4  }
0x1e1: {  	[tilespmem:s0+$0x6B40] =	vst.add.f32.msk $0xffff, v0  }
0x1e2: {  	[tilespmem:s0+$0x6B50] =	vst.add.f32.msk $0xffff, v5  }
0x1e3: {  	[tilespmem:s0+$0x6B60] =	vst.add.f32.msk $0xffff, v6  }
0x1e4: {  	[tilespmem:s0+$0x6B70] =	vst.add.f32.msk $0xffff, v7  }
0x1e5: {  	[tilespmem:s0+$0x6B80] =	vst.add.f32.msk $0xffff, v8  }
0x1e6: {  	[tilespmem:s0+$0x6B90] =	vst.add.f32.msk $0xffff, v9  }
0x1e7: {  	[tilespmem:s0+$0x6BA0] =	vst.add.f32.msk $0xffff, v10  }
0x1e8: {  	[tilespmem:s0+$0x6BB0] =	vst.add.f32.msk $0xffff, v11  }
0x1e9: {  	[tilespmem:s0+$0x6BC0] =	vst.add.f32.msk $0xffff, v12  }
0x1ea: {  	[tilespmem:s0+$0x6BD0] =	vst.add.f32.msk $0xffff, v13  }
0x1eb: {  	[tilespmem:s0+$0x6BE0] =	vst.add.f32.msk $0xffff, v14  }
0x1ec: {  	[tilespmem:s0+$0x6BF0] =	vst.add.f32.msk $0xffff, v15  }
0x1ed: {  	[tilespmem:s0+$0x6C00] =	vst.add.f32.msk $0xffff, v16  }
0x1ee: {  	[tilespmem:s0+$0x6C10] =	vst.add.f32.msk $0xffff, v17  }
0x1ef: {  	[tilespmem:s0+$0x6C20] =	vst.add.f32.msk $0xffff, v18  }
0x1f0: {  	[tilespmem:s0+$0x6C30] =	vst.add.f32.msk $0xffff, v19  }
0x1f1: {  	[tilespmem:s0+$0x6C40] =	vst.add.f32.msk $0xffff, v20  }
0x1f2: {  	[tilespmem:s0+$0x6C50] =	vst.add.f32.msk $0xffff, v21  }
0x1f3: {  	[tilespmem:s0+$0x6C60] =	vst.add.f32.msk $0xffff, v22  }
0x1f4: {  	[tilespmem:s0+$0x6C70] =	vst.add.f32.msk $0xffff, v23  }
0x1f5: {  	[tilespmem:s0+$0x6C80] =	vst.add.f32.msk $0xffff, v24  }
0x1f6: {  	[tilespmem:s0+$0x6C90] =	vst.add.f32.msk $0xffff, v25  }
.Ltmp4:
0x1f7: {  	[tilespmem:s0+$0x6CA0] =	vst.add.f32.msk $0xffff, v26;
	(pc) =	sbr.rel @p0 .LBB2_10-.Ltmp4, $4  }
0x1f8: {  	[tilespmem:s0+$0x6CB0] =	vst.add.f32.msk $0xffff, v27  }
0x1f9: {  	[tilespmem:s0+$0x6CC0] =	vst.add.f32.msk $0xffff, v28  }
0x1fa: {  	[tilespmem:s0+$0x6CD0] =	vst.add.f32.msk $0xffff, v29  }
0x1fb: {  	[tilespmem:s0+$0x6CE0] =	vst.add.f32.msk $0xffff, v30;
	s0 =	sshra.s32 s16, $0x2;
	s16 =	sadd.s32 $0x800, s16  }
0x1fc: {  	v0 =	vld [tilespmem:s0+$0x8F0]  }
0x1fd: {  	v1 =	vld [tilespmem:s0+$0x700]  }
0x1fe: {  	v2 =	vld [tilespmem:s0+$0x710]  }
0x1ff: {  	v3 =	vld [tilespmem:s0+$0x720]  }
0x200: {  	v4 =	vld [tilespmem:s0+$0x730]  }
0x201: {  	v63 =	vld [tilespmem:s0+$0x740]  }
0x202: {  	v5 =	vld [tilespmem:s0+$0x750]  }
0x203: {  	v6 =	vld [tilespmem:s0+$0x760]  }
0x204: {  	v7 =	vld [tilespmem:s0+$0x770]  }
0x205: {  	v8 =	vld [tilespmem:s0+$0x780]  }
0x206: {  	v9 =	vld [tilespmem:s0+$0x790]  }
0x207: {  	v10 =	vld [tilespmem:s0+$0x7A0]  }
0x208: {  	v11 =	vld [tilespmem:s0+$0x7B0]  }
0x209: {  	v12 =	vld [tilespmem:s0+$0x7C0]  }
0x20a: {  	v13 =	vld [tilespmem:s0+$0x7D0]  }
0x20b: {  	v14 =	vld [tilespmem:s0+$0x7E0]  }
0x20c: {  	v15 =	vld [tilespmem:s0+$0x7F0]  }
0x20d: {  	v16 =	vld [tilespmem:s0+$0x800]  }
0x20e: {  	v17 =	vld [tilespmem:s0+$0x810]  }
0x20f: {  	v18 =	vld [tilespmem:s0+$0x820]  }
0x210: {  	v19 =	vld [tilespmem:s0+$0x830]  }
0x211: {  	v20 =	vld [tilespmem:s0+$0x840]  }
0x212: {  	v21 =	vld [tilespmem:s0+$0x850]  }
0x213: {  	v22 =	vld [tilespmem:s0+$0x860]  }
0x214: {  	v23 =	vld [tilespmem:s0+$0x870]  }
0x215: {  	v24 =	vld [tilespmem:s0+$0x880]  }
0x216: {  	v25 =	vld [tilespmem:s0+$0x890]  }
0x217: {  	v26 =	vld [tilespmem:s0+$0x8A0]  }
0x218: {  	v27 =	vld [tilespmem:s0+$0x8B0]  }
0x219: {  	v28 =	vld [tilespmem:s0+$0x8C0]  }
0x21a: {  	v29 =	vld [tilespmem:s0+$0x8D0]  }
0x21b: {  	v30 =	vld [tilespmem:s0+$0x8E0]  }
0x21c: {  	[tilespmem:s0+$0x6CF0] =	vst.add.f32.msk $0xffff, v0  }
0x21d: {  	[tilespmem:s0+$0x6B00] =	vst.add.f32.msk $0xffff, v1  }
0x21e: {  	[tilespmem:s0+$0x6B10] =	vst.add.f32.msk $0xffff, v2  }
0x21f: {  	[tilespmem:s0+$0x6B20] =	vst.add.f32.msk $0xffff, v3  }
0x220: {  	[tilespmem:s0+$0x6B30] =	vst.add.f32.msk $0xffff, v4  }
0x221: {  	[tilespmem:s0+$0x6B40] =	vst.add.f32.msk $0xffff, v63  }
0x222: {  	[tilespmem:s0+$0x6B50] =	vst.add.f32.msk $0xffff, v5  }
0x223: {  	[tilespmem:s0+$0x6B60] =	vst.add.f32.msk $0xffff, v6  }
0x224: {  	[tilespmem:s0+$0x6B70] =	vst.add.f32.msk $0xffff, v7  }
0x225: {  	[tilespmem:s0+$0x6B80] =	vst.add.f32.msk $0xffff, v8  }
0x226: {  	[tilespmem:s0+$0x6B90] =	vst.add.f32.msk $0xffff, v9  }
0x227: {  	[tilespmem:s0+$0x6BA0] =	vst.add.f32.msk $0xffff, v10  }
0x228: {  	[tilespmem:s0+$0x6BB0] =	vst.add.f32.msk $0xffff, v11  }
0x229: {  	[tilespmem:s0+$0x6BC0] =	vst.add.f32.msk $0xffff, v12  }
0x22a: {  	[tilespmem:s0+$0x6BD0] =	vst.add.f32.msk $0xffff, v13  }
0x22b: {  	[tilespmem:s0+$0x6BE0] =	vst.add.f32.msk $0xffff, v14  }
0x22c: {  	[tilespmem:s0+$0x6BF0] =	vst.add.f32.msk $0xffff, v15  }
0x22d: {  	[tilespmem:s0+$0x6C00] =	vst.add.f32.msk $0xffff, v16  }
0x22e: {  	[tilespmem:s0+$0x6C10] =	vst.add.f32.msk $0xffff, v17  }
0x22f: {  	[tilespmem:s0+$0x6C20] =	vst.add.f32.msk $0xffff, v18  }
0x230: {  	[tilespmem:s0+$0x6C30] =	vst.add.f32.msk $0xffff, v19  }
0x231: {  	[tilespmem:s0+$0x6C40] =	vst.add.f32.msk $0xffff, v20  }
0x232: {  	[tilespmem:s0+$0x6C50] =	vst.add.f32.msk $0xffff, v21  }
0x233: {  	[tilespmem:s0+$0x6C60] =	vst.add.f32.msk $0xffff, v22  }
0x234: {  	[tilespmem:s0+$0x6C70] =	vst.add.f32.msk $0xffff, v23  }
0x235: {  	[tilespmem:s0+$0x6C80] =	vst.add.f32.msk $0xffff, v24  }
0x236: {  	[tilespmem:s0+$0x6C90] =	vst.add.f32.msk $0xffff, v25  }
0x237: {  	[tilespmem:s0+$0x6CA0] =	vst.add.f32.msk $0xffff, v26  }
0x238: {  	[tilespmem:s0+$0x6CB0] =	vst.add.f32.msk $0xffff, v27  }
0x239: {  	[tilespmem:s0+$0x6CC0] =	vst.add.f32.msk $0xffff, v28  }
0x23a: {  	[tilespmem:s0+$0x6CD0] =	vst.add.f32.msk $0xffff, v29  }
0x23b: {  	s30 =	simm.s32 $0x0;
	[tilespmem:s0+$0x6CE0] =	vst.add.f32.msk $0xffff, v30  }
0x23c: {  	[hbm4b:s9+s30] =	stream.linear.scatter [tilespmem:s18], [sflag:$0x4], $0x6400, $0x38;
	[tilespmem:$0x19700] =	vst v63  }
0x23d: {  	_ =	swait.ge [sflag:s23], $0x6400  }
0x23e: {  	[sflag:s23] =	ssyncset.done $0x0  }
0x23f: {  	[sflag:s23] =	ssyncadd.s32 $0xFFFF9C00  }
0x240: {  	_ =	swait.ge [sflag:s24], $0x6400  }
0x241: {  	s31 =	simm.s32 $0x690;
	[sflag:s24] =	ssyncset.done $0x0  }
0x242: {  	s16 =	simm.s32 $0x800;
	s0 =	simm.s32 $0x0;
	[sflag:s24] =	ssyncadd.s32 $0xFFFF9C00  }
0x243: {  	[tilespmem:s18], [sflag:$0x1] =	stream.indirect.gather [hbm4b:s5+s17], $0x200, s31, s17, $0xb8;
	[tilespmem:$0x19700] =	vst v63  }
.LBB2_12:
0x244: {  	p0 =	sne.s32 s16, $0x18800;
	v0 =	vld [tilespmem:s0+$0x8F0]  }
0x245: {  	v1 =	vld [tilespmem:s0+$0x700]  }
0x246: {  	v2 =	vld [tilespmem:s0+$0x710]  }
0x247: {  	v3 =	vld [tilespmem:s0+$0x720]  }
0x248: {  	v4 =	vld [tilespmem:s0+$0x730]  }
0x249: {  	[tilespmem:s0+$0xD0F0] =	vst.add.f32.msk $0xffff, v0  }
0x24a: {  	v0 =	vld [tilespmem:s0+$0x740]  }
0x24b: {  	v5 =	vld [tilespmem:s0+$0x750]  }
0x24c: {  	v6 =	vld [tilespmem:s0+$0x760]  }
0x24d: {  	v7 =	vld [tilespmem:s0+$0x770]  }
0x24e: {  	v8 =	vld [tilespmem:s0+$0x780]  }
0x24f: {  	v9 =	vld [tilespmem:s0+$0x790]  }
0x250: {  	v10 =	vld [tilespmem:s0+$0x7A0]  }
0x251: {  	v11 =	vld [tilespmem:s0+$0x7B0]  }
0x252: {  	v12 =	vld [tilespmem:s0+$0x7C0]  }
0x253: {  	v13 =	vld [tilespmem:s0+$0x7D0]  }
0x254: {  	v14 =	vld [tilespmem:s0+$0x7E0]  }
0x255: {  	v15 =	vld [tilespmem:s0+$0x7F0]  }
0x256: {  	v16 =	vld [tilespmem:s0+$0x800]  }
0x257: {  	v17 =	vld [tilespmem:s0+$0x810]  }
0x258: {  	v18 =	vld [tilespmem:s0+$0x820]  }
0x259: {  	v19 =	vld [tilespmem:s0+$0x830]  }
0x25a: {  	v20 =	vld [tilespmem:s0+$0x840]  }
0x25b: {  	v21 =	vld [tilespmem:s0+$0x850]  }
0x25c: {  	v22 =	vld [tilespmem:s0+$0x860]  }
0x25d: {  	v23 =	vld [tilespmem:s0+$0x870]  }
0x25e: {  	v24 =	vld [tilespmem:s0+$0x880]  }
0x25f: {  	v25 =	vld [tilespmem:s0+$0x890]  }
0x260: {  	v26 =	vld [tilespmem:s0+$0x8A0]  }
0x261: {  	v27 =	vld [tilespmem:s0+$0x8B0]  }
0x262: {  	v28 =	vld [tilespmem:s0+$0x8C0]  }
0x263: {  	v29 =	vld [tilespmem:s0+$0x8D0]  }
0x264: {  	v30 =	vld [tilespmem:s0+$0x8E0]  }
0x265: {  	[tilespmem:s0+$0xCF00] =	vst.add.f32.msk $0xffff, v1  }
0x266: {  	[tilespmem:s0+$0xCF10] =	vst.add.f32.msk $0xffff, v2  }
0x267: {  	[tilespmem:s0+$0xCF20] =	vst.add.f32.msk $0xffff, v3  }
0x268: {  	[tilespmem:s0+$0xCF30] =	vst.add.f32.msk $0xffff, v4  }
0x269: {  	[tilespmem:s0+$0xCF40] =	vst.add.f32.msk $0xffff, v0  }
0x26a: {  	[tilespmem:s0+$0xCF50] =	vst.add.f32.msk $0xffff, v5  }
0x26b: {  	[tilespmem:s0+$0xCF60] =	vst.add.f32.msk $0xffff, v6  }
0x26c: {  	[tilespmem:s0+$0xCF70] =	vst.add.f32.msk $0xffff, v7  }
0x26d: {  	[tilespmem:s0+$0xCF80] =	vst.add.f32.msk $0xffff, v8  }
0x26e: {  	[tilespmem:s0+$0xCF90] =	vst.add.f32.msk $0xffff, v9  }
0x26f: {  	[tilespmem:s0+$0xCFA0] =	vst.add.f32.msk $0xffff, v10  }
0x270: {  	[tilespmem:s0+$0xCFB0] =	vst.add.f32.msk $0xffff, v11  }
0x271: {  	[tilespmem:s0+$0xCFC0] =	vst.add.f32.msk $0xffff, v12  }
0x272: {  	[tilespmem:s0+$0xCFD0] =	vst.add.f32.msk $0xffff, v13  }
0x273: {  	[tilespmem:s0+$0xCFE0] =	vst.add.f32.msk $0xffff, v14  }
0x274: {  	[tilespmem:s0+$0xCFF0] =	vst.add.f32.msk $0xffff, v15  }
0x275: {  	[tilespmem:s0+$0xD000] =	vst.add.f32.msk $0xffff, v16  }
0x276: {  	[tilespmem:s0+$0xD010] =	vst.add.f32.msk $0xffff, v17  }
0x277: {  	[tilespmem:s0+$0xD020] =	vst.add.f32.msk $0xffff, v18  }
0x278: {  	[tilespmem:s0+$0xD030] =	vst.add.f32.msk $0xffff, v19  }
0x279: {  	[tilespmem:s0+$0xD040] =	vst.add.f32.msk $0xffff, v20  }
0x27a: {  	[tilespmem:s0+$0xD050] =	vst.add.f32.msk $0xffff, v21  }
0x27b: {  	[tilespmem:s0+$0xD060] =	vst.add.f32.msk $0xffff, v22  }
0x27c: {  	[tilespmem:s0+$0xD070] =	vst.add.f32.msk $0xffff, v23  }
0x27d: {  	[tilespmem:s0+$0xD080] =	vst.add.f32.msk $0xffff, v24  }
0x27e: {  	[tilespmem:s0+$0xD090] =	vst.add.f32.msk $0xffff, v25  }
.Ltmp5:
0x27f: {  	[tilespmem:s0+$0xD0A0] =	vst.add.f32.msk $0xffff, v26;
	(pc) =	sbr.rel @p0 .LBB2_12-.Ltmp5, $4  }
0x280: {  	[tilespmem:s0+$0xD0B0] =	vst.add.f32.msk $0xffff, v27  }
0x281: {  	[tilespmem:s0+$0xD0C0] =	vst.add.f32.msk $0xffff, v28  }
0x282: {  	[tilespmem:s0+$0xD0D0] =	vst.add.f32.msk $0xffff, v29  }
0x283: {  	[tilespmem:s0+$0xD0E0] =	vst.add.f32.msk $0xffff, v30;
	s0 =	sshra.s32 s16, $0x2;
	s16 =	sadd.s32 $0x800, s16  }
0x284: {  	v0 =	vld [tilespmem:s0+$0x8F0]  }
0x285: {  	v1 =	vld [tilespmem:s0+$0x700]  }
0x286: {  	v2 =	vld [tilespmem:s0+$0x710]  }
0x287: {  	v3 =	vld [tilespmem:s0+$0x720]  }
0x288: {  	v4 =	vld [tilespmem:s0+$0x730]  }
0x289: {  	v63 =	vld [tilespmem:s0+$0x740]  }
0x28a: {  	v5 =	vld [tilespmem:s0+$0x750]  }
0x28b: {  	v6 =	vld [tilespmem:s0+$0x760]  }
0x28c: {  	v7 =	vld [tilespmem:s0+$0x770]  }
0x28d: {  	v8 =	vld [tilespmem:s0+$0x780]  }
0x28e: {  	v9 =	vld [tilespmem:s0+$0x790]  }
0x28f: {  	v10 =	vld [tilespmem:s0+$0x7A0]  }
0x290: {  	v11 =	vld [tilespmem:s0+$0x7B0]  }
0x291: {  	v12 =	vld [tilespmem:s0+$0x7C0]  }
0x292: {  	v13 =	vld [tilespmem:s0+$0x7D0]  }
0x293: {  	v14 =	vld [tilespmem:s0+$0x7E0]  }
0x294: {  	v15 =	vld [tilespmem:s0+$0x7F0]  }
0x295: {  	v16 =	vld [tilespmem:s0+$0x800]  }
0x296: {  	v17 =	vld [tilespmem:s0+$0x810]  }
0x297: {  	v18 =	vld [tilespmem:s0+$0x820]  }
0x298: {  	v19 =	vld [tilespmem:s0+$0x830]  }
0x299: {  	v20 =	vld [tilespmem:s0+$0x840]  }
0x29a: {  	v21 =	vld [tilespmem:s0+$0x850]  }
0x29b: {  	v22 =	vld [tilespmem:s0+$0x860]  }
0x29c: {  	v23 =	vld [tilespmem:s0+$0x870]  }
0x29d: {  	v24 =	vld [tilespmem:s0+$0x880]  }
0x29e: {  	v25 =	vld [tilespmem:s0+$0x890]  }
0x29f: {  	v26 =	vld [tilespmem:s0+$0x8A0]  }
0x2a0: {  	v27 =	vld [tilespmem:s0+$0x8B0]  }
0x2a1: {  	v28 =	vld [tilespmem:s0+$0x8C0]  }
0x2a2: {  	v29 =	vld [tilespmem:s0+$0x8D0]  }
0x2a3: {  	v30 =	vld [tilespmem:s0+$0x8E0]  }
0x2a4: {  	[tilespmem:s0+$0xD0F0] =	vst.add.f32.msk $0xffff, v0  }
0x2a5: {  	[tilespmem:s0+$0xCF00] =	vst.add.f32.msk $0xffff, v1  }
0x2a6: {  	[tilespmem:s0+$0xCF10] =	vst.add.f32.msk $0xffff, v2  }
0x2a7: {  	[tilespmem:s0+$0xCF20] =	vst.add.f32.msk $0xffff, v3  }
0x2a8: {  	[tilespmem:s0+$0xCF30] =	vst.add.f32.msk $0xffff, v4  }
0x2a9: {  	[tilespmem:s0+$0xCF40] =	vst.add.f32.msk $0xffff, v63  }
0x2aa: {  	[tilespmem:s0+$0xCF50] =	vst.add.f32.msk $0xffff, v5  }
0x2ab: {  	[tilespmem:s0+$0xCF60] =	vst.add.f32.msk $0xffff, v6  }
0x2ac: {  	[tilespmem:s0+$0xCF70] =	vst.add.f32.msk $0xffff, v7  }
0x2ad: {  	[tilespmem:s0+$0xCF80] =	vst.add.f32.msk $0xffff, v8  }
0x2ae: {  	[tilespmem:s0+$0xCF90] =	vst.add.f32.msk $0xffff, v9  }
0x2af: {  	[tilespmem:s0+$0xCFA0] =	vst.add.f32.msk $0xffff, v10  }
0x2b0: {  	[tilespmem:s0+$0xCFB0] =	vst.add.f32.msk $0xffff, v11  }
0x2b1: {  	[tilespmem:s0+$0xCFC0] =	vst.add.f32.msk $0xffff, v12  }
0x2b2: {  	[tilespmem:s0+$0xCFD0] =	vst.add.f32.msk $0xffff, v13  }
0x2b3: {  	[tilespmem:s0+$0xCFE0] =	vst.add.f32.msk $0xffff, v14  }
0x2b4: {  	[tilespmem:s0+$0xCFF0] =	vst.add.f32.msk $0xffff, v15  }
0x2b5: {  	[tilespmem:s0+$0xD000] =	vst.add.f32.msk $0xffff, v16  }
0x2b6: {  	[tilespmem:s0+$0xD010] =	vst.add.f32.msk $0xffff, v17  }
0x2b7: {  	[tilespmem:s0+$0xD020] =	vst.add.f32.msk $0xffff, v18  }
0x2b8: {  	[tilespmem:s0+$0xD030] =	vst.add.f32.msk $0xffff, v19  }
0x2b9: {  	[tilespmem:s0+$0xD040] =	vst.add.f32.msk $0xffff, v20  }
0x2ba: {  	[tilespmem:s0+$0xD050] =	vst.add.f32.msk $0xffff, v21  }
0x2bb: {  	[tilespmem:s0+$0xD060] =	vst.add.f32.msk $0xffff, v22  }
0x2bc: {  	[tilespmem:s0+$0xD070] =	vst.add.f32.msk $0xffff, v23  }
0x2bd: {  	[tilespmem:s0+$0xD080] =	vst.add.f32.msk $0xffff, v24  }
0x2be: {  	[tilespmem:s0+$0xD090] =	vst.add.f32.msk $0xffff, v25  }
0x2bf: {  	[tilespmem:s0+$0xD0A0] =	vst.add.f32.msk $0xffff, v26  }
0x2c0: {  	[tilespmem:s0+$0xD0B0] =	vst.add.f32.msk $0xffff, v27  }
0x2c1: {  	[tilespmem:s0+$0xD0C0] =	vst.add.f32.msk $0xffff, v28  }
0x2c2: {  	[tilespmem:s0+$0xD0D0] =	vst.add.f32.msk $0xffff, v29  }
0x2c3: {  	s30 =	simm.s32 $0x0;
	[tilespmem:s0+$0xD0E0] =	vst.add.f32.msk $0xffff, v30  }
0x2c4: {  	[hbm4b:s10+s30] =	stream.linear.scatter [tilespmem:s20], [sflag:$0x5], $0x6400, $0x38;
	[tilespmem:$0x19700] =	vst v63  }
0x2c5: {  	_ =	swait.ge [sflag:s25], $0x6400  }
0x2c6: {  	[sflag:s25] =	ssyncset.done $0x0  }
0x2c7: {  	[sflag:s25] =	ssyncadd.s32 $0xFFFF9C00  }
0x2c8: {  	_ =	swait.ge [sflag:s26], $0x6400  }
0x2c9: {  	s31 =	simm.s32 $0x6C8;
	[sflag:s26] =	ssyncset.done $0x0  }
0x2ca: {  	s16 =	simm.s32 $0x800;
	s0 =	simm.s32 $0x0;
	[sflag:s26] =	ssyncadd.s32 $0xFFFF9C00  }
0x2cb: {  	[tilespmem:s20], [sflag:$0x2] =	stream.indirect.gather [hbm4b:s5+s17], $0x200, s31, s17, $0xb8;
	[tilespmem:$0x19700] =	vst v63  }
.LBB2_14:
0x2cc: {  	p0 =	sne.s32 s16, $0x18800;
	v0 =	vld [tilespmem:s0+$0x8F0]  }
0x2cd: {  	v1 =	vld [tilespmem:s0+$0x700]  }
0x2ce: {  	v2 =	vld [tilespmem:s0+$0x710]  }
0x2cf: {  	v3 =	vld [tilespmem:s0+$0x720]  }
0x2d0: {  	v4 =	vld [tilespmem:s0+$0x730]  }
0x2d1: {  	[tilespmem:s0+$0x134F0] =	vst.add.f32.msk $0xffff, v0  }
0x2d2: {  	v0 =	vld [tilespmem:s0+$0x740]  }
0x2d3: {  	v5 =	vld [tilespmem:s0+$0x750]  }
0x2d4: {  	v6 =	vld [tilespmem:s0+$0x760]  }
0x2d5: {  	v7 =	vld [tilespmem:s0+$0x770]  }
0x2d6: {  	v8 =	vld [tilespmem:s0+$0x780]  }
0x2d7: {  	v9 =	vld [tilespmem:s0+$0x790]  }
0x2d8: {  	v10 =	vld [tilespmem:s0+$0x7A0]  }
0x2d9: {  	v11 =	vld [tilespmem:s0+$0x7B0]  }
0x2da: {  	v12 =	vld [tilespmem:s0+$0x7C0]  }
0x2db: {  	v13 =	vld [tilespmem:s0+$0x7D0]  }
0x2dc: {  	v14 =	vld [tilespmem:s0+$0x7E0]  }
0x2dd: {  	v15 =	vld [tilespmem:s0+$0x7F0]  }
0x2de: {  	v16 =	vld [tilespmem:s0+$0x800]  }
0x2df: {  	v17 =	vld [tilespmem:s0+$0x810]  }
0x2e0: {  	v18 =	vld [tilespmem:s0+$0x820]  }
0x2e1: {  	v19 =	vld [tilespmem:s0+$0x830]  }
0x2e2: {  	v20 =	vld [tilespmem:s0+$0x840]  }
0x2e3: {  	v21 =	vld [tilespmem:s0+$0x850]  }
0x2e4: {  	v22 =	vld [tilespmem:s0+$0x860]  }
0x2e5: {  	v23 =	vld [tilespmem:s0+$0x870]  }
0x2e6: {  	v24 =	vld [tilespmem:s0+$0x880]  }
0x2e7: {  	v25 =	vld [tilespmem:s0+$0x890]  }
0x2e8: {  	v26 =	vld [tilespmem:s0+$0x8A0]  }
0x2e9: {  	v27 =	vld [tilespmem:s0+$0x8B0]  }
0x2ea: {  	v28 =	vld [tilespmem:s0+$0x8C0]  }
0x2eb: {  	v29 =	vld [tilespmem:s0+$0x8D0]  }
0x2ec: {  	v30 =	vld [tilespmem:s0+$0x8E0]  }
0x2ed: {  	[tilespmem:s0+$0x13300] =	vst.add.f32.msk $0xffff, v1  }
0x2ee: {  	[tilespmem:s0+$0x13310] =	vst.add.f32.msk $0xffff, v2  }
0x2ef: {  	[tilespmem:s0+$0x13320] =	vst.add.f32.msk $0xffff, v3  }
0x2f0: {  	[tilespmem:s0+$0x13330] =	vst.add.f32.msk $0xffff, v4  }
0x2f1: {  	[tilespmem:s0+$0x13340] =	vst.add.f32.msk $0xffff, v0  }
0x2f2: {  	[tilespmem:s0+$0x13350] =	vst.add.f32.msk $0xffff, v5  }
0x2f3: {  	[tilespmem:s0+$0x13360] =	vst.add.f32.msk $0xffff, v6  }
0x2f4: {  	[tilespmem:s0+$0x13370] =	vst.add.f32.msk $0xffff, v7  }
0x2f5: {  	[tilespmem:s0+$0x13380] =	vst.add.f32.msk $0xffff, v8  }
0x2f6: {  	[tilespmem:s0+$0x13390] =	vst.add.f32.msk $0xffff, v9  }
0x2f7: {  	[tilespmem:s0+$0x133A0] =	vst.add.f32.msk $0xffff, v10  }
0x2f8: {  	[tilespmem:s0+$0x133B0] =	vst.add.f32.msk $0xffff, v11  }
0x2f9: {  	[tilespmem:s0+$0x133C0] =	vst.add.f32.msk $0xffff, v12  }
0x2fa: {  	[tilespmem:s0+$0x133D0] =	vst.add.f32.msk $0xffff, v13  }
0x2fb: {  	[tilespmem:s0+$0x133E0] =	vst.add.f32.msk $0xffff, v14  }
0x2fc: {  	[tilespmem:s0+$0x133F0] =	vst.add.f32.msk $0xffff, v15  }
0x2fd: {  	[tilespmem:s0+$0x13400] =	vst.add.f32.msk $0xffff, v16  }
0x2fe: {  	[tilespmem:s0+$0x13410] =	vst.add.f32.msk $0xffff, v17  }
0x2ff: {  	[tilespmem:s0+$0x13420] =	vst.add.f32.msk $0xffff, v18  }
0x300: {  	[tilespmem:s0+$0x13430] =	vst.add.f32.msk $0xffff, v19  }
0x301: {  	[tilespmem:s0+$0x13440] =	vst.add.f32.msk $0xffff, v20  }
0x302: {  	[tilespmem:s0+$0x13450] =	vst.add.f32.msk $0xffff, v21  }
0x303: {  	[tilespmem:s0+$0x13460] =	vst.add.f32.msk $0xffff, v22  }
0x304: {  	[tilespmem:s0+$0x13470] =	vst.add.f32.msk $0xffff, v23  }
0x305: {  	[tilespmem:s0+$0x13480] =	vst.add.f32.msk $0xffff, v24  }
0x306: {  	[tilespmem:s0+$0x13490] =	vst.add.f32.msk $0xffff, v25  }
.Ltmp6:
0x307: {  	[tilespmem:s0+$0x134A0] =	vst.add.f32.msk $0xffff, v26;
	(pc) =	sbr.rel @p0 .LBB2_14-.Ltmp6, $4  }
0x308: {  	[tilespmem:s0+$0x134B0] =	vst.add.f32.msk $0xffff, v27  }
0x309: {  	[tilespmem:s0+$0x134C0] =	vst.add.f32.msk $0xffff, v28  }
0x30a: {  	[tilespmem:s0+$0x134D0] =	vst.add.f32.msk $0xffff, v29  }
0x30b: {  	[tilespmem:s0+$0x134E0] =	vst.add.f32.msk $0xffff, v30;
	s0 =	sshra.s32 s16, $0x2;
	s16 =	sadd.s32 $0x800, s16  }
0x30c: {  	v0 =	vld [tilespmem:s0+$0x8F0]  }
0x30d: {  	v1 =	vld [tilespmem:s0+$0x700]  }
0x30e: {  	v2 =	vld [tilespmem:s0+$0x710]  }
0x30f: {  	v3 =	vld [tilespmem:s0+$0x720]  }
0x310: {  	v4 =	vld [tilespmem:s0+$0x730]  }
0x311: {  	v63 =	vld [tilespmem:s0+$0x740]  }
0x312: {  	v5 =	vld [tilespmem:s0+$0x750]  }
0x313: {  	v6 =	vld [tilespmem:s0+$0x760]  }
0x314: {  	v7 =	vld [tilespmem:s0+$0x770]  }
0x315: {  	v8 =	vld [tilespmem:s0+$0x780]  }
0x316: {  	v9 =	vld [tilespmem:s0+$0x790]  }
0x317: {  	v10 =	vld [tilespmem:s0+$0x7A0]  }
0x318: {  	v11 =	vld [tilespmem:s0+$0x7B0]  }
0x319: {  	v12 =	vld [tilespmem:s0+$0x7C0]  }
0x31a: {  	v13 =	vld [tilespmem:s0+$0x7D0]  }
0x31b: {  	v14 =	vld [tilespmem:s0+$0x7E0]  }
0x31c: {  	v15 =	vld [tilespmem:s0+$0x7F0]  }
0x31d: {  	v16 =	vld [tilespmem:s0+$0x800]  }
0x31e: {  	v17 =	vld [tilespmem:s0+$0x810]  }
0x31f: {  	v18 =	vld [tilespmem:s0+$0x820]  }
0x320: {  	v19 =	vld [tilespmem:s0+$0x830]  }
0x321: {  	v20 =	vld [tilespmem:s0+$0x840]  }
0x322: {  	v21 =	vld [tilespmem:s0+$0x850]  }
0x323: {  	v22 =	vld [tilespmem:s0+$0x860]  }
0x324: {  	v23 =	vld [tilespmem:s0+$0x870]  }
0x325: {  	v24 =	vld [tilespmem:s0+$0x880]  }
0x326: {  	v25 =	vld [tilespmem:s0+$0x890]  }
0x327: {  	v26 =	vld [tilespmem:s0+$0x8A0]  }
0x328: {  	v27 =	vld [tilespmem:s0+$0x8B0]  }
0x329: {  	v28 =	vld [tilespmem:s0+$0x8C0]  }
0x32a: {  	v29 =	vld [tilespmem:s0+$0x8D0]  }
0x32b: {  	v30 =	vld [tilespmem:s0+$0x8E0]  }
0x32c: {  	[tilespmem:s0+$0x134F0] =	vst.add.f32.msk $0xffff, v0  }
0x32d: {  	[tilespmem:s0+$0x13300] =	vst.add.f32.msk $0xffff, v1  }
0x32e: {  	[tilespmem:s0+$0x13310] =	vst.add.f32.msk $0xffff, v2  }
0x32f: {  	[tilespmem:s0+$0x13320] =	vst.add.f32.msk $0xffff, v3  }
0x330: {  	[tilespmem:s0+$0x13330] =	vst.add.f32.msk $0xffff, v4  }
0x331: {  	[tilespmem:s0+$0x13340] =	vst.add.f32.msk $0xffff, v63  }
0x332: {  	[tilespmem:s0+$0x13350] =	vst.add.f32.msk $0xffff, v5  }
0x333: {  	[tilespmem:s0+$0x13360] =	vst.add.f32.msk $0xffff, v6  }
0x334: {  	[tilespmem:s0+$0x13370] =	vst.add.f32.msk $0xffff, v7  }
0x335: {  	[tilespmem:s0+$0x13380] =	vst.add.f32.msk $0xffff, v8  }
0x336: {  	[tilespmem:s0+$0x13390] =	vst.add.f32.msk $0xffff, v9  }
0x337: {  	[tilespmem:s0+$0x133A0] =	vst.add.f32.msk $0xffff, v10  }
0x338: {  	[tilespmem:s0+$0x133B0] =	vst.add.f32.msk $0xffff, v11  }
0x339: {  	[tilespmem:s0+$0x133C0] =	vst.add.f32.msk $0xffff, v12  }
0x33a: {  	[tilespmem:s0+$0x133D0] =	vst.add.f32.msk $0xffff, v13  }
0x33b: {  	[tilespmem:s0+$0x133E0] =	vst.add.f32.msk $0xffff, v14  }
0x33c: {  	[tilespmem:s0+$0x133F0] =	vst.add.f32.msk $0xffff, v15  }
0x33d: {  	[tilespmem:s0+$0x13400] =	vst.add.f32.msk $0xffff, v16  }
0x33e: {  	[tilespmem:s0+$0x13410] =	vst.add.f32.msk $0xffff, v17  }
0x33f: {  	[tilespmem:s0+$0x13420] =	vst.add.f32.msk $0xffff, v18  }
0x340: {  	[tilespmem:s0+$0x13430] =	vst.add.f32.msk $0xffff, v19  }
0x341: {  	[tilespmem:s0+$0x13440] =	vst.add.f32.msk $0xffff, v20  }
0x342: {  	[tilespmem:s0+$0x13450] =	vst.add.f32.msk $0xffff, v21  }
0x343: {  	[tilespmem:s0+$0x13460] =	vst.add.f32.msk $0xffff, v22  }
0x344: {  	[tilespmem:s0+$0x13470] =	vst.add.f32.msk $0xffff, v23  }
0x345: {  	[tilespmem:s0+$0x13480] =	vst.add.f32.msk $0xffff, v24  }
0x346: {  	[tilespmem:s0+$0x13490] =	vst.add.f32.msk $0xffff, v25  }
0x347: {  	[tilespmem:s0+$0x134A0] =	vst.add.f32.msk $0xffff, v26  }
0x348: {  	[tilespmem:s0+$0x134B0] =	vst.add.f32.msk $0xffff, v27  }
0x349: {  	[tilespmem:s0+$0x134C0] =	vst.add.f32.msk $0xffff, v28  }
0x34a: {  	[tilespmem:s0+$0x134D0] =	vst.add.f32.msk $0xffff, v29  }
0x34b: {  	s31 =	simm.s32 $0x0;
	[tilespmem:s0+$0x134E0] =	vst.add.f32.msk $0xffff, v30  }
0x34c: {  	[hbm4b:s11+s31] =	stream.linear.scatter [tilespmem:s22], [sflag:$0x6], $0x6400, $0x38;
	[tilespmem:$0x19700] =	vst v63  }
0x34d: {  	_ =	swait.ge [sflag:s21], $0x6400  }
0x34e: {  	[sflag:s21] =	ssyncset.done $0x0  }
0x34f: {  	[sflag:s21] =	ssyncadd.s32 $0xFFFF9C00  }
0x350: {  	_ =	swait.ge [sflag:s28], $0x6400  }
0x351: {  	[sflag:s28] =	ssyncset.done $0x0  }
0x352: {  	s16 =	simm.s32 $0x800;
	s0 =	simm.s32 $0x0;
	[sflag:s28] =	ssyncadd.s32 $0xFFFF9C00  }
.LBB2_16:
0x353: {  	p0 =	sne.s32 s16, $0x18800;
	v0 =	vld [tilespmem:s0+$0x8F0]  }
0x354: {  	v1 =	vld [tilespmem:s0+$0x700]  }
0x355: {  	v2 =	vld [tilespmem:s0+$0x710]  }
0x356: {  	v3 =	vld [tilespmem:s0+$0x720]  }
0x357: {  	v4 =	vld [tilespmem:s0+$0x730]  }
0x358: {  	[tilespmem:s0+$0x6CF0] =	vst.add.f32.msk $0xffff, v0  }
0x359: {  	v0 =	vld [tilespmem:s0+$0x740]  }
0x35a: {  	v5 =	vld [tilespmem:s0+$0x750]  }
0x35b: {  	v6 =	vld [tilespmem:s0+$0x760]  }
0x35c: {  	v7 =	vld [tilespmem:s0+$0x770]  }
0x35d: {  	v8 =	vld [tilespmem:s0+$0x780]  }
0x35e: {  	v9 =	vld [tilespmem:s0+$0x790]  }
0x35f: {  	v10 =	vld [tilespmem:s0+$0x7A0]  }
0x360: {  	v11 =	vld [tilespmem:s0+$0x7B0]  }
0x361: {  	v12 =	vld [tilespmem:s0+$0x7C0]  }
0x362: {  	v13 =	vld [tilespmem:s0+$0x7D0]  }
0x363: {  	v14 =	vld [tilespmem:s0+$0x7E0]  }
0x364: {  	v15 =	vld [tilespmem:s0+$0x7F0]  }
0x365: {  	v16 =	vld [tilespmem:s0+$0x800]  }
0x366: {  	v17 =	vld [tilespmem:s0+$0x810]  }
0x367: {  	v18 =	vld [tilespmem:s0+$0x820]  }
0x368: {  	v19 =	vld [tilespmem:s0+$0x830]  }
0x369: {  	v20 =	vld [tilespmem:s0+$0x840]  }
0x36a: {  	v21 =	vld [tilespmem:s0+$0x850]  }
0x36b: {  	v22 =	vld [tilespmem:s0+$0x860]  }
0x36c: {  	v23 =	vld [tilespmem:s0+$0x870]  }
0x36d: {  	v24 =	vld [tilespmem:s0+$0x880]  }
0x36e: {  	v25 =	vld [tilespmem:s0+$0x890]  }
0x36f: {  	v26 =	vld [tilespmem:s0+$0x8A0]  }
0x370: {  	v27 =	vld [tilespmem:s0+$0x8B0]  }
0x371: {  	v28 =	vld [tilespmem:s0+$0x8C0]  }
0x372: {  	v29 =	vld [tilespmem:s0+$0x8D0]  }
0x373: {  	v30 =	vld [tilespmem:s0+$0x8E0]  }
0x374: {  	[tilespmem:s0+$0x6B00] =	vst.add.f32.msk $0xffff, v1  }
0x375: {  	[tilespmem:s0+$0x6B10] =	vst.add.f32.msk $0xffff, v2  }
0x376: {  	[tilespmem:s0+$0x6B20] =	vst.add.f32.msk $0xffff, v3  }
0x377: {  	[tilespmem:s0+$0x6B30] =	vst.add.f32.msk $0xffff, v4  }
0x378: {  	[tilespmem:s0+$0x6B40] =	vst.add.f32.msk $0xffff, v0  }
0x379: {  	[tilespmem:s0+$0x6B50] =	vst.add.f32.msk $0xffff, v5  }
0x37a: {  	[tilespmem:s0+$0x6B60] =	vst.add.f32.msk $0xffff, v6  }
0x37b: {  	[tilespmem:s0+$0x6B70] =	vst.add.f32.msk $0xffff, v7  }
0x37c: {  	[tilespmem:s0+$0x6B80] =	vst.add.f32.msk $0xffff, v8  }
0x37d: {  	[tilespmem:s0+$0x6B90] =	vst.add.f32.msk $0xffff, v9  }
0x37e: {  	[tilespmem:s0+$0x6BA0] =	vst.add.f32.msk $0xffff, v10  }
0x37f: {  	[tilespmem:s0+$0x6BB0] =	vst.add.f32.msk $0xffff, v11  }
0x380: {  	[tilespmem:s0+$0x6BC0] =	vst.add.f32.msk $0xffff, v12  }
0x381: {  	[tilespmem:s0+$0x6BD0] =	vst.add.f32.msk $0xffff, v13  }
0x382: {  	[tilespmem:s0+$0x6BE0] =	vst.add.f32.msk $0xffff, v14  }
0x383: {  	[tilespmem:s0+$0x6BF0] =	vst.add.f32.msk $0xffff, v15  }
0x384: {  	[tilespmem:s0+$0x6C00] =	vst.add.f32.msk $0xffff, v16  }
0x385: {  	[tilespmem:s0+$0x6C10] =	vst.add.f32.msk $0xffff, v17  }
0x386: {  	[tilespmem:s0+$0x6C20] =	vst.add.f32.msk $0xffff, v18  }
0x387: {  	[tilespmem:s0+$0x6C30] =	vst.add.f32.msk $0xffff, v19  }
0x388: {  	[tilespmem:s0+$0x6C40] =	vst.add.f32.msk $0xffff, v20  }
0x389: {  	[tilespmem:s0+$0x6C50] =	vst.add.f32.msk $0xffff, v21  }
0x38a: {  	[tilespmem:s0+$0x6C60] =	vst.add.f32.msk $0xffff, v22  }
0x38b: {  	[tilespmem:s0+$0x6C70] =	vst.add.f32.msk $0xffff, v23  }
0x38c: {  	[tilespmem:s0+$0x6C80] =	vst.add.f32.msk $0xffff, v24  }
0x38d: {  	[tilespmem:s0+$0x6C90] =	vst.add.f32.msk $0xffff, v25  }
.Ltmp7:
0x38e: {  	[tilespmem:s0+$0x6CA0] =	vst.add.f32.msk $0xffff, v26;
	(pc) =	sbr.rel @p0 .LBB2_16-.Ltmp7, $4  }
0x38f: {  	[tilespmem:s0+$0x6CB0] =	vst.add.f32.msk $0xffff, v27  }
0x390: {  	[tilespmem:s0+$0x6CC0] =	vst.add.f32.msk $0xffff, v28  }
0x391: {  	[tilespmem:s0+$0x6CD0] =	vst.add.f32.msk $0xffff, v29  }
0x392: {  	[tilespmem:s0+$0x6CE0] =	vst.add.f32.msk $0xffff, v30;
	s0 =	sshra.s32 s16, $0x2;
	s16 =	sadd.s32 $0x800, s16  }
0x393: {  	v0 =	vld [tilespmem:s0+$0x8F0]  }
0x394: {  	v1 =	vld [tilespmem:s0+$0x700]  }
0x395: {  	v2 =	vld [tilespmem:s0+$0x710]  }
0x396: {  	v3 =	vld [tilespmem:s0+$0x720]  }
0x397: {  	v4 =	vld [tilespmem:s0+$0x730]  }
0x398: {  	v63 =	vld [tilespmem:s0+$0x740]  }
0x399: {  	v5 =	vld [tilespmem:s0+$0x750]  }
0x39a: {  	v6 =	vld [tilespmem:s0+$0x760]  }
0x39b: {  	v7 =	vld [tilespmem:s0+$0x770]  }
0x39c: {  	v8 =	vld [tilespmem:s0+$0x780]  }
0x39d: {  	v9 =	vld [tilespmem:s0+$0x790]  }
0x39e: {  	v10 =	vld [tilespmem:s0+$0x7A0]  }
0x39f: {  	v11 =	vld [tilespmem:s0+$0x7B0]  }
0x3a0: {  	v12 =	vld [tilespmem:s0+$0x7C0]  }
0x3a1: {  	v13 =	vld [tilespmem:s0+$0x7D0]  }
0x3a2: {  	v14 =	vld [tilespmem:s0+$0x7E0]  }
0x3a3: {  	v15 =	vld [tilespmem:s0+$0x7F0]  }
0x3a4: {  	v16 =	vld [tilespmem:s0+$0x800]  }
0x3a5: {  	v17 =	vld [tilespmem:s0+$0x810]  }
0x3a6: {  	v18 =	vld [tilespmem:s0+$0x820]  }
0x3a7: {  	v19 =	vld [tilespmem:s0+$0x830]  }
0x3a8: {  	v20 =	vld [tilespmem:s0+$0x840]  }
0x3a9: {  	v21 =	vld [tilespmem:s0+$0x850]  }
0x3aa: {  	v22 =	vld [tilespmem:s0+$0x860]  }
0x3ab: {  	v23 =	vld [tilespmem:s0+$0x870]  }
0x3ac: {  	v24 =	vld [tilespmem:s0+$0x880]  }
0x3ad: {  	v25 =	vld [tilespmem:s0+$0x890]  }
0x3ae: {  	v26 =	vld [tilespmem:s0+$0x8A0]  }
0x3af: {  	v27 =	vld [tilespmem:s0+$0x8B0]  }
0x3b0: {  	v28 =	vld [tilespmem:s0+$0x8C0]  }
0x3b1: {  	v29 =	vld [tilespmem:s0+$0x8D0]  }
0x3b2: {  	v30 =	vld [tilespmem:s0+$0x8E0]  }
0x3b3: {  	[tilespmem:s0+$0x6CF0] =	vst.add.f32.msk $0xffff, v0  }
0x3b4: {  	[tilespmem:s0+$0x6B00] =	vst.add.f32.msk $0xffff, v1  }
0x3b5: {  	[tilespmem:s0+$0x6B10] =	vst.add.f32.msk $0xffff, v2  }
0x3b6: {  	[tilespmem:s0+$0x6B20] =	vst.add.f32.msk $0xffff, v3  }
0x3b7: {  	[tilespmem:s0+$0x6B30] =	vst.add.f32.msk $0xffff, v4  }
0x3b8: {  	[tilespmem:s0+$0x6B40] =	vst.add.f32.msk $0xffff, v63  }
0x3b9: {  	[tilespmem:s0+$0x6B50] =	vst.add.f32.msk $0xffff, v5  }
0x3ba: {  	[tilespmem:s0+$0x6B60] =	vst.add.f32.msk $0xffff, v6  }
0x3bb: {  	[tilespmem:s0+$0x6B70] =	vst.add.f32.msk $0xffff, v7  }
0x3bc: {  	[tilespmem:s0+$0x6B80] =	vst.add.f32.msk $0xffff, v8  }
0x3bd: {  	[tilespmem:s0+$0x6B90] =	vst.add.f32.msk $0xffff, v9  }
0x3be: {  	[tilespmem:s0+$0x6BA0] =	vst.add.f32.msk $0xffff, v10  }
0x3bf: {  	[tilespmem:s0+$0x6BB0] =	vst.add.f32.msk $0xffff, v11  }
0x3c0: {  	[tilespmem:s0+$0x6BC0] =	vst.add.f32.msk $0xffff, v12  }
0x3c1: {  	[tilespmem:s0+$0x6BD0] =	vst.add.f32.msk $0xffff, v13  }
0x3c2: {  	[tilespmem:s0+$0x6BE0] =	vst.add.f32.msk $0xffff, v14  }
0x3c3: {  	[tilespmem:s0+$0x6BF0] =	vst.add.f32.msk $0xffff, v15  }
0x3c4: {  	[tilespmem:s0+$0x6C00] =	vst.add.f32.msk $0xffff, v16  }
0x3c5: {  	[tilespmem:s0+$0x6C10] =	vst.add.f32.msk $0xffff, v17  }
0x3c6: {  	[tilespmem:s0+$0x6C20] =	vst.add.f32.msk $0xffff, v18  }
0x3c7: {  	[tilespmem:s0+$0x6C30] =	vst.add.f32.msk $0xffff, v19  }
0x3c8: {  	[tilespmem:s0+$0x6C40] =	vst.add.f32.msk $0xffff, v20  }
0x3c9: {  	[tilespmem:s0+$0x6C50] =	vst.add.f32.msk $0xffff, v21  }
0x3ca: {  	[tilespmem:s0+$0x6C60] =	vst.add.f32.msk $0xffff, v22  }
0x3cb: {  	[tilespmem:s0+$0x6C70] =	vst.add.f32.msk $0xffff, v23  }
0x3cc: {  	[tilespmem:s0+$0x6C80] =	vst.add.f32.msk $0xffff, v24  }
0x3cd: {  	[tilespmem:s0+$0x6C90] =	vst.add.f32.msk $0xffff, v25  }
0x3ce: {  	[tilespmem:s0+$0x6CA0] =	vst.add.f32.msk $0xffff, v26  }
0x3cf: {  	[tilespmem:s0+$0x6CB0] =	vst.add.f32.msk $0xffff, v27  }
0x3d0: {  	[tilespmem:s0+$0x6CC0] =	vst.add.f32.msk $0xffff, v28  }
0x3d1: {  	[tilespmem:s0+$0x6CD0] =	vst.add.f32.msk $0xffff, v29  }
0x3d2: {  	s31 =	simm.s32 $0x0;
	[tilespmem:s0+$0x6CE0] =	vst.add.f32.msk $0xffff, v30  }
0x3d3: {  	[hbm4b:s12+s31] =	stream.linear.scatter [tilespmem:s18], [sflag:$0x4], $0x6400, $0x38;
	[tilespmem:$0x19700] =	vst v63  }
0x3d4: {  	_ =	swait.ge [sflag:s23], $0x6400  }
0x3d5: {  	[sflag:s23] =	ssyncset.done $0x0  }
0x3d6: {  	[sflag:s23] =	ssyncadd.s32 $0xFFFF9C00  }
0x3d7: {  	_ =	swait.ge [sflag:s24], $0x6400  }
0x3d8: {  	[sflag:s24] =	ssyncset.done $0x0  }
0x3d9: {  	s16 =	simm.s32 $0x800;
	s0 =	simm.s32 $0x0;
	[sflag:s24] =	ssyncadd.s32 $0xFFFF9C00  }
.LBB2_18:
0x3da: {  	p0 =	sne.s32 s16, $0x18800;
	v0 =	vld [tilespmem:s0+$0x8F0]  }
0x3db: {  	v1 =	vld [tilespmem:s0+$0x700]  }
0x3dc: {  	v2 =	vld [tilespmem:s0+$0x710]  }
0x3dd: {  	v3 =	vld [tilespmem:s0+$0x720]  }
0x3de: {  	v4 =	vld [tilespmem:s0+$0x730]  }
0x3df: {  	[tilespmem:s0+$0xD0F0] =	vst.add.f32.msk $0xffff, v0  }
0x3e0: {  	v0 =	vld [tilespmem:s0+$0x740]  }
0x3e1: {  	v5 =	vld [tilespmem:s0+$0x750]  }
0x3e2: {  	v6 =	vld [tilespmem:s0+$0x760]  }
0x3e3: {  	v7 =	vld [tilespmem:s0+$0x770]  }
0x3e4: {  	v8 =	vld [tilespmem:s0+$0x780]  }
0x3e5: {  	v9 =	vld [tilespmem:s0+$0x790]  }
0x3e6: {  	v10 =	vld [tilespmem:s0+$0x7A0]  }
0x3e7: {  	v11 =	vld [tilespmem:s0+$0x7B0]  }
0x3e8: {  	v12 =	vld [tilespmem:s0+$0x7C0]  }
0x3e9: {  	v13 =	vld [tilespmem:s0+$0x7D0]  }
0x3ea: {  	v14 =	vld [tilespmem:s0+$0x7E0]  }
0x3eb: {  	v15 =	vld [tilespmem:s0+$0x7F0]  }
0x3ec: {  	v16 =	vld [tilespmem:s0+$0x800]  }
0x3ed: {  	v17 =	vld [tilespmem:s0+$0x810]  }
0x3ee: {  	v18 =	vld [tilespmem:s0+$0x820]  }
0x3ef: {  	v19 =	vld [tilespmem:s0+$0x830]  }
0x3f0: {  	v20 =	vld [tilespmem:s0+$0x840]  }
0x3f1: {  	v21 =	vld [tilespmem:s0+$0x850]  }
0x3f2: {  	v22 =	vld [tilespmem:s0+$0x860]  }
0x3f3: {  	v23 =	vld [tilespmem:s0+$0x870]  }
0x3f4: {  	v24 =	vld [tilespmem:s0+$0x880]  }
0x3f5: {  	v25 =	vld [tilespmem:s0+$0x890]  }
0x3f6: {  	v26 =	vld [tilespmem:s0+$0x8A0]  }
0x3f7: {  	v27 =	vld [tilespmem:s0+$0x8B0]  }
0x3f8: {  	v28 =	vld [tilespmem:s0+$0x8C0]  }
0x3f9: {  	v29 =	vld [tilespmem:s0+$0x8D0]  }
0x3fa: {  	v30 =	vld [tilespmem:s0+$0x8E0]  }
0x3fb: {  	[tilespmem:s0+$0xCF00] =	vst.add.f32.msk $0xffff, v1  }
0x3fc: {  	[tilespmem:s0+$0xCF10] =	vst.add.f32.msk $0xffff, v2  }
0x3fd: {  	[tilespmem:s0+$0xCF20] =	vst.add.f32.msk $0xffff, v3  }
0x3fe: {  	[tilespmem:s0+$0xCF30] =	vst.add.f32.msk $0xffff, v4  }
0x3ff: {  	[tilespmem:s0+$0xCF40] =	vst.add.f32.msk $0xffff, v0  }
0x400: {  	[tilespmem:s0+$0xCF50] =	vst.add.f32.msk $0xffff, v5  }
0x401: {  	[tilespmem:s0+$0xCF60] =	vst.add.f32.msk $0xffff, v6  }
0x402: {  	[tilespmem:s0+$0xCF70] =	vst.add.f32.msk $0xffff, v7  }
0x403: {  	[tilespmem:s0+$0xCF80] =	vst.add.f32.msk $0xffff, v8  }
0x404: {  	[tilespmem:s0+$0xCF90] =	vst.add.f32.msk $0xffff, v9  }
0x405: {  	[tilespmem:s0+$0xCFA0] =	vst.add.f32.msk $0xffff, v10  }
0x406: {  	[tilespmem:s0+$0xCFB0] =	vst.add.f32.msk $0xffff, v11  }
0x407: {  	[tilespmem:s0+$0xCFC0] =	vst.add.f32.msk $0xffff, v12  }
0x408: {  	[tilespmem:s0+$0xCFD0] =	vst.add.f32.msk $0xffff, v13  }
0x409: {  	[tilespmem:s0+$0xCFE0] =	vst.add.f32.msk $0xffff, v14  }
0x40a: {  	[tilespmem:s0+$0xCFF0] =	vst.add.f32.msk $0xffff, v15  }
0x40b: {  	[tilespmem:s0+$0xD000] =	vst.add.f32.msk $0xffff, v16  }
0x40c: {  	[tilespmem:s0+$0xD010] =	vst.add.f32.msk $0xffff, v17  }
0x40d: {  	[tilespmem:s0+$0xD020] =	vst.add.f32.msk $0xffff, v18  }
0x40e: {  	[tilespmem:s0+$0xD030] =	vst.add.f32.msk $0xffff, v19  }
0x40f: {  	[tilespmem:s0+$0xD040] =	vst.add.f32.msk $0xffff, v20  }
0x410: {  	[tilespmem:s0+$0xD050] =	vst.add.f32.msk $0xffff, v21  }
0x411: {  	[tilespmem:s0+$0xD060] =	vst.add.f32.msk $0xffff, v22  }
0x412: {  	[tilespmem:s0+$0xD070] =	vst.add.f32.msk $0xffff, v23  }
0x413: {  	[tilespmem:s0+$0xD080] =	vst.add.f32.msk $0xffff, v24  }
0x414: {  	[tilespmem:s0+$0xD090] =	vst.add.f32.msk $0xffff, v25  }
.Ltmp8:
0x415: {  	[tilespmem:s0+$0xD0A0] =	vst.add.f32.msk $0xffff, v26;
	(pc) =	sbr.rel @p0 .LBB2_18-.Ltmp8, $4  }
0x416: {  	[tilespmem:s0+$0xD0B0] =	vst.add.f32.msk $0xffff, v27  }
0x417: {  	[tilespmem:s0+$0xD0C0] =	vst.add.f32.msk $0xffff, v28  }
0x418: {  	[tilespmem:s0+$0xD0D0] =	vst.add.f32.msk $0xffff, v29  }
0x419: {  	[tilespmem:s0+$0xD0E0] =	vst.add.f32.msk $0xffff, v30;
	s0 =	sshra.s32 s16, $0x2;
	s16 =	sadd.s32 $0x800, s16  }
0x41a: {  	v0 =	vld [tilespmem:s0+$0x8F0]  }
0x41b: {  	v1 =	vld [tilespmem:s0+$0x700]  }
0x41c: {  	v2 =	vld [tilespmem:s0+$0x710]  }
0x41d: {  	v3 =	vld [tilespmem:s0+$0x720]  }
0x41e: {  	v4 =	vld [tilespmem:s0+$0x730]  }
0x41f: {  	v63 =	vld [tilespmem:s0+$0x740]  }
0x420: {  	v5 =	vld [tilespmem:s0+$0x750]  }
0x421: {  	v6 =	vld [tilespmem:s0+$0x760]  }
0x422: {  	v7 =	vld [tilespmem:s0+$0x770]  }
0x423: {  	v8 =	vld [tilespmem:s0+$0x780]  }
0x424: {  	v9 =	vld [tilespmem:s0+$0x790]  }
0x425: {  	v10 =	vld [tilespmem:s0+$0x7A0]  }
0x426: {  	v11 =	vld [tilespmem:s0+$0x7B0]  }
0x427: {  	v12 =	vld [tilespmem:s0+$0x7C0]  }
0x428: {  	v13 =	vld [tilespmem:s0+$0x7D0]  }
0x429: {  	v14 =	vld [tilespmem:s0+$0x7E0]  }
0x42a: {  	v15 =	vld [tilespmem:s0+$0x7F0]  }
0x42b: {  	v16 =	vld [tilespmem:s0+$0x800]  }
0x42c: {  	v17 =	vld [tilespmem:s0+$0x810]  }
0x42d: {  	v18 =	vld [tilespmem:s0+$0x820]  }
0x42e: {  	v19 =	vld [tilespmem:s0+$0x830]  }
0x42f: {  	v20 =	vld [tilespmem:s0+$0x840]  }
0x430: {  	v21 =	vld [tilespmem:s0+$0x850]  }
0x431: {  	v22 =	vld [tilespmem:s0+$0x860]  }
0x432: {  	v23 =	vld [tilespmem:s0+$0x870]  }
0x433: {  	v24 =	vld [tilespmem:s0+$0x880]  }
0x434: {  	v25 =	vld [tilespmem:s0+$0x890]  }
0x435: {  	v26 =	vld [tilespmem:s0+$0x8A0]  }
0x436: {  	v27 =	vld [tilespmem:s0+$0x8B0]  }
0x437: {  	v28 =	vld [tilespmem:s0+$0x8C0]  }
0x438: {  	v29 =	vld [tilespmem:s0+$0x8D0]  }
0x439: {  	v30 =	vld [tilespmem:s0+$0x8E0]  }
0x43a: {  	[tilespmem:s0+$0xD0F0] =	vst.add.f32.msk $0xffff, v0  }
0x43b: {  	[tilespmem:s0+$0xCF00] =	vst.add.f32.msk $0xffff, v1  }
0x43c: {  	[tilespmem:s0+$0xCF10] =	vst.add.f32.msk $0xffff, v2  }
0x43d: {  	[tilespmem:s0+$0xCF20] =	vst.add.f32.msk $0xffff, v3  }
0x43e: {  	[tilespmem:s0+$0xCF30] =	vst.add.f32.msk $0xffff, v4  }
0x43f: {  	[tilespmem:s0+$0xCF40] =	vst.add.f32.msk $0xffff, v63  }
0x440: {  	[tilespmem:s0+$0xCF50] =	vst.add.f32.msk $0xffff, v5  }
0x441: {  	[tilespmem:s0+$0xCF60] =	vst.add.f32.msk $0xffff, v6  }
0x442: {  	[tilespmem:s0+$0xCF70] =	vst.add.f32.msk $0xffff, v7  }
0x443: {  	[tilespmem:s0+$0xCF80] =	vst.add.f32.msk $0xffff, v8  }
0x444: {  	[tilespmem:s0+$0xCF90] =	vst.add.f32.msk $0xffff, v9  }
0x445: {  	[tilespmem:s0+$0xCFA0] =	vst.add.f32.msk $0xffff, v10  }
0x446: {  	[tilespmem:s0+$0xCFB0] =	vst.add.f32.msk $0xffff, v11  }
0x447: {  	[tilespmem:s0+$0xCFC0] =	vst.add.f32.msk $0xffff, v12  }
0x448: {  	[tilespmem:s0+$0xCFD0] =	vst.add.f32.msk $0xffff, v13  }
0x449: {  	[tilespmem:s0+$0xCFE0] =	vst.add.f32.msk $0xffff, v14  }
0x44a: {  	[tilespmem:s0+$0xCFF0] =	vst.add.f32.msk $0xffff, v15  }
0x44b: {  	[tilespmem:s0+$0xD000] =	vst.add.f32.msk $0xffff, v16  }
0x44c: {  	[tilespmem:s0+$0xD010] =	vst.add.f32.msk $0xffff, v17  }
0x44d: {  	[tilespmem:s0+$0xD020] =	vst.add.f32.msk $0xffff, v18  }
0x44e: {  	[tilespmem:s0+$0xD030] =	vst.add.f32.msk $0xffff, v19  }
0x44f: {  	[tilespmem:s0+$0xD040] =	vst.add.f32.msk $0xffff, v20  }
0x450: {  	[tilespmem:s0+$0xD050] =	vst.add.f32.msk $0xffff, v21  }
0x451: {  	[tilespmem:s0+$0xD060] =	vst.add.f32.msk $0xffff, v22  }
0x452: {  	[tilespmem:s0+$0xD070] =	vst.add.f32.msk $0xffff, v23  }
0x453: {  	[tilespmem:s0+$0xD080] =	vst.add.f32.msk $0xffff, v24  }
0x454: {  	[tilespmem:s0+$0xD090] =	vst.add.f32.msk $0xffff, v25  }
0x455: {  	[tilespmem:s0+$0xD0A0] =	vst.add.f32.msk $0xffff, v26  }
0x456: {  	[tilespmem:s0+$0xD0B0] =	vst.add.f32.msk $0xffff, v27  }
0x457: {  	s1 =	sadd.s32 $0x1, s1;
	[tilespmem:s0+$0xD0C0] =	vst.add.f32.msk $0xffff, v28  }
0x458: {  	p0 =	sne.s32 s1, s14;
	[tilespmem:s0+$0xD0D0] =	vst.add.f32.msk $0xffff, v29  }
.Ltmp9:
0x459: {  	[tilespmem:s0+$0xD0E0] =	vst.add.f32.msk $0xffff, v30;
	(pc) =	sbr.rel @p0 .LBB2_1-.Ltmp9, $4  }
0x45a: {  	[hbm4b:s13+s3] =	stream.linear.scatter [tilespmem:s20], [sflag:$0x5], $0x6400, $0x38;
	[tilespmem:$0x19700] =	vst v63  }
0x45b: {  	_ =	swait.ge [sflag:s26], $0x6400  }
0x45c: {  	[sflag:s26] =	ssyncset.done $0x0  }
0x45d: {  	[sflag:s26] =	ssyncadd.s32 $0xFFFF9C00  }
0x45e: {  	_ =	sfence.sel $0x180000  }
0x45f: {  	[bflag:$0x0] =	sbarrier.arrive $0xFFFF  }
0x460: {  	_ =	strace $0x9000004A  }
0x461: {  	s0 =	stileid.u32;
	[bflag:$0x2] =	sbarrier.arrive $0xFFFF  }
0x462: {  	p0 =	sne.s32 s0, $0x0;
	s0 =	rddreg [dreg:$0x2]  }
0x463: {  	s0 =	sadd.s32 @!p0 $0x100000, s0  }
0x464: {  	[sflag:s0] =	ssyncadd.tile.s32 @!p0 $0x1;
	_ =	shalt  }
.Lfunc_end2:
_tile_overlayer_lowered:
.L_overlay_start_2:
0x465: {  	(tag) =	ssettag $0x2  }
0x466: {  	s0 =	rddreg [dreg:$0x0];
	s2 =	stileid.u32  }
0x467: {  	s1 =	rddreg [dreg:$0x1];
	p0 =	sne.s32 s2, $0x0  }
0x468: {  	s3 =	rddreg [dreg:$0x2];
	[bflag:$0x3] =	sbarrier.arrive $0xFFFF;
	s2 =	simm.s32 @!p0 $0x1C07  }
0x469: {  	[timem:s3], [sflag:s2] =	dma.local @!p0 [hbm:s0], s1  }
0x46a: {  	s0 =	simm.s32 @!p0 $0x7  }
0x46b: {  	_ =	swait.ge @!p0 [sflag:s0], s1  }
0x46c: {  	s1 =	ssub.s32 @!p0 $0x0, s1;
	[sflag:s0] =	ssyncset.done @!p0 $0x0  }
0x46d: {  	[sflag:s0] =	ssyncadd.s32 @!p0 s1  }
0x46e: {  	[bflag:$0x3] =	sbarrier.arrive $0xFFFF  }
0x46f: {  	_ =	shalt  }

// kernel: sparse-core-data-format-call.1.cloned.1.call-start
scs
called_computation.1_lowered:
.L_overlay_start_0:
0x0: {  	s2 =	sld [smem:$0x3FD9]  }
0x1: {  	s3 =	sld [smem:$0x3FFE];
	_ =	sdelay $0x1  }
0x2: {  	s1 =	srdreg.scid  }
0x3: {  	s0 =	sand.u32 $0x1, s1  }
0x4: {  	s18 =	sshll.u32 s0, $0xA;
	s2 =	sadd.s32 s3, s2  }
0x5: {  	s2 =	sadd.s32 s2, s18  }
0x6: {  	[smem:$0x3FC6] =	sst s2  }
0x7: {  	_ = 	snop  }
0x8: {  	s2 =	sld [smem:$0x3FC8];
	(tm) =	ssettm $0x1  }
0x9: {  	s19 =	sld [smem:$0x3FFB];
	_ =	sdelay $0x3  }
0xa: {  	_ =	strace s19  }
0xb: {  	s3 =	sld [smem:$0x3FFC];
	_ =	sdelay $0x3  }
0xc: {  	_ =	strace s3  }
0xd: {  	s3 =	sld [smem:$0x3FFD];
	_ =	sdelay $0x3  }
0xe: {  	_ =	strace s3  }
0xf: {  	_ =	strace $0x8FFFFFFF  }
0x10: {  	s20 =	sld [smem:$0x3FDB];
	_ =	sdelay $0x1  }
0x11: {  	s4 =	simm.s32 $_scs_section_size  }
0x12: {  	s5 =	simm.s32 $_size__tile_overlayer_lowered;
	s6 =	simm.s32 $_tile_overlayer_lowered  }
0x13: {  	s23 =	simm.s32 $0x1BFF;
	s22 =	sshll.u32 s6, $0x1;
	s3 =	sadd.s32 s4, s20  }
0x14: {  	s7 =	simm.s32 $0x0;
	s21 =	sshll.u32 s5, $0x1;
	s5 =	sadd.s32 s22, s3  }
0x15: {  	[timem:s7], [sflag:s23] =	dma.local [hbm:s5], s21  }
0x16: {  	_ =	swait.ge [sflag:s23], s21  }
0x17: {  	s4 =	ssub.s32 $0x0, s21;
	[sflag:s23] =	ssyncset.done $0x0  }
0x18: {  	[sflag:s23] =	ssyncadd.s32 s4;
	_ =	sdelay $0x1  }
0x19: {  	s24 =	simm.s32 $0x1B8B  }
0x1a: {  	_ =	swait.ge [sflag:s24], $0x1  }
0x1b: {  	[sflag:s24] =	ssyncset.done $0x0  }
0x1c: {  	s26 =	simm.s32 $0x1B8E;
	s25 =	sld [smem:$0x3FFE];
	[sflag:s24] =	ssyncadd.s32 $0xFFFFFFFF  }
0x1d: {  	s27 =	simm.s32 $execute0_lowered;
	[smem:$0x3FD2] =	sst s26  }
0x1e: {  	s5 =	sshll.u32 s27, $0x1;
	_ =	strace $0x80000046;
	[dreg:$0x1] =	wrdreg $0xFFFFFFFF  }
0x1f: {  	s28 =	simm.s32 $_size_execute0_lowered;
	s3 =	sadd.s32 s3, s5;
	[dreg:$0x0] =	wrdreg $0x0  }
0x20: {  	s5 =	sshll.u32 s28, $0x1;
	[dreg:$0x2] =	wrdreg s3  }
0x21: {  	[dreg:$0x3] =	wrdreg s5  }
0x22: {  	[dreg:$0x4] =	wrdreg $0xC0  }
0x23: {  	_ =	task [dreg:s7], $0x5FFFF  }
0x24: {  	[dreg:$0x1] =	wrdreg $0xFFFFFFFF  }
0x25: {  	[dreg:$0x0] =	wrdreg $0x60  }
0x26: {  	[dreg:$0x2] =	wrdreg s2  }
0x27: {  	[dreg:$0x3] =	wrdreg s25  }
0x28: {  	[dreg:$0x4] =	wrdreg $0x9  }
0x29: {  	_ =	task.clear_ibuf [dreg:s7], $0x5FFFF;
	_ =	strace $0x90000046  }
0x2a: {  	s29 =	simm.s32 $0x9;
	_ =	strace $0x80000048  }
0x2b: {  	_ =	swait.ge [sflag:s29], $0x1  }
0x2c: {  	[sflag:s29] =	ssyncadd.s32 $0xFFFFFFFF  }
0x2d: {  	_ =	strace $0x90000048  }
0x2e: {  	_ =	sfence  }
0x2f: {  	s30 =	sld [smem:$0x0];
	_ =	sdelay $0x2  }
0x30: {  	s31 =	sshll.u32 s1, $0xD;
	s1 =	sshrl.u32 s1, $0x2  }
0x31: {  	s3 =	sand.u32 $0x4000, s31;
	s1 =	sadd.s32 s1, s30  }
0x32: {  	s0 =	sor.u32 s3, s0;
	s1 =	sshll.u32 s1, $0x11  }
0x33: {  	s0 =	sor.u32 s1, s0  }
0x34: {  	s0 =	sadd.s32 $0x8F2B, s0  }
0x35: {  	[sflag:s0] =	ssyncadd.remote.s32 $0x1  }
0x36: {  	_ =	sfence.sel $0xFFFF  }
0x37: {  	[dreg:$0x0] =	wrdreg $0xFFFFFFFF;
	(pc) =	sbr.abs _section_cstart, $3  }
0x38: {  	[dreg:$0x1] =	wrdreg $0xFFFFFFFF  }
0x39: {  	_ =	task.clear_ibuf [dreg:s7], $0x2FFFF;
	_ =	strace $0x9FFFFFFF  }
0x3a: {  	(tm) =	ssettm $0x7FFFFFFF  }
0x3b: {  	_ =	shalt  }
tec
execute0_lowered:
.L_overlay_start_1:
0x0: {  	(tag) =	ssettag $0x1  }
0x1: {  	s0 =	srdreg.scid  }
0x2: {  	s1 =	sshll.u32 s0, $0x4  }
0x3: {  	s2 =	rddreg [dreg:$0x0];
	s0 =	stileid.u32;
	s1 =	sand.u32 $0x10, s1  }
0x4: {  	s4 =	rddreg [dreg:$0x1];
	s7 =	simm.s32 $0x1;
	s1 =	sor.u32 s0, s1  }
0x5: {  	s8 =	simm.s32 $0x2;
	s9 =	simm.s32 $0x0;
	s3 =	sshll.u32 s1, $0x2  }
0x6: {  	s12 =	simm.s32 $0x0;
	s11 =	simm.s32 $0x0;
	s6 =	ssub.s32 $0x30D4, s3  }
.Ltmp0:
0x7: {  	s4 =	sadd.s32 $0x800, s4;
	s5 =	sand.u32 $0x7C, s6;
	(pc) =	sbr.rel .LBB1_1-.Ltmp0, $4  }
0x8: {  	s1 =	rddreg [dreg:$0x2];
	_ =	strace $0x80000047;
	p0 =	sne.s32 s5, $0x0  }
0x9: {  	s6 =	sshrl.u32 s6, $0x7;
	s5 =	simm.s32 $0x1;
	s7 =	simm.s32 @!p0 $0x0  }
0xa: {  	s10 =	smov.u32 s3;
	[sflag:s5] =	ssyncpa.u1 $0x0;
	s6 =	sadd.s32 s7, s6  }
0xb: {  	[sflag:s8] =	ssyncpa.u1 $0x0;
	s8 =	simm.s32 $0x0;
	s7 =	sadd.s32 $0x1, s6  }
.LBB1_9:
0xc: {  	s14 =	sadd.s32 $0x80, s10  }
0xd: {  	p1 =	sgt.s32 s14, $0x30D3  }
0xe: {  	s14 =	smov.u32 @p1 s3;
	p1 =	sne.s32 s11, s7  }
.Ltmp1:
0xf: {  	p0 =	slt.u32 s11, $0x2;
	(pc) =	sbr.rel @!p1 .LBB1_10-.Ltmp1, $4  }
0x10: {  	s13 =	simm.s32 @!p0 $0x2  }
0x11: {  	s15 =	sadd.s32 $0x1, s11;
	_ =	swait.ge @!p0 [sflag:s13], $0x4000  }
0x12: {  	s12 =	smov.u32 s10;
	s9 =	sadd.s32 $0x4000, s9;
	[sflag:s13] =	ssyncset.done @!p0 $0x0  }
0x13: {  	s11 =	smov.u32 s15;
	s10 =	smov.u32 s14;
	[sflag:s13] =	ssyncadd.s32 @!p0 $0xFFFFC000  }
.LBB1_1:
0x14: {  	p0 =	sge.u32 s11, s6  }
0x15: {  	s13 =	sxor.u32 @!p0 $0xFFFFFFFF, s11  }
0x16: {  	s31 =	sadd.s32 $0xFFFFFFFF, s11;
	s14 =	sshll.u32 @!p0 s10, $0x9;
	s13 =	sshll.u32 @!p0 s13, $0xE  }
0x17: {  	s15 =	simm.s32 @!p0 $0x0;
	s14 =	sadd.s32 @!p0 s2, s14;
	s13 =	sand.u32 @!p0 $0x4000, s13  }
0x18: {  	[tilespmem:s13], [sflag:$0x1] =	stream.linear.gather @!p0 [hbm4b:s14+s15], $0x4000, $0x38;
	[tilespmem:$0x10000] =	vst v63  }
0x19: {  	p0 =	sge.u32 s31, s6  }
.Ltmp2:
0x1a: {  	_ = 	snop;
	(pc) =	sbr.rel @p0 .LBB1_9-.Ltmp2, $1  }
0x1b: {  	_ =	sdelay $0x3  }
0x1c: {  	s14 =	sand.u32 $0x4000, s9  }
0x1d: {  	_ =	swait.ge [sflag:s5], $0x4000;
	s15 =	sshll.u32 s11, $0xE;
	s16 =	simm.s32 $0x0  }
0x1e: {  	s13 =	sor.u32 $0x40, s14;
	[sflag:s5] =	ssyncset.done $0x0;
	s15 =	sand.u32 $0x4000, s15  }
0x1f: {  	s14 =	sor.u32 $0x8040, s14;
	[sflag:s5] =	ssyncadd.s32 $0xFFFFC000;
	s15 =	sor.u32 $0x8000, s15  }
.LBB1_3:
0x20: {  	s17 =	smov.u32 s14;
	s18 =	smov.u32 s13;
	s19 =	simm.s32 $0x0  }
.LBB1_4:
0x21: {  	v0 =	vmov s17;
	v2 =	vld [tilespmem:s18+$0x30]  }
0x22: {  	v4 =	vld [tilespmem:s18+$0xFFFFFFD0]  }
0x23: {  	v6 =	vld [tilespmem:s18+$0xFFFFFFE0]  }
0x24: {  	v7 =	vld [tilespmem:s18+$0xFFFFFFF0]  }
0x25: {  	s20 =	simm.s32 $0x0;
	v1 =	vld [tilespmem:s18+$0x0]  }
0x26: {  	v3 =	vld [tilespmem:s18+$0x10];
	[tilespmem:v0+s20+$0x30 ss:$0x1] =	vst.idx.msk $0xffff, v2  }
0x27: {  	v5 =	vld [tilespmem:s18+$0x20];
	[tilespmem:v0+s20+$0xFFFFFFD0 ss:$0x1] =	vst.idx.msk $0xffff, v4  }
0x28: {  	s21 =	sadd.s32 $0x80, s18;
	v2 =	vld [tilespmem:s18+$0xFFFFFFC0];
	[tilespmem:v0+s20+$0xFFFFFFE0 ss:$0x1] =	vst.idx.msk $0xffff, v6  }
0x29: {  	s22 =	simm.s32 $0x800;
	s23 =	simm.s32 $0x1000;
	v4 =	vld [tilespmem:s21+$0x30];
	[tilespmem:v0+s20+$0xFFFFFFF0 ss:$0x1] =	vst.idx.msk $0xffff, v7  }
.LBB1_5:
0x2a: {  	p0 =	sne.s32 s23, $0x3800;
	v6 =	vld [tilespmem:s21+$0xFFFFFFD0];
	[tilespmem:v0+s20+$0x0 ss:$0x1] =	vst.idx.msk $0xffff, v1  }
0x2b: {  	v7 =	vld [tilespmem:s21+$0xFFFFFFE0];
	[tilespmem:v0+s20+$0x10 ss:$0x1] =	vst.idx.msk $0xffff, v3  }
0x2c: {  	v8 =	vld [tilespmem:s21+$0xFFFFFFF0];
	[tilespmem:v0+s20+$0x20 ss:$0x1] =	vst.idx.msk $0xffff, v5  }
.Ltmp3:
0x2d: {  	v1 =	vld [tilespmem:s21+$0x0];
	[tilespmem:v0+s20+$0xFFFFFFC0 ss:$0x1] =	vst.idx.msk $0xffff, v2;
	s20 =	sshra.s32 s22, $0x2;
	s22 =	smov.u32 s23;
	(pc) =	sbr.rel @p0 .LBB1_5-.Ltmp3, $4  }
0x2e: {  	v3 =	vld [tilespmem:s21+$0x10];
	[tilespmem:v0+s20+$0x30 ss:$0x1] =	vst.idx.msk $0xffff, v4  }
0x2f: {  	[tilespmem:v0+s20+$0xFFFFFFD0 ss:$0x1] =	vst.idx.msk $0xffff, v6;
	v5 =	vld [tilespmem:s21+$0x20]  }
0x30: {  	v2 =	vld [tilespmem:s21+$0xFFFFFFC0];
	[tilespmem:v0+s20+$0xFFFFFFE0 ss:$0x1] =	vst.idx.msk $0xffff, v7;
	s21 =	sadd.s32 $0x80, s21  }
0x31: {  	s23 =	sadd.s32 $0x800, s23;
	v4 =	vld [tilespmem:s21+$0x30];
	[tilespmem:v0+s20+$0xFFFFFFF0 ss:$0x1] =	vst.idx.msk $0xffff, v8  }
0x32: {  	_ =	sdelay $0x3  }
0x33: {  	v6 =	vld [tilespmem:s21+$0xFFFFFFD0];
	[tilespmem:v0+s20+$0x0 ss:$0x1] =	vst.idx.msk $0xffff, v1  }
0x34: {  	v58 =	vld [tilespmem:s21+$0xFFFFFFE0];
	[tilespmem:v0+s20+$0x10 ss:$0x1] =	vst.idx.msk $0xffff, v3  }
0x35: {  	v59 =	vld [tilespmem:s21+$0xFFFFFFF0];
	[tilespmem:v0+s20+$0x20 ss:$0x1] =	vst.idx.msk $0xffff, v5  }
0x36: {  	s22 =	sshra.s32 s22, $0x2;
	v60 =	vld [tilespmem:s21+$0x0];
	[tilespmem:v0+s20+$0xFFFFFFC0 ss:$0x1] =	vst.idx.msk $0xffff, v2  }
0x37: {  	v61 =	vld [tilespmem:s21+$0x10];
	[tilespmem:v0+s22+$0x30 ss:$0x1] =	vst.idx.msk $0xffff, v4  }
0x38: {  	v62 =	vld [tilespmem:s21+$0x20];
	s19 =	sadd.s32 $0x1, s19;
	[tilespmem:v0+s22+$0xFFFFFFD0 ss:$0x1] =	vst.idx.msk $0xffff, v6  }
0x39: {  	v63 =	vld [tilespmem:s21+$0xFFFFFFC0];
	p0 =	sne.s32 s19, $0x4;
	[tilespmem:v0+s22+$0xFFFFFFE0 ss:$0x1] =	vst.idx.msk $0xffff, v58  }
.Ltmp4:
0x3a: {  	[tilespmem:v0+s22+$0xFFFFFFF0 ss:$0x1] =	vst.idx.msk $0xffff, v59;
	(pc) =	sbr.rel @p0 .LBB1_4-.Ltmp4, $4  }
0x3b: {  	[tilespmem:v0+s22+$0x0 ss:$0x1] =	vst.idx.msk $0xffff, v60  }
0x3c: {  	[tilespmem:v0+s22+$0x10 ss:$0x1] =	vst.idx.msk $0xffff, v61  }
0x3d: {  	[tilespmem:v0+s22+$0x20 ss:$0x1] =	vst.idx.msk $0xffff, v62  }
0x3e: {  	s18 =	sadd.s32 $0x400, s18;
	s17 =	sadd.s32 $0x80, s17;
	[tilespmem:v0+s22+$0xFFFFFFC0 ss:$0x1] =	vst.idx.msk $0xffff, v63  }
0x3f: {  	s16 =	sadd.s32 $0x1, s16  }
0x40: {  	p0 =	sne.s32 s16, $0x4  }
.Ltmp5:
0x41: {  	_ = 	snop;
	(pc) =	sbr.rel @p0 .LBB1_3-.Ltmp5, $2  }
0x42: {  	_ =	sdelay $0x2  }
0x43: {  	s13 =	sadd.s32 $0x1000, s13;
	s14 =	sadd.s32 $0x1000, s14  }
.Ltmp6:
0x44: {  	(pc) =	sbr.rel .LBB1_9-.Ltmp6, $4  }
0x45: {  	_ = 	snop  }
0x46: {  	s12 =	sshll.u32 s12, $0x9  }
0x47: {  	s12 =	sadd.s32 s4, s12  }
0x48: {  	[hbm4b:s12+s8] =	stream.linear.scatter [tilespmem:s15], [sflag:$0x2], $0x4000, $0x38;
	[tilespmem:$0x10000] =	vst v63  }
.LBB1_10:
0x49: {  	_ =	sfence.sel $0x180000  }
0x4a: {  	s2 =	simm.s32 $0x1;
	[bflag:$0x0] =	sbarrier.arrive $0xFFFF  }
0x4b: {  	s31 =	simm.s32 $0x2;
	[sflag:s2] =	ssyncpa.u1 $0x1  }
0x4c: {  	[sflag:s31] =	ssyncpa.u1 $0x1  }
0x4d: {  	p0 =	sne.s32 s0, $0x0;
	_ =	strace $0x90000047  }
0x4e: {  	s0 =	sadd.s32 @!p0 $0x100000, s1;
	[bflag:$0x2] =	sbarrier.arrive $0xFFFF  }
0x4f: {  	[sflag:s0] =	ssyncadd.tile.s32 @!p0 $0x1;
	_ =	shalt  }
.Lfunc_end1:
_tile_overlayer_lowered:
.L_overlay_start_2:
0x50: {  	(tag) =	ssettag $0x2  }
0x51: {  	s0 =	rddreg [dreg:$0x0];
	s2 =	stileid.u32  }
0x52: {  	s1 =	rddreg [dreg:$0x1];
	p0 =	sne.s32 s2, $0x0  }
0x53: {  	s3 =	rddreg [dreg:$0x2];
	[bflag:$0x3] =	sbarrier.arrive $0xFFFF;
	s2 =	simm.s32 @!p0 $0x1C01  }
0x54: {  	[timem:s3], [sflag:s2] =	dma.local @!p0 [hbm:s0], s1  }
0x55: {  	s0 =	simm.s32 @!p0 $0x1  }
0x56: {  	_ =	swait.ge @!p0 [sflag:s0], s1  }
0x57: {  	s1 =	ssub.s32 @!p0 $0x0, s1;
	[sflag:s0] =	ssyncset.done @!p0 $0x0  }
0x58: {  	[sflag:s0] =	ssyncadd.s32 @!p0 s1  }
0x59: {  	[bflag:$0x3] =	sbarrier.arrive $0xFFFF  }
0x5a: {  	_ =	shalt  }

// kernel: sparse-core-data-format-call.cloned.1.call-start
scs
called_computation_lowered:
.L_overlay_start_0:
0x0: {  	s2 =	sld [smem:$0x3FD9]  }
0x1: {  	s3 =	sld [smem:$0x3FFE];
	_ =	sdelay $0x1  }
0x2: {  	s1 =	srdreg.scid  }
0x3: {  	s0 =	sand.u32 $0x1, s1  }
0x4: {  	s18 =	sshll.u32 s0, $0xA;
	s2 =	sadd.s32 s3, s2  }
0x5: {  	s2 =	sadd.s32 s2, s18  }
0x6: {  	[smem:$0x3FC6] =	sst s2  }
0x7: {  	_ = 	snop  }
0x8: {  	s2 =	sld [smem:$0x3FD0];
	(tm) =	ssettm $0x1  }
0x9: {  	s19 =	sld [smem:$0x3FFB];
	_ =	sdelay $0x3  }
0xa: {  	_ =	strace s19  }
0xb: {  	s3 =	sld [smem:$0x3FFC];
	_ =	sdelay $0x3  }
0xc: {  	_ =	strace s3  }
0xd: {  	s3 =	sld [smem:$0x3FFD];
	_ =	sdelay $0x3  }
0xe: {  	_ =	strace s3  }
0xf: {  	_ =	strace $0x8FFFFFFF  }
0x10: {  	s20 =	sld [smem:$0x3FDB];
	_ =	sdelay $0x1  }
0x11: {  	s4 =	simm.s32 $_scs_section_size  }
0x12: {  	s5 =	simm.s32 $_size__tile_overlayer_lowered;
	s6 =	simm.s32 $_tile_overlayer_lowered  }
0x13: {  	s23 =	simm.s32 $0x1BFF;
	s22 =	sshll.u32 s6, $0x1;
	s3 =	sadd.s32 s4, s20  }
0x14: {  	s7 =	simm.s32 $0x0;
	s21 =	sshll.u32 s5, $0x1;
	s5 =	sadd.s32 s22, s3  }
0x15: {  	[timem:s7], [sflag:s23] =	dma.local [hbm:s5], s21  }
0x16: {  	_ =	swait.ge [sflag:s23], s21  }
0x17: {  	s4 =	ssub.s32 $0x0, s21;
	[sflag:s23] =	ssyncset.done $0x0  }
0x18: {  	[sflag:s23] =	ssyncadd.s32 s4;
	_ =	sdelay $0x1  }
0x19: {  	s24 =	simm.s32 $0x1B8B  }
0x1a: {  	_ =	swait.ge [sflag:s24], $0x1  }
0x1b: {  	[sflag:s24] =	ssyncset.done $0x0  }
0x1c: {  	s26 =	simm.s32 $0x1B8E;
	s25 =	sld [smem:$0x3FFE];
	[sflag:s24] =	ssyncadd.s32 $0xFFFFFFFF  }
0x1d: {  	s27 =	simm.s32 $execute0_lowered;
	[smem:$0x3FD2] =	sst s26  }
0x1e: {  	s5 =	sshll.u32 s27, $0x1;
	_ =	strace $0x8000004C;
	[dreg:$0x1] =	wrdreg $0xFFFFFFFF  }
0x1f: {  	s28 =	simm.s32 $_size_execute0_lowered;
	s3 =	sadd.s32 s3, s5;
	[dreg:$0x0] =	wrdreg $0x0  }
0x20: {  	s5 =	sshll.u32 s28, $0x1;
	[dreg:$0x2] =	wrdreg s3  }
0x21: {  	[dreg:$0x3] =	wrdreg s5  }
0x22: {  	[dreg:$0x4] =	wrdreg $0xC0  }
0x23: {  	_ =	task [dreg:s7], $0x5FFFF  }
0x24: {  	[dreg:$0x1] =	wrdreg $0xFFFFFFFF  }
0x25: {  	[dreg:$0x0] =	wrdreg $0x60  }
0x26: {  	[dreg:$0x2] =	wrdreg s25  }
0x27: {  	[dreg:$0x3] =	wrdreg s2  }
0x28: {  	[dreg:$0x4] =	wrdreg $0x9  }
0x29: {  	_ =	task.clear_ibuf [dreg:s7], $0x5FFFF;
	_ =	strace $0x9000004C  }
0x2a: {  	s29 =	simm.s32 $0x9;
	_ =	strace $0x8000004E  }
0x2b: {  	_ =	swait.ge [sflag:s29], $0x1  }
0x2c: {  	[sflag:s29] =	ssyncadd.s32 $0xFFFFFFFF  }
0x2d: {  	_ =	strace $0x9000004E  }
0x2e: {  	_ =	sfence  }
0x2f: {  	s30 =	sld [smem:$0x0];
	_ =	sdelay $0x2  }
0x30: {  	s31 =	sshll.u32 s1, $0xD;
	s1 =	sshrl.u32 s1, $0x2  }
0x31: {  	s3 =	sand.u32 $0x4000, s31;
	s1 =	sadd.s32 s1, s30  }
0x32: {  	s0 =	sor.u32 s3, s0;
	s1 =	sshll.u32 s1, $0x11  }
0x33: {  	s0 =	sor.u32 s1, s0  }
0x34: {  	s0 =	sadd.s32 $0x8F2B, s0  }
0x35: {  	[sflag:s0] =	ssyncadd.remote.s32 $0x1  }
0x36: {  	_ =	sfence.sel $0xFFFF  }
0x37: {  	[dreg:$0x0] =	wrdreg $0xFFFFFFFF;
	(pc) =	sbr.abs _section_cstart, $3  }
0x38: {  	[dreg:$0x1] =	wrdreg $0xFFFFFFFF  }
0x39: {  	_ =	task.clear_ibuf [dreg:s7], $0x2FFFF;
	_ =	strace $0x9FFFFFFF  }
0x3a: {  	(tm) =	ssettm $0x7FFFFFFF  }
0x3b: {  	_ =	shalt  }
tec
execute0_lowered:
.L_overlay_start_1:
0x0: {  	(tag) =	ssettag $0x1  }
0x1: {  	s0 =	srdreg.scid  }
0x2: {  	s1 =	sshll.u32 s0, $0x4  }
0x3: {  	s8 =	rddreg [dreg:$0x0];
	s0 =	stileid.u32;
	s1 =	sand.u32 $0x10, s1  }
0x4: {  	s3 =	rddreg [dreg:$0x1];
	s29 =	sshll.u32 s0, $0x7;
	s7 =	sor.u32 s0, s1  }
0x5: {  	s30 =	simm.s32 $0x2;
	s1 =	sand.u32 $0x380, s29;
	s2 =	sshll.u32 s7, $0x4  }
0x6: {  	s18 =	simm.s32 $0x0;
	s4 =	ssub.s32 $0x400, s1;
	s2 =	sand.u32 $0x180, s2  }
0x7: {  	s11 =	simm.s32 $0x1000;
	s5 =	sand.u32 $0x380, s4;
	s6 =	ssub.s32 $0x200, s2  }
0x8: {  	p0 =	sne.s32 s5, $0x0;
	s5 =	simm.s32 $0x1;
	s9 =	sand.u32 $0x180, s6  }
0x9: {  	s5 =	simm.s32 @!p0 $0x0;
	p0 =	sne.s32 s9, $0x0;
	s9 =	simm.s32 $0x1  }
0xa: {  	s10 =	sshrl.u32 s4, $0xA;
	s6 =	sshrl.u32 s6, $0x9;
	s9 =	simm.s32 @!p0 $0x0  }
0xb: {  	s12 =	simm.s32 $0x0;
	s10 =	sadd.s32 s5, s10;
	s6 =	sadd.s32 s9, s6  }
0xc: {  	s16 =	simm.s32 $0x0;
	s17 =	simm.s32 $0x0;
	s6 =	smul.u32 s6, s10  }
.Ltmp0:
0xd: {  	s13 =	simm.s32 $0x0;
	s15 =	simm.s32 $0x0;
	(pc) =	sbr.rel .LBB1_1-.Ltmp0, $4  }
0xe: {  	s31 =	sshll.u32 s7, $0x7;
	s7 =	sadd.s32 $0x800, s8;
	s4 =	rddreg [dreg:$0x2]  }
0xf: {  	_ =	strace $0x8000004D;
	s5 =	simm.s32 $0x1;
	s6 =	smul.u32 $0x32, s6  }
0x10: {  	s14 =	smov.u32 s1;
	s8 =	sand.u32 $0xC00, s31;
	[sflag:s5] =	ssyncpa.u1 $0x0  }
0x11: {  	[sflag:s30] =	ssyncpa.u1 $0x0;
	s10 =	simm.s32 $0x400;
	s9 =	sor.u32 $0x1, s6  }
.LBB1_4:
0x12: {  	_ =	sdelay $0x3  }
0x13: {  	[tilespmem:v0+s21+$0xFFFFFFD0 ss:$0x1] =	vst.idx.msk $0xffff, v6  }
0x14: {  	v56 =	vld.idx.msk [tilespmem:v1+s20+$0x0 ss:$0x1], $0xffff;
	[tilespmem:v0+s21+$0xFFFFFFE0 ss:$0x1] =	vst.idx.msk $0xffff, v4  }
0x15: {  	v57 =	vld.idx.msk [tilespmem:v1+s20+$0xFFFFFF90 ss:$0x1], $0xffff;
	[tilespmem:v0+s21+$0xFFFFFFF0 ss:$0x1] =	vst.idx.msk $0xffff, v2  }
0x16: {  	v58 =	vld.idx.msk [tilespmem:v1+s20+$0xFFFFFFA0 ss:$0x1], $0xffff;
	[tilespmem:v0+s21+$0x0 ss:$0x1] =	vst.idx.msk $0xffff, v3  }
0x17: {  	v59 =	vld.idx.msk [tilespmem:v1+s20+$0xFFFFFFB0 ss:$0x1], $0xffff;
	[tilespmem:v0+s21+$0x10 ss:$0x1] =	vst.idx.msk $0xffff, v5  }
0x18: {  	v60 =	vld.idx.msk [tilespmem:v1+s20+$0xFFFFFFC0 ss:$0x1], $0xffff;
	[tilespmem:v0+s21+$0x20 ss:$0x1] =	vst.idx.msk $0xffff, v7  }
0x19: {  	v61 =	vld.idx.msk [tilespmem:v1+s20+$0xFFFFFFD0 ss:$0x1], $0xffff;
	[tilespmem:v0+s20+$0x30 ss:$0x1] =	vst.idx.msk $0xffff, v56  }
0x1a: {  	v62 =	vld.idx.msk [tilespmem:v1+s20+$0xFFFFFFE0 ss:$0x1], $0xffff;
	s29 =	sshll.u32 s17, $0x9;
	[tilespmem:v0+s20+$0xFFFFFFC0 ss:$0x1] =	vst.idx.msk $0xffff, v57  }
0x1b: {  	v63 =	vld.idx.msk [tilespmem:v1+s20+$0xFFFFFFF0 ss:$0x1], $0xffff;
	s18 =	sshll.u32 s18, $0x3;
	s22 =	sshll.u32 s17, $0x7;
	s21 =	sand.u32 $0x7F000, s29;
	[tilespmem:v0+s20+$0xFFFFFFD0 ss:$0x1] =	vst.idx.msk $0xffff, v58  }
0x1c: {  	s30 =	sand.u32 $0x200, s22;
	s18 =	sor.u32 s21, s18;
	[tilespmem:v0+s20+$0xFFFFFFE0 ss:$0x1] =	vst.idx.msk $0xffff, v59  }
0x1d: {  	s16 =	sshll.u32 s16, $0x10;
	s31 =	sshll.u32 s17, $0x4;
	s18 =	sor.u32 s30, s18;
	[tilespmem:v0+s20+$0xFFFFFFF0 ss:$0x1] =	vst.idx.msk $0xffff, v60  }
0x1e: {  	s17 =	sand.u32 $0x30, s31;
	s16 =	sadd.s32 s3, s16;
	s18 =	sshrl.u32 s18, $0x3;
	[tilespmem:v0+s20+$0x0 ss:$0x1] =	vst.idx.msk $0xffff, v61  }
0x1f: {  	s16 =	sadd.s32 s17, s16;
	[tilespmem:v0+s20+$0x10 ss:$0x1] =	vst.idx.msk $0xffff, v62;
	s18 =	sand.u32 $0xFFC0, s18  }
0x20: {  	[tilespmem:v0+s20+$0x20 ss:$0x1] =	vst.idx.msk $0xffff, v63;
	s16 =	sadd.s32 s18, s16  }
0x21: {  	[hbm4b:s16+s10] =	stream.strided.scatter [tilespmem:s19], [sflag:$0x2], $0x4000, s11, s10, $0x38;
	[tilespmem:$0x10000] =	vst v63  }
.LBB1_5:
0x22: {  	s19 =	sadd.s32 $0x1, s13  }
0x23: {  	s16 =	sadd.s32 $0x400, s14;
	s20 =	smov.u32 s14;
	p1 =	sgt.s32 s19, $0x31  }
0x24: {  	s20 =	smov.u32 @p1 s16  }
0x25: {  	s19 =	simm.s32 @p1 $0x0;
	p1 =	sgt.s32 s20, $0x3FF  }
0x26: {  	s20 =	smov.u32 @p1 s1;
	p1 =	sne.s32 s15, s9  }
.Ltmp1:
0x27: {  	p0 =	slt.u32 s15, $0x2;
	(pc) =	sbr.rel @!p1 .LBB1_6-.Ltmp1, $4  }
0x28: {  	s17 =	smov.u32 s14;
	s18 =	simm.s32 @!p0 $0x2  }
0x29: {  	s12 =	sadd.s32 $0x4000, s12;
	_ =	swait.ge @!p0 [sflag:s18], $0x4000;
	s16 =	smov.u32 s13  }
0x2a: {  	[sflag:s18] =	ssyncset.done @!p0 $0x0;
	s13 =	smov.u32 s19;
	s15 =	sadd.s32 $0x1, s15  }
0x2b: {  	[sflag:s18] =	ssyncadd.s32 @!p0 $0xFFFFC000;
	s18 =	smov.u32 s2;
	s14 =	smov.u32 s20  }
.LBB1_1:
0x2c: {  	p0 =	sge.u32 s15, s6  }
0x2d: {  	s19 =	sshll.u32 @!p0 s13, $0x9  }
0x2e: {  	s20 =	sshll.u32 @!p0 s13, $0x7;
	s19 =	sand.u32 @!p0 $0xFFFFF000, s19  }
0x2f: {  	s20 =	sand.u32 @!p0 $0x200, s20;
	s19 =	sor.u32 @!p0 s8, s19  }
0x30: {  	s19 =	sor.u32 @!p0 s20, s19  }
0x31: {  	s19 =	sshrl.u32 @!p0 s19, $0x9  }
0x32: {  	s20 =	smulhi.u32 @!p0 $0x4924925, s19;
	_ =	sdelay $0x1  }
0x33: {  	s20 =	smul.u32 @!p0 $0x38, s20  }
0x34: {  	s31 =	sadd.s32 $0xFFFFFFFF, s15;
	s21 =	smul.u32 @!p0 $0xE00, s14  }
0x35: {  	s22 =	sxor.u32 @!p0 $0xFFFFFFFF, s15;
	s19 =	ssub.s32 @!p0 s19, s20;
	s20 =	sshll.u32 @!p0 s13, $0x4  }
0x36: {  	s22 =	sshll.u32 @!p0 s22, $0xE;
	s21 =	sadd.s32 @!p0 s7, s21;
	s20 =	sand.u32 @!p0 $0x30, s20  }
0x37: {  	s22 =	sand.u32 @!p0 $0x4000, s22;
	s19 =	sshll.u32 @!p0 s19, $0x6;
	s20 =	sadd.s32 @!p0 s20, s21  }
0x38: {  	s21 =	simm.s32 @!p0 $0x7000;
	s19 =	sadd.s32 @!p0 s19, s20;
	s20 =	simm.s32 @!p0 $0x80  }
0x39: {  	[tilespmem:s22], [sflag:$0x1] =	stream.strided.gather @!p0 [hbm4b:s19+s20], $0x4000, s21, s20, $0x38;
	[tilespmem:$0x10000] =	vst v63  }
0x3a: {  	p0 =	sge.u32 s31, s6  }
.Ltmp2:
0x3b: {  	_ = 	snop;
	(pc) =	sbr.rel @p0 .LBB1_5-.Ltmp2, $1  }
0x3c: {  	_ =	sdelay $0x3  }
0x3d: {  	s19 =	sand.u32 $0x4000, s12  }
0x3e: {  	s20 =	sor.u32 $0x70, s19  }
0x3f: {  	v1 =	vmov s20;
	_ =	sdelay $0x1  }
0x40: {  	_ =	swait.ge [sflag:s5], $0x4000  }
0x41: {  	[sflag:s5] =	ssyncset.done $0x0  }
0x42: {  	s21 =	simm.s32 $0x0;
	[sflag:s5] =	ssyncadd.s32 $0xFFFFC000  }
0x43: {  	s19 =	sor.u32 $0x8040, s19;
	v7 =	vld.idx.msk [tilespmem:v1+s21+$0x0 ss:$0x1], $0xffff  }
0x44: {  	v0 =	vmov s19;
	v8 =	vld.idx.msk [tilespmem:v1+s21+$0xFFFFFF90 ss:$0x1], $0xffff  }
0x45: {  	v6 =	vld.idx.msk [tilespmem:v1+s21+$0xFFFFFFA0 ss:$0x1], $0xffff  }
0x46: {  	v4 =	vld.idx.msk [tilespmem:v1+s21+$0xFFFFFFB0 ss:$0x1], $0xffff  }
0x47: {  	v2 =	vld.idx.msk [tilespmem:v1+s21+$0xFFFFFFC0 ss:$0x1], $0xffff  }
0x48: {  	s31 =	sshll.u32 s15, $0xE;
	v3 =	vld.idx.msk [tilespmem:v1+s21+$0xFFFFFFD0 ss:$0x1], $0xffff  }
0x49: {  	s19 =	sand.u32 $0x4000, s31;
	v5 =	vld.idx.msk [tilespmem:v1+s21+$0xFFFFFFE0 ss:$0x1], $0xffff;
	[tilespmem:v0+s21+$0x30 ss:$0x1] =	vst.idx.msk $0xffff, v7  }
0x4a: {  	s22 =	simm.s32 $0x400;
	s20 =	simm.s32 $0x80;
	s19 =	sor.u32 $0x8000, s19;
	[tilespmem:v0+s21+$0xFFFFFFC0 ss:$0x1] =	vst.idx.msk $0xffff, v8;
	v7 =	vld.idx.msk [tilespmem:v1+s21+$0xFFFFFFF0 ss:$0x1], $0xffff  }
.LBB1_3:
0x4b: {  	p0 =	sne.s32 s22, $0xFE00;
	v8 =	vld.idx.msk [tilespmem:v1+s20+$0x0 ss:$0x1], $0xffff;
	[tilespmem:v0+s21+$0xFFFFFFD0 ss:$0x1] =	vst.idx.msk $0xffff, v6  }
0x4c: {  	v9 =	vld.idx.msk [tilespmem:v1+s20+$0xFFFFFF90 ss:$0x1], $0xffff;
	[tilespmem:v0+s21+$0xFFFFFFE0 ss:$0x1] =	vst.idx.msk $0xffff, v4  }
0x4d: {  	v6 =	vld.idx.msk [tilespmem:v1+s20+$0xFFFFFFA0 ss:$0x1], $0xffff;
	[tilespmem:v0+s21+$0xFFFFFFF0 ss:$0x1] =	vst.idx.msk $0xffff, v2  }
.Ltmp3:
0x4e: {  	v4 =	vld.idx.msk [tilespmem:v1+s20+$0xFFFFFFB0 ss:$0x1], $0xffff;
	[tilespmem:v0+s21+$0x0 ss:$0x1] =	vst.idx.msk $0xffff, v3;
	(pc) =	sbr.rel @p0 .LBB1_3-.Ltmp3, $4  }
0x4f: {  	v2 =	vld.idx.msk [tilespmem:v1+s20+$0xFFFFFFC0 ss:$0x1], $0xffff;
	[tilespmem:v0+s21+$0x10 ss:$0x1] =	vst.idx.msk $0xffff, v5  }
0x50: {  	v3 =	vld.idx.msk [tilespmem:v1+s20+$0xFFFFFFD0 ss:$0x1], $0xffff;
	[tilespmem:v0+s21+$0x20 ss:$0x1] =	vst.idx.msk $0xffff, v7;
	s21 =	smov.u32 s20  }
0x51: {  	v5 =	vld.idx.msk [tilespmem:v1+s21+$0xFFFFFFE0 ss:$0x1], $0xffff;
	[tilespmem:v0+s21+$0x30 ss:$0x1] =	vst.idx.msk $0xffff, v8  }
0x52: {  	s20 =	sshra.s32 s22, $0x2;
	s22 =	sadd.s32 $0x200, s22;
	[tilespmem:v0+s21+$0xFFFFFFC0 ss:$0x1] =	vst.idx.msk $0xffff, v9;
	v7 =	vld.idx.msk [tilespmem:v1+s21+$0xFFFFFFF0 ss:$0x1], $0xffff  }
.Ltmp4:
0x53: {  	_ = 	snop;
	(pc) =	sbr.rel .LBB1_4-.Ltmp4, $1  }
0x54: {  	_ =	sdelay $0x3  }
.LBB1_6:
0x55: {  	_ =	sfence.sel $0x180000  }
0x56: {  	s1 =	simm.s32 $0x1;
	[bflag:$0x0] =	sbarrier.arrive $0xFFFF  }
0x57: {  	s31 =	simm.s32 $0x2;
	[sflag:s1] =	ssyncpa.u1 $0x1  }
0x58: {  	[sflag:s31] =	ssyncpa.u1 $0x1  }
0x59: {  	p0 =	sne.s32 s0, $0x0;
	_ =	strace $0x9000004D  }
0x5a: {  	s0 =	sadd.s32 @!p0 $0x100000, s4;
	[bflag:$0x2] =	sbarrier.arrive $0xFFFF  }
0x5b: {  	[sflag:s0] =	ssyncadd.tile.s32 @!p0 $0x1;
	_ =	shalt  }
.Lfunc_end1:
_tile_overlayer_lowered:
.L_overlay_start_2:
0x5c: {  	(tag) =	ssettag $0x2  }
0x5d: {  	s0 =	rddreg [dreg:$0x0];
	s2 =	stileid.u32  }
0x5e: {  	s1 =	rddreg [dreg:$0x1];
	p0 =	sne.s32 s2, $0x0  }
0x5f: {  	s3 =	rddreg [dreg:$0x2];
	[bflag:$0x3] =	sbarrier.arrive $0xFFFF;
	s2 =	simm.s32 @!p0 $0x1C01  }
0x60: {  	[timem:s3], [sflag:s2] =	dma.local @!p0 [hbm:s0], s1  }
0x61: {  	s0 =	simm.s32 @!p0 $0x1  }
0x62: {  	_ =	swait.ge @!p0 [sflag:s0], s1  }
0x63: {  	s1 =	ssub.s32 @!p0 $0x0, s1;
	[sflag:s0] =	ssyncset.done @!p0 $0x0  }
0x64: {  	[sflag:s0] =	ssyncadd.s32 @!p0 s1  }
0x65: {  	[bflag:$0x3] =	sbarrier.arrive $0xFFFF  }
0x66: {  	_ =	shalt  }

</sc_bundles>
